<compile_context>
chip_gen: v7x
topology: tpu7x:2x2x1
jax: 0.10.2.dev20260603
libtpu: 0.0.44.dev20260713+nightly
codegen_flags: <defaults>
</compile_context>

<pallas_src>
import functools

import jax
import jax.numpy as jnp
from jax import lax
from jax.experimental import pallas as pl
from jax.experimental.pallas import tpu as pltpu
from jax.experimental.pallas import tpu_sc as plsc

_N, _E, _H, _NG = 10000, 320000, 128, 64
_BN_EPS = 1e-05

_NPAD = 10240
_CH = 128
_NCH = 80
_EPW = _CH * _NCH
_EP = 32 * _EPW
_RPS = _NPAD // 16
_ZB = 64
_NZB = _RPS // _ZB
_ZPW = _NPAD // 32
_ZCH = 80
_NZC = _ZPW // _ZCH

_BN = 1024
_GRID = _NPAD // _BN

_mesh = plsc.VectorSubcoreMesh(core_axis_name="c", subcore_axis_name="s")


@functools.partial(
    pl.kernel,
    mesh=_mesh,
    out_type=jax.ShapeDtypeStruct((_NPAD, _H), jnp.float32),
    scratch_types=[
        pltpu.VMEM((_ZCH,), jnp.int32),
        pltpu.VMEM((_ZCH,), jnp.int32),
        pltpu.VMEM((_ZCH, _H), jnp.float32),
        pltpu.VMEM((_ZCH, _H), jnp.float32),
        pltpu.SemaphoreType.DMA,
        pltpu.SemaphoreType.DMA,
        pltpu.SemaphoreType.DMA,
        pltpu.SemaphoreType.DMA,
    ],
)
def _embed(tab_hbm, z_hbm, x_hbm, i0, i1, r0, r1, g0, g1, w0, w1):
    wid = lax.axis_index("s") * 2 + lax.axis_index("c")
    base0 = wid * _ZPW
    idx = (i0, i1)
    rows = (r0, r1)
    gsem = (g0, g1)
    wsem = (w0, w1)

    def ld(j, b):
        pltpu.sync_copy(z_hbm.at[pl.ds(base0 + j * _ZCH, _ZCH)], idx[b])
        pltpu.async_copy(tab_hbm.at[idx[b]], rows[b], gsem[b])

    def wb(j, b):
        pltpu.make_async_copy(tab_hbm.at[idx[b]], rows[b], gsem[b]).wait()
        pltpu.async_copy(rows[b],
                         x_hbm.at[pl.ds(base0 + j * _ZCH, _ZCH), :], wsem[b])

    def wb_wait(j, b):
        pltpu.make_async_copy(
            rows[b], x_hbm.at[pl.ds(base0 + j * _ZCH, _ZCH), :],
            wsem[b]).wait()

    ld(0, 0)
    ld(1, 1)
    wb(0, 0)
    wb(1, 1)
    wb_wait(0, 0)
    ld(2, 0)
    wb_wait(1, 1)
    ld(3, 1)
    wb(2, 0)
    wb(3, 1)
    wb_wait(2, 0)
    wb_wait(3, 1)


@functools.partial(
    pl.kernel,
    mesh=_mesh,
    out_type=jax.ShapeDtypeStruct((2 * _NPAD, _H), jnp.float32),
    scratch_types=[
        pltpu.VMEM((_CH,), jnp.int32),
        pltpu.VMEM((_CH,), jnp.int32),
        pltpu.VMEM((_CH,), jnp.int32),
        pltpu.VMEM((_CH,), jnp.int32),
        pltpu.VMEM((_CH,), jnp.int32),
        pltpu.VMEM((_CH,), jnp.int32),
        pltpu.VMEM((_CH,), jnp.int32),
        pltpu.VMEM((_CH,), jnp.int32),
        pltpu.VMEM((_CH, _H), jnp.float32),
        pltpu.VMEM((_CH, _H), jnp.float32),
        pltpu.VMEM((_ZB, _H), jnp.float32),
        pltpu.VMEM_SHARED((_NPAD, _H), jnp.float32),
        pltpu.SemaphoreType.DMA,
        pltpu.SemaphoreType.DMA,
        pltpu.SemaphoreType.DMA,
        pltpu.SemaphoreType.DMA,
        pltpu.SemaphoreType.DMA,
        pltpu.SemaphoreType.DMA,
        pltpu.SemaphoreType.DMA,
        pltpu.SemaphoreType.DMA,
    ],
)
def _scatter(x_hbm, src_hbm, dst_hbm, zeros_hbm, out_hbm,
             si0, si1, si2, si3, di0, di1, di2, di3, rows0, rows1, zbuf, agg,
             is0, is1, is2, is3, gs0, gs1, ss0, ss1):
    si = (si0, si1, si2, si3)
    di = (di0, di1, di2, di3)
    rows = (rows0, rows1)
    isem = (is0, is1, is2, is3)
    gsem = (gs0, gs1)
    ssem = (ss0, ss1)

    c = lax.axis_index("c")
    s = lax.axis_index("s")
    wid = s * 2 + c
    rbase = s * _RPS
    ebase = wid * _EPW
    pltpu.async_copy(zeros_hbm, zbuf, ss0)

    def idx_load(chunk, k):
        base = ebase + chunk * _CH
        pltpu.async_copy(src_hbm.at[pl.ds(base, _CH)], si[k], isem[k])
        pltpu.async_copy(dst_hbm.at[pl.ds(base, _CH)], di[k], isem[k])

    def idx_wait(k):
        pltpu.make_async_copy(src_hbm.at[pl.ds(0, _CH)], si[k], isem[k]).wait()
        pltpu.make_async_copy(dst_hbm.at[pl.ds(0, _CH)], di[k], isem[k]).wait()

    def gather(k, rk):
        pltpu.async_copy(x_hbm.at[si[k]], rows[rk], gsem[rk])

    def gather_wait(k, rk):
        pltpu.make_async_copy(x_hbm.at[si[k]], rows[rk], gsem[rk]).wait()

    def scat(k, rk):
        pltpu.async_copy(rows[rk], agg.at[di[k]], ssem[rk], add=True)

    def scat_wait(k, rk):
        pltpu.make_async_copy(rows[rk], agg.at[di[k]], ssem[rk]).wait()

    def step(cc, j, do_idx=True, do_gather=True):
        scat_wait((j + 3) % 4, (j + 1) % 2)
        if do_idx:
            idx_load(cc + 2, (j + 2) % 4)
        if do_gather:
            idx_wait((j + 1) % 4)
            gather((j + 1) % 4, (j + 1) % 2)
        gather_wait(j % 4, j % 2)
        scat(j % 4, j % 2)

    idx_load(0, 0)
    idx_load(1, 1)
    idx_wait(0)
    gather(0, 0)
    idx_load(2, 2)
    idx_wait(1)
    gather(1, 1)

    pltpu.make_async_copy(zeros_hbm, zbuf, ss0).wait()

    def zbody(j, carry):
        pltpu.sync_copy(zbuf, agg.at[pl.ds(rbase + j * _ZB, _ZB), :])
        return carry

    lax.fori_loop(0, _NZB, zbody, 0)
    plsc.subcore_barrier()

    gather_wait(0, 0)
    scat(0, 0)

    def body(r, carry):
        cbase = 1 + 4 * r
        for kk in range(4):
            step(cbase + kk, 1 + kk)
        return carry

    lax.fori_loop(0, (_NCH - 4) // 4, body, 0)
    step(_NCH - 3, _NCH - 3)
    step(_NCH - 2, _NCH - 2, do_idx=False)
    step(_NCH - 1, _NCH - 1, do_idx=False, do_gather=False)
    scat_wait((_NCH - 1) % 4, (_NCH - 1) % 2)

    plsc.subcore_barrier()
    obase = c * _NPAD + rbase
    pltpu.sync_copy(agg.at[pl.ds(rbase, _RPS), :],
                    out_hbm.at[pl.ds(obase, _RPS), :])


def _mlp_body(x_ref, agg_ref, w1_ref, b1_ref, w2_ref, b2_ref, g_ref,
              sq_ref, be_ref, o_ref):
    h = x_ref[...] + (agg_ref[0] + agg_ref[1])
    h = jnp.dot(h, w1_ref[...], preferred_element_type=jnp.float32) + b1_ref[...]
    h = jnp.maximum(h, 0.0)
    h = jnp.dot(h, w2_ref[...], preferred_element_type=jnp.float32) + b2_ref[...]
    h = jnp.maximum(h, 0.0)
    o_ref[...] = g_ref[...] * (h / sq_ref[...]) + be_ref[...]


def _mlp(x, agg, w1, b1, w2, b2, g, sq, be):
    return pl.pallas_call(
        _mlp_body,
        grid=(_GRID,),
        in_specs=[
            pl.BlockSpec((_BN, _H), lambda i: (i, 0)),
            pl.BlockSpec((2, _BN, _H), lambda i: (0, i, 0)),
            pl.BlockSpec((_H, _H), lambda i: (0, 0)),
            pl.BlockSpec((1, _H), lambda i: (0, 0)),
            pl.BlockSpec((_H, _H), lambda i: (0, 0)),
            pl.BlockSpec((1, _H), lambda i: (0, 0)),
            pl.BlockSpec((1, _H), lambda i: (0, 0)),
            pl.BlockSpec((1, _H), lambda i: (0, 0)),
            pl.BlockSpec((1, _H), lambda i: (0, 0)),
        ],
        out_specs=pl.BlockSpec((_BN, _H), lambda i: (i, 0)),
        out_shape=jax.ShapeDtypeStruct((_NPAD, _H), jnp.float32),
    )(x, agg, w1, b1, w2, b2, g, sq, be)


def _pool_body(x1_ref, x2_ref, x3_ref, b_ref, w1_ref, b1_ref, w2_ref,
               b2_ref, o_ref, sums, cnt):
    i = pl.program_id(0)

    @pl.when(i == 0)
    def _():
        sums[...] = jnp.zeros((_NG, 3 * _H), jnp.float32)
        cnt[...] = jnp.zeros((_NG, _H), jnp.float32)

    seg = b_ref[0, 0, :]
    oh = (lax.broadcasted_iota(jnp.int32, (_NG, _BN), 0)
          == seg[None, :]).astype(jnp.float32)
    sums[:, 0:_H] += jnp.dot(oh, x1_ref[...], preferred_element_type=jnp.float32)
    sums[:, _H:2 * _H] += jnp.dot(oh, x2_ref[...], preferred_element_type=jnp.float32)
    sums[:, 2 * _H:3 * _H] += jnp.dot(oh, x3_ref[...], preferred_element_type=jnp.float32)
    cnt[...] += jnp.broadcast_to(jnp.sum(oh, axis=1, keepdims=True), (_NG, _H))

    @pl.when(i == _GRID - 1)
    def _():
        c = jnp.maximum(cnt[...], 1.0)
        pooled = jnp.concatenate(
            (sums[:, 0:_H] / c, sums[:, _H:2 * _H] / c,
             sums[:, 2 * _H:3 * _H] / c), axis=1)
        h = jnp.dot(pooled, w1_ref[...],
                    preferred_element_type=jnp.float32) + b1_ref[...]
        h = jnp.maximum(h, 0.0)
        o_ref[...] = jnp.dot(h, w2_ref[...],
                             preferred_element_type=jnp.float32) + b2_ref[...]


def _pool(x1, x2, x3, bp, w1, b1, w2p, b2p):
    return pl.pallas_call(
        _pool_body,
        grid=(_GRID,),
        in_specs=[
            pl.BlockSpec((_BN, _H), lambda i: (i, 0)),
            pl.BlockSpec((_BN, _H), lambda i: (i, 0)),
            pl.BlockSpec((_BN, _H), lambda i: (i, 0)),
            pl.BlockSpec((1, 1, _BN), lambda i: (i, 0, 0)),
            pl.BlockSpec((3 * _H, _H), lambda i: (0, 0)),
            pl.BlockSpec((1, _H), lambda i: (0, 0)),
            pl.BlockSpec((_H, _H), lambda i: (0, 0)),
            pl.BlockSpec((1, _H), lambda i: (0, 0)),
        ],
        out_specs=pl.BlockSpec((_NG, _H), lambda i: (0, 0)),
        out_shape=jax.ShapeDtypeStruct((_NG, _H), jnp.float32),
        scratch_shapes=[
            pltpu.VMEM((_NG, 3 * _H), jnp.float32),
            pltpu.VMEM((_NG, _H), jnp.float32),
        ],
    )(x1, x2, x3, bp, w1, b1, w2p, b2p)


def kernel(z, edge_index, batch, z_table, W1_0, b1_0, W2_0, b2_0, g_0, be_0,
           W1_1, b1_1, W2_1, b2_1, g_1, be_1, W1_2, b1_2, W2_2, b2_2, g_2,
           be_2, lin1_W, lin1_b, lin2_W, lin2_b):
    f32 = jnp.float32
    z = z.astype(jnp.int32)
    ei = edge_index.astype(jnp.int32)
    batch = batch.astype(jnp.int32)

    npd = _EP - _E
    src = jnp.concatenate([ei[0], (jnp.arange(npd, dtype=jnp.int32) * 7919) % _N])
    dst = jnp.concatenate(
        [ei[1], _N + (jnp.arange(npd, dtype=jnp.int32) % (_NPAD - _N))])
    zp = jnp.concatenate([z, jnp.zeros((_NPAD - _N,), jnp.int32)])
    zeros_stage = jnp.zeros((_ZB, _H), f32)

    x = _embed(z_table, zp)
    sqv = jnp.sqrt(jnp.full((1, _H), 1.0 + _BN_EPS, jnp.float32))

    layers = [
        (W1_0, b1_0, W2_0, b2_0, g_0, be_0),
        (W1_1, b1_1, W2_1, b2_1, g_1, be_1),
        (W1_2, b1_2, W2_2, b2_2, g_2, be_2),
    ]
    xs = []
    for (w1, b1, w2, b2, g, be) in layers:
        aggf = _scatter(x, src, dst, zeros_stage)
        agg = aggf.reshape(2, _NPAD, _H)
        x = _mlp(x, agg, w1, b1.reshape(1, _H), w2, b2.reshape(1, _H),
                 g.reshape(1, _H), sqv, be.reshape(1, _H))
        xs.append(x)

    bp = jnp.concatenate(
        [batch, jnp.full((_NPAD - _N,), _NG, jnp.int32)]).reshape(_GRID, 1, _BN)
    w2p = jnp.pad(lin2_W, ((0, 0), (0, _H - 1)))
    b2p = jnp.pad(lin2_b, (0, _H - 1)).reshape(1, _H)
    out = _pool(xs[0], xs[1], xs[2], bp, lin1_W, lin1_b.reshape(1, _H),
                w2p, b2p)
    return out[:, :1]

# --- scband reference (transcript-rebuilt; emitter-appended) ---
"""Pipeline reference for scband-sealgin-53420803228462 (READ-ONLY COPY).

The authoritative reference and input builder live on the scoring server;
editing this copy changes nothing except your own understanding.
"""

import jax, jax.numpy as jnp
import numpy as np

N = 10000
E = 320000
H = 128
MAXZ = 1000
NG = 64
BN_EPS = 1e-05


def _init_linear(key, fan_in, fan_out):
    k1, k2 = jax.random.split(key)
    bound = 1.0 / np.sqrt(fan_in)
    W = jax.random.uniform(k1, (fan_in, fan_out), minval=-bound, maxval=bound).astype(jnp.float32)
    b = jax.random.uniform(k2, (fan_out,), minval=-bound, maxval=bound).astype(jnp.float32)
    return W, b


def setup_inputs(seed: int = 0) -> dict:
    key = jax.random.key(seed)
    ks = jax.random.split(key, 24)
    inp = {}
    inp["z"] = jax.random.randint(ks[0], (N,), 0, MAXZ)
    inp["edge_index"] = jax.random.randint(ks[1], (2, E), 0, N)
    inp["batch"] = jnp.sort(jax.random.randint(ks[2], (N,), 0, NG))
    inp["z_table"] = jax.random.normal(ks[3], (MAXZ, H), dtype=jnp.float32)
    ki = 4
    for l in range(3):
        W1, b1 = _init_linear(ks[ki], H, H); ki += 1
        W2, b2 = _init_linear(ks[ki], H, H); ki += 1
        inp["W1_%d" % l] = W1; inp["b1_%d" % l] = b1
        inp["W2_%d" % l] = W2; inp["b2_%d" % l] = b2
        inp["g_%d" % l] = jnp.ones((H,), jnp.float32)
        inp["be_%d" % l] = jnp.zeros((H,), jnp.float32)
    inp["lin1_W"], inp["lin1_b"] = _init_linear(ks[ki], 3 * H, H); ki += 1
    inp["lin2_W"], inp["lin2_b"] = _init_linear(ks[ki], H, 1)
    return inp


def _gin_layer(x, src, dst, W1, b1, W2, b2, g, be):
    # GINConv (train_eps=False, eps=0): nn((1+0)*x + sum_{j in N(i)} x_j)
    agg = jnp.zeros_like(x).at[dst].add(x[src])
    h = x + agg
    h = jax.nn.relu(h @ W1 + b1)
    h = jax.nn.relu(h @ W2 + b2)
    # BatchNorm1d in eval mode with running_mean=0, running_var=1
    h = g * (h / jnp.sqrt(1.0 + BN_EPS)) + be
    return h


def reference(z, edge_index, batch, z_table, W1_0, b1_0, W2_0, b2_0, g_0, be_0, W1_1, b1_1, W2_1, b2_1, g_1, be_1, W1_2, b1_2, W2_2, b2_2, g_2, be_2, lin1_W, lin1_b, lin2_W, lin2_b):
    src, dst = edge_index[0], edge_index[1]
    x = jnp.take(z_table, z, axis=0)
    x = _gin_layer(x, src, dst, W1_0, b1_0, W2_0, b2_0, g_0, be_0)
    xs = [x]
    x = _gin_layer(x, src, dst, W1_1, b1_1, W2_1, b2_1, g_1, be_1)
    xs.append(x)
    x = _gin_layer(x, src, dst, W1_2, b1_2, W2_2, b2_2, g_2, be_2)
    xs.append(x)
    # jk=True: concat all layer outputs, then global mean pool over batch segments
    cat = jnp.concatenate(xs, axis=1)
    sums = jax.ops.segment_sum(cat, batch, num_segments=NG)
    cnt = jax.ops.segment_sum(jnp.ones((N, 1), jnp.float32), batch, num_segments=NG)
    pooled = sums / jnp.clip(cnt, 1.0)
    h = jax.nn.relu(pooled @ lin1_W + lin1_b)
    # dropout is identity in eval mode
    out = h @ lin2_W + lin2_b
    return out

if __name__ == "__main__":
    import jax
    _d = setup_inputs()
    print(jax.jit(kernel)(*tuple(_d.values())))

</pallas_src>

<mosaic_0001>
#map = affine_map<(d0, d1) -> (0, 0)>
#map1 = affine_map<(d0, d1) -> (0)>
module attributes {stable_mosaic.version = 14 : i64} {
  func.func @_scatter(%arg0: i32, %arg1: i32, %arg2: memref<10240x128xf32, #tpu.memory_space<hbm>>, %arg3: memref<327680xi32, #tpu.memory_space<hbm>>, %arg4: memref<327680xi32, #tpu.memory_space<hbm>>, %arg5: memref<64x128xf32, #tpu.memory_space<hbm>>, %arg6: memref<20480x128xf32, #tpu.memory_space<hbm>>, %arg7: memref<128xi32, #tpu.memory_space<vmem>>, %arg8: memref<128xi32, #tpu.memory_space<vmem>>, %arg9: memref<128xi32, #tpu.memory_space<vmem>>, %arg10: memref<128xi32, #tpu.memory_space<vmem>>, %arg11: memref<128xi32, #tpu.memory_space<vmem>>, %arg12: memref<128xi32, #tpu.memory_space<vmem>>, %arg13: memref<128xi32, #tpu.memory_space<vmem>>, %arg14: memref<128xi32, #tpu.memory_space<vmem>>, %arg15: memref<128x128xf32, #tpu.memory_space<vmem>>, %arg16: memref<128x128xf32, #tpu.memory_space<vmem>>, %arg17: memref<64x128xf32, #tpu.memory_space<vmem>>, %arg18: memref<10240x128xf32, #tpu.memory_space<vmem_shared>>, %arg19: memref<!tpu.dma_semaphore, #tpu.memory_space<semaphore_mem>>, %arg20: memref<!tpu.dma_semaphore, #tpu.memory_space<semaphore_mem>>, %arg21: memref<!tpu.dma_semaphore, #tpu.memory_space<semaphore_mem>>, %arg22: memref<!tpu.dma_semaphore, #tpu.memory_space<semaphore_mem>>, %arg23: memref<!tpu.dma_semaphore, #tpu.memory_space<semaphore_mem>>, %arg24: memref<!tpu.dma_semaphore, #tpu.memory_space<semaphore_mem>>, %arg25: memref<!tpu.dma_semaphore, #tpu.memory_space<semaphore_mem>>, %arg26: memref<!tpu.dma_semaphore, #tpu.memory_space<semaphore_mem>>) attributes {dimension_semantics = [#tpu.dimension_semantics<core_parallel>, #tpu.dimension_semantics<subcore_parallel>], iteration_bounds = array<i64: 2, 16>, scalar_prefetch = 0 : i64, scratch_operands = 20 : i64, tpu.core_type = #tpu.core_type<sc_vector_subcore>, window_params = [{transform_indices = #map}, {transform_indices = #map1}, {transform_indices = #map1}, {transform_indices = #map}, {transform_indices = #map}]} {
    %mul3A = arith.constant 2 : i32
    %mul3A_0 = arith.muli %arg1, %mul3A : i32
    %add3A = arith.addi %mul3A_0, %arg0 : i32
    %mul3A_1 = arith.constant 640 : i32
    %mul3A_2 = arith.muli %arg1, %mul3A_1 : i32
    %mul3A_3 = arith.constant 10240 : i32
    %mul3A_4 = arith.muli %add3A, %mul3A_3 : i32
    tpu.enqueue_dma source(%arg5 : memref<64x128xf32, #tpu.memory_space<hbm>>) target(%arg17 : memref<64x128xf32, #tpu.memory_space<vmem>>) target_semaphore(%arg25 : memref<!tpu.dma_semaphore, #tpu.memory_space<semaphore_mem>>)
    %add3A_5 = arith.constant 0 : i32
    %add3A_6 = arith.addi %mul3A_4, %add3A_5 : i32
    %dma_start3A = tpu.memref_slice %arg3[%add3A_6] : memref<327680xi32, #tpu.memory_space<hbm>> -> memref<128xi32, #tpu.memory_space<hbm>>
    %dma_start3A_7 = tpu.memref_slice %arg3[%add3A_6] : memref<327680xi32, #tpu.memory_space<hbm>> -> memref<128xi32, #tpu.memory_space<hbm>>
    tpu.enqueue_dma source(%dma_start3A_7 : memref<128xi32, #tpu.memory_space<hbm>>) target(%arg7 : memref<128xi32, #tpu.memory_space<vmem>>) target_semaphore(%arg19 : memref<!tpu.dma_semaphore, #tpu.memory_space<semaphore_mem>>)
    %dma_start3A_8 = tpu.memref_slice %arg4[%add3A_6] : memref<327680xi32, #tpu.memory_space<hbm>> -> memref<128xi32, #tpu.memory_space<hbm>>
    %dma_start3A_9 = tpu.memref_slice %arg4[%add3A_6] : memref<327680xi32, #tpu.memory_space<hbm>> -> memref<128xi32, #tpu.memory_space<hbm>>
    tpu.enqueue_dma source(%dma_start3A_9 : memref<128xi32, #tpu.memory_space<hbm>>) target(%arg11 : memref<128xi32, #tpu.memory_space<vmem>>) target_semaphore(%arg19 : memref<!tpu.dma_semaphore, #tpu.memory_space<semaphore_mem>>)
    %add3A_10 = arith.constant 128 : i32
    %add3A_11 = arith.addi %mul3A_4, %add3A_10 : i32
    %dma_start3A_12 = tpu.memref_slice %arg3[%add3A_11] : memref<327680xi32, #tpu.memory_space<hbm>> -> memref<128xi32, #tpu.memory_space<hbm>>
    %dma_start3A_13 = tpu.memref_slice %arg3[%add3A_11] : memref<327680xi32, #tpu.memory_space<hbm>> -> memref<128xi32, #tpu.memory_space<hbm>>
    tpu.enqueue_dma source(%dma_start3A_13 : memref<128xi32, #tpu.memory_space<hbm>>) target(%arg8 : memref<128xi32, #tpu.memory_space<vmem>>) target_semaphore(%arg20 : memref<!tpu.dma_semaphore, #tpu.memory_space<semaphore_mem>>)
    %dma_start3A_14 = tpu.memref_slice %arg4[%add3A_11] : memref<327680xi32, #tpu.memory_space<hbm>> -> memref<128xi32, #tpu.memory_space<hbm>>
    %dma_start3A_15 = tpu.memref_slice %arg4[%add3A_11] : memref<327680xi32, #tpu.memory_space<hbm>> -> memref<128xi32, #tpu.memory_space<hbm>>
    tpu.enqueue_dma source(%dma_start3A_15 : memref<128xi32, #tpu.memory_space<hbm>>) target(%arg12 : memref<128xi32, #tpu.memory_space<vmem>>) target_semaphore(%arg20 : memref<!tpu.dma_semaphore, #tpu.memory_space<semaphore_mem>>)
    %dma_wait3A = arith.constant 0 : i32
    %dma_wait3A_16 = tpu.memref_slice %arg3[%dma_wait3A] : memref<327680xi32, #tpu.memory_space<hbm>> -> memref<128xi32, #tpu.memory_space<hbm>>
    %dma_wait3A_17 = arith.constant 0 : i32
    %dma_wait3A_18 = tpu.memref_slice %arg3[%dma_wait3A_17] : memref<327680xi32, #tpu.memory_space<hbm>> -> memref<128xi32, #tpu.memory_space<hbm>>
    tpu.wait_dma2 semaphore(%arg19 : memref<!tpu.dma_semaphore, #tpu.memory_space<semaphore_mem>>) src(%dma_wait3A_18 : memref<128xi32, #tpu.memory_space<hbm>>) dst(%arg7 : memref<128xi32, #tpu.memory_space<vmem>>)
    %dma_wait3A_19 = arith.constant 0 : i32
    %dma_wait3A_20 = tpu.memref_slice %arg4[%dma_wait3A_19] : memref<327680xi32, #tpu.memory_space<hbm>> -> memref<128xi32, #tpu.memory_space<hbm>>
    %dma_wait3A_21 = arith.constant 0 : i32
    %dma_wait3A_22 = tpu.memref_slice %arg4[%dma_wait3A_21] : memref<327680xi32, #tpu.memory_space<hbm>> -> memref<128xi32, #tpu.memory_space<hbm>>
    tpu.wait_dma2 semaphore(%arg19 : memref<!tpu.dma_semaphore, #tpu.memory_space<semaphore_mem>>) src(%dma_wait3A_22 : memref<128xi32, #tpu.memory_space<hbm>>) dst(%arg11 : memref<128xi32, #tpu.memory_space<vmem>>)
    %dma_start3A_23 = arith.constant 0 : i32
    %dma_start3A_24 = arith.constant 0 : i32
    %dma_start3A_25 = tpu.memref_slice %arg2[%dma_start3A_23, %dma_start3A_24] : memref<10240x128xf32, #tpu.memory_space<hbm>> -> memref<10240x128xf32, #tpu.memory_space<hbm>>
    tpu.enqueue_indirect_dma source(%dma_start3A_25 : memref<10240x128xf32, #tpu.memory_space<hbm>>) target(%arg15 : memref<128x128xf32, #tpu.memory_space<vmem>>) offsets(%arg7 : memref<128xi32, #tpu.memory_space<vmem>>) semaphore(%arg23 : memref<!tpu.dma_semaphore, #tpu.memory_space<semaphore_mem>>)
    %add3A_26 = arith.constant 256 : i32
    %add3A_27 = arith.addi %mul3A_4, %add3A_26 : i32
    %dma_start3A_28 = tpu.memref_slice %arg3[%add3A_27] : memref<327680xi32, #tpu.memory_space<hbm>> -> memref<128xi32, #tpu.memory_space<hbm>>
    %dma_start3A_29 = tpu.memref_slice %arg3[%add3A_27] : memref<327680xi32, #tpu.memory_space<hbm>> -> memref<128xi32, #tpu.memory_space<hbm>>
    tpu.enqueue_dma source(%dma_start3A_29 : memref<128xi32, #tpu.memory_space<hbm>>) target(%arg9 : memref<128xi32, #tpu.memory_space<vmem>>) target_semaphore(%arg21 : memref<!tpu.dma_semaphore, #tpu.memory_space<semaphore_mem>>)
    %dma_start3A_30 = tpu.memref_slice %arg4[%add3A_27] : memref<327680xi32, #tpu.memory_space<hbm>> -> memref<128xi32, #tpu.memory_space<hbm>>
    %dma_start3A_31 = tpu.memref_slice %arg4[%add3A_27] : memref<327680xi32, #tpu.memory_space<hbm>> -> memref<128xi32, #tpu.memory_space<hbm>>
    tpu.enqueue_dma source(%dma_start3A_31 : memref<128xi32, #tpu.memory_space<hbm>>) target(%arg13 : memref<128xi32, #tpu.memory_space<vmem>>) target_semaphore(%arg21 : memref<!tpu.dma_semaphore, #tpu.memory_space<semaphore_mem>>)
    %dma_wait3A_32 = arith.constant 0 : i32
    %dma_wait3A_33 = tpu.memref_slice %arg3[%dma_wait3A_32] : memref<327680xi32, #tpu.memory_space<hbm>> -> memref<128xi32, #tpu.memory_space<hbm>>
    %dma_wait3A_34 = arith.constant 0 : i32
    %dma_wait3A_35 = tpu.memref_slice %arg3[%dma_wait3A_34] : memref<327680xi32, #tpu.memory_space<hbm>> -> memref<128xi32, #tpu.memory_space<hbm>>
    tpu.wait_dma2 semaphore(%arg20 : memref<!tpu.dma_semaphore, #tpu.memory_space<semaphore_mem>>) src(%dma_wait3A_35 : memref<128xi32, #tpu.memory_space<hbm>>) dst(%arg8 : memref<128xi32, #tpu.memory_space<vmem>>)
    %dma_wait3A_36 = arith.constant 0 : i32
    %dma_wait3A_37 = tpu.memref_slice %arg4[%dma_wait3A_36] : memref<327680xi32, #tpu.memory_space<hbm>> -> memref<128xi32, #tpu.memory_space<hbm>>
    %dma_wait3A_38 = arith.constant 0 : i32
    %dma_wait3A_39 = tpu.memref_slice %arg4[%dma_wait3A_38] : memref<327680xi32, #tpu.memory_space<hbm>> -> memref<128xi32, #tpu.memory_space<hbm>>
    tpu.wait_dma2 semaphore(%arg20 : memref<!tpu.dma_semaphore, #tpu.memory_space<semaphore_mem>>) src(%dma_wait3A_39 : memref<128xi32, #tpu.memory_space<hbm>>) dst(%arg12 : memref<128xi32, #tpu.memory_space<vmem>>)
    %dma_start3A_40 = arith.constant 0 : i32
    %dma_start3A_41 = arith.constant 0 : i32
    %dma_start3A_42 = tpu.memref_slice %arg2[%dma_start3A_40, %dma_start3A_41] : memref<10240x128xf32, #tpu.memory_space<hbm>> -> memref<10240x128xf32, #tpu.memory_space<hbm>>
    tpu.enqueue_indirect_dma source(%dma_start3A_42 : memref<10240x128xf32, #tpu.memory_space<hbm>>) target(%arg16 : memref<128x128xf32, #tpu.memory_space<vmem>>) offsets(%arg8 : memref<128xi32, #tpu.memory_space<vmem>>) semaphore(%arg24 : memref<!tpu.dma_semaphore, #tpu.memory_space<semaphore_mem>>)
    tpu.wait_dma2 semaphore(%arg25 : memref<!tpu.dma_semaphore, #tpu.memory_space<semaphore_mem>>) src(%arg5 : memref<64x128xf32, #tpu.memory_space<hbm>>) dst(%arg17 : memref<64x128xf32, #tpu.memory_space<vmem>>)
    %scan3A = arith.constant 0 : i32
    %scan3A_43 = arith.constant 0 : i32
    %scan3A_44 = arith.constant 10 : i32
    %scan3A_45 = arith.addi %scan3A_43, %scan3A_44 : i32
    %scan3A_46 = arith.constant 1 : i32
    scf.for %scan3A_122 = %scan3A_43 to %scan3A_45 step %scan3A_46  : i32 {
      %mul3A_123 = arith.constant 64 : i32
      %mul3A_124 = arith.muli %scan3A_122, %mul3A_123 : i32
      %add3A_125 = arith.addi %mul3A_2, %mul3A_124 : i32
      "tpu.region"() ({
        %run_scoped3A = tpu.sem_alloc : memref<!tpu.dma_semaphore, #tpu.memory_space<semaphore_mem>>
        %dma_start3A_126 = arith.constant 0 : i32
        %dma_start3A_127 = tpu.memref_slice %arg18[%add3A_125, %dma_start3A_126] : memref<10240x128xf32, #tpu.memory_space<vmem_shared>> -> memref<64x128xf32, #tpu.memory_space<vmem_shared>>
        %dma_start3A_128 = arith.constant 0 : i32
        %dma_start3A_129 = tpu.memref_slice %arg18[%add3A_125, %dma_start3A_128] : memref<10240x128xf32, #tpu.memory_space<vmem_shared>> -> memref<64x128xf32, #tpu.memory_space<vmem_shared>>
        tpu.enqueue_dma source(%arg17 : memref<64x128xf32, #tpu.memory_space<vmem>>) target(%dma_start3A_129 : memref<64x128xf32, #tpu.memory_space<vmem_shared>>) target_semaphore(%run_scoped3A : memref<!tpu.dma_semaphore, #tpu.memory_space<semaphore_mem>>)
        %dma_wait3A_130 = arith.constant 0 : i32
        %dma_wait3A_131 = tpu.memref_slice %arg18[%add3A_125, %dma_wait3A_130] : memref<10240x128xf32, #tpu.memory_space<vmem_shared>> -> memref<64x128xf32, #tpu.memory_space<vmem_shared>>
        %dma_wait3A_132 = arith.constant 0 : i32
        %dma_wait3A_133 = tpu.memref_slice %arg18[%add3A_125, %dma_wait3A_132] : memref<10240x128xf32, #tpu.memory_space<vmem_shared>> -> memref<64x128xf32, #tpu.memory_space<vmem_shared>>
        tpu.wait_dma2 semaphore(%run_scoped3A : memref<!tpu.dma_semaphore, #tpu.memory_space<semaphore_mem>>) src(%arg17 : memref<64x128xf32, #tpu.memory_space<vmem>>) dst(%dma_wait3A_133 : memref<64x128xf32, #tpu.memory_space<vmem_shared>>)
        tpu.yield
      }) : () -> ()
    }
    %scan3A_47 = arith.constant 10 : i32
    %barrier3A = arith.constant 0 : index
    tpu.barrier barrier_id(%barrier3A)
    %dma_wait3A_48 = arith.constant 0 : i32
    %dma_wait3A_49 = arith.constant 0 : i32
    %dma_wait3A_50 = tpu.memref_slice %arg2[%dma_wait3A_48, %dma_wait3A_49] : memref<10240x128xf32, #tpu.memory_space<hbm>> -> memref<10240x128xf32, #tpu.memory_space<hbm>>
    tpu.wait_indirect_dma semaphore(%arg23 : memref<!tpu.dma_semaphore, #tpu.memory_space<semaphore_mem>>) src(%dma_wait3A_50 : memref<10240x128xf32, #tpu.memory_space<hbm>>) dst(%arg15 : memref<128x128xf32, #tpu.memory_space<vmem>>)
    %dma_start3A_51 = arith.constant 0 : i32
    %dma_start3A_52 = arith.constant 0 : i32
    %dma_start3A_53 = tpu.memref_slice %arg18[%dma_start3A_51, %dma_start3A_52] : memref<10240x128xf32, #tpu.memory_space<vmem_shared>> -> memref<10240x128xf32, #tpu.memory_space<vmem_shared>>
    tpu.enqueue_indirect_dma source(%arg15 : memref<128x128xf32, #tpu.memory_space<vmem>>) target(%dma_start3A_53 : memref<10240x128xf32, #tpu.memory_space<vmem_shared>>) offsets(%arg11 : memref<128xi32, #tpu.memory_space<vmem>>) semaphore(%arg25 : memref<!tpu.dma_semaphore, #tpu.memory_space<semaphore_mem>>) {add = true}
    %scan3A_54 = arith.constant 0 : i32
    %scan3A_55 = arith.constant 0 : i32
    %scan3A_56 = arith.constant 19 : i32
    %scan3A_57 = arith.addi %scan3A_55, %scan3A_56 : i32
    %scan3A_58 = arith.constant 1 : i32
    scf.for %scan3A_122 = %scan3A_55 to %scan3A_57 step %scan3A_58  : i32 {
      %mul3A_123 = arith.constant 4 : i32
      %mul3A_124 = arith.muli %mul3A_123, %scan3A_122 : i32
      %add3A_125 = arith.constant 1 : i32
      %add3A_126 = arith.addi %add3A_125, %mul3A_124 : i32
      %add3A_127 = arith.constant 0 : i32
      %add3A_128 = arith.addi %add3A_126, %add3A_127 : i32
      %dma_wait3A_129 = arith.constant 0 : i32
      %dma_wait3A_130 = arith.constant 0 : i32
      %dma_wait3A_131 = tpu.memref_slice %arg18[%dma_wait3A_129, %dma_wait3A_130] : memref<10240x128xf32, #tpu.memory_space<vmem_shared>> -> memref<10240x128xf32, #tpu.memory_space<vmem_shared>>
      tpu.wait_indirect_dma semaphore(%arg25 : memref<!tpu.dma_semaphore, #tpu.memory_space<semaphore_mem>>) src(%arg15 : memref<128x128xf32, #tpu.memory_space<vmem>>) dst(%dma_wait3A_131 : memref<10240x128xf32, #tpu.memory_space<vmem_shared>>)
      %add3A_132 = arith.constant 2 : i32
      %add3A_133 = arith.addi %add3A_128, %add3A_132 : i32
      %mul3A_134 = arith.constant 128 : i32
      %mul3A_135 = arith.muli %add3A_133, %mul3A_134 : i32
      %add3A_136 = arith.addi %mul3A_4, %mul3A_135 : i32
      %dma_start3A_137 = tpu.memref_slice %arg3[%add3A_136] : memref<327680xi32, #tpu.memory_space<hbm>> -> memref<128xi32, #tpu.memory_space<hbm>>
      %dma_start3A_138 = tpu.memref_slice %arg3[%add3A_136] : memref<327680xi32, #tpu.memory_space<hbm>> -> memref<128xi32, #tpu.memory_space<hbm>>
      tpu.enqueue_dma source(%dma_start3A_138 : memref<128xi32, #tpu.memory_space<hbm>>) target(%arg10 : memref<128xi32, #tpu.memory_space<vmem>>) target_semaphore(%arg22 : memref<!tpu.dma_semaphore, #tpu.memory_space<semaphore_mem>>)
      %dma_start3A_139 = tpu.memref_slice %arg4[%add3A_136] : memref<327680xi32, #tpu.memory_space<hbm>> -> memref<128xi32, #tpu.memory_space<hbm>>
      %dma_start3A_140 = tpu.memref_slice %arg4[%add3A_136] : memref<327680xi32, #tpu.memory_space<hbm>> -> memref<128xi32, #tpu.memory_space<hbm>>
      tpu.enqueue_dma source(%dma_start3A_140 : memref<128xi32, #tpu.memory_space<hbm>>) target(%arg14 : memref<128xi32, #tpu.memory_space<vmem>>) target_semaphore(%arg22 : memref<!tpu.dma_semaphore, #tpu.memory_space<semaphore_mem>>)
      %dma_wait3A_141 = arith.constant 0 : i32
      %dma_wait3A_142 = tpu.memref_slice %arg3[%dma_wait3A_141] : memref<327680xi32, #tpu.memory_space<hbm>> -> memref<128xi32, #tpu.memory_space<hbm>>
      %dma_wait3A_143 = arith.constant 0 : i32
      %dma_wait3A_144 = tpu.memref_slice %arg3[%dma_wait3A_143] : memref<327680xi32, #tpu.memory_space<hbm>> -> memref<128xi32, #tpu.memory_space<hbm>>
      tpu.wait_dma2 semaphore(%arg21 : memref<!tpu.dma_semaphore, #tpu.memory_space<semaphore_mem>>) src(%dma_wait3A_144 : memref<128xi32, #tpu.memory_space<hbm>>) dst(%arg9 : memref<128xi32, #tpu.memory_space<vmem>>)
      %dma_wait3A_145 = arith.constant 0 : i32
      %dma_wait3A_146 = tpu.memref_slice %arg4[%dma_wait3A_145] : memref<327680xi32, #tpu.memory_space<hbm>> -> memref<128xi32, #tpu.memory_space<hbm>>
      %dma_wait3A_147 = arith.constant 0 : i32
      %dma_wait3A_148 = tpu.memref_slice %arg4[%dma_wait3A_147] : memref<327680xi32, #tpu.memory_space<hbm>> -> memref<128xi32, #tpu.memory_space<hbm>>
      tpu.wait_dma2 semaphore(%arg21 : memref<!tpu.dma_semaphore, #tpu.memory_space<semaphore_mem>>) src(%dma_wait3A_148 : memref<128xi32, #tpu.memory_space<hbm>>) dst(%arg13 : memref<128xi32, #tpu.memory_space<vmem>>)
      %dma_start3A_149 = arith.constant 0 : i32
      %dma_start3A_150 = arith.constant 0 : i32
      %dma_start3A_151 = tpu.memref_slice %arg2[%dma_start3A_149, %dma_start3A_150] : memref<10240x128xf32, #tpu.memory_space<hbm>> -> memref<10240x128xf32, #tpu.memory_space<hbm>>
      tpu.enqueue_indirect_dma source(%dma_start3A_151 : memref<10240x128xf32, #tpu.memory_space<hbm>>) target(%arg15 : memref<128x128xf32, #tpu.memory_space<vmem>>) offsets(%arg9 : memref<128xi32, #tpu.memory_space<vmem>>) semaphore(%arg23 : memref<!tpu.dma_semaphore, #tpu.memory_space<semaphore_mem>>)
      %dma_wait3A_152 = arith.constant 0 : i32
      %dma_wait3A_153 = arith.constant 0 : i32
      %dma_wait3A_154 = tpu.memref_slice %arg2[%dma_wait3A_152, %dma_wait3A_153] : memref<10240x128xf32, #tpu.memory_space<hbm>> -> memref<10240x128xf32, #tpu.memory_space<hbm>>
      tpu.wait_indirect_dma semaphore(%arg24 : memref<!tpu.dma_semaphore, #tpu.memory_space<semaphore_mem>>) src(%dma_wait3A_154 : memref<10240x128xf32, #tpu.memory_space<hbm>>) dst(%arg16 : memref<128x128xf32, #tpu.memory_space<vmem>>)
      %dma_start3A_155 = arith.constant 0 : i32
      %dma_start3A_156 = arith.constant 0 : i32
      %dma_start3A_157 = tpu.memref_slice %arg18[%dma_start3A_155, %dma_start3A_156] : memref<10240x128xf32, #tpu.memory_space<vmem_shared>> -> memref<10240x128xf32, #tpu.memory_space<vmem_shared>>
      tpu.enqueue_indirect_dma source(%arg16 : memref<128x128xf32, #tpu.memory_space<vmem>>) target(%dma_start3A_157 : memref<10240x128xf32, #tpu.memory_space<vmem_shared>>) offsets(%arg12 : memref<128xi32, #tpu.memory_space<vmem>>) semaphore(%arg26 : memref<!tpu.dma_semaphore, #tpu.memory_space<semaphore_mem>>) {add = true}
      %add3A_158 = arith.constant 1 : i32
      %add3A_159 = arith.addi %add3A_126, %add3A_158 : i32
      %dma_wait3A_160 = arith.constant 0 : i32
      %dma_wait3A_161 = arith.constant 0 : i32
      %dma_wait3A_162 = tpu.memref_slice %arg18[%dma_wait3A_160, %dma_wait3A_161] : memref<10240x128xf32, #tpu.memory_space<vmem_shared>> -> memref<10240x128xf32, #tpu.memory_space<vmem_shared>>
      tpu.wait_indirect_dma semaphore(%arg26 : memref<!tpu.dma_semaphore, #tpu.memory_space<semaphore_mem>>) src(%arg16 : memref<128x128xf32, #tpu.memory_space<vmem>>) dst(%dma_wait3A_162 : memref<10240x128xf32, #tpu.memory_space<vmem_shared>>)
      %add3A_163 = arith.constant 2 : i32
      %add3A_164 = arith.addi %add3A_159, %add3A_163 : i32
      %mul3A_165 = arith.constant 128 : i32
      %mul3A_166 = arith.muli %add3A_164, %mul3A_165 : i32
      %add3A_167 = arith.addi %mul3A_4, %mul3A_166 : i32
      %dma_start3A_168 = tpu.memref_slice %arg3[%add3A_167] : memref<327680xi32, #tpu.memory_space<hbm>> -> memref<128xi32, #tpu.memory_space<hbm>>
      %dma_start3A_169 = tpu.memref_slice %arg3[%add3A_167] : memref<327680xi32, #tpu.memory_space<hbm>> -> memref<128xi32, #tpu.memory_space<hbm>>
      tpu.enqueue_dma source(%dma_start3A_169 : memref<128xi32, #tpu.memory_space<hbm>>) target(%arg7 : memref<128xi32, #tpu.memory_space<vmem>>) target_semaphore(%arg19 : memref<!tpu.dma_semaphore, #tpu.memory_space<semaphore_mem>>)
      %dma_start3A_170 = tpu.memref_slice %arg4[%add3A_167] : memref<327680xi32, #tpu.memory_space<hbm>> -> memref<128xi32, #tpu.memory_space<hbm>>
      %dma_start3A_171 = tpu.memref_slice %arg4[%add3A_167] : memref<327680xi32, #tpu.memory_space<hbm>> -> memref<128xi32, #tpu.memory_space<hbm>>
      tpu.enqueue_dma source(%dma_start3A_171 : memref<128xi32, #tpu.memory_space<hbm>>) target(%arg11 : memref<128xi32, #tpu.memory_space<vmem>>) target_semaphore(%arg19 : memref<!tpu.dma_semaphore, #tpu.memory_space<semaphore_mem>>)
      %dma_wait3A_172 = arith.constant 0 : i32
      %dma_wait3A_173 = tpu.memref_slice %arg3[%dma_wait3A_172] : memref<327680xi32, #tpu.memory_space<hbm>> -> memref<128xi32, #tpu.memory_space<hbm>>
      %dma_wait3A_174 = arith.constant 0 : i32
      %dma_wait3A_175 = tpu.memref_slice %arg3[%dma_wait3A_174] : memref<327680xi32, #tpu.memory_space<hbm>> -> memref<128xi32, #tpu.memory_space<hbm>>
      tpu.wait_dma2 semaphore(%arg22 : memref<!tpu.dma_semaphore, #tpu.memory_space<semaphore_mem>>) src(%dma_wait3A_175 : memref<128xi32, #tpu.memory_space<hbm>>) dst(%arg10 : memref<128xi32, #tpu.memory_space<vmem>>)
      %dma_wait3A_176 = arith.constant 0 : i32
      %dma_wait3A_177 = tpu.memref_slice %arg4[%dma_wait3A_176] : memref<327680xi32, #tpu.memory_space<hbm>> -> memref<128xi32, #tpu.memory_space<hbm>>
      %dma_wait3A_178 = arith.constant 0 : i32
      %dma_wait3A_179 = tpu.memref_slice %arg4[%dma_wait3A_178] : memref<327680xi32, #tpu.memory_space<hbm>> -> memref<128xi32, #tpu.memory_space<hbm>>
      tpu.wait_dma2 semaphore(%arg22 : memref<!tpu.dma_semaphore, #tpu.memory_space<semaphore_mem>>) src(%dma_wait3A_179 : memref<128xi32, #tpu.memory_space<hbm>>) dst(%arg14 : memref<128xi32, #tpu.memory_space<vmem>>)
      %dma_start3A_180 = arith.constant 0 : i32
      %dma_start3A_181 = arith.constant 0 : i32
      %dma_start3A_182 = tpu.memref_slice %arg2[%dma_start3A_180, %dma_start3A_181] : memref<10240x128xf32, #tpu.memory_space<hbm>> -> memref<10240x128xf32, #tpu.memory_space<hbm>>
      tpu.enqueue_indirect_dma source(%dma_start3A_182 : memref<10240x128xf32, #tpu.memory_space<hbm>>) target(%arg16 : memref<128x128xf32, #tpu.memory_space<vmem>>) offsets(%arg10 : memref<128xi32, #tpu.memory_space<vmem>>) semaphore(%arg24 : memref<!tpu.dma_semaphore, #tpu.memory_space<semaphore_mem>>)
      %dma_wait3A_183 = arith.constant 0 : i32
      %dma_wait3A_184 = arith.constant 0 : i32
      %dma_wait3A_185 = tpu.memref_slice %arg2[%dma_wait3A_183, %dma_wait3A_184] : memref<10240x128xf32, #tpu.memory_space<hbm>> -> memref<10240x128xf32, #tpu.memory_space<hbm>>
      tpu.wait_indirect_dma semaphore(%arg23 : memref<!tpu.dma_semaphore, #tpu.memory_space<semaphore_mem>>) src(%dma_wait3A_185 : memref<10240x128xf32, #tpu.memory_space<hbm>>) dst(%arg15 : memref<128x128xf32, #tpu.memory_space<vmem>>)
      %dma_start3A_186 = arith.constant 0 : i32
      %dma_start3A_187 = arith.constant 0 : i32
      %dma_start3A_188 = tpu.memref_slice %arg18[%dma_start3A_186, %dma_start3A_187] : memref<10240x128xf32, #tpu.memory_space<vmem_shared>> -> memref<10240x128xf32, #tpu.memory_space<vmem_shared>>
      tpu.enqueue_indirect_dma source(%arg15 : memref<128x128xf32, #tpu.memory_space<vmem>>) target(%dma_start3A_188 : memref<10240x128xf32, #tpu.memory_space<vmem_shared>>) offsets(%arg13 : memref<128xi32, #tpu.memory_space<vmem>>) semaphore(%arg25 : memref<!tpu.dma_semaphore, #tpu.memory_space<semaphore_mem>>) {add = true}
      %add3A_189 = arith.constant 2 : i32
      %add3A_190 = arith.addi %add3A_126, %add3A_189 : i32
      %dma_wait3A_191 = arith.constant 0 : i32
      %dma_wait3A_192 = arith.constant 0 : i32
      %dma_wait3A_193 = tpu.memref_slice %arg18[%dma_wait3A_191, %dma_wait3A_192] : memref<10240x128xf32, #tpu.memory_space<vmem_shared>> -> memref<10240x128xf32, #tpu.memory_space<vmem_shared>>
      tpu.wait_indirect_dma semaphore(%arg25 : memref<!tpu.dma_semaphore, #tpu.memory_space<semaphore_mem>>) src(%arg15 : memref<128x128xf32, #tpu.memory_space<vmem>>) dst(%dma_wait3A_193 : memref<10240x128xf32, #tpu.memory_space<vmem_shared>>)
      %add3A_194 = arith.constant 2 : i32
      %add3A_195 = arith.addi %add3A_190, %add3A_194 : i32
      %mul3A_196 = arith.constant 128 : i32
      %mul3A_197 = arith.muli %add3A_195, %mul3A_196 : i32
      %add3A_198 = arith.addi %mul3A_4, %mul3A_197 : i32
      %dma_start3A_199 = tpu.memref_slice %arg3[%add3A_198] : memref<327680xi32, #tpu.memory_space<hbm>> -> memref<128xi32, #tpu.memory_space<hbm>>
      %dma_start3A_200 = tpu.memref_slice %arg3[%add3A_198] : memref<327680xi32, #tpu.memory_space<hbm>> -> memref<128xi32, #tpu.memory_space<hbm>>
      tpu.enqueue_dma source(%dma_start3A_200 : memref<128xi32, #tpu.memory_space<hbm>>) target(%arg8 : memref<128xi32, #tpu.memory_space<vmem>>) target_semaphore(%arg20 : memref<!tpu.dma_semaphore, #tpu.memory_space<semaphore_mem>>)
      %dma_start3A_201 = tpu.memref_slice %arg4[%add3A_198] : memref<327680xi32, #tpu.memory_space<hbm>> -> memref<128xi32, #tpu.memory_space<hbm>>
      %dma_start3A_202 = tpu.memref_slice %arg4[%add3A_198] : memref<327680xi32, #tpu.memory_space<hbm>> -> memref<128xi32, #tpu.memory_space<hbm>>
      tpu.enqueue_dma source(%dma_start3A_202 : memref<128xi32, #tpu.memory_space<hbm>>) target(%arg12 : memref<128xi32, #tpu.memory_space<vmem>>) target_semaphore(%arg20 : memref<!tpu.dma_semaphore, #tpu.memory_space<semaphore_mem>>)
      %dma_wait3A_203 = arith.constant 0 : i32
      %dma_wait3A_204 = tpu.memref_slice %arg3[%dma_wait3A_203] : memref<327680xi32, #tpu.memory_space<hbm>> -> memref<128xi32, #tpu.memory_space<hbm>>
      %dma_wait3A_205 = arith.constant 0 : i32
      %dma_wait3A_206 = tpu.memref_slice %arg3[%dma_wait3A_205] : memref<327680xi32, #tpu.memory_space<hbm>> -> memref<128xi32, #tpu.memory_space<hbm>>
      tpu.wait_dma2 semaphore(%arg19 : memref<!tpu.dma_semaphore, #tpu.memory_space<semaphore_mem>>) src(%dma_wait3A_206 : memref<128xi32, #tpu.memory_space<hbm>>) dst(%arg7 : memref<128xi32, #tpu.memory_space<vmem>>)
      %dma_wait3A_207 = arith.constant 0 : i32
      %dma_wait3A_208 = tpu.memref_slice %arg4[%dma_wait3A_207] : memref<327680xi32, #tpu.memory_space<hbm>> -> memref<128xi32, #tpu.memory_space<hbm>>
      %dma_wait3A_209 = arith.constant 0 : i32
      %dma_wait3A_210 = tpu.memref_slice %arg4[%dma_wait3A_209] : memref<327680xi32, #tpu.memory_space<hbm>> -> memref<128xi32, #tpu.memory_space<hbm>>
      tpu.wait_dma2 semaphore(%arg19 : memref<!tpu.dma_semaphore, #tpu.memory_space<semaphore_mem>>) src(%dma_wait3A_210 : memref<128xi32, #tpu.memory_space<hbm>>) dst(%arg11 : memref<128xi32, #tpu.memory_space<vmem>>)
      %dma_start3A_211 = arith.constant 0 : i32
      %dma_start3A_212 = arith.constant 0 : i32
      %dma_start3A_213 = tpu.memref_slice %arg2[%dma_start3A_211, %dma_start3A_212] : memref<10240x128xf32, #tpu.memory_space<hbm>> -> memref<10240x128xf32, #tpu.memory_space<hbm>>
      tpu.enqueue_indirect_dma source(%dma_start3A_213 : memref<10240x128xf32, #tpu.memory_space<hbm>>) target(%arg15 : memref<128x128xf32, #tpu.memory_space<vmem>>) offsets(%arg7 : memref<128xi32, #tpu.memory_space<vmem>>) semaphore(%arg23 : memref<!tpu.dma_semaphore, #tpu.memory_space<semaphore_mem>>)
      %dma_wait3A_214 = arith.constant 0 : i32
      %dma_wait3A_215 = arith.constant 0 : i32
      %dma_wait3A_216 = tpu.memref_slice %arg2[%dma_wait3A_214, %dma_wait3A_215] : memref<10240x128xf32, #tpu.memory_space<hbm>> -> memref<10240x128xf32, #tpu.memory_space<hbm>>
      tpu.wait_indirect_dma semaphore(%arg24 : memref<!tpu.dma_semaphore, #tpu.memory_space<semaphore_mem>>) src(%dma_wait3A_216 : memref<10240x128xf32, #tpu.memory_space<hbm>>) dst(%arg16 : memref<128x128xf32, #tpu.memory_space<vmem>>)
      %dma_start3A_217 = arith.constant 0 : i32
      %dma_start3A_218 = arith.constant 0 : i32
      %dma_start3A_219 = tpu.memref_slice %arg18[%dma_start3A_217, %dma_start3A_218] : memref<10240x128xf32, #tpu.memory_space<vmem_shared>> -> memref<10240x128xf32, #tpu.memory_space<vmem_shared>>
      tpu.enqueue_indirect_dma source(%arg16 : memref<128x128xf32, #tpu.memory_space<vmem>>) target(%dma_start3A_219 : memref<10240x128xf32, #tpu.memory_space<vmem_shared>>) offsets(%arg14 : memref<128xi32, #tpu.memory_space<vmem>>) semaphore(%arg26 : memref<!tpu.dma_semaphore, #tpu.memory_space<semaphore_mem>>) {add = true}
      %add3A_220 = arith.constant 3 : i32
      %add3A_221 = arith.addi %add3A_126, %add3A_220 : i32
      %dma_wait3A_222 = arith.constant 0 : i32
      %dma_wait3A_223 = arith.constant 0 : i32
      %dma_wait3A_224 = tpu.memref_slice %arg18[%dma_wait3A_222, %dma_wait3A_223] : memref<10240x128xf32, #tpu.memory_space<vmem_shared>> -> memref<10240x128xf32, #tpu.memory_space<vmem_shared>>
      tpu.wait_indirect_dma semaphore(%arg26 : memref<!tpu.dma_semaphore, #tpu.memory_space<semaphore_mem>>) src(%arg16 : memref<128x128xf32, #tpu.memory_space<vmem>>) dst(%dma_wait3A_224 : memref<10240x128xf32, #tpu.memory_space<vmem_shared>>)
      %add3A_225 = arith.constant 2 : i32
      %add3A_226 = arith.addi %add3A_221, %add3A_225 : i32
      %mul3A_227 = arith.constant 128 : i32
      %mul3A_228 = arith.muli %add3A_226, %mul3A_227 : i32
      %add3A_229 = arith.addi %mul3A_4, %mul3A_228 : i32
      %dma_start3A_230 = tpu.memref_slice %arg3[%add3A_229] : memref<327680xi32, #tpu.memory_space<hbm>> -> memref<128xi32, #tpu.memory_space<hbm>>
      %dma_start3A_231 = tpu.memref_slice %arg3[%add3A_229] : memref<327680xi32, #tpu.memory_space<hbm>> -> memref<128xi32, #tpu.memory_space<hbm>>
      tpu.enqueue_dma source(%dma_start3A_231 : memref<128xi32, #tpu.memory_space<hbm>>) target(%arg9 : memref<128xi32, #tpu.memory_space<vmem>>) target_semaphore(%arg21 : memref<!tpu.dma_semaphore, #tpu.memory_space<semaphore_mem>>)
      %dma_start3A_232 = tpu.memref_slice %arg4[%add3A_229] : memref<327680xi32, #tpu.memory_space<hbm>> -> memref<128xi32, #tpu.memory_space<hbm>>
      %dma_start3A_233 = tpu.memref_slice %arg4[%add3A_229] : memref<327680xi32, #tpu.memory_space<hbm>> -> memref<128xi32, #tpu.memory_space<hbm>>
      tpu.enqueue_dma source(%dma_start3A_233 : memref<128xi32, #tpu.memory_space<hbm>>) target(%arg13 : memref<128xi32, #tpu.memory_space<vmem>>) target_semaphore(%arg21 : memref<!tpu.dma_semaphore, #tpu.memory_space<semaphore_mem>>)
      %dma_wait3A_234 = arith.constant 0 : i32
      %dma_wait3A_235 = tpu.memref_slice %arg3[%dma_wait3A_234] : memref<327680xi32, #tpu.memory_space<hbm>> -> memref<128xi32, #tpu.memory_space<hbm>>
      %dma_wait3A_236 = arith.constant 0 : i32
      %dma_wait3A_237 = tpu.memref_slice %arg3[%dma_wait3A_236] : memref<327680xi32, #tpu.memory_space<hbm>> -> memref<128xi32, #tpu.memory_space<hbm>>
      tpu.wait_dma2 semaphore(%arg20 : memref<!tpu.dma_semaphore, #tpu.memory_space<semaphore_mem>>) src(%dma_wait3A_237 : memref<128xi32, #tpu.memory_space<hbm>>) dst(%arg8 : memref<128xi32, #tpu.memory_space<vmem>>)
      %dma_wait3A_238 = arith.constant 0 : i32
      %dma_wait3A_239 = tpu.memref_slice %arg4[%dma_wait3A_238] : memref<327680xi32, #tpu.memory_space<hbm>> -> memref<128xi32, #tpu.memory_space<hbm>>
      %dma_wait3A_240 = arith.constant 0 : i32
      %dma_wait3A_241 = tpu.memref_slice %arg4[%dma_wait3A_240] : memref<327680xi32, #tpu.memory_space<hbm>> -> memref<128xi32, #tpu.memory_space<hbm>>
      tpu.wait_dma2 semaphore(%arg20 : memref<!tpu.dma_semaphore, #tpu.memory_space<semaphore_mem>>) src(%dma_wait3A_241 : memref<128xi32, #tpu.memory_space<hbm>>) dst(%arg12 : memref<128xi32, #tpu.memory_space<vmem>>)
      %dma_start3A_242 = arith.constant 0 : i32
      %dma_start3A_243 = arith.constant 0 : i32
      %dma_start3A_244 = tpu.memref_slice %arg2[%dma_start3A_242, %dma_start3A_243] : memref<10240x128xf32, #tpu.memory_space<hbm>> -> memref<10240x128xf32, #tpu.memory_space<hbm>>
      tpu.enqueue_indirect_dma source(%dma_start3A_244 : memref<10240x128xf32, #tpu.memory_space<hbm>>) target(%arg16 : memref<128x128xf32, #tpu.memory_space<vmem>>) offsets(%arg8 : memref<128xi32, #tpu.memory_space<vmem>>) semaphore(%arg24 : memref<!tpu.dma_semaphore, #tpu.memory_space<semaphore_mem>>)
      %dma_wait3A_245 = arith.constant 0 : i32
      %dma_wait3A_246 = arith.constant 0 : i32
      %dma_wait3A_247 = tpu.memref_slice %arg2[%dma_wait3A_245, %dma_wait3A_246] : memref<10240x128xf32, #tpu.memory_space<hbm>> -> memref<10240x128xf32, #tpu.memory_space<hbm>>
      tpu.wait_indirect_dma semaphore(%arg23 : memref<!tpu.dma_semaphore, #tpu.memory_space<semaphore_mem>>) src(%dma_wait3A_247 : memref<10240x128xf32, #tpu.memory_space<hbm>>) dst(%arg15 : memref<128x128xf32, #tpu.memory_space<vmem>>)
      %dma_start3A_248 = arith.constant 0 : i32
      %dma_start3A_249 = arith.constant 0 : i32
      %dma_start3A_250 = tpu.memref_slice %arg18[%dma_start3A_248, %dma_start3A_249] : memref<10240x128xf32, #tpu.memory_space<vmem_shared>> -> memref<10240x128xf32, #tpu.memory_space<vmem_shared>>
      tpu.enqueue_indirect_dma source(%arg15 : memref<128x128xf32, #tpu.memory_space<vmem>>) target(%dma_start3A_250 : memref<10240x128xf32, #tpu.memory_space<vmem_shared>>) offsets(%arg11 : memref<128xi32, #tpu.memory_space<vmem>>) semaphore(%arg25 : memref<!tpu.dma_semaphore, #tpu.memory_space<semaphore_mem>>) {add = true}
    }
    %scan3A_59 = arith.constant 19 : i32
    %dma_wait3A_60 = arith.constant 0 : i32
    %dma_wait3A_61 = arith.constant 0 : i32
    %dma_wait3A_62 = tpu.memref_slice %arg18[%dma_wait3A_60, %dma_wait3A_61] : memref<10240x128xf32, #tpu.memory_space<vmem_shared>> -> memref<10240x128xf32, #tpu.memory_space<vmem_shared>>
    tpu.wait_indirect_dma semaphore(%arg25 : memref<!tpu.dma_semaphore, #tpu.memory_space<semaphore_mem>>) src(%arg15 : memref<128x128xf32, #tpu.memory_space<vmem>>) dst(%dma_wait3A_62 : memref<10240x128xf32, #tpu.memory_space<vmem_shared>>)
    %add3A_63 = arith.constant 10112 : i32
    %add3A_64 = arith.addi %mul3A_4, %add3A_63 : i32
    %dma_start3A_65 = tpu.memref_slice %arg3[%add3A_64] : memref<327680xi32, #tpu.memory_space<hbm>> -> memref<128xi32, #tpu.memory_space<hbm>>
    %dma_start3A_66 = tpu.memref_slice %arg3[%add3A_64] : memref<327680xi32, #tpu.memory_space<hbm>> -> memref<128xi32, #tpu.memory_space<hbm>>
    tpu.enqueue_dma source(%dma_start3A_66 : memref<128xi32, #tpu.memory_space<hbm>>) target(%arg10 : memref<128xi32, #tpu.memory_space<vmem>>) target_semaphore(%arg22 : memref<!tpu.dma_semaphore, #tpu.memory_space<semaphore_mem>>)
    %dma_start3A_67 = tpu.memref_slice %arg4[%add3A_64] : memref<327680xi32, #tpu.memory_space<hbm>> -> memref<128xi32, #tpu.memory_space<hbm>>
    %dma_start3A_68 = tpu.memref_slice %arg4[%add3A_64] : memref<327680xi32, #tpu.memory_space<hbm>> -> memref<128xi32, #tpu.memory_space<hbm>>
    tpu.enqueue_dma source(%dma_start3A_68 : memref<128xi32, #tpu.memory_space<hbm>>) target(%arg14 : memref<128xi32, #tpu.memory_space<vmem>>) target_semaphore(%arg22 : memref<!tpu.dma_semaphore, #tpu.memory_space<semaphore_mem>>)
    %dma_wait3A_69 = arith.constant 0 : i32
    %dma_wait3A_70 = tpu.memref_slice %arg3[%dma_wait3A_69] : memref<327680xi32, #tpu.memory_space<hbm>> -> memref<128xi32, #tpu.memory_space<hbm>>
    %dma_wait3A_71 = arith.constant 0 : i32
    %dma_wait3A_72 = tpu.memref_slice %arg3[%dma_wait3A_71] : memref<327680xi32, #tpu.memory_space<hbm>> -> memref<128xi32, #tpu.memory_space<hbm>>
    tpu.wait_dma2 semaphore(%arg21 : memref<!tpu.dma_semaphore, #tpu.memory_space<semaphore_mem>>) src(%dma_wait3A_72 : memref<128xi32, #tpu.memory_space<hbm>>) dst(%arg9 : memref<128xi32, #tpu.memory_space<vmem>>)
    %dma_wait3A_73 = arith.constant 0 : i32
    %dma_wait3A_74 = tpu.memref_slice %arg4[%dma_wait3A_73] : memref<327680xi32, #tpu.memory_space<hbm>> -> memref<128xi32, #tpu.memory_space<hbm>>
    %dma_wait3A_75 = arith.constant 0 : i32
    %dma_wait3A_76 = tpu.memref_slice %arg4[%dma_wait3A_75] : memref<327680xi32, #tpu.memory_space<hbm>> -> memref<128xi32, #tpu.memory_space<hbm>>
    tpu.wait_dma2 semaphore(%arg21 : memref<!tpu.dma_semaphore, #tpu.memory_space<semaphore_mem>>) src(%dma_wait3A_76 : memref<128xi32, #tpu.memory_space<hbm>>) dst(%arg13 : memref<128xi32, #tpu.memory_space<vmem>>)
    %dma_start3A_77 = arith.constant 0 : i32
    %dma_start3A_78 = arith.constant 0 : i32
    %dma_start3A_79 = tpu.memref_slice %arg2[%dma_start3A_77, %dma_start3A_78] : memref<10240x128xf32, #tpu.memory_space<hbm>> -> memref<10240x128xf32, #tpu.memory_space<hbm>>
    tpu.enqueue_indirect_dma source(%dma_start3A_79 : memref<10240x128xf32, #tpu.memory_space<hbm>>) target(%arg15 : memref<128x128xf32, #tpu.memory_space<vmem>>) offsets(%arg9 : memref<128xi32, #tpu.memory_space<vmem>>) semaphore(%arg23 : memref<!tpu.dma_semaphore, #tpu.memory_space<semaphore_mem>>)
    %dma_wait3A_80 = arith.constant 0 : i32
    %dma_wait3A_81 = arith.constant 0 : i32
    %dma_wait3A_82 = tpu.memref_slice %arg2[%dma_wait3A_80, %dma_wait3A_81] : memref<10240x128xf32, #tpu.memory_space<hbm>> -> memref<10240x128xf32, #tpu.memory_space<hbm>>
    tpu.wait_indirect_dma semaphore(%arg24 : memref<!tpu.dma_semaphore, #tpu.memory_space<semaphore_mem>>) src(%dma_wait3A_82 : memref<10240x128xf32, #tpu.memory_space<hbm>>) dst(%arg16 : memref<128x128xf32, #tpu.memory_space<vmem>>)
    %dma_start3A_83 = arith.constant 0 : i32
    %dma_start3A_84 = arith.constant 0 : i32
    %dma_start3A_85 = tpu.memref_slice %arg18[%dma_start3A_83, %dma_start3A_84] : memref<10240x128xf32, #tpu.memory_space<vmem_shared>> -> memref<10240x128xf32, #tpu.memory_space<vmem_shared>>
    tpu.enqueue_indirect_dma source(%arg16 : memref<128x128xf32, #tpu.memory_space<vmem>>) target(%dma_start3A_85 : memref<10240x128xf32, #tpu.memory_space<vmem_shared>>) offsets(%arg12 : memref<128xi32, #tpu.memory_space<vmem>>) semaphore(%arg26 : memref<!tpu.dma_semaphore, #tpu.memory_space<semaphore_mem>>) {add = true}
    %dma_wait3A_86 = arith.constant 0 : i32
    %dma_wait3A_87 = arith.constant 0 : i32
    %dma_wait3A_88 = tpu.memref_slice %arg18[%dma_wait3A_86, %dma_wait3A_87] : memref<10240x128xf32, #tpu.memory_space<vmem_shared>> -> memref<10240x128xf32, #tpu.memory_space<vmem_shared>>
    tpu.wait_indirect_dma semaphore(%arg26 : memref<!tpu.dma_semaphore, #tpu.memory_space<semaphore_mem>>) src(%arg16 : memref<128x128xf32, #tpu.memory_space<vmem>>) dst(%dma_wait3A_88 : memref<10240x128xf32, #tpu.memory_space<vmem_shared>>)
    %dma_wait3A_89 = arith.constant 0 : i32
    %dma_wait3A_90 = tpu.memref_slice %arg3[%dma_wait3A_89] : memref<327680xi32, #tpu.memory_space<hbm>> -> memref<128xi32, #tpu.memory_space<hbm>>
    %dma_wait3A_91 = arith.constant 0 : i32
    %dma_wait3A_92 = tpu.memref_slice %arg3[%dma_wait3A_91] : memref<327680xi32, #tpu.memory_space<hbm>> -> memref<128xi32, #tpu.memory_space<hbm>>
    tpu.wait_dma2 semaphore(%arg22 : memref<!tpu.dma_semaphore, #tpu.memory_space<semaphore_mem>>) src(%dma_wait3A_92 : memref<128xi32, #tpu.memory_space<hbm>>) dst(%arg10 : memref<128xi32, #tpu.memory_space<vmem>>)
    %dma_wait3A_93 = arith.constant 0 : i32
    %dma_wait3A_94 = tpu.memref_slice %arg4[%dma_wait3A_93] : memref<327680xi32, #tpu.memory_space<hbm>> -> memref<128xi32, #tpu.memory_space<hbm>>
    %dma_wait3A_95 = arith.constant 0 : i32
    %dma_wait3A_96 = tpu.memref_slice %arg4[%dma_wait3A_95] : memref<327680xi32, #tpu.memory_space<hbm>> -> memref<128xi32, #tpu.memory_space<hbm>>
    tpu.wait_dma2 semaphore(%arg22 : memref<!tpu.dma_semaphore, #tpu.memory_space<semaphore_mem>>) src(%dma_wait3A_96 : memref<128xi32, #tpu.memory_space<hbm>>) dst(%arg14 : memref<128xi32, #tpu.memory_space<vmem>>)
    %dma_start3A_97 = arith.constant 0 : i32
    %dma_start3A_98 = arith.constant 0 : i32
    %dma_start3A_99 = tpu.memref_slice %arg2[%dma_start3A_97, %dma_start3A_98] : memref<10240x128xf32, #tpu.memory_space<hbm>> -> memref<10240x128xf32, #tpu.memory_space<hbm>>
    tpu.enqueue_indirect_dma source(%dma_start3A_99 : memref<10240x128xf32, #tpu.memory_space<hbm>>) target(%arg16 : memref<128x128xf32, #tpu.memory_space<vmem>>) offsets(%arg10 : memref<128xi32, #tpu.memory_space<vmem>>) semaphore(%arg24 : memref<!tpu.dma_semaphore, #tpu.memory_space<semaphore_mem>>)
    %dma_wait3A_100 = arith.constant 0 : i32
    %dma_wait3A_101 = arith.constant 0 : i32
    %dma_wait3A_102 = tpu.memref_slice %arg2[%dma_wait3A_100, %dma_wait3A_101] : memref<10240x128xf32, #tpu.memory_space<hbm>> -> memref<10240x128xf32, #tpu.memory_space<hbm>>
    tpu.wait_indirect_dma semaphore(%arg23 : memref<!tpu.dma_semaphore, #tpu.memory_space<semaphore_mem>>) src(%dma_wait3A_102 : memref<10240x128xf32, #tpu.memory_space<hbm>>) dst(%arg15 : memref<128x128xf32, #tpu.memory_space<vmem>>)
    %dma_start3A_103 = arith.constant 0 : i32
    %dma_start3A_104 = arith.constant 0 : i32
    %dma_start3A_105 = tpu.memref_slice %arg18[%dma_start3A_103, %dma_start3A_104] : memref<10240x128xf32, #tpu.memory_space<vmem_shared>> -> memref<10240x128xf32, #tpu.memory_space<vmem_shared>>
    tpu.enqueue_indirect_dma source(%arg15 : memref<128x128xf32, #tpu.memory_space<vmem>>) target(%dma_start3A_105 : memref<10240x128xf32, #tpu.memory_space<vmem_shared>>) offsets(%arg13 : memref<128xi32, #tpu.memory_space<vmem>>) semaphore(%arg25 : memref<!tpu.dma_semaphore, #tpu.memory_space<semaphore_mem>>) {add = true}
    %dma_wait3A_106 = arith.constant 0 : i32
    %dma_wait3A_107 = arith.constant 0 : i32
    %dma_wait3A_108 = tpu.memref_slice %arg18[%dma_wait3A_106, %dma_wait3A_107] : memref<10240x128xf32, #tpu.memory_space<vmem_shared>> -> memref<10240x128xf32, #tpu.memory_space<vmem_shared>>
    tpu.wait_indirect_dma semaphore(%arg25 : memref<!tpu.dma_semaphore, #tpu.memory_space<semaphore_mem>>) src(%arg15 : memref<128x128xf32, #tpu.memory_space<vmem>>) dst(%dma_wait3A_108 : memref<10240x128xf32, #tpu.memory_space<vmem_shared>>)
    %dma_wait3A_109 = arith.constant 0 : i32
    %dma_wait3A_110 = arith.constant 0 : i32
    %dma_wait3A_111 = tpu.memref_slice %arg2[%dma_wait3A_109, %dma_wait3A_110] : memref<10240x128xf32, #tpu.memory_space<hbm>> -> memref<10240x128xf32, #tpu.memory_space<hbm>>
    tpu.wait_indirect_dma semaphore(%arg24 : memref<!tpu.dma_semaphore, #tpu.memory_space<semaphore_mem>>) src(%dma_wait3A_111 : memref<10240x128xf32, #tpu.memory_space<hbm>>) dst(%arg16 : memref<128x128xf32, #tpu.memory_space<vmem>>)
    %dma_start3A_112 = arith.constant 0 : i32
    %dma_start3A_113 = arith.constant 0 : i32
    %dma_start3A_114 = tpu.memref_slice %arg18[%dma_start3A_112, %dma_start3A_113] : memref<10240x128xf32, #tpu.memory_space<vmem_shared>> -> memref<10240x128xf32, #tpu.memory_space<vmem_shared>>
    tpu.enqueue_indirect_dma source(%arg16 : memref<128x128xf32, #tpu.memory_space<vmem>>) target(%dma_start3A_114 : memref<10240x128xf32, #tpu.memory_space<vmem_shared>>) offsets(%arg14 : memref<128xi32, #tpu.memory_space<vmem>>) semaphore(%arg26 : memref<!tpu.dma_semaphore, #tpu.memory_space<semaphore_mem>>) {add = true}
    %dma_wait3A_115 = arith.constant 0 : i32
    %dma_wait3A_116 = arith.constant 0 : i32
    %dma_wait3A_117 = tpu.memref_slice %arg18[%dma_wait3A_115, %dma_wait3A_116] : memref<10240x128xf32, #tpu.memory_space<vmem_shared>> -> memref<10240x128xf32, #tpu.memory_space<vmem_shared>>
    tpu.wait_indirect_dma semaphore(%arg26 : memref<!tpu.dma_semaphore, #tpu.memory_space<semaphore_mem>>) src(%arg16 : memref<128x128xf32, #tpu.memory_space<vmem>>) dst(%dma_wait3A_117 : memref<10240x128xf32, #tpu.memory_space<vmem_shared>>)
    %barrier3A_118 = arith.constant 0 : index
    tpu.barrier barrier_id(%barrier3A_118)
    %mul3A_119 = arith.constant 10240 : i32
    %mul3A_120 = arith.muli %arg0, %mul3A_119 : i32
    %add3A_121 = arith.addi %mul3A_120, %mul3A_2 : i32
    "tpu.region"() ({
      %run_scoped3A = tpu.sem_alloc : memref<!tpu.dma_semaphore, #tpu.memory_space<semaphore_mem>>
      %dma_start3A_122 = arith.constant 0 : i32
      %dma_start3A_123 = tpu.memref_slice %arg6[%add3A_121, %dma_start3A_122] : memref<20480x128xf32, #tpu.memory_space<hbm>> -> memref<640x128xf32, #tpu.memory_space<hbm>>
      %dma_start3A_124 = arith.constant 0 : i32
      %dma_start3A_125 = tpu.memref_slice %arg18[%mul3A_2, %dma_start3A_124] : memref<10240x128xf32, #tpu.memory_space<vmem_shared>> -> memref<640x128xf32, #tpu.memory_space<vmem_shared>>
      tpu.enqueue_dma source(%dma_start3A_125 : memref<640x128xf32, #tpu.memory_space<vmem_shared>>) target(%dma_start3A_123 : memref<640x128xf32, #tpu.memory_space<hbm>>) target_semaphore(%run_scoped3A : memref<!tpu.dma_semaphore, #tpu.memory_space<semaphore_mem>>)
      %dma_wait3A_126 = arith.constant 0 : i32
      %dma_wait3A_127 = tpu.memref_slice %arg6[%add3A_121, %dma_wait3A_126] : memref<20480x128xf32, #tpu.memory_space<hbm>> -> memref<640x128xf32, #tpu.memory_space<hbm>>
      %dma_wait3A_128 = arith.constant 0 : i32
      %dma_wait3A_129 = tpu.memref_slice %arg18[%mul3A_2, %dma_wait3A_128] : memref<10240x128xf32, #tpu.memory_space<vmem_shared>> -> memref<640x128xf32, #tpu.memory_space<vmem_shared>>
      tpu.wait_dma2 semaphore(%run_scoped3A : memref<!tpu.dma_semaphore, #tpu.memory_space<semaphore_mem>>) src(%dma_wait3A_129 : memref<640x128xf32, #tpu.memory_space<vmem_shared>>) dst(%dma_wait3A_127 : memref<640x128xf32, #tpu.memory_space<hbm>>)
      tpu.yield
    }) : () -> ()
    return
  }
}

#map = affine_map<(d0, d1) -> (0, 0)>
#map1 = affine_map<(d0, d1) -> (0)>
module attributes {stable_mosaic.version = 14 : i64} {
  func.func @_scatter(%arg0: i32, %arg1: i32, %arg2: memref<10240x128xf32, #tpu.memory_space<hbm>>, %arg3: memref<327680xi32, #tpu.memory_space<hbm>>, %arg4: memref<327680xi32, #tpu.memory_space<hbm>>, %arg5: memref<64x128xf32, #tpu.memory_space<hbm>>, %arg6: memref<20480x128xf32, #tpu.memory_space<hbm>>, %arg7: memref<128xi32, #tpu.memory_space<vmem>>, %arg8: memref<128xi32, #tpu.memory_space<vmem>>, %arg9: memref<128xi32, #tpu.memory_space<vmem>>, %arg10: memref<128xi32, #tpu.memory_space<vmem>>, %arg11: memref<128xi32, #tpu.memory_space<vmem>>, %arg12: memref<128xi32, #tpu.memory_space<vmem>>, %arg13: memref<128xi32, #tpu.memory_space<vmem>>, %arg14: memref<128xi32, #tpu.memory_space<vmem>>, %arg15: memref<128x128xf32, #tpu.memory_space<vmem>>, %arg16: memref<128x128xf32, #tpu.memory_space<vmem>>, %arg17: memref<64x128xf32, #tpu.memory_space<vmem>>, %arg18: memref<10240x128xf32, #tpu.memory_space<vmem_shared>>, %arg19: memref<!tpu.dma_semaphore, #tpu.memory_space<semaphore_mem>>, %arg20: memref<!tpu.dma_semaphore, #tpu.memory_space<semaphore_mem>>, %arg21: memref<!tpu.dma_semaphore, #tpu.memory_space<semaphore_mem>>, %arg22: memref<!tpu.dma_semaphore, #tpu.memory_space<semaphore_mem>>, %arg23: memref<!tpu.dma_semaphore, #tpu.memory_space<semaphore_mem>>, %arg24: memref<!tpu.dma_semaphore, #tpu.memory_space<semaphore_mem>>, %arg25: memref<!tpu.dma_semaphore, #tpu.memory_space<semaphore_mem>>, %arg26: memref<!tpu.dma_semaphore, #tpu.memory_space<semaphore_mem>>) attributes {dimension_semantics = [#tpu.dimension_semantics<core_parallel>, #tpu.dimension_semantics<subcore_parallel>], iteration_bounds = array<i64: 2, 16>, scalar_prefetch = 0 : i64, scratch_operands = 20 : i64, tpu.core_type = #tpu.core_type<sc_vector_subcore>, window_params = [{transform_indices = #map}, {transform_indices = #map1}, {transform_indices = #map1}, {transform_indices = #map}, {transform_indices = #map}]} {
    %mul3A = arith.constant 2 : i32
    %mul3A_0 = arith.muli %arg1, %mul3A : i32
    %add3A = arith.addi %mul3A_0, %arg0 : i32
    %mul3A_1 = arith.constant 640 : i32
    %mul3A_2 = arith.muli %arg1, %mul3A_1 : i32
    %mul3A_3 = arith.constant 10240 : i32
    %mul3A_4 = arith.muli %add3A, %mul3A_3 : i32
    tpu.enqueue_dma source(%arg5 : memref<64x128xf32, #tpu.memory_space<hbm>>) target(%arg17 : memref<64x128xf32, #tpu.memory_space<vmem>>) target_semaphore(%arg25 : memref<!tpu.dma_semaphore, #tpu.memory_space<semaphore_mem>>)
    %add3A_5 = arith.constant 0 : i32
    %add3A_6 = arith.addi %mul3A_4, %add3A_5 : i32
    %dma_start3A = tpu.memref_slice %arg3[%add3A_6] : memref<327680xi32, #tpu.memory_space<hbm>> -> memref<128xi32, #tpu.memory_space<hbm>>
    %dma_start3A_7 = tpu.memref_slice %arg3[%add3A_6] : memref<327680xi32, #tpu.memory_space<hbm>> -> memref<128xi32, #tpu.memory_space<hbm>>
    tpu.enqueue_dma source(%dma_start3A_7 : memref<128xi32, #tpu.memory_space<hbm>>) target(%arg7 : memref<128xi32, #tpu.memory_space<vmem>>) target_semaphore(%arg19 : memref<!tpu.dma_semaphore, #tpu.memory_space<semaphore_mem>>)
    %dma_start3A_8 = tpu.memref_slice %arg4[%add3A_6] : memref<327680xi32, #tpu.memory_space<hbm>> -> memref<128xi32, #tpu.memory_space<hbm>>
    %dma_start3A_9 = tpu.memref_slice %arg4[%add3A_6] : memref<327680xi32, #tpu.memory_space<hbm>> -> memref<128xi32, #tpu.memory_space<hbm>>
    tpu.enqueue_dma source(%dma_start3A_9 : memref<128xi32, #tpu.memory_space<hbm>>) target(%arg11 : memref<128xi32, #tpu.memory_space<vmem>>) target_semaphore(%arg19 : memref<!tpu.dma_semaphore, #tpu.memory_space<semaphore_mem>>)
    %add3A_10 = arith.constant 128 : i32
    %add3A_11 = arith.addi %mul3A_4, %add3A_10 : i32
    %dma_start3A_12 = tpu.memref_slice %arg3[%add3A_11] : memref<327680xi32, #tpu.memory_space<hbm>> -> memref<128xi32, #tpu.memory_space<hbm>>
    %dma_start3A_13 = tpu.memref_slice %arg3[%add3A_11] : memref<327680xi32, #tpu.memory_space<hbm>> -> memref<128xi32, #tpu.memory_space<hbm>>
    tpu.enqueue_dma source(%dma_start3A_13 : memref<128xi32, #tpu.memory_space<hbm>>) target(%arg8 : memref<128xi32, #tpu.memory_space<vmem>>) target_semaphore(%arg20 : memref<!tpu.dma_semaphore, #tpu.memory_space<semaphore_mem>>)
    %dma_start3A_14 = tpu.memref_slice %arg4[%add3A_11] : memref<327680xi32, #tpu.memory_space<hbm>> -> memref<128xi32, #tpu.memory_space<hbm>>
    %dma_start3A_15 = tpu.memref_slice %arg4[%add3A_11] : memref<327680xi32, #tpu.memory_space<hbm>> -> memref<128xi32, #tpu.memory_space<hbm>>
    tpu.enqueue_dma source(%dma_start3A_15 : memref<128xi32, #tpu.memory_space<hbm>>) target(%arg12 : memref<128xi32, #tpu.memory_space<vmem>>) target_semaphore(%arg20 : memref<!tpu.dma_semaphore, #tpu.memory_space<semaphore_mem>>)
    %dma_wait3A = arith.constant 0 : i32
    %dma_wait3A_16 = tpu.memref_slice %arg3[%dma_wait3A] : memref<327680xi32, #tpu.memory_space<hbm>> -> memref<128xi32, #tpu.memory_space<hbm>>
    %dma_wait3A_17 = arith.constant 0 : i32
    %dma_wait3A_18 = tpu.memref_slice %arg3[%dma_wait3A_17] : memref<327680xi32, #tpu.memory_space<hbm>> -> memref<128xi32, #tpu.memory_space<hbm>>
    tpu.wait_dma2 semaphore(%arg19 : memref<!tpu.dma_semaphore, #tpu.memory_space<semaphore_mem>>) src(%dma_wait3A_18 : memref<128xi32, #tpu.memory_space<hbm>>) dst(%arg7 : memref<128xi32, #tpu.memory_space<vmem>>)
    %dma_wait3A_19 = arith.constant 0 : i32
    %dma_wait3A_20 = tpu.memref_slice %arg4[%dma_wait3A_19] : memref<327680xi32, #tpu.memory_space<hbm>> -> memref<128xi32, #tpu.memory_space<hbm>>
    %dma_wait3A_21 = arith.constant 0 : i32
    %dma_wait3A_22 = tpu.memref_slice %arg4[%dma_wait3A_21] : memref<327680xi32, #tpu.memory_space<hbm>> -> memref<128xi32, #tpu.memory_space<hbm>>
    tpu.wait_dma2 semaphore(%arg19 : memref<!tpu.dma_semaphore, #tpu.memory_space<semaphore_mem>>) src(%dma_wait3A_22 : memref<128xi32, #tpu.memory_space<hbm>>) dst(%arg11 : memref<128xi32, #tpu.memory_space<vmem>>)
    %dma_start3A_23 = arith.constant 0 : i32
    %dma_start3A_24 = arith.constant 0 : i32
    %dma_start3A_25 = tpu.memref_slice %arg2[%dma_start3A_23, %dma_start3A_24] : memref<10240x128xf32, #tpu.memory_space<hbm>> -> memref<10240x128xf32, #tpu.memory_space<hbm>>
    tpu.enqueue_indirect_dma source(%dma_start3A_25 : memref<10240x128xf32, #tpu.memory_space<hbm>>) target(%arg15 : memref<128x128xf32, #tpu.memory_space<vmem>>) offsets(%arg7 : memref<128xi32, #tpu.memory_space<vmem>>) semaphore(%arg23 : memref<!tpu.dma_semaphore, #tpu.memory_space<semaphore_mem>>)
    %add3A_26 = arith.constant 256 : i32
    %add3A_27 = arith.addi %mul3A_4, %add3A_26 : i32
    %dma_start3A_28 = tpu.memref_slice %arg3[%add3A_27] : memref<327680xi32, #tpu.memory_space<hbm>> -> memref<128xi32, #tpu.memory_space<hbm>>
    %dma_start3A_29 = tpu.memref_slice %arg3[%add3A_27] : memref<327680xi32, #tpu.memory_space<hbm>> -> memref<128xi32, #tpu.memory_space<hbm>>
    tpu.enqueue_dma source(%dma_start3A_29 : memref<128xi32, #tpu.memory_space<hbm>>) target(%arg9 : memref<128xi32, #tpu.memory_space<vmem>>) target_semaphore(%arg21 : memref<!tpu.dma_semaphore, #tpu.memory_space<semaphore_mem>>)
    %dma_start3A_30 = tpu.memref_slice %arg4[%add3A_27] : memref<327680xi32, #tpu.memory_space<hbm>> -> memref<128xi32, #tpu.memory_space<hbm>>
    %dma_start3A_31 = tpu.memref_slice %arg4[%add3A_27] : memref<327680xi32, #tpu.memory_space<hbm>> -> memref<128xi32, #tpu.memory_space<hbm>>
    tpu.enqueue_dma source(%dma_start3A_31 : memref<128xi32, #tpu.memory_space<hbm>>) target(%arg13 : memref<128xi32, #tpu.memory_space<vmem>>) target_semaphore(%arg21 : memref<!tpu.dma_semaphore, #tpu.memory_space<semaphore_mem>>)
    %dma_wait3A_32 = arith.constant 0 : i32
    %dma_wait3A_33 = tpu.memref_slice %arg3[%dma_wait3A_32] : memref<327680xi32, #tpu.memory_space<hbm>> -> memref<128xi32, #tpu.memory_space<hbm>>
    %dma_wait3A_34 = arith.constant 0 : i32
    %dma_wait3A_35 = tpu.memref_slice %arg3[%dma_wait3A_34] : memref<327680xi32, #tpu.memory_space<hbm>> -> memref<128xi32, #tpu.memory_space<hbm>>
    tpu.wait_dma2 semaphore(%arg20 : memref<!tpu.dma_semaphore, #tpu.memory_space<semaphore_mem>>) src(%dma_wait3A_35 : memref<128xi32, #tpu.memory_space<hbm>>) dst(%arg8 : memref<128xi32, #tpu.memory_space<vmem>>)
    %dma_wait3A_36 = arith.constant 0 : i32
    %dma_wait3A_37 = tpu.memref_slice %arg4[%dma_wait3A_36] : memref<327680xi32, #tpu.memory_space<hbm>> -> memref<128xi32, #tpu.memory_space<hbm>>
    %dma_wait3A_38 = arith.constant 0 : i32
    %dma_wait3A_39 = tpu.memref_slice %arg4[%dma_wait3A_38] : memref<327680xi32, #tpu.memory_space<hbm>> -> memref<128xi32, #tpu.memory_space<hbm>>
    tpu.wait_dma2 semaphore(%arg20 : memref<!tpu.dma_semaphore, #tpu.memory_space<semaphore_mem>>) src(%dma_wait3A_39 : memref<128xi32, #tpu.memory_space<hbm>>) dst(%arg12 : memref<128xi32, #tpu.memory_space<vmem>>)
    %dma_start3A_40 = arith.constant 0 : i32
    %dma_start3A_41 = arith.constant 0 : i32
    %dma_start3A_42 = tpu.memref_slice %arg2[%dma_start3A_40, %dma_start3A_41] : memref<10240x128xf32, #tpu.memory_space<hbm>> -> memref<10240x128xf32, #tpu.memory_space<hbm>>
    tpu.enqueue_indirect_dma source(%dma_start3A_42 : memref<10240x128xf32, #tpu.memory_space<hbm>>) target(%arg16 : memref<128x128xf32, #tpu.memory_space<vmem>>) offsets(%arg8 : memref<128xi32, #tpu.memory_space<vmem>>) semaphore(%arg24 : memref<!tpu.dma_semaphore, #tpu.memory_space<semaphore_mem>>)
    tpu.wait_dma2 semaphore(%arg25 : memref<!tpu.dma_semaphore, #tpu.memory_space<semaphore_mem>>) src(%arg5 : memref<64x128xf32, #tpu.memory_space<hbm>>) dst(%arg17 : memref<64x128xf32, #tpu.memory_space<vmem>>)
    %scan3A = arith.constant 0 : i32
    %scan3A_43 = arith.constant 0 : i32
    %scan3A_44 = arith.constant 10 : i32
    %scan3A_45 = arith.addi %scan3A_43, %scan3A_44 : i32
    %scan3A_46 = arith.constant 1 : i32
    scf.for %scan3A_122 = %scan3A_43 to %scan3A_45 step %scan3A_46  : i32 {
      %mul3A_123 = arith.constant 64 : i32
      %mul3A_124 = arith.muli %scan3A_122, %mul3A_123 : i32
      %add3A_125 = arith.addi %mul3A_2, %mul3A_124 : i32
      "tpu.region"() ({
        %run_scoped3A = tpu.sem_alloc : memref<!tpu.dma_semaphore, #tpu.memory_space<semaphore_mem>>
        %dma_start3A_126 = arith.constant 0 : i32
        %dma_start3A_127 = tpu.memref_slice %arg18[%add3A_125, %dma_start3A_126] : memref<10240x128xf32, #tpu.memory_space<vmem_shared>> -> memref<64x128xf32, #tpu.memory_space<vmem_shared>>
        %dma_start3A_128 = arith.constant 0 : i32
        %dma_start3A_129 = tpu.memref_slice %arg18[%add3A_125, %dma_start3A_128] : memref<10240x128xf32, #tpu.memory_space<vmem_shared>> -> memref<64x128xf32, #tpu.memory_space<vmem_shared>>
        tpu.enqueue_dma source(%arg17 : memref<64x128xf32, #tpu.memory_space<vmem>>) target(%dma_start3A_129 : memref<64x128xf32, #tpu.memory_space<vmem_shared>>) target_semaphore(%run_scoped3A : memref<!tpu.dma_semaphore, #tpu.memory_space<semaphore_mem>>)
        %dma_wait3A_130 = arith.constant 0 : i32
        %dma_wait3A_131 = tpu.memref_slice %arg18[%add3A_125, %dma_wait3A_130] : memref<10240x128xf32, #tpu.memory_space<vmem_shared>> -> memref<64x128xf32, #tpu.memory_space<vmem_shared>>
        %dma_wait3A_132 = arith.constant 0 : i32
        %dma_wait3A_133 = tpu.memref_slice %arg18[%add3A_125, %dma_wait3A_132] : memref<10240x128xf32, #tpu.memory_space<vmem_shared>> -> memref<64x128xf32, #tpu.memory_space<vmem_shared>>
        tpu.wait_dma2 semaphore(%run_scoped3A : memref<!tpu.dma_semaphore, #tpu.memory_space<semaphore_mem>>) src(%arg17 : memref<64x128xf32, #tpu.memory_space<vmem>>) dst(%dma_wait3A_133 : memref<64x128xf32, #tpu.memory_space<vmem_shared>>)
        tpu.yield
      }) : () -> ()
    }
    %scan3A_47 = arith.constant 10 : i32
    %barrier3A = arith.constant 0 : index
    tpu.barrier barrier_id(%barrier3A)
    %dma_wait3A_48 = arith.constant 0 : i32
    %dma_wait3A_49 = arith.constant 0 : i32
    %dma_wait3A_50 = tpu.memref_slice %arg2[%dma_wait3A_48, %dma_wait3A_49] : memref<10240x128xf32, #tpu.memory_space<hbm>> -> memref<10240x128xf32, #tpu.memory_space<hbm>>
    tpu.wait_indirect_dma semaphore(%arg23 : memref<!tpu.dma_semaphore, #tpu.memory_space<semaphore_mem>>) src(%dma_wait3A_50 : memref<10240x128xf32, #tpu.memory_space<hbm>>) dst(%arg15 : memref<128x128xf32, #tpu.memory_space<vmem>>)
    %dma_start3A_51 = arith.constant 0 : i32
    %dma_start3A_52 = arith.constant 0 : i32
    %dma_start3A_53 = tpu.memref_slice %arg18[%dma_start3A_51, %dma_start3A_52] : memref<10240x128xf32, #tpu.memory_space<vmem_shared>> -> memref<10240x128xf32, #tpu.memory_space<vmem_shared>>
    tpu.enqueue_indirect_dma source(%arg15 : memref<128x128xf32, #tpu.memory_space<vmem>>) target(%dma_start3A_53 : memref<10240x128xf32, #tpu.memory_space<vmem_shared>>) offsets(%arg11 : memref<128xi32, #tpu.memory_space<vmem>>) semaphore(%arg25 : memref<!tpu.dma_semaphore, #tpu.memory_space<semaphore_mem>>) {add = true}
    %scan3A_54 = arith.constant 0 : i32
    %scan3A_55 = arith.constant 0 : i32
    %scan3A_56 = arith.constant 19 : i32
    %scan3A_57 = arith.addi %scan3A_55, %scan3A_56 : i32
    %scan3A_58 = arith.constant 1 : i32
    scf.for %scan3A_122 = %scan3A_55 to %scan3A_57 step %scan3A_58  : i32 {
      %mul3A_123 = arith.constant 4 : i32
      %mul3A_124 = arith.muli %mul3A_123, %scan3A_122 : i32
      %add3A_125 = arith.constant 1 : i32
      %add3A_126 = arith.addi %add3A_125, %mul3A_124 : i32
      %add3A_127 = arith.constant 0 : i32
      %add3A_128 = arith.addi %add3A_126, %add3A_127 : i32
      %dma_wait3A_129 = arith.constant 0 : i32
      %dma_wait3A_130 = arith.constant 0 : i32
      %dma_wait3A_131 = tpu.memref_slice %arg18[%dma_wait3A_129, %dma_wait3A_130] : memref<10240x128xf32, #tpu.memory_space<vmem_shared>> -> memref<10240x128xf32, #tpu.memory_space<vmem_shared>>
      tpu.wait_indirect_dma semaphore(%arg25 : memref<!tpu.dma_semaphore, #tpu.memory_space<semaphore_mem>>) src(%arg15 : memref<128x128xf32, #tpu.memory_space<vmem>>) dst(%dma_wait3A_131 : memref<10240x128xf32, #tpu.memory_space<vmem_shared>>)
      %add3A_132 = arith.constant 2 : i32
      %add3A_133 = arith.addi %add3A_128, %add3A_132 : i32
      %mul3A_134 = arith.constant 128 : i32
      %mul3A_135 = arith.muli %add3A_133, %mul3A_134 : i32
      %add3A_136 = arith.addi %mul3A_4, %mul3A_135 : i32
      %dma_start3A_137 = tpu.memref_slice %arg3[%add3A_136] : memref<327680xi32, #tpu.memory_space<hbm>> -> memref<128xi32, #tpu.memory_space<hbm>>
      %dma_start3A_138 = tpu.memref_slice %arg3[%add3A_136] : memref<327680xi32, #tpu.memory_space<hbm>> -> memref<128xi32, #tpu.memory_space<hbm>>
      tpu.enqueue_dma source(%dma_start3A_138 : memref<128xi32, #tpu.memory_space<hbm>>) target(%arg10 : memref<128xi32, #tpu.memory_space<vmem>>) target_semaphore(%arg22 : memref<!tpu.dma_semaphore, #tpu.memory_space<semaphore_mem>>)
      %dma_start3A_139 = tpu.memref_slice %arg4[%add3A_136] : memref<327680xi32, #tpu.memory_space<hbm>> -> memref<128xi32, #tpu.memory_space<hbm>>
      %dma_start3A_140 = tpu.memref_slice %arg4[%add3A_136] : memref<327680xi32, #tpu.memory_space<hbm>> -> memref<128xi32, #tpu.memory_space<hbm>>
      tpu.enqueue_dma source(%dma_start3A_140 : memref<128xi32, #tpu.memory_space<hbm>>) target(%arg14 : memref<128xi32, #tpu.memory_space<vmem>>) target_semaphore(%arg22 : memref<!tpu.dma_semaphore, #tpu.memory_space<semaphore_mem>>)
      %dma_wait3A_141 = arith.constant 0 : i32
      %dma_wait3A_142 = tpu.memref_slice %arg3[%dma_wait3A_141] : memref<327680xi32, #tpu.memory_space<hbm>> -> memref<128xi32, #tpu.memory_space<hbm>>
      %dma_wait3A_143 = arith.constant 0 : i32
      %dma_wait3A_144 = tpu.memref_slice %arg3[%dma_wait3A_143] : memref<327680xi32, #tpu.memory_space<hbm>> -> memref<128xi32, #tpu.memory_space<hbm>>
      tpu.wait_dma2 semaphore(%arg21 : memref<!tpu.dma_semaphore, #tpu.memory_space<semaphore_mem>>) src(%dma_wait3A_144 : memref<128xi32, #tpu.memory_space<hbm>>) dst(%arg9 : memref<128xi32, #tpu.memory_space<vmem>>)
      %dma_wait3A_145 = arith.constant 0 : i32
      %dma_wait3A_146 = tpu.memref_slice %arg4[%dma_wait3A_145] : memref<327680xi32, #tpu.memory_space<hbm>> -> memref<128xi32, #tpu.memory_space<hbm>>
      %dma_wait3A_147 = arith.constant 0 : i32
      %dma_wait3A_148 = tpu.memref_slice %arg4[%dma_wait3A_147] : memref<327680xi32, #tpu.memory_space<hbm>> -> memref<128xi32, #tpu.memory_space<hbm>>
      tpu.wait_dma2 semaphore(%arg21 : memref<!tpu.dma_semaphore, #tpu.memory_space<semaphore_mem>>) src(%dma_wait3A_148 : memref<128xi32, #tpu.memory_space<hbm>>) dst(%arg13 : memref<128xi32, #tpu.memory_space<vmem>>)
      %dma_start3A_149 = arith.constant 0 : i32
      %dma_start3A_150 = arith.constant 0 : i32
      %dma_start3A_151 = tpu.memref_slice %arg2[%dma_start3A_149, %dma_start3A_150] : memref<10240x128xf32, #tpu.memory_space<hbm>> -> memref<10240x128xf32, #tpu.memory_space<hbm>>
      tpu.enqueue_indirect_dma source(%dma_start3A_151 : memref<10240x128xf32, #tpu.memory_space<hbm>>) target(%arg15 : memref<128x128xf32, #tpu.memory_space<vmem>>) offsets(%arg9 : memref<128xi32, #tpu.memory_space<vmem>>) semaphore(%arg23 : memref<!tpu.dma_semaphore, #tpu.memory_space<semaphore_mem>>)
      %dma_wait3A_152 = arith.constant 0 : i32
      %dma_wait3A_153 = arith.constant 0 : i32
      %dma_wait3A_154 = tpu.memref_slice %arg2[%dma_wait3A_152, %dma_wait3A_153] : memref<10240x128xf32, #tpu.memory_space<hbm>> -> memref<10240x128xf32, #tpu.memory_space<hbm>>
      tpu.wait_indirect_dma semaphore(%arg24 : memref<!tpu.dma_semaphore, #tpu.memory_space<semaphore_mem>>) src(%dma_wait3A_154 : memref<10240x128xf32, #tpu.memory_space<hbm>>) dst(%arg16 : memref<128x128xf32, #tpu.memory_space<vmem>>)
      %dma_start3A_155 = arith.constant 0 : i32
      %dma_start3A_156 = arith.constant 0 : i32
      %dma_start3A_157 = tpu.memref_slice %arg18[%dma_start3A_155, %dma_start3A_156] : memref<10240x128xf32, #tpu.memory_space<vmem_shared>> -> memref<10240x128xf32, #tpu.memory_space<vmem_shared>>
      tpu.enqueue_indirect_dma source(%arg16 : memref<128x128xf32, #tpu.memory_space<vmem>>) target(%dma_start3A_157 : memref<10240x128xf32, #tpu.memory_space<vmem_shared>>) offsets(%arg12 : memref<128xi32, #tpu.memory_space<vmem>>) semaphore(%arg26 : memref<!tpu.dma_semaphore, #tpu.memory_space<semaphore_mem>>) {add = true}
      %add3A_158 = arith.constant 1 : i32
      %add3A_159 = arith.addi %add3A_126, %add3A_158 : i32
      %dma_wait3A_160 = arith.constant 0 : i32
      %dma_wait3A_161 = arith.constant 0 : i32
      %dma_wait3A_162 = tpu.memref_slice %arg18[%dma_wait3A_160, %dma_wait3A_161] : memref<10240x128xf32, #tpu.memory_space<vmem_shared>> -> memref<10240x128xf32, #tpu.memory_space<vmem_shared>>
      tpu.wait_indirect_dma semaphore(%arg26 : memref<!tpu.dma_semaphore, #tpu.memory_space<semaphore_mem>>) src(%arg16 : memref<128x128xf32, #tpu.memory_space<vmem>>) dst(%dma_wait3A_162 : memref<10240x128xf32, #tpu.memory_space<vmem_shared>>)
      %add3A_163 = arith.constant 2 : i32
      %add3A_164 = arith.addi %add3A_159, %add3A_163 : i32
      %mul3A_165 = arith.constant 128 : i32
      %mul3A_166 = arith.muli %add3A_164, %mul3A_165 : i32
      %add3A_167 = arith.addi %mul3A_4, %mul3A_166 : i32
      %dma_start3A_168 = tpu.memref_slice %arg3[%add3A_167] : memref<327680xi32, #tpu.memory_space<hbm>> -> memref<128xi32, #tpu.memory_space<hbm>>
      %dma_start3A_169 = tpu.memref_slice %arg3[%add3A_167] : memref<327680xi32, #tpu.memory_space<hbm>> -> memref<128xi32, #tpu.memory_space<hbm>>
      tpu.enqueue_dma source(%dma_start3A_169 : memref<128xi32, #tpu.memory_space<hbm>>) target(%arg7 : memref<128xi32, #tpu.memory_space<vmem>>) target_semaphore(%arg19 : memref<!tpu.dma_semaphore, #tpu.memory_space<semaphore_mem>>)
      %dma_start3A_170 = tpu.memref_slice %arg4[%add3A_167] : memref<327680xi32, #tpu.memory_space<hbm>> -> memref<128xi32, #tpu.memory_space<hbm>>
      %dma_start3A_171 = tpu.memref_slice %arg4[%add3A_167] : memref<327680xi32, #tpu.memory_space<hbm>> -> memref<128xi32, #tpu.memory_space<hbm>>
      tpu.enqueue_dma source(%dma_start3A_171 : memref<128xi32, #tpu.memory_space<hbm>>) target(%arg11 : memref<128xi32, #tpu.memory_space<vmem>>) target_semaphore(%arg19 : memref<!tpu.dma_semaphore, #tpu.memory_space<semaphore_mem>>)
      %dma_wait3A_172 = arith.constant 0 : i32
      %dma_wait3A_173 = tpu.memref_slice %arg3[%dma_wait3A_172] : memref<327680xi32, #tpu.memory_space<hbm>> -> memref<128xi32, #tpu.memory_space<hbm>>
      %dma_wait3A_174 = arith.constant 0 : i32
      %dma_wait3A_175 = tpu.memref_slice %arg3[%dma_wait3A_174] : memref<327680xi32, #tpu.memory_space<hbm>> -> memref<128xi32, #tpu.memory_space<hbm>>
      tpu.wait_dma2 semaphore(%arg22 : memref<!tpu.dma_semaphore, #tpu.memory_space<semaphore_mem>>) src(%dma_wait3A_175 : memref<128xi32, #tpu.memory_space<hbm>>) dst(%arg10 : memref<128xi32, #tpu.memory_space<vmem>>)
      %dma_wait3A_176 = arith.constant 0 : i32
      %dma_wait3A_177 = tpu.memref_slice %arg4[%dma_wait3A_176] : memref<327680xi32, #tpu.memory_space<hbm>> -> memref<128xi32, #tpu.memory_space<hbm>>
      %dma_wait3A_178 = arith.constant 0 : i32
      %dma_wait3A_179 = tpu.memref_slice %arg4[%dma_wait3A_178] : memref<327680xi32, #tpu.memory_space<hbm>> -> memref<128xi32, #tpu.memory_space<hbm>>
      tpu.wait_dma2 semaphore(%arg22 : memref<!tpu.dma_semaphore, #tpu.memory_space<semaphore_mem>>) src(%dma_wait3A_179 : memref<128xi32, #tpu.memory_space<hbm>>) dst(%arg14 : memref<128xi32, #tpu.memory_space<vmem>>)
      %dma_start3A_180 = arith.constant 0 : i32
      %dma_start3A_181 = arith.constant 0 : i32
      %dma_start3A_182 = tpu.memref_slice %arg2[%dma_start3A_180, %dma_start3A_181] : memref<10240x128xf32, #tpu.memory_space<hbm>> -> memref<10240x128xf32, #tpu.memory_space<hbm>>
      tpu.enqueue_indirect_dma source(%dma_start3A_182 : memref<10240x128xf32, #tpu.memory_space<hbm>>) target(%arg16 : memref<128x128xf32, #tpu.memory_space<vmem>>) offsets(%arg10 : memref<128xi32, #tpu.memory_space<vmem>>) semaphore(%arg24 : memref<!tpu.dma_semaphore, #tpu.memory_space<semaphore_mem>>)
      %dma_wait3A_183 = arith.constant 0 : i32
      %dma_wait3A_184 = arith.constant 0 : i32
      %dma_wait3A_185 = tpu.memref_slice %arg2[%dma_wait3A_183, %dma_wait3A_184] : memref<10240x128xf32, #tpu.memory_space<hbm>> -> memref<10240x128xf32, #tpu.memory_space<hbm>>
      tpu.wait_indirect_dma semaphore(%arg23 : memref<!tpu.dma_semaphore, #tpu.memory_space<semaphore_mem>>) src(%dma_wait3A_185 : memref<10240x128xf32, #tpu.memory_space<hbm>>) dst(%arg15 : memref<128x128xf32, #tpu.memory_space<vmem>>)
      %dma_start3A_186 = arith.constant 0 : i32
      %dma_start3A_187 = arith.constant 0 : i32
      %dma_start3A_188 = tpu.memref_slice %arg18[%dma_start3A_186, %dma_start3A_187] : memref<10240x128xf32, #tpu.memory_space<vmem_shared>> -> memref<10240x128xf32, #tpu.memory_space<vmem_shared>>
      tpu.enqueue_indirect_dma source(%arg15 : memref<128x128xf32, #tpu.memory_space<vmem>>) target(%dma_start3A_188 : memref<10240x128xf32, #tpu.memory_space<vmem_shared>>) offsets(%arg13 : memref<128xi32, #tpu.memory_space<vmem>>) semaphore(%arg25 : memref<!tpu.dma_semaphore, #tpu.memory_space<semaphore_mem>>) {add = true}
      %add3A_189 = arith.constant 2 : i32
      %add3A_190 = arith.addi %add3A_126, %add3A_189 : i32
      %dma_wait3A_191 = arith.constant 0 : i32
      %dma_wait3A_192 = arith.constant 0 : i32
      %dma_wait3A_193 = tpu.memref_slice %arg18[%dma_wait3A_191, %dma_wait3A_192] : memref<10240x128xf32, #tpu.memory_space<vmem_shared>> -> memref<10240x128xf32, #tpu.memory_space<vmem_shared>>
      tpu.wait_indirect_dma semaphore(%arg25 : memref<!tpu.dma_semaphore, #tpu.memory_space<semaphore_mem>>) src(%arg15 : memref<128x128xf32, #tpu.memory_space<vmem>>) dst(%dma_wait3A_193 : memref<10240x128xf32, #tpu.memory_space<vmem_shared>>)
      %add3A_194 = arith.constant 2 : i32
      %add3A_195 = arith.addi %add3A_190, %add3A_194 : i32
      %mul3A_196 = arith.constant 128 : i32
      %mul3A_197 = arith.muli %add3A_195, %mul3A_196 : i32
      %add3A_198 = arith.addi %mul3A_4, %mul3A_197 : i32
      %dma_start3A_199 = tpu.memref_slice %arg3[%add3A_198] : memref<327680xi32, #tpu.memory_space<hbm>> -> memref<128xi32, #tpu.memory_space<hbm>>
      %dma_start3A_200 = tpu.memref_slice %arg3[%add3A_198] : memref<327680xi32, #tpu.memory_space<hbm>> -> memref<128xi32, #tpu.memory_space<hbm>>
      tpu.enqueue_dma source(%dma_start3A_200 : memref<128xi32, #tpu.memory_space<hbm>>) target(%arg8 : memref<128xi32, #tpu.memory_space<vmem>>) target_semaphore(%arg20 : memref<!tpu.dma_semaphore, #tpu.memory_space<semaphore_mem>>)
      %dma_start3A_201 = tpu.memref_slice %arg4[%add3A_198] : memref<327680xi32, #tpu.memory_space<hbm>> -> memref<128xi32, #tpu.memory_space<hbm>>
      %dma_start3A_202 = tpu.memref_slice %arg4[%add3A_198] : memref<327680xi32, #tpu.memory_space<hbm>> -> memref<128xi32, #tpu.memory_space<hbm>>
      tpu.enqueue_dma source(%dma_start3A_202 : memref<128xi32, #tpu.memory_space<hbm>>) target(%arg12 : memref<128xi32, #tpu.memory_space<vmem>>) target_semaphore(%arg20 : memref<!tpu.dma_semaphore, #tpu.memory_space<semaphore_mem>>)
      %dma_wait3A_203 = arith.constant 0 : i32
      %dma_wait3A_204 = tpu.memref_slice %arg3[%dma_wait3A_203] : memref<327680xi32, #tpu.memory_space<hbm>> -> memref<128xi32, #tpu.memory_space<hbm>>
      %dma_wait3A_205 = arith.constant 0 : i32
      %dma_wait3A_206 = tpu.memref_slice %arg3[%dma_wait3A_205] : memref<327680xi32, #tpu.memory_space<hbm>> -> memref<128xi32, #tpu.memory_space<hbm>>
      tpu.wait_dma2 semaphore(%arg19 : memref<!tpu.dma_semaphore, #tpu.memory_space<semaphore_mem>>) src(%dma_wait3A_206 : memref<128xi32, #tpu.memory_space<hbm>>) dst(%arg7 : memref<128xi32, #tpu.memory_space<vmem>>)
      %dma_wait3A_207 = arith.constant 0 : i32
      %dma_wait3A_208 = tpu.memref_slice %arg4[%dma_wait3A_207] : memref<327680xi32, #tpu.memory_space<hbm>> -> memref<128xi32, #tpu.memory_space<hbm>>
      %dma_wait3A_209 = arith.constant 0 : i32
      %dma_wait3A_210 = tpu.memref_slice %arg4[%dma_wait3A_209] : memref<327680xi32, #tpu.memory_space<hbm>> -> memref<128xi32, #tpu.memory_space<hbm>>
      tpu.wait_dma2 semaphore(%arg19 : memref<!tpu.dma_semaphore, #tpu.memory_space<semaphore_mem>>) src(%dma_wait3A_210 : memref<128xi32, #tpu.memory_space<hbm>>) dst(%arg11 : memref<128xi32, #tpu.memory_space<vmem>>)
      %dma_start3A_211 = arith.constant 0 : i32
      %dma_start3A_212 = arith.constant 0 : i32
      %dma_start3A_213 = tpu.memref_slice %arg2[%dma_start3A_211, %dma_start3A_212] : memref<10240x128xf32, #tpu.memory_space<hbm>> -> memref<10240x128xf32, #tpu.memory_space<hbm>>
      tpu.enqueue_indirect_dma source(%dma_start3A_213 : memref<10240x128xf32, #tpu.memory_space<hbm>>) target(%arg15 : memref<128x128xf32, #tpu.memory_space<vmem>>) offsets(%arg7 : memref<128xi32, #tpu.memory_space<vmem>>) semaphore(%arg23 : memref<!tpu.dma_semaphore, #tpu.memory_space<semaphore_mem>>)
      %dma_wait3A_214 = arith.constant 0 : i32
      %dma_wait3A_215 = arith.constant 0 : i32
      %dma_wait3A_216 = tpu.memref_slice %arg2[%dma_wait3A_214, %dma_wait3A_215] : memref<10240x128xf32, #tpu.memory_space<hbm>> -> memref<10240x128xf32, #tpu.memory_space<hbm>>
      tpu.wait_indirect_dma semaphore(%arg24 : memref<!tpu.dma_semaphore, #tpu.memory_space<semaphore_mem>>) src(%dma_wait3A_216 : memref<10240x128xf32, #tpu.memory_space<hbm>>) dst(%arg16 : memref<128x128xf32, #tpu.memory_space<vmem>>)
      %dma_start3A_217 = arith.constant 0 : i32
      %dma_start3A_218 = arith.constant 0 : i32
      %dma_start3A_219 = tpu.memref_slice %arg18[%dma_start3A_217, %dma_start3A_218] : memref<10240x128xf32, #tpu.memory_space<vmem_shared>> -> memref<10240x128xf32, #tpu.memory_space<vmem_shared>>
      tpu.enqueue_indirect_dma source(%arg16 : memref<128x128xf32, #tpu.memory_space<vmem>>) target(%dma_start3A_219 : memref<10240x128xf32, #tpu.memory_space<vmem_shared>>) offsets(%arg14 : memref<128xi32, #tpu.memory_space<vmem>>) semaphore(%arg26 : memref<!tpu.dma_semaphore, #tpu.memory_space<semaphore_mem>>) {add = true}
      %add3A_220 = arith.constant 3 : i32
      %add3A_221 = arith.addi %add3A_126, %add3A_220 : i32
      %dma_wait3A_222 = arith.constant 0 : i32
      %dma_wait3A_223 = arith.constant 0 : i32
      %dma_wait3A_224 = tpu.memref_slice %arg18[%dma_wait3A_222, %dma_wait3A_223] : memref<10240x128xf32, #tpu.memory_space<vmem_shared>> -> memref<10240x128xf32, #tpu.memory_space<vmem_shared>>
      tpu.wait_indirect_dma semaphore(%arg26 : memref<!tpu.dma_semaphore, #tpu.memory_space<semaphore_mem>>) src(%arg16 : memref<128x128xf32, #tpu.memory_space<vmem>>) dst(%dma_wait3A_224 : memref<10240x128xf32, #tpu.memory_space<vmem_shared>>)
      %add3A_225 = arith.constant 2 : i32
      %add3A_226 = arith.addi %add3A_221, %add3A_225 : i32
      %mul3A_227 = arith.constant 128 : i32
      %mul3A_228 = arith.muli %add3A_226, %mul3A_227 : i32
      %add3A_229 = arith.addi %mul3A_4, %mul3A_228 : i32
      %dma_start3A_230 = tpu.memref_slice %arg3[%add3A_229] : memref<327680xi32, #tpu.memory_space<hbm>> -> memref<128xi32, #tpu.memory_space<hbm>>
      %dma_start3A_231 = tpu.memref_slice %arg3[%add3A_229] : memref<327680xi32, #tpu.memory_space<hbm>> -> memref<128xi32, #tpu.memory_space<hbm>>
      tpu.enqueue_dma source(%dma_start3A_231 : memref<128xi32, #tpu.memory_space<hbm>>) target(%arg9 : memref<128xi32, #tpu.memory_space<vmem>>) target_semaphore(%arg21 : memref<!tpu.dma_semaphore, #tpu.memory_space<semaphore_mem>>)
      %dma_start3A_232 = tpu.memref_slice %arg4[%add3A_229] : memref<327680xi32, #tpu.memory_space<hbm>> -> memref<128xi32, #tpu.memory_space<hbm>>
      %dma_start3A_233 = tpu.memref_slice %arg4[%add3A_229] : memref<327680xi32, #tpu.memory_space<hbm>> -> memref<128xi32, #tpu.memory_space<hbm>>
      tpu.enqueue_dma source(%dma_start3A_233 : memref<128xi32, #tpu.memory_space<hbm>>) target(%arg13 : memref<128xi32, #tpu.memory_space<vmem>>) target_semaphore(%arg21 : memref<!tpu.dma_semaphore, #tpu.memory_space<semaphore_mem>>)
      %dma_wait3A_234 = arith.constant 0 : i32
      %dma_wait3A_235 = tpu.memref_slice %arg3[%dma_wait3A_234] : memref<327680xi32, #tpu.memory_space<hbm>> -> memref<128xi32, #tpu.memory_space<hbm>>
      %dma_wait3A_236 = arith.constant 0 : i32
      %dma_wait3A_237 = tpu.memref_slice %arg3[%dma_wait3A_236] : memref<327680xi32, #tpu.memory_space<hbm>> -> memref<128xi32, #tpu.memory_space<hbm>>
      tpu.wait_dma2 semaphore(%arg20 : memref<!tpu.dma_semaphore, #tpu.memory_space<semaphore_mem>>) src(%dma_wait3A_237 : memref<128xi32, #tpu.memory_space<hbm>>) dst(%arg8 : memref<128xi32, #tpu.memory_space<vmem>>)
      %dma_wait3A_238 = arith.constant 0 : i32
      %dma_wait3A_239 = tpu.memref_slice %arg4[%dma_wait3A_238] : memref<327680xi32, #tpu.memory_space<hbm>> -> memref<128xi32, #tpu.memory_space<hbm>>
      %dma_wait3A_240 = arith.constant 0 : i32
      %dma_wait3A_241 = tpu.memref_slice %arg4[%dma_wait3A_240] : memref<327680xi32, #tpu.memory_space<hbm>> -> memref<128xi32, #tpu.memory_space<hbm>>
      tpu.wait_dma2 semaphore(%arg20 : memref<!tpu.dma_semaphore, #tpu.memory_space<semaphore_mem>>) src(%dma_wait3A_241 : memref<128xi32, #tpu.memory_space<hbm>>) dst(%arg12 : memref<128xi32, #tpu.memory_space<vmem>>)
      %dma_start3A_242 = arith.constant 0 : i32
      %dma_start3A_243 = arith.constant 0 : i32
      %dma_start3A_244 = tpu.memref_slice %arg2[%dma_start3A_242, %dma_start3A_243] : memref<10240x128xf32, #tpu.memory_space<hbm>> -> memref<10240x128xf32, #tpu.memory_space<hbm>>
      tpu.enqueue_indirect_dma source(%dma_start3A_244 : memref<10240x128xf32, #tpu.memory_space<hbm>>) target(%arg16 : memref<128x128xf32, #tpu.memory_space<vmem>>) offsets(%arg8 : memref<128xi32, #tpu.memory_space<vmem>>) semaphore(%arg24 : memref<!tpu.dma_semaphore, #tpu.memory_space<semaphore_mem>>)
      %dma_wait3A_245 = arith.constant 0 : i32
      %dma_wait3A_246 = arith.constant 0 : i32
      %dma_wait3A_247 = tpu.memref_slice %arg2[%dma_wait3A_245, %dma_wait3A_246] : memref<10240x128xf32, #tpu.memory_space<hbm>> -> memref<10240x128xf32, #tpu.memory_space<hbm>>
      tpu.wait_indirect_dma semaphore(%arg23 : memref<!tpu.dma_semaphore, #tpu.memory_space<semaphore_mem>>) src(%dma_wait3A_247 : memref<10240x128xf32, #tpu.memory_space<hbm>>) dst(%arg15 : memref<128x128xf32, #tpu.memory_space<vmem>>)
      %dma_start3A_248 = arith.constant 0 : i32
      %dma_start3A_249 = arith.constant 0 : i32
      %dma_start3A_250 = tpu.memref_slice %arg18[%dma_start3A_248, %dma_start3A_249] : memref<10240x128xf32, #tpu.memory_space<vmem_shared>> -> memref<10240x128xf32, #tpu.memory_space<vmem_shared>>
      tpu.enqueue_indirect_dma source(%arg15 : memref<128x128xf32, #tpu.memory_space<vmem>>) target(%dma_start3A_250 : memref<10240x128xf32, #tpu.memory_space<vmem_shared>>) offsets(%arg11 : memref<128xi32, #tpu.memory_space<vmem>>) semaphore(%arg25 : memref<!tpu.dma_semaphore, #tpu.memory_space<semaphore_mem>>) {add = true}
    }
    %scan3A_59 = arith.constant 19 : i32
    %dma_wait3A_60 = arith.constant 0 : i32
    %dma_wait3A_61 = arith.constant 0 : i32
    %dma_wait3A_62 = tpu.memref_slice %arg18[%dma_wait3A_60, %dma_wait3A_61] : memref<10240x128xf32, #tpu.memory_space<vmem_shared>> -> memref<10240x128xf32, #tpu.memory_space<vmem_shared>>
    tpu.wait_indirect_dma semaphore(%arg25 : memref<!tpu.dma_semaphore, #tpu.memory_space<semaphore_mem>>) src(%arg15 : memref<128x128xf32, #tpu.memory_space<vmem>>) dst(%dma_wait3A_62 : memref<10240x128xf32, #tpu.memory_space<vmem_shared>>)
    %add3A_63 = arith.constant 10112 : i32
    %add3A_64 = arith.addi %mul3A_4, %add3A_63 : i32
    %dma_start3A_65 = tpu.memref_slice %arg3[%add3A_64] : memref<327680xi32, #tpu.memory_space<hbm>> -> memref<128xi32, #tpu.memory_space<hbm>>
    %dma_start3A_66 = tpu.memref_slice %arg3[%add3A_64] : memref<327680xi32, #tpu.memory_space<hbm>> -> memref<128xi32, #tpu.memory_space<hbm>>
    tpu.enqueue_dma source(%dma_start3A_66 : memref<128xi32, #tpu.memory_space<hbm>>) target(%arg10 : memref<128xi32, #tpu.memory_space<vmem>>) target_semaphore(%arg22 : memref<!tpu.dma_semaphore, #tpu.memory_space<semaphore_mem>>)
    %dma_start3A_67 = tpu.memref_slice %arg4[%add3A_64] : memref<327680xi32, #tpu.memory_space<hbm>> -> memref<128xi32, #tpu.memory_space<hbm>>
    %dma_start3A_68 = tpu.memref_slice %arg4[%add3A_64] : memref<327680xi32, #tpu.memory_space<hbm>> -> memref<128xi32, #tpu.memory_space<hbm>>
    tpu.enqueue_dma source(%dma_start3A_68 : memref<128xi32, #tpu.memory_space<hbm>>) target(%arg14 : memref<128xi32, #tpu.memory_space<vmem>>) target_semaphore(%arg22 : memref<!tpu.dma_semaphore, #tpu.memory_space<semaphore_mem>>)
    %dma_wait3A_69 = arith.constant 0 : i32
    %dma_wait3A_70 = tpu.memref_slice %arg3[%dma_wait3A_69] : memref<327680xi32, #tpu.memory_space<hbm>> -> memref<128xi32, #tpu.memory_space<hbm>>
    %dma_wait3A_71 = arith.constant 0 : i32
    %dma_wait3A_72 = tpu.memref_slice %arg3[%dma_wait3A_71] : memref<327680xi32, #tpu.memory_space<hbm>> -> memref<128xi32, #tpu.memory_space<hbm>>
    tpu.wait_dma2 semaphore(%arg21 : memref<!tpu.dma_semaphore, #tpu.memory_space<semaphore_mem>>) src(%dma_wait3A_72 : memref<128xi32, #tpu.memory_space<hbm>>) dst(%arg9 : memref<128xi32, #tpu.memory_space<vmem>>)
    %dma_wait3A_73 = arith.constant 0 : i32
    %dma_wait3A_74 = tpu.memref_slice %arg4[%dma_wait3A_73] : memref<327680xi32, #tpu.memory_space<hbm>> -> memref<128xi32, #tpu.memory_space<hbm>>
    %dma_wait3A_75 = arith.constant 0 : i32
    %dma_wait3A_76 = tpu.memref_slice %arg4[%dma_wait3A_75] : memref<327680xi32, #tpu.memory_space<hbm>> -> memref<128xi32, #tpu.memory_space<hbm>>
    tpu.wait_dma2 semaphore(%arg21 : memref<!tpu.dma_semaphore, #tpu.memory_space<semaphore_mem>>) src(%dma_wait3A_76 : memref<128xi32, #tpu.memory_space<hbm>>) dst(%arg13 : memref<128xi32, #tpu.memory_space<vmem>>)
    %dma_start3A_77 = arith.constant 0 : i32
    %dma_start3A_78 = arith.constant 0 : i32
    %dma_start3A_79 = tpu.memref_slice %arg2[%dma_start3A_77, %dma_start3A_78] : memref<10240x128xf32, #tpu.memory_space<hbm>> -> memref<10240x128xf32, #tpu.memory_space<hbm>>
    tpu.enqueue_indirect_dma source(%dma_start3A_79 : memref<10240x128xf32, #tpu.memory_space<hbm>>) target(%arg15 : memref<128x128xf32, #tpu.memory_space<vmem>>) offsets(%arg9 : memref<128xi32, #tpu.memory_space<vmem>>) semaphore(%arg23 : memref<!tpu.dma_semaphore, #tpu.memory_space<semaphore_mem>>)
    %dma_wait3A_80 = arith.constant 0 : i32
    %dma_wait3A_81 = arith.constant 0 : i32
    %dma_wait3A_82 = tpu.memref_slice %arg2[%dma_wait3A_80, %dma_wait3A_81] : memref<10240x128xf32, #tpu.memory_space<hbm>> -> memref<10240x128xf32, #tpu.memory_space<hbm>>
    tpu.wait_indirect_dma semaphore(%arg24 : memref<!tpu.dma_semaphore, #tpu.memory_space<semaphore_mem>>) src(%dma_wait3A_82 : memref<10240x128xf32, #tpu.memory_space<hbm>>) dst(%arg16 : memref<128x128xf32, #tpu.memory_space<vmem>>)
    %dma_start3A_83 = arith.constant 0 : i32
    %dma_start3A_84 = arith.constant 0 : i32
    %dma_start3A_85 = tpu.memref_slice %arg18[%dma_start3A_83, %dma_start3A_84] : memref<10240x128xf32, #tpu.memory_space<vmem_shared>> -> memref<10240x128xf32, #tpu.memory_space<vmem_shared>>
    tpu.enqueue_indirect_dma source(%arg16 : memref<128x128xf32, #tpu.memory_space<vmem>>) target(%dma_start3A_85 : memref<10240x128xf32, #tpu.memory_space<vmem_shared>>) offsets(%arg12 : memref<128xi32, #tpu.memory_space<vmem>>) semaphore(%arg26 : memref<!tpu.dma_semaphore, #tpu.memory_space<semaphore_mem>>) {add = true}
    %dma_wait3A_86 = arith.constant 0 : i32
    %dma_wait3A_87 = arith.constant 0 : i32
    %dma_wait3A_88 = tpu.memref_slice %arg18[%dma_wait3A_86, %dma_wait3A_87] : memref<10240x128xf32, #tpu.memory_space<vmem_shared>> -> memref<10240x128xf32, #tpu.memory_space<vmem_shared>>
    tpu.wait_indirect_dma semaphore(%arg26 : memref<!tpu.dma_semaphore, #tpu.memory_space<semaphore_mem>>) src(%arg16 : memref<128x128xf32, #tpu.memory_space<vmem>>) dst(%dma_wait3A_88 : memref<10240x128xf32, #tpu.memory_space<vmem_shared>>)
    %dma_wait3A_89 = arith.constant 0 : i32
    %dma_wait3A_90 = tpu.memref_slice %arg3[%dma_wait3A_89] : memref<327680xi32, #tpu.memory_space<hbm>> -> memref<128xi32, #tpu.memory_space<hbm>>
    %dma_wait3A_91 = arith.constant 0 : i32
    %dma_wait3A_92 = tpu.memref_slice %arg3[%dma_wait3A_91] : memref<327680xi32, #tpu.memory_space<hbm>> -> memref<128xi32, #tpu.memory_space<hbm>>
    tpu.wait_dma2 semaphore(%arg22 : memref<!tpu.dma_semaphore, #tpu.memory_space<semaphore_mem>>) src(%dma_wait3A_92 : memref<128xi32, #tpu.memory_space<hbm>>) dst(%arg10 : memref<128xi32, #tpu.memory_space<vmem>>)
    %dma_wait3A_93 = arith.constant 0 : i32
    %dma_wait3A_94 = tpu.memref_slice %arg4[%dma_wait3A_93] : memref<327680xi32, #tpu.memory_space<hbm>> -> memref<128xi32, #tpu.memory_space<hbm>>
    %dma_wait3A_95 = arith.constant 0 : i32
    %dma_wait3A_96 = tpu.memref_slice %arg4[%dma_wait3A_95] : memref<327680xi32, #tpu.memory_space<hbm>> -> memref<128xi32, #tpu.memory_space<hbm>>
    tpu.wait_dma2 semaphore(%arg22 : memref<!tpu.dma_semaphore, #tpu.memory_space<semaphore_mem>>) src(%dma_wait3A_96 : memref<128xi32, #tpu.memory_space<hbm>>) dst(%arg14 : memref<128xi32, #tpu.memory_space<vmem>>)
    %dma_start3A_97 = arith.constant 0 : i32
    %dma_start3A_98 = arith.constant 0 : i32
    %dma_start3A_99 = tpu.memref_slice %arg2[%dma_start3A_97, %dma_start3A_98] : memref<10240x128xf32, #tpu.memory_space<hbm>> -> memref<10240x128xf32, #tpu.memory_space<hbm>>
    tpu.enqueue_indirect_dma source(%dma_start3A_99 : memref<10240x128xf32, #tpu.memory_space<hbm>>) target(%arg16 : memref<128x128xf32, #tpu.memory_space<vmem>>) offsets(%arg10 : memref<128xi32, #tpu.memory_space<vmem>>) semaphore(%arg24 : memref<!tpu.dma_semaphore, #tpu.memory_space<semaphore_mem>>)
    %dma_wait3A_100 = arith.constant 0 : i32
    %dma_wait3A_101 = arith.constant 0 : i32
    %dma_wait3A_102 = tpu.memref_slice %arg2[%dma_wait3A_100, %dma_wait3A_101] : memref<10240x128xf32, #tpu.memory_space<hbm>> -> memref<10240x128xf32, #tpu.memory_space<hbm>>
    tpu.wait_indirect_dma semaphore(%arg23 : memref<!tpu.dma_semaphore, #tpu.memory_space<semaphore_mem>>) src(%dma_wait3A_102 : memref<10240x128xf32, #tpu.memory_space<hbm>>) dst(%arg15 : memref<128x128xf32, #tpu.memory_space<vmem>>)
    %dma_start3A_103 = arith.constant 0 : i32
    %dma_start3A_104 = arith.constant 0 : i32
    %dma_start3A_105 = tpu.memref_slice %arg18[%dma_start3A_103, %dma_start3A_104] : memref<10240x128xf32, #tpu.memory_space<vmem_shared>> -> memref<10240x128xf32, #tpu.memory_space<vmem_shared>>
    tpu.enqueue_indirect_dma source(%arg15 : memref<128x128xf32, #tpu.memory_space<vmem>>) target(%dma_start3A_105 : memref<10240x128xf32, #tpu.memory_space<vmem_shared>>) offsets(%arg13 : memref<128xi32, #tpu.memory_space<vmem>>) semaphore(%arg25 : memref<!tpu.dma_semaphore, #tpu.memory_space<semaphore_mem>>) {add = true}
    %dma_wait3A_106 = arith.constant 0 : i32
    %dma_wait3A_107 = arith.constant 0 : i32
    %dma_wait3A_108 = tpu.memref_slice %arg18[%dma_wait3A_106, %dma_wait3A_107] : memref<10240x128xf32, #tpu.memory_space<vmem_shared>> -> memref<10240x128xf32, #tpu.memory_space<vmem_shared>>
    tpu.wait_indirect_dma semaphore(%arg25 : memref<!tpu.dma_semaphore, #tpu.memory_space<semaphore_mem>>) src(%arg15 : memref<128x128xf32, #tpu.memory_space<vmem>>) dst(%dma_wait3A_108 : memref<10240x128xf32, #tpu.memory_space<vmem_shared>>)
    %dma_wait3A_109 = arith.constant 0 : i32
    %dma_wait3A_110 = arith.constant 0 : i32
    %dma_wait3A_111 = tpu.memref_slice %arg2[%dma_wait3A_109, %dma_wait3A_110] : memref<10240x128xf32, #tpu.memory_space<hbm>> -> memref<10240x128xf32, #tpu.memory_space<hbm>>
    tpu.wait_indirect_dma semaphore(%arg24 : memref<!tpu.dma_semaphore, #tpu.memory_space<semaphore_mem>>) src(%dma_wait3A_111 : memref<10240x128xf32, #tpu.memory_space<hbm>>) dst(%arg16 : memref<128x128xf32, #tpu.memory_space<vmem>>)
    %dma_start3A_112 = arith.constant 0 : i32
    %dma_start3A_113 = arith.constant 0 : i32
    %dma_start3A_114 = tpu.memref_slice %arg18[%dma_start3A_112, %dma_start3A_113] : memref<10240x128xf32, #tpu.memory_space<vmem_shared>> -> memref<10240x128xf32, #tpu.memory_space<vmem_shared>>
    tpu.enqueue_indirect_dma source(%arg16 : memref<128x128xf32, #tpu.memory_space<vmem>>) target(%dma_start3A_114 : memref<10240x128xf32, #tpu.memory_space<vmem_shared>>) offsets(%arg14 : memref<128xi32, #tpu.memory_space<vmem>>) semaphore(%arg26 : memref<!tpu.dma_semaphore, #tpu.memory_space<semaphore_mem>>) {add = true}
    %dma_wait3A_115 = arith.constant 0 : i32
    %dma_wait3A_116 = arith.constant 0 : i32
    %dma_wait3A_117 = tpu.memref_slice %arg18[%dma_wait3A_115, %dma_wait3A_116] : memref<10240x128xf32, #tpu.memory_space<vmem_shared>> -> memref<10240x128xf32, #tpu.memory_space<vmem_shared>>
    tpu.wait_indirect_dma semaphore(%arg26 : memref<!tpu.dma_semaphore, #tpu.memory_space<semaphore_mem>>) src(%arg16 : memref<128x128xf32, #tpu.memory_space<vmem>>) dst(%dma_wait3A_117 : memref<10240x128xf32, #tpu.memory_space<vmem_shared>>)
    %barrier3A_118 = arith.constant 0 : index
    tpu.barrier barrier_id(%barrier3A_118)
    %mul3A_119 = arith.constant 10240 : i32
    %mul3A_120 = arith.muli %arg0, %mul3A_119 : i32
    %add3A_121 = arith.addi %mul3A_120, %mul3A_2 : i32
    "tpu.region"() ({
      %run_scoped3A = tpu.sem_alloc : memref<!tpu.dma_semaphore, #tpu.memory_space<semaphore_mem>>
      %dma_start3A_122 = arith.constant 0 : i32
      %dma_start3A_123 = tpu.memref_slice %arg6[%add3A_121, %dma_start3A_122] : memref<20480x128xf32, #tpu.memory_space<hbm>> -> memref<640x128xf32, #tpu.memory_space<hbm>>
      %dma_start3A_124 = arith.constant 0 : i32
      %dma_start3A_125 = tpu.memref_slice %arg18[%mul3A_2, %dma_start3A_124] : memref<10240x128xf32, #tpu.memory_space<vmem_shared>> -> memref<640x128xf32, #tpu.memory_space<vmem_shared>>
      tpu.enqueue_dma source(%dma_start3A_125 : memref<640x128xf32, #tpu.memory_space<vmem_shared>>) target(%dma_start3A_123 : memref<640x128xf32, #tpu.memory_space<hbm>>) target_semaphore(%run_scoped3A : memref<!tpu.dma_semaphore, #tpu.memory_space<semaphore_mem>>)
      %dma_wait3A_126 = arith.constant 0 : i32
      %dma_wait3A_127 = tpu.memref_slice %arg6[%add3A_121, %dma_wait3A_126] : memref<20480x128xf32, #tpu.memory_space<hbm>> -> memref<640x128xf32, #tpu.memory_space<hbm>>
      %dma_wait3A_128 = arith.constant 0 : i32
      %dma_wait3A_129 = tpu.memref_slice %arg18[%mul3A_2, %dma_wait3A_128] : memref<10240x128xf32, #tpu.memory_space<vmem_shared>> -> memref<640x128xf32, #tpu.memory_space<vmem_shared>>
      tpu.wait_dma2 semaphore(%run_scoped3A : memref<!tpu.dma_semaphore, #tpu.memory_space<semaphore_mem>>) src(%dma_wait3A_129 : memref<640x128xf32, #tpu.memory_space<vmem_shared>>) dst(%dma_wait3A_127 : memref<640x128xf32, #tpu.memory_space<hbm>>)
      tpu.yield
    }) : () -> ()
    return
  }
}

#map = affine_map<(d0, d1) -> (0, 0)>
#map1 = affine_map<(d0, d1) -> (0)>
module attributes {stable_mosaic.version = 14 : i64} {
  func.func @_embed(%arg0: i32, %arg1: i32, %arg2: memref<1000x128xf32, #tpu.memory_space<hbm>>, %arg3: memref<10240xi32, #tpu.memory_space<hbm>>, %arg4: memref<10240x128xf32, #tpu.memory_space<hbm>>, %arg5: memref<80xi32, #tpu.memory_space<vmem>>, %arg6: memref<80xi32, #tpu.memory_space<vmem>>, %arg7: memref<80x128xf32, #tpu.memory_space<vmem>>, %arg8: memref<80x128xf32, #tpu.memory_space<vmem>>, %arg9: memref<!tpu.dma_semaphore, #tpu.memory_space<semaphore_mem>>, %arg10: memref<!tpu.dma_semaphore, #tpu.memory_space<semaphore_mem>>, %arg11: memref<!tpu.dma_semaphore, #tpu.memory_space<semaphore_mem>>, %arg12: memref<!tpu.dma_semaphore, #tpu.memory_space<semaphore_mem>>) attributes {dimension_semantics = [#tpu.dimension_semantics<core_parallel>, #tpu.dimension_semantics<subcore_parallel>], iteration_bounds = array<i64: 2, 16>, scalar_prefetch = 0 : i64, scratch_operands = 8 : i64, tpu.core_type = #tpu.core_type<sc_vector_subcore>, window_params = [{transform_indices = #map}, {transform_indices = #map1}, {transform_indices = #map}]} {
    %mul3A = arith.constant 2 : i32
    %mul3A_0 = arith.muli %arg1, %mul3A : i32
    %add3A = arith.addi %mul3A_0, %arg0 : i32
    %mul3A_1 = arith.constant 320 : i32
    %mul3A_2 = arith.muli %add3A, %mul3A_1 : i32
    %add3A_3 = arith.constant 0 : i32
    %add3A_4 = arith.addi %mul3A_2, %add3A_3 : i32
    "tpu.region"() ({
      %run_scoped3A = tpu.sem_alloc : memref<!tpu.dma_semaphore, #tpu.memory_space<semaphore_mem>>
      %dma_start3A_81 = tpu.memref_slice %arg3[%add3A_4] : memref<10240xi32, #tpu.memory_space<hbm>> -> memref<80xi32, #tpu.memory_space<hbm>>
      %dma_start3A_82 = tpu.memref_slice %arg3[%add3A_4] : memref<10240xi32, #tpu.memory_space<hbm>> -> memref<80xi32, #tpu.memory_space<hbm>>
      tpu.enqueue_dma source(%dma_start3A_82 : memref<80xi32, #tpu.memory_space<hbm>>) target(%arg5 : memref<80xi32, #tpu.memory_space<vmem>>) target_semaphore(%run_scoped3A : memref<!tpu.dma_semaphore, #tpu.memory_space<semaphore_mem>>)
      %dma_wait3A_83 = tpu.memref_slice %arg3[%add3A_4] : memref<10240xi32, #tpu.memory_space<hbm>> -> memref<80xi32, #tpu.memory_space<hbm>>
      %dma_wait3A_84 = tpu.memref_slice %arg3[%add3A_4] : memref<10240xi32, #tpu.memory_space<hbm>> -> memref<80xi32, #tpu.memory_space<hbm>>
      tpu.wait_dma2 semaphore(%run_scoped3A : memref<!tpu.dma_semaphore, #tpu.memory_space<semaphore_mem>>) src(%dma_wait3A_84 : memref<80xi32, #tpu.memory_space<hbm>>) dst(%arg5 : memref<80xi32, #tpu.memory_space<vmem>>)
      tpu.yield
    }) : () -> ()
    %dma_start3A = arith.constant 0 : i32
    %dma_start3A_5 = arith.constant 0 : i32
    %dma_start3A_6 = tpu.memref_slice %arg2[%dma_start3A, %dma_start3A_5] : memref<1000x128xf32, #tpu.memory_space<hbm>> -> memref<1000x128xf32, #tpu.memory_space<hbm>>
    tpu.enqueue_indirect_dma source(%dma_start3A_6 : memref<1000x128xf32, #tpu.memory_space<hbm>>) target(%arg7 : memref<80x128xf32, #tpu.memory_space<vmem>>) offsets(%arg5 : memref<80xi32, #tpu.memory_space<vmem>>) semaphore(%arg9 : memref<!tpu.dma_semaphore, #tpu.memory_space<semaphore_mem>>)
    %add3A_7 = arith.constant 80 : i32
    %add3A_8 = arith.addi %mul3A_2, %add3A_7 : i32
    "tpu.region"() ({
      %run_scoped3A = tpu.sem_alloc : memref<!tpu.dma_semaphore, #tpu.memory_space<semaphore_mem>>
      %dma_start3A_81 = tpu.memref_slice %arg3[%add3A_8] : memref<10240xi32, #tpu.memory_space<hbm>> -> memref<80xi32, #tpu.memory_space<hbm>>
      %dma_start3A_82 = tpu.memref_slice %arg3[%add3A_8] : memref<10240xi32, #tpu.memory_space<hbm>> -> memref<80xi32, #tpu.memory_space<hbm>>
      tpu.enqueue_dma source(%dma_start3A_82 : memref<80xi32, #tpu.memory_space<hbm>>) target(%arg6 : memref<80xi32, #tpu.memory_space<vmem>>) target_semaphore(%run_scoped3A : memref<!tpu.dma_semaphore, #tpu.memory_space<semaphore_mem>>)
      %dma_wait3A_83 = tpu.memref_slice %arg3[%add3A_8] : memref<10240xi32, #tpu.memory_space<hbm>> -> memref<80xi32, #tpu.memory_space<hbm>>
      %dma_wait3A_84 = tpu.memref_slice %arg3[%add3A_8] : memref<10240xi32, #tpu.memory_space<hbm>> -> memref<80xi32, #tpu.memory_space<hbm>>
      tpu.wait_dma2 semaphore(%run_scoped3A : memref<!tpu.dma_semaphore, #tpu.memory_space<semaphore_mem>>) src(%dma_wait3A_84 : memref<80xi32, #tpu.memory_space<hbm>>) dst(%arg6 : memref<80xi32, #tpu.memory_space<vmem>>)
      tpu.yield
    }) : () -> ()
    %dma_start3A_9 = arith.constant 0 : i32
    %dma_start3A_10 = arith.constant 0 : i32
    %dma_start3A_11 = tpu.memref_slice %arg2[%dma_start3A_9, %dma_start3A_10] : memref<1000x128xf32, #tpu.memory_space<hbm>> -> memref<1000x128xf32, #tpu.memory_space<hbm>>
    tpu.enqueue_indirect_dma source(%dma_start3A_11 : memref<1000x128xf32, #tpu.memory_space<hbm>>) target(%arg8 : memref<80x128xf32, #tpu.memory_space<vmem>>) offsets(%arg6 : memref<80xi32, #tpu.memory_space<vmem>>) semaphore(%arg10 : memref<!tpu.dma_semaphore, #tpu.memory_space<semaphore_mem>>)
    %dma_wait3A = arith.constant 0 : i32
    %dma_wait3A_12 = arith.constant 0 : i32
    %dma_wait3A_13 = tpu.memref_slice %arg2[%dma_wait3A, %dma_wait3A_12] : memref<1000x128xf32, #tpu.memory_space<hbm>> -> memref<1000x128xf32, #tpu.memory_space<hbm>>
    tpu.wait_indirect_dma semaphore(%arg9 : memref<!tpu.dma_semaphore, #tpu.memory_space<semaphore_mem>>) src(%dma_wait3A_13 : memref<1000x128xf32, #tpu.memory_space<hbm>>) dst(%arg7 : memref<80x128xf32, #tpu.memory_space<vmem>>)
    %add3A_14 = arith.constant 0 : i32
    %add3A_15 = arith.addi %mul3A_2, %add3A_14 : i32
    %dma_start3A_16 = arith.constant 0 : i32
    %dma_start3A_17 = tpu.memref_slice %arg4[%add3A_15, %dma_start3A_16] : memref<10240x128xf32, #tpu.memory_space<hbm>> -> memref<80x128xf32, #tpu.memory_space<hbm>>
    %dma_start3A_18 = arith.constant 0 : i32
    %dma_start3A_19 = tpu.memref_slice %arg4[%add3A_15, %dma_start3A_18] : memref<10240x128xf32, #tpu.memory_space<hbm>> -> memref<80x128xf32, #tpu.memory_space<hbm>>
    tpu.enqueue_dma source(%arg7 : memref<80x128xf32, #tpu.memory_space<vmem>>) target(%dma_start3A_19 : memref<80x128xf32, #tpu.memory_space<hbm>>) target_semaphore(%arg11 : memref<!tpu.dma_semaphore, #tpu.memory_space<semaphore_mem>>)
    %dma_wait3A_20 = arith.constant 0 : i32
    %dma_wait3A_21 = arith.constant 0 : i32
    %dma_wait3A_22 = tpu.memref_slice %arg2[%dma_wait3A_20, %dma_wait3A_21] : memref<1000x128xf32, #tpu.memory_space<hbm>> -> memref<1000x128xf32, #tpu.memory_space<hbm>>
    tpu.wait_indirect_dma semaphore(%arg10 : memref<!tpu.dma_semaphore, #tpu.memory_space<semaphore_mem>>) src(%dma_wait3A_22 : memref<1000x128xf32, #tpu.memory_space<hbm>>) dst(%arg8 : memref<80x128xf32, #tpu.memory_space<vmem>>)
    %add3A_23 = arith.constant 80 : i32
    %add3A_24 = arith.addi %mul3A_2, %add3A_23 : i32
    %dma_start3A_25 = arith.constant 0 : i32
    %dma_start3A_26 = tpu.memref_slice %arg4[%add3A_24, %dma_start3A_25] : memref<10240x128xf32, #tpu.memory_space<hbm>> -> memref<80x128xf32, #tpu.memory_space<hbm>>
    %dma_start3A_27 = arith.constant 0 : i32
    %dma_start3A_28 = tpu.memref_slice %arg4[%add3A_24, %dma_start3A_27] : memref<10240x128xf32, #tpu.memory_space<hbm>> -> memref<80x128xf32, #tpu.memory_space<hbm>>
    tpu.enqueue_dma source(%arg8 : memref<80x128xf32, #tpu.memory_space<vmem>>) target(%dma_start3A_28 : memref<80x128xf32, #tpu.memory_space<hbm>>) target_semaphore(%arg12 : memref<!tpu.dma_semaphore, #tpu.memory_space<semaphore_mem>>)
    %add3A_29 = arith.constant 0 : i32
    %add3A_30 = arith.addi %mul3A_2, %add3A_29 : i32
    %dma_wait3A_31 = arith.constant 0 : i32
    %dma_wait3A_32 = tpu.memref_slice %arg4[%add3A_30, %dma_wait3A_31] : memref<10240x128xf32, #tpu.memory_space<hbm>> -> memref<80x128xf32, #tpu.memory_space<hbm>>
    %dma_wait3A_33 = arith.constant 0 : i32
    %dma_wait3A_34 = tpu.memref_slice %arg4[%add3A_30, %dma_wait3A_33] : memref<10240x128xf32, #tpu.memory_space<hbm>> -> memref<80x128xf32, #tpu.memory_space<hbm>>
    tpu.wait_dma2 semaphore(%arg11 : memref<!tpu.dma_semaphore, #tpu.memory_space<semaphore_mem>>) src(%arg7 : memref<80x128xf32, #tpu.memory_space<vmem>>) dst(%dma_wait3A_34 : memref<80x128xf32, #tpu.memory_space<hbm>>)
    %add3A_35 = arith.constant 160 : i32
    %add3A_36 = arith.addi %mul3A_2, %add3A_35 : i32
    "tpu.region"() ({
      %run_scoped3A = tpu.sem_alloc : memref<!tpu.dma_semaphore, #tpu.memory_space<semaphore_mem>>
      %dma_start3A_81 = tpu.memref_slice %arg3[%add3A_36] : memref<10240xi32, #tpu.memory_space<hbm>> -> memref<80xi32, #tpu.memory_space<hbm>>
      %dma_start3A_82 = tpu.memref_slice %arg3[%add3A_36] : memref<10240xi32, #tpu.memory_space<hbm>> -> memref<80xi32, #tpu.memory_space<hbm>>
      tpu.enqueue_dma source(%dma_start3A_82 : memref<80xi32, #tpu.memory_space<hbm>>) target(%arg5 : memref<80xi32, #tpu.memory_space<vmem>>) target_semaphore(%run_scoped3A : memref<!tpu.dma_semaphore, #tpu.memory_space<semaphore_mem>>)
      %dma_wait3A_83 = tpu.memref_slice %arg3[%add3A_36] : memref<10240xi32, #tpu.memory_space<hbm>> -> memref<80xi32, #tpu.memory_space<hbm>>
      %dma_wait3A_84 = tpu.memref_slice %arg3[%add3A_36] : memref<10240xi32, #tpu.memory_space<hbm>> -> memref<80xi32, #tpu.memory_space<hbm>>
      tpu.wait_dma2 semaphore(%run_scoped3A : memref<!tpu.dma_semaphore, #tpu.memory_space<semaphore_mem>>) src(%dma_wait3A_84 : memref<80xi32, #tpu.memory_space<hbm>>) dst(%arg5 : memref<80xi32, #tpu.memory_space<vmem>>)
      tpu.yield
    }) : () -> ()
    %dma_start3A_37 = arith.constant 0 : i32
    %dma_start3A_38 = arith.constant 0 : i32
    %dma_start3A_39 = tpu.memref_slice %arg2[%dma_start3A_37, %dma_start3A_38] : memref<1000x128xf32, #tpu.memory_space<hbm>> -> memref<1000x128xf32, #tpu.memory_space<hbm>>
    tpu.enqueue_indirect_dma source(%dma_start3A_39 : memref<1000x128xf32, #tpu.memory_space<hbm>>) target(%arg7 : memref<80x128xf32, #tpu.memory_space<vmem>>) offsets(%arg5 : memref<80xi32, #tpu.memory_space<vmem>>) semaphore(%arg9 : memref<!tpu.dma_semaphore, #tpu.memory_space<semaphore_mem>>)
    %add3A_40 = arith.constant 80 : i32
    %add3A_41 = arith.addi %mul3A_2, %add3A_40 : i32
    %dma_wait3A_42 = arith.constant 0 : i32
    %dma_wait3A_43 = tpu.memref_slice %arg4[%add3A_41, %dma_wait3A_42] : memref<10240x128xf32, #tpu.memory_space<hbm>> -> memref<80x128xf32, #tpu.memory_space<hbm>>
    %dma_wait3A_44 = arith.constant 0 : i32
    %dma_wait3A_45 = tpu.memref_slice %arg4[%add3A_41, %dma_wait3A_44] : memref<10240x128xf32, #tpu.memory_space<hbm>> -> memref<80x128xf32, #tpu.memory_space<hbm>>
    tpu.wait_dma2 semaphore(%arg12 : memref<!tpu.dma_semaphore, #tpu.memory_space<semaphore_mem>>) src(%arg8 : memref<80x128xf32, #tpu.memory_space<vmem>>) dst(%dma_wait3A_45 : memref<80x128xf32, #tpu.memory_space<hbm>>)
    %add3A_46 = arith.constant 240 : i32
    %add3A_47 = arith.addi %mul3A_2, %add3A_46 : i32
    "tpu.region"() ({
      %run_scoped3A = tpu.sem_alloc : memref<!tpu.dma_semaphore, #tpu.memory_space<semaphore_mem>>
      %dma_start3A_81 = tpu.memref_slice %arg3[%add3A_47] : memref<10240xi32, #tpu.memory_space<hbm>> -> memref<80xi32, #tpu.memory_space<hbm>>
      %dma_start3A_82 = tpu.memref_slice %arg3[%add3A_47] : memref<10240xi32, #tpu.memory_space<hbm>> -> memref<80xi32, #tpu.memory_space<hbm>>
      tpu.enqueue_dma source(%dma_start3A_82 : memref<80xi32, #tpu.memory_space<hbm>>) target(%arg6 : memref<80xi32, #tpu.memory_space<vmem>>) target_semaphore(%run_scoped3A : memref<!tpu.dma_semaphore, #tpu.memory_space<semaphore_mem>>)
      %dma_wait3A_83 = tpu.memref_slice %arg3[%add3A_47] : memref<10240xi32, #tpu.memory_space<hbm>> -> memref<80xi32, #tpu.memory_space<hbm>>
      %dma_wait3A_84 = tpu.memref_slice %arg3[%add3A_47] : memref<10240xi32, #tpu.memory_space<hbm>> -> memref<80xi32, #tpu.memory_space<hbm>>
      tpu.wait_dma2 semaphore(%run_scoped3A : memref<!tpu.dma_semaphore, #tpu.memory_space<semaphore_mem>>) src(%dma_wait3A_84 : memref<80xi32, #tpu.memory_space<hbm>>) dst(%arg6 : memref<80xi32, #tpu.memory_space<vmem>>)
      tpu.yield
    }) : () -> ()
    %dma_start3A_48 = arith.constant 0 : i32
    %dma_start3A_49 = arith.constant 0 : i32
    %dma_start3A_50 = tpu.memref_slice %arg2[%dma_start3A_48, %dma_start3A_49] : memref<1000x128xf32, #tpu.memory_space<hbm>> -> memref<1000x128xf32, #tpu.memory_space<hbm>>
    tpu.enqueue_indirect_dma source(%dma_start3A_50 : memref<1000x128xf32, #tpu.memory_space<hbm>>) target(%arg8 : memref<80x128xf32, #tpu.memory_space<vmem>>) offsets(%arg6 : memref<80xi32, #tpu.memory_space<vmem>>) semaphore(%arg10 : memref<!tpu.dma_semaphore, #tpu.memory_space<semaphore_mem>>)
    %dma_wait3A_51 = arith.constant 0 : i32
    %dma_wait3A_52 = arith.constant 0 : i32
    %dma_wait3A_53 = tpu.memref_slice %arg2[%dma_wait3A_51, %dma_wait3A_52] : memref<1000x128xf32, #tpu.memory_space<hbm>> -> memref<1000x128xf32, #tpu.memory_space<hbm>>
    tpu.wait_indirect_dma semaphore(%arg9 : memref<!tpu.dma_semaphore, #tpu.memory_space<semaphore_mem>>) src(%dma_wait3A_53 : memref<1000x128xf32, #tpu.memory_space<hbm>>) dst(%arg7 : memref<80x128xf32, #tpu.memory_space<vmem>>)
    %add3A_54 = arith.constant 160 : i32
    %add3A_55 = arith.addi %mul3A_2, %add3A_54 : i32
    %dma_start3A_56 = arith.constant 0 : i32
    %dma_start3A_57 = tpu.memref_slice %arg4[%add3A_55, %dma_start3A_56] : memref<10240x128xf32, #tpu.memory_space<hbm>> -> memref<80x128xf32, #tpu.memory_space<hbm>>
    %dma_start3A_58 = arith.constant 0 : i32
    %dma_start3A_59 = tpu.memref_slice %arg4[%add3A_55, %dma_start3A_58] : memref<10240x128xf32, #tpu.memory_space<hbm>> -> memref<80x128xf32, #tpu.memory_space<hbm>>
    tpu.enqueue_dma source(%arg7 : memref<80x128xf32, #tpu.memory_space<vmem>>) target(%dma_start3A_59 : memref<80x128xf32, #tpu.memory_space<hbm>>) target_semaphore(%arg11 : memref<!tpu.dma_semaphore, #tpu.memory_space<semaphore_mem>>)
    %dma_wait3A_60 = arith.constant 0 : i32
    %dma_wait3A_61 = arith.constant 0 : i32
    %dma_wait3A_62 = tpu.memref_slice %arg2[%dma_wait3A_60, %dma_wait3A_61] : memref<1000x128xf32, #tpu.memory_space<hbm>> -> memref<1000x128xf32, #tpu.memory_space<hbm>>
    tpu.wait_indirect_dma semaphore(%arg10 : memref<!tpu.dma_semaphore, #tpu.memory_space<semaphore_mem>>) src(%dma_wait3A_62 : memref<1000x128xf32, #tpu.memory_space<hbm>>) dst(%arg8 : memref<80x128xf32, #tpu.memory_space<vmem>>)
    %add3A_63 = arith.constant 240 : i32
    %add3A_64 = arith.addi %mul3A_2, %add3A_63 : i32
    %dma_start3A_65 = arith.constant 0 : i32
    %dma_start3A_66 = tpu.memref_slice %arg4[%add3A_64, %dma_start3A_65] : memref<10240x128xf32, #tpu.memory_space<hbm>> -> memref<80x128xf32, #tpu.memory_space<hbm>>
    %dma_start3A_67 = arith.constant 0 : i32
    %dma_start3A_68 = tpu.memref_slice %arg4[%add3A_64, %dma_start3A_67] : memref<10240x128xf32, #tpu.memory_space<hbm>> -> memref<80x128xf32, #tpu.memory_space<hbm>>
    tpu.enqueue_dma source(%arg8 : memref<80x128xf32, #tpu.memory_space<vmem>>) target(%dma_start3A_68 : memref<80x128xf32, #tpu.memory_space<hbm>>) target_semaphore(%arg12 : memref<!tpu.dma_semaphore, #tpu.memory_space<semaphore_mem>>)
    %add3A_69 = arith.constant 160 : i32
    %add3A_70 = arith.addi %mul3A_2, %add3A_69 : i32
    %dma_wait3A_71 = arith.constant 0 : i32
    %dma_wait3A_72 = tpu.memref_slice %arg4[%add3A_70, %dma_wait3A_71] : memref<10240x128xf32, #tpu.memory_space<hbm>> -> memref<80x128xf32, #tpu.memory_space<hbm>>
    %dma_wait3A_73 = arith.constant 0 : i32
    %dma_wait3A_74 = tpu.memref_slice %arg4[%add3A_70, %dma_wait3A_73] : memref<10240x128xf32, #tpu.memory_space<hbm>> -> memref<80x128xf32, #tpu.memory_space<hbm>>
    tpu.wait_dma2 semaphore(%arg11 : memref<!tpu.dma_semaphore, #tpu.memory_space<semaphore_mem>>) src(%arg7 : memref<80x128xf32, #tpu.memory_space<vmem>>) dst(%dma_wait3A_74 : memref<80x128xf32, #tpu.memory_space<hbm>>)
    %add3A_75 = arith.constant 240 : i32
    %add3A_76 = arith.addi %mul3A_2, %add3A_75 : i32
    %dma_wait3A_77 = arith.constant 0 : i32
    %dma_wait3A_78 = tpu.memref_slice %arg4[%add3A_76, %dma_wait3A_77] : memref<10240x128xf32, #tpu.memory_space<hbm>> -> memref<80x128xf32, #tpu.memory_space<hbm>>
    %dma_wait3A_79 = arith.constant 0 : i32
    %dma_wait3A_80 = tpu.memref_slice %arg4[%add3A_76, %dma_wait3A_79] : memref<10240x128xf32, #tpu.memory_space<hbm>> -> memref<80x128xf32, #tpu.memory_space<hbm>>
    tpu.wait_dma2 semaphore(%arg12 : memref<!tpu.dma_semaphore, #tpu.memory_space<semaphore_mem>>) src(%arg8 : memref<80x128xf32, #tpu.memory_space<vmem>>) dst(%dma_wait3A_80 : memref<80x128xf32, #tpu.memory_space<hbm>>)
    return
  }
}

#map = affine_map<(d0, d1) -> (0, 0)>
#map1 = affine_map<(d0, d1) -> (0)>
module attributes {stable_mosaic.version = 14 : i64} {
  func.func @_scatter(%arg0: i32, %arg1: i32, %arg2: memref<10240x128xf32, #tpu.memory_space<hbm>>, %arg3: memref<327680xi32, #tpu.memory_space<hbm>>, %arg4: memref<327680xi32, #tpu.memory_space<hbm>>, %arg5: memref<64x128xf32, #tpu.memory_space<hbm>>, %arg6: memref<20480x128xf32, #tpu.memory_space<hbm>>, %arg7: memref<128xi32, #tpu.memory_space<vmem>>, %arg8: memref<128xi32, #tpu.memory_space<vmem>>, %arg9: memref<128xi32, #tpu.memory_space<vmem>>, %arg10: memref<128xi32, #tpu.memory_space<vmem>>, %arg11: memref<128xi32, #tpu.memory_space<vmem>>, %arg12: memref<128xi32, #tpu.memory_space<vmem>>, %arg13: memref<128xi32, #tpu.memory_space<vmem>>, %arg14: memref<128xi32, #tpu.memory_space<vmem>>, %arg15: memref<128x128xf32, #tpu.memory_space<vmem>>, %arg16: memref<128x128xf32, #tpu.memory_space<vmem>>, %arg17: memref<64x128xf32, #tpu.memory_space<vmem>>, %arg18: memref<10240x128xf32, #tpu.memory_space<vmem_shared>>, %arg19: memref<!tpu.dma_semaphore, #tpu.memory_space<semaphore_mem>>, %arg20: memref<!tpu.dma_semaphore, #tpu.memory_space<semaphore_mem>>, %arg21: memref<!tpu.dma_semaphore, #tpu.memory_space<semaphore_mem>>, %arg22: memref<!tpu.dma_semaphore, #tpu.memory_space<semaphore_mem>>, %arg23: memref<!tpu.dma_semaphore, #tpu.memory_space<semaphore_mem>>, %arg24: memref<!tpu.dma_semaphore, #tpu.memory_space<semaphore_mem>>, %arg25: memref<!tpu.dma_semaphore, #tpu.memory_space<semaphore_mem>>, %arg26: memref<!tpu.dma_semaphore, #tpu.memory_space<semaphore_mem>>) attributes {dimension_semantics = [#tpu.dimension_semantics<core_parallel>, #tpu.dimension_semantics<subcore_parallel>], iteration_bounds = array<i64: 2, 16>, scalar_prefetch = 0 : i64, scratch_operands = 20 : i64, tpu.core_type = #tpu.core_type<sc_vector_subcore>, window_params = [{transform_indices = #map}, {transform_indices = #map1}, {transform_indices = #map1}, {transform_indices = #map}, {transform_indices = #map}]} {
    %mul3A = arith.constant 2 : i32
    %mul3A_0 = arith.muli %arg1, %mul3A : i32
    %add3A = arith.addi %mul3A_0, %arg0 : i32
    %mul3A_1 = arith.constant 640 : i32
    %mul3A_2 = arith.muli %arg1, %mul3A_1 : i32
    %mul3A_3 = arith.constant 10240 : i32
    %mul3A_4 = arith.muli %add3A, %mul3A_3 : i32
    tpu.enqueue_dma source(%arg5 : memref<64x128xf32, #tpu.memory_space<hbm>>) target(%arg17 : memref<64x128xf32, #tpu.memory_space<vmem>>) target_semaphore(%arg25 : memref<!tpu.dma_semaphore, #tpu.memory_space<semaphore_mem>>)
    %add3A_5 = arith.constant 0 : i32
    %add3A_6 = arith.addi %mul3A_4, %add3A_5 : i32
    %dma_start3A = tpu.memref_slice %arg3[%add3A_6] : memref<327680xi32, #tpu.memory_space<hbm>> -> memref<128xi32, #tpu.memory_space<hbm>>
    %dma_start3A_7 = tpu.memref_slice %arg3[%add3A_6] : memref<327680xi32, #tpu.memory_space<hbm>> -> memref<128xi32, #tpu.memory_space<hbm>>
    tpu.enqueue_dma source(%dma_start3A_7 : memref<128xi32, #tpu.memory_space<hbm>>) target(%arg7 : memref<128xi32, #tpu.memory_space<vmem>>) target_semaphore(%arg19 : memref<!tpu.dma_semaphore, #tpu.memory_space<semaphore_mem>>)
    %dma_start3A_8 = tpu.memref_slice %arg4[%add3A_6] : memref<327680xi32, #tpu.memory_space<hbm>> -> memref<128xi32, #tpu.memory_space<hbm>>
    %dma_start3A_9 = tpu.memref_slice %arg4[%add3A_6] : memref<327680xi32, #tpu.memory_space<hbm>> -> memref<128xi32, #tpu.memory_space<hbm>>
    tpu.enqueue_dma source(%dma_start3A_9 : memref<128xi32, #tpu.memory_space<hbm>>) target(%arg11 : memref<128xi32, #tpu.memory_space<vmem>>) target_semaphore(%arg19 : memref<!tpu.dma_semaphore, #tpu.memory_space<semaphore_mem>>)
    %add3A_10 = arith.constant 128 : i32
    %add3A_11 = arith.addi %mul3A_4, %add3A_10 : i32
    %dma_start3A_12 = tpu.memref_slice %arg3[%add3A_11] : memref<327680xi32, #tpu.memory_space<hbm>> -> memref<128xi32, #tpu.memory_space<hbm>>
    %dma_start3A_13 = tpu.memref_slice %arg3[%add3A_11] : memref<327680xi32, #tpu.memory_space<hbm>> -> memref<128xi32, #tpu.memory_space<hbm>>
    tpu.enqueue_dma source(%dma_start3A_13 : memref<128xi32, #tpu.memory_space<hbm>>) target(%arg8 : memref<128xi32, #tpu.memory_space<vmem>>) target_semaphore(%arg20 : memref<!tpu.dma_semaphore, #tpu.memory_space<semaphore_mem>>)
    %dma_start3A_14 = tpu.memref_slice %arg4[%add3A_11] : memref<327680xi32, #tpu.memory_space<hbm>> -> memref<128xi32, #tpu.memory_space<hbm>>
    %dma_start3A_15 = tpu.memref_slice %arg4[%add3A_11] : memref<327680xi32, #tpu.memory_space<hbm>> -> memref<128xi32, #tpu.memory_space<hbm>>
    tpu.enqueue_dma source(%dma_start3A_15 : memref<128xi32, #tpu.memory_space<hbm>>) target(%arg12 : memref<128xi32, #tpu.memory_space<vmem>>) target_semaphore(%arg20 : memref<!tpu.dma_semaphore, #tpu.memory_space<semaphore_mem>>)
    %dma_wait3A = arith.constant 0 : i32
    %dma_wait3A_16 = tpu.memref_slice %arg3[%dma_wait3A] : memref<327680xi32, #tpu.memory_space<hbm>> -> memref<128xi32, #tpu.memory_space<hbm>>
    %dma_wait3A_17 = arith.constant 0 : i32
    %dma_wait3A_18 = tpu.memref_slice %arg3[%dma_wait3A_17] : memref<327680xi32, #tpu.memory_space<hbm>> -> memref<128xi32, #tpu.memory_space<hbm>>
    tpu.wait_dma2 semaphore(%arg19 : memref<!tpu.dma_semaphore, #tpu.memory_space<semaphore_mem>>) src(%dma_wait3A_18 : memref<128xi32, #tpu.memory_space<hbm>>) dst(%arg7 : memref<128xi32, #tpu.memory_space<vmem>>)
    %dma_wait3A_19 = arith.constant 0 : i32
    %dma_wait3A_20 = tpu.memref_slice %arg4[%dma_wait3A_19] : memref<327680xi32, #tpu.memory_space<hbm>> -> memref<128xi32, #tpu.memory_space<hbm>>
    %dma_wait3A_21 = arith.constant 0 : i32
    %dma_wait3A_22 = tpu.memref_slice %arg4[%dma_wait3A_21] : memref<327680xi32, #tpu.memory_space<hbm>> -> memref<128xi32, #tpu.memory_space<hbm>>
    tpu.wait_dma2 semaphore(%arg19 : memref<!tpu.dma_semaphore, #tpu.memory_space<semaphore_mem>>) src(%dma_wait3A_22 : memref<128xi32, #tpu.memory_space<hbm>>) dst(%arg11 : memref<128xi32, #tpu.memory_space<vmem>>)
    %dma_start3A_23 = arith.constant 0 : i32
    %dma_start3A_24 = arith.constant 0 : i32
    %dma_start3A_25 = tpu.memref_slice %arg2[%dma_start3A_23, %dma_start3A_24] : memref<10240x128xf32, #tpu.memory_space<hbm>> -> memref<10240x128xf32, #tpu.memory_space<hbm>>
    tpu.enqueue_indirect_dma source(%dma_start3A_25 : memref<10240x128xf32, #tpu.memory_space<hbm>>) target(%arg15 : memref<128x128xf32, #tpu.memory_space<vmem>>) offsets(%arg7 : memref<128xi32, #tpu.memory_space<vmem>>) semaphore(%arg23 : memref<!tpu.dma_semaphore, #tpu.memory_space<semaphore_mem>>)
    %add3A_26 = arith.constant 256 : i32
    %add3A_27 = arith.addi %mul3A_4, %add3A_26 : i32
    %dma_start3A_28 = tpu.memref_slice %arg3[%add3A_27] : memref<327680xi32, #tpu.memory_space<hbm>> -> memref<128xi32, #tpu.memory_space<hbm>>
    %dma_start3A_29 = tpu.memref_slice %arg3[%add3A_27] : memref<327680xi32, #tpu.memory_space<hbm>> -> memref<128xi32, #tpu.memory_space<hbm>>
    tpu.enqueue_dma source(%dma_start3A_29 : memref<128xi32, #tpu.memory_space<hbm>>) target(%arg9 : memref<128xi32, #tpu.memory_space<vmem>>) target_semaphore(%arg21 : memref<!tpu.dma_semaphore, #tpu.memory_space<semaphore_mem>>)
    %dma_start3A_30 = tpu.memref_slice %arg4[%add3A_27] : memref<327680xi32, #tpu.memory_space<hbm>> -> memref<128xi32, #tpu.memory_space<hbm>>
    %dma_start3A_31 = tpu.memref_slice %arg4[%add3A_27] : memref<327680xi32, #tpu.memory_space<hbm>> -> memref<128xi32, #tpu.memory_space<hbm>>
    tpu.enqueue_dma source(%dma_start3A_31 : memref<128xi32, #tpu.memory_space<hbm>>) target(%arg13 : memref<128xi32, #tpu.memory_space<vmem>>) target_semaphore(%arg21 : memref<!tpu.dma_semaphore, #tpu.memory_space<semaphore_mem>>)
    %dma_wait3A_32 = arith.constant 0 : i32
    %dma_wait3A_33 = tpu.memref_slice %arg3[%dma_wait3A_32] : memref<327680xi32, #tpu.memory_space<hbm>> -> memref<128xi32, #tpu.memory_space<hbm>>
    %dma_wait3A_34 = arith.constant 0 : i32
    %dma_wait3A_35 = tpu.memref_slice %arg3[%dma_wait3A_34] : memref<327680xi32, #tpu.memory_space<hbm>> -> memref<128xi32, #tpu.memory_space<hbm>>
    tpu.wait_dma2 semaphore(%arg20 : memref<!tpu.dma_semaphore, #tpu.memory_space<semaphore_mem>>) src(%dma_wait3A_35 : memref<128xi32, #tpu.memory_space<hbm>>) dst(%arg8 : memref<128xi32, #tpu.memory_space<vmem>>)
    %dma_wait3A_36 = arith.constant 0 : i32
    %dma_wait3A_37 = tpu.memref_slice %arg4[%dma_wait3A_36] : memref<327680xi32, #tpu.memory_space<hbm>> -> memref<128xi32, #tpu.memory_space<hbm>>
    %dma_wait3A_38 = arith.constant 0 : i32
    %dma_wait3A_39 = tpu.memref_slice %arg4[%dma_wait3A_38] : memref<327680xi32, #tpu.memory_space<hbm>> -> memref<128xi32, #tpu.memory_space<hbm>>
    tpu.wait_dma2 semaphore(%arg20 : memref<!tpu.dma_semaphore, #tpu.memory_space<semaphore_mem>>) src(%dma_wait3A_39 : memref<128xi32, #tpu.memory_space<hbm>>) dst(%arg12 : memref<128xi32, #tpu.memory_space<vmem>>)
    %dma_start3A_40 = arith.constant 0 : i32
    %dma_start3A_41 = arith.constant 0 : i32
    %dma_start3A_42 = tpu.memref_slice %arg2[%dma_start3A_40, %dma_start3A_41] : memref<10240x128xf32, #tpu.memory_space<hbm>> -> memref<10240x128xf32, #tpu.memory_space<hbm>>
    tpu.enqueue_indirect_dma source(%dma_start3A_42 : memref<10240x128xf32, #tpu.memory_space<hbm>>) target(%arg16 : memref<128x128xf32, #tpu.memory_space<vmem>>) offsets(%arg8 : memref<128xi32, #tpu.memory_space<vmem>>) semaphore(%arg24 : memref<!tpu.dma_semaphore, #tpu.memory_space<semaphore_mem>>)
    tpu.wait_dma2 semaphore(%arg25 : memref<!tpu.dma_semaphore, #tpu.memory_space<semaphore_mem>>) src(%arg5 : memref<64x128xf32, #tpu.memory_space<hbm>>) dst(%arg17 : memref<64x128xf32, #tpu.memory_space<vmem>>)
    %scan3A = arith.constant 0 : i32
    %scan3A_43 = arith.constant 0 : i32
    %scan3A_44 = arith.constant 10 : i32
    %scan3A_45 = arith.addi %scan3A_43, %scan3A_44 : i32
    %scan3A_46 = arith.constant 1 : i32
    scf.for %scan3A_122 = %scan3A_43 to %scan3A_45 step %scan3A_46  : i32 {
      %mul3A_123 = arith.constant 64 : i32
      %mul3A_124 = arith.muli %scan3A_122, %mul3A_123 : i32
      %add3A_125 = arith.addi %mul3A_2, %mul3A_124 : i32
      "tpu.region"() ({
        %run_scoped3A = tpu.sem_alloc : memref<!tpu.dma_semaphore, #tpu.memory_space<semaphore_mem>>
        %dma_start3A_126 = arith.constant 0 : i32
        %dma_start3A_127 = tpu.memref_slice %arg18[%add3A_125, %dma_start3A_126] : memref<10240x128xf32, #tpu.memory_space<vmem_shared>> -> memref<64x128xf32, #tpu.memory_space<vmem_shared>>
        %dma_start3A_128 = arith.constant 0 : i32
        %dma_start3A_129 = tpu.memref_slice %arg18[%add3A_125, %dma_start3A_128] : memref<10240x128xf32, #tpu.memory_space<vmem_shared>> -> memref<64x128xf32, #tpu.memory_space<vmem_shared>>
        tpu.enqueue_dma source(%arg17 : memref<64x128xf32, #tpu.memory_space<vmem>>) target(%dma_start3A_129 : memref<64x128xf32, #tpu.memory_space<vmem_shared>>) target_semaphore(%run_scoped3A : memref<!tpu.dma_semaphore, #tpu.memory_space<semaphore_mem>>)
        %dma_wait3A_130 = arith.constant 0 : i32
        %dma_wait3A_131 = tpu.memref_slice %arg18[%add3A_125, %dma_wait3A_130] : memref<10240x128xf32, #tpu.memory_space<vmem_shared>> -> memref<64x128xf32, #tpu.memory_space<vmem_shared>>
        %dma_wait3A_132 = arith.constant 0 : i32
        %dma_wait3A_133 = tpu.memref_slice %arg18[%add3A_125, %dma_wait3A_132] : memref<10240x128xf32, #tpu.memory_space<vmem_shared>> -> memref<64x128xf32, #tpu.memory_space<vmem_shared>>
        tpu.wait_dma2 semaphore(%run_scoped3A : memref<!tpu.dma_semaphore, #tpu.memory_space<semaphore_mem>>) src(%arg17 : memref<64x128xf32, #tpu.memory_space<vmem>>) dst(%dma_wait3A_133 : memref<64x128xf32, #tpu.memory_space<vmem_shared>>)
        tpu.yield
      }) : () -> ()
    }
    %scan3A_47 = arith.constant 10 : i32
    %barrier3A = arith.constant 0 : index
    tpu.barrier barrier_id(%barrier3A)
    %dma_wait3A_48 = arith.constant 0 : i32
    %dma_wait3A_49 = arith.constant 0 : i32
    %dma_wait3A_50 = tpu.memref_slice %arg2[%dma_wait3A_48, %dma_wait3A_49] : memref<10240x128xf32, #tpu.memory_space<hbm>> -> memref<10240x128xf32, #tpu.memory_space<hbm>>
    tpu.wait_indirect_dma semaphore(%arg23 : memref<!tpu.dma_semaphore, #tpu.memory_space<semaphore_mem>>) src(%dma_wait3A_50 : memref<10240x128xf32, #tpu.memory_space<hbm>>) dst(%arg15 : memref<128x128xf32, #tpu.memory_space<vmem>>)
    %dma_start3A_51 = arith.constant 0 : i32
    %dma_start3A_52 = arith.constant 0 : i32
    %dma_start3A_53 = tpu.memref_slice %arg18[%dma_start3A_51, %dma_start3A_52] : memref<10240x128xf32, #tpu.memory_space<vmem_shared>> -> memref<10240x128xf32, #tpu.memory_space<vmem_shared>>
    tpu.enqueue_indirect_dma source(%arg15 : memref<128x128xf32, #tpu.memory_space<vmem>>) target(%dma_start3A_53 : memref<10240x128xf32, #tpu.memory_space<vmem_shared>>) offsets(%arg11 : memref<128xi32, #tpu.memory_space<vmem>>) semaphore(%arg25 : memref<!tpu.dma_semaphore, #tpu.memory_space<semaphore_mem>>) {add = true}
    %scan3A_54 = arith.constant 0 : i32
    %scan3A_55 = arith.constant 0 : i32
    %scan3A_56 = arith.constant 19 : i32
    %scan3A_57 = arith.addi %scan3A_55, %scan3A_56 : i32
    %scan3A_58 = arith.constant 1 : i32
    scf.for %scan3A_122 = %scan3A_55 to %scan3A_57 step %scan3A_58  : i32 {
      %mul3A_123 = arith.constant 4 : i32
      %mul3A_124 = arith.muli %mul3A_123, %scan3A_122 : i32
      %add3A_125 = arith.constant 1 : i32
      %add3A_126 = arith.addi %add3A_125, %mul3A_124 : i32
      %add3A_127 = arith.constant 0 : i32
      %add3A_128 = arith.addi %add3A_126, %add3A_127 : i32
      %dma_wait3A_129 = arith.constant 0 : i32
      %dma_wait3A_130 = arith.constant 0 : i32
      %dma_wait3A_131 = tpu.memref_slice %arg18[%dma_wait3A_129, %dma_wait3A_130] : memref<10240x128xf32, #tpu.memory_space<vmem_shared>> -> memref<10240x128xf32, #tpu.memory_space<vmem_shared>>
      tpu.wait_indirect_dma semaphore(%arg25 : memref<!tpu.dma_semaphore, #tpu.memory_space<semaphore_mem>>) src(%arg15 : memref<128x128xf32, #tpu.memory_space<vmem>>) dst(%dma_wait3A_131 : memref<10240x128xf32, #tpu.memory_space<vmem_shared>>)
      %add3A_132 = arith.constant 2 : i32
      %add3A_133 = arith.addi %add3A_128, %add3A_132 : i32
      %mul3A_134 = arith.constant 128 : i32
      %mul3A_135 = arith.muli %add3A_133, %mul3A_134 : i32
      %add3A_136 = arith.addi %mul3A_4, %mul3A_135 : i32
      %dma_start3A_137 = tpu.memref_slice %arg3[%add3A_136] : memref<327680xi32, #tpu.memory_space<hbm>> -> memref<128xi32, #tpu.memory_space<hbm>>
      %dma_start3A_138 = tpu.memref_slice %arg3[%add3A_136] : memref<327680xi32, #tpu.memory_space<hbm>> -> memref<128xi32, #tpu.memory_space<hbm>>
      tpu.enqueue_dma source(%dma_start3A_138 : memref<128xi32, #tpu.memory_space<hbm>>) target(%arg10 : memref<128xi32, #tpu.memory_space<vmem>>) target_semaphore(%arg22 : memref<!tpu.dma_semaphore, #tpu.memory_space<semaphore_mem>>)
      %dma_start3A_139 = tpu.memref_slice %arg4[%add3A_136] : memref<327680xi32, #tpu.memory_space<hbm>> -> memref<128xi32, #tpu.memory_space<hbm>>
      %dma_start3A_140 = tpu.memref_slice %arg4[%add3A_136] : memref<327680xi32, #tpu.memory_space<hbm>> -> memref<128xi32, #tpu.memory_space<hbm>>
      tpu.enqueue_dma source(%dma_start3A_140 : memref<128xi32, #tpu.memory_space<hbm>>) target(%arg14 : memref<128xi32, #tpu.memory_space<vmem>>) target_semaphore(%arg22 : memref<!tpu.dma_semaphore, #tpu.memory_space<semaphore_mem>>)
      %dma_wait3A_141 = arith.constant 0 : i32
      %dma_wait3A_142 = tpu.memref_slice %arg3[%dma_wait3A_141] : memref<327680xi32, #tpu.memory_space<hbm>> -> memref<128xi32, #tpu.memory_space<hbm>>
      %dma_wait3A_143 = arith.constant 0 : i32
      %dma_wait3A_144 = tpu.memref_slice %arg3[%dma_wait3A_143] : memref<327680xi32, #tpu.memory_space<hbm>> -> memref<128xi32, #tpu.memory_space<hbm>>
      tpu.wait_dma2 semaphore(%arg21 : memref<!tpu.dma_semaphore, #tpu.memory_space<semaphore_mem>>) src(%dma_wait3A_144 : memref<128xi32, #tpu.memory_space<hbm>>) dst(%arg9 : memref<128xi32, #tpu.memory_space<vmem>>)
      %dma_wait3A_145 = arith.constant 0 : i32
      %dma_wait3A_146 = tpu.memref_slice %arg4[%dma_wait3A_145] : memref<327680xi32, #tpu.memory_space<hbm>> -> memref<128xi32, #tpu.memory_space<hbm>>
      %dma_wait3A_147 = arith.constant 0 : i32
      %dma_wait3A_148 = tpu.memref_slice %arg4[%dma_wait3A_147] : memref<327680xi32, #tpu.memory_space<hbm>> -> memref<128xi32, #tpu.memory_space<hbm>>
      tpu.wait_dma2 semaphore(%arg21 : memref<!tpu.dma_semaphore, #tpu.memory_space<semaphore_mem>>) src(%dma_wait3A_148 : memref<128xi32, #tpu.memory_space<hbm>>) dst(%arg13 : memref<128xi32, #tpu.memory_space<vmem>>)
      %dma_start3A_149 = arith.constant 0 : i32
      %dma_start3A_150 = arith.constant 0 : i32
      %dma_start3A_151 = tpu.memref_slice %arg2[%dma_start3A_149, %dma_start3A_150] : memref<10240x128xf32, #tpu.memory_space<hbm>> -> memref<10240x128xf32, #tpu.memory_space<hbm>>
      tpu.enqueue_indirect_dma source(%dma_start3A_151 : memref<10240x128xf32, #tpu.memory_space<hbm>>) target(%arg15 : memref<128x128xf32, #tpu.memory_space<vmem>>) offsets(%arg9 : memref<128xi32, #tpu.memory_space<vmem>>) semaphore(%arg23 : memref<!tpu.dma_semaphore, #tpu.memory_space<semaphore_mem>>)
      %dma_wait3A_152 = arith.constant 0 : i32
      %dma_wait3A_153 = arith.constant 0 : i32
      %dma_wait3A_154 = tpu.memref_slice %arg2[%dma_wait3A_152, %dma_wait3A_153] : memref<10240x128xf32, #tpu.memory_space<hbm>> -> memref<10240x128xf32, #tpu.memory_space<hbm>>
      tpu.wait_indirect_dma semaphore(%arg24 : memref<!tpu.dma_semaphore, #tpu.memory_space<semaphore_mem>>) src(%dma_wait3A_154 : memref<10240x128xf32, #tpu.memory_space<hbm>>) dst(%arg16 : memref<128x128xf32, #tpu.memory_space<vmem>>)
      %dma_start3A_155 = arith.constant 0 : i32
      %dma_start3A_156 = arith.constant 0 : i32
      %dma_start3A_157 = tpu.memref_slice %arg18[%dma_start3A_155, %dma_start3A_156] : memref<10240x128xf32, #tpu.memory_space<vmem_shared>> -> memref<10240x128xf32, #tpu.memory_space<vmem_shared>>
      tpu.enqueue_indirect_dma source(%arg16 : memref<128x128xf32, #tpu.memory_space<vmem>>) target(%dma_start3A_157 : memref<10240x128xf32, #tpu.memory_space<vmem_shared>>) offsets(%arg12 : memref<128xi32, #tpu.memory_space<vmem>>) semaphore(%arg26 : memref<!tpu.dma_semaphore, #tpu.memory_space<semaphore_mem>>) {add = true}
      %add3A_158 = arith.constant 1 : i32
      %add3A_159 = arith.addi %add3A_126, %add3A_158 : i32
      %dma_wait3A_160 = arith.constant 0 : i32
      %dma_wait3A_161 = arith.constant 0 : i32
      %dma_wait3A_162 = tpu.memref_slice %arg18[%dma_wait3A_160, %dma_wait3A_161] : memref<10240x128xf32, #tpu.memory_space<vmem_shared>> -> memref<10240x128xf32, #tpu.memory_space<vmem_shared>>
      tpu.wait_indirect_dma semaphore(%arg26 : memref<!tpu.dma_semaphore, #tpu.memory_space<semaphore_mem>>) src(%arg16 : memref<128x128xf32, #tpu.memory_space<vmem>>) dst(%dma_wait3A_162 : memref<10240x128xf32, #tpu.memory_space<vmem_shared>>)
      %add3A_163 = arith.constant 2 : i32
      %add3A_164 = arith.addi %add3A_159, %add3A_163 : i32
      %mul3A_165 = arith.constant 128 : i32
      %mul3A_166 = arith.muli %add3A_164, %mul3A_165 : i32
      %add3A_167 = arith.addi %mul3A_4, %mul3A_166 : i32
      %dma_start3A_168 = tpu.memref_slice %arg3[%add3A_167] : memref<327680xi32, #tpu.memory_space<hbm>> -> memref<128xi32, #tpu.memory_space<hbm>>
      %dma_start3A_169 = tpu.memref_slice %arg3[%add3A_167] : memref<327680xi32, #tpu.memory_space<hbm>> -> memref<128xi32, #tpu.memory_space<hbm>>
      tpu.enqueue_dma source(%dma_start3A_169 : memref<128xi32, #tpu.memory_space<hbm>>) target(%arg7 : memref<128xi32, #tpu.memory_space<vmem>>) target_semaphore(%arg19 : memref<!tpu.dma_semaphore, #tpu.memory_space<semaphore_mem>>)
      %dma_start3A_170 = tpu.memref_slice %arg4[%add3A_167] : memref<327680xi32, #tpu.memory_space<hbm>> -> memref<128xi32, #tpu.memory_space<hbm>>
      %dma_start3A_171 = tpu.memref_slice %arg4[%add3A_167] : memref<327680xi32, #tpu.memory_space<hbm>> -> memref<128xi32, #tpu.memory_space<hbm>>
      tpu.enqueue_dma source(%dma_start3A_171 : memref<128xi32, #tpu.memory_space<hbm>>) target(%arg11 : memref<128xi32, #tpu.memory_space<vmem>>) target_semaphore(%arg19 : memref<!tpu.dma_semaphore, #tpu.memory_space<semaphore_mem>>)
      %dma_wait3A_172 = arith.constant 0 : i32
      %dma_wait3A_173 = tpu.memref_slice %arg3[%dma_wait3A_172] : memref<327680xi32, #tpu.memory_space<hbm>> -> memref<128xi32, #tpu.memory_space<hbm>>
      %dma_wait3A_174 = arith.constant 0 : i32
      %dma_wait3A_175 = tpu.memref_slice %arg3[%dma_wait3A_174] : memref<327680xi32, #tpu.memory_space<hbm>> -> memref<128xi32, #tpu.memory_space<hbm>>
      tpu.wait_dma2 semaphore(%arg22 : memref<!tpu.dma_semaphore, #tpu.memory_space<semaphore_mem>>) src(%dma_wait3A_175 : memref<128xi32, #tpu.memory_space<hbm>>) dst(%arg10 : memref<128xi32, #tpu.memory_space<vmem>>)
      %dma_wait3A_176 = arith.constant 0 : i32
      %dma_wait3A_177 = tpu.memref_slice %arg4[%dma_wait3A_176] : memref<327680xi32, #tpu.memory_space<hbm>> -> memref<128xi32, #tpu.memory_space<hbm>>
      %dma_wait3A_178 = arith.constant 0 : i32
      %dma_wait3A_179 = tpu.memref_slice %arg4[%dma_wait3A_178] : memref<327680xi32, #tpu.memory_space<hbm>> -> memref<128xi32, #tpu.memory_space<hbm>>
      tpu.wait_dma2 semaphore(%arg22 : memref<!tpu.dma_semaphore, #tpu.memory_space<semaphore_mem>>) src(%dma_wait3A_179 : memref<128xi32, #tpu.memory_space<hbm>>) dst(%arg14 : memref<128xi32, #tpu.memory_space<vmem>>)
      %dma_start3A_180 = arith.constant 0 : i32
      %dma_start3A_181 = arith.constant 0 : i32
      %dma_start3A_182 = tpu.memref_slice %arg2[%dma_start3A_180, %dma_start3A_181] : memref<10240x128xf32, #tpu.memory_space<hbm>> -> memref<10240x128xf32, #tpu.memory_space<hbm>>
      tpu.enqueue_indirect_dma source(%dma_start3A_182 : memref<10240x128xf32, #tpu.memory_space<hbm>>) target(%arg16 : memref<128x128xf32, #tpu.memory_space<vmem>>) offsets(%arg10 : memref<128xi32, #tpu.memory_space<vmem>>) semaphore(%arg24 : memref<!tpu.dma_semaphore, #tpu.memory_space<semaphore_mem>>)
      %dma_wait3A_183 = arith.constant 0 : i32
      %dma_wait3A_184 = arith.constant 0 : i32
      %dma_wait3A_185 = tpu.memref_slice %arg2[%dma_wait3A_183, %dma_wait3A_184] : memref<10240x128xf32, #tpu.memory_space<hbm>> -> memref<10240x128xf32, #tpu.memory_space<hbm>>
      tpu.wait_indirect_dma semaphore(%arg23 : memref<!tpu.dma_semaphore, #tpu.memory_space<semaphore_mem>>) src(%dma_wait3A_185 : memref<10240x128xf32, #tpu.memory_space<hbm>>) dst(%arg15 : memref<128x128xf32, #tpu.memory_space<vmem>>)
      %dma_start3A_186 = arith.constant 0 : i32
      %dma_start3A_187 = arith.constant 0 : i32
      %dma_start3A_188 = tpu.memref_slice %arg18[%dma_start3A_186, %dma_start3A_187] : memref<10240x128xf32, #tpu.memory_space<vmem_shared>> -> memref<10240x128xf32, #tpu.memory_space<vmem_shared>>
      tpu.enqueue_indirect_dma source(%arg15 : memref<128x128xf32, #tpu.memory_space<vmem>>) target(%dma_start3A_188 : memref<10240x128xf32, #tpu.memory_space<vmem_shared>>) offsets(%arg13 : memref<128xi32, #tpu.memory_space<vmem>>) semaphore(%arg25 : memref<!tpu.dma_semaphore, #tpu.memory_space<semaphore_mem>>) {add = true}
      %add3A_189 = arith.constant 2 : i32
      %add3A_190 = arith.addi %add3A_126, %add3A_189 : i32
      %dma_wait3A_191 = arith.constant 0 : i32
      %dma_wait3A_192 = arith.constant 0 : i32
      %dma_wait3A_193 = tpu.memref_slice %arg18[%dma_wait3A_191, %dma_wait3A_192] : memref<10240x128xf32, #tpu.memory_space<vmem_shared>> -> memref<10240x128xf32, #tpu.memory_space<vmem_shared>>
      tpu.wait_indirect_dma semaphore(%arg25 : memref<!tpu.dma_semaphore, #tpu.memory_space<semaphore_mem>>) src(%arg15 : memref<128x128xf32, #tpu.memory_space<vmem>>) dst(%dma_wait3A_193 : memref<10240x128xf32, #tpu.memory_space<vmem_shared>>)
      %add3A_194 = arith.constant 2 : i32
      %add3A_195 = arith.addi %add3A_190, %add3A_194 : i32
      %mul3A_196 = arith.constant 128 : i32
      %mul3A_197 = arith.muli %add3A_195, %mul3A_196 : i32
      %add3A_198 = arith.addi %mul3A_4, %mul3A_197 : i32
      %dma_start3A_199 = tpu.memref_slice %arg3[%add3A_198] : memref<327680xi32, #tpu.memory_space<hbm>> -> memref<128xi32, #tpu.memory_space<hbm>>
      %dma_start3A_200 = tpu.memref_slice %arg3[%add3A_198] : memref<327680xi32, #tpu.memory_space<hbm>> -> memref<128xi32, #tpu.memory_space<hbm>>
      tpu.enqueue_dma source(%dma_start3A_200 : memref<128xi32, #tpu.memory_space<hbm>>) target(%arg8 : memref<128xi32, #tpu.memory_space<vmem>>) target_semaphore(%arg20 : memref<!tpu.dma_semaphore, #tpu.memory_space<semaphore_mem>>)
      %dma_start3A_201 = tpu.memref_slice %arg4[%add3A_198] : memref<327680xi32, #tpu.memory_space<hbm>> -> memref<128xi32, #tpu.memory_space<hbm>>
      %dma_start3A_202 = tpu.memref_slice %arg4[%add3A_198] : memref<327680xi32, #tpu.memory_space<hbm>> -> memref<128xi32, #tpu.memory_space<hbm>>
      tpu.enqueue_dma source(%dma_start3A_202 : memref<128xi32, #tpu.memory_space<hbm>>) target(%arg12 : memref<128xi32, #tpu.memory_space<vmem>>) target_semaphore(%arg20 : memref<!tpu.dma_semaphore, #tpu.memory_space<semaphore_mem>>)
      %dma_wait3A_203 = arith.constant 0 : i32
      %dma_wait3A_204 = tpu.memref_slice %arg3[%dma_wait3A_203] : memref<327680xi32, #tpu.memory_space<hbm>> -> memref<128xi32, #tpu.memory_space<hbm>>
      %dma_wait3A_205 = arith.constant 0 : i32
      %dma_wait3A_206 = tpu.memref_slice %arg3[%dma_wait3A_205] : memref<327680xi32, #tpu.memory_space<hbm>> -> memref<128xi32, #tpu.memory_space<hbm>>
      tpu.wait_dma2 semaphore(%arg19 : memref<!tpu.dma_semaphore, #tpu.memory_space<semaphore_mem>>) src(%dma_wait3A_206 : memref<128xi32, #tpu.memory_space<hbm>>) dst(%arg7 : memref<128xi32, #tpu.memory_space<vmem>>)
      %dma_wait3A_207 = arith.constant 0 : i32
      %dma_wait3A_208 = tpu.memref_slice %arg4[%dma_wait3A_207] : memref<327680xi32, #tpu.memory_space<hbm>> -> memref<128xi32, #tpu.memory_space<hbm>>
      %dma_wait3A_209 = arith.constant 0 : i32
      %dma_wait3A_210 = tpu.memref_slice %arg4[%dma_wait3A_209] : memref<327680xi32, #tpu.memory_space<hbm>> -> memref<128xi32, #tpu.memory_space<hbm>>
      tpu.wait_dma2 semaphore(%arg19 : memref<!tpu.dma_semaphore, #tpu.memory_space<semaphore_mem>>) src(%dma_wait3A_210 : memref<128xi32, #tpu.memory_space<hbm>>) dst(%arg11 : memref<128xi32, #tpu.memory_space<vmem>>)
      %dma_start3A_211 = arith.constant 0 : i32
      %dma_start3A_212 = arith.constant 0 : i32
      %dma_start3A_213 = tpu.memref_slice %arg2[%dma_start3A_211, %dma_start3A_212] : memref<10240x128xf32, #tpu.memory_space<hbm>> -> memref<10240x128xf32, #tpu.memory_space<hbm>>
      tpu.enqueue_indirect_dma source(%dma_start3A_213 : memref<10240x128xf32, #tpu.memory_space<hbm>>) target(%arg15 : memref<128x128xf32, #tpu.memory_space<vmem>>) offsets(%arg7 : memref<128xi32, #tpu.memory_space<vmem>>) semaphore(%arg23 : memref<!tpu.dma_semaphore, #tpu.memory_space<semaphore_mem>>)
      %dma_wait3A_214 = arith.constant 0 : i32
      %dma_wait3A_215 = arith.constant 0 : i32
      %dma_wait3A_216 = tpu.memref_slice %arg2[%dma_wait3A_214, %dma_wait3A_215] : memref<10240x128xf32, #tpu.memory_space<hbm>> -> memref<10240x128xf32, #tpu.memory_space<hbm>>
      tpu.wait_indirect_dma semaphore(%arg24 : memref<!tpu.dma_semaphore, #tpu.memory_space<semaphore_mem>>) src(%dma_wait3A_216 : memref<10240x128xf32, #tpu.memory_space<hbm>>) dst(%arg16 : memref<128x128xf32, #tpu.memory_space<vmem>>)
      %dma_start3A_217 = arith.constant 0 : i32
      %dma_start3A_218 = arith.constant 0 : i32
      %dma_start3A_219 = tpu.memref_slice %arg18[%dma_start3A_217, %dma_start3A_218] : memref<10240x128xf32, #tpu.memory_space<vmem_shared>> -> memref<10240x128xf32, #tpu.memory_space<vmem_shared>>
      tpu.enqueue_indirect_dma source(%arg16 : memref<128x128xf32, #tpu.memory_space<vmem>>) target(%dma_start3A_219 : memref<10240x128xf32, #tpu.memory_space<vmem_shared>>) offsets(%arg14 : memref<128xi32, #tpu.memory_space<vmem>>) semaphore(%arg26 : memref<!tpu.dma_semaphore, #tpu.memory_space<semaphore_mem>>) {add = true}
      %add3A_220 = arith.constant 3 : i32
      %add3A_221 = arith.addi %add3A_126, %add3A_220 : i32
      %dma_wait3A_222 = arith.constant 0 : i32
      %dma_wait3A_223 = arith.constant 0 : i32
      %dma_wait3A_224 = tpu.memref_slice %arg18[%dma_wait3A_222, %dma_wait3A_223] : memref<10240x128xf32, #tpu.memory_space<vmem_shared>> -> memref<10240x128xf32, #tpu.memory_space<vmem_shared>>
      tpu.wait_indirect_dma semaphore(%arg26 : memref<!tpu.dma_semaphore, #tpu.memory_space<semaphore_mem>>) src(%arg16 : memref<128x128xf32, #tpu.memory_space<vmem>>) dst(%dma_wait3A_224 : memref<10240x128xf32, #tpu.memory_space<vmem_shared>>)
      %add3A_225 = arith.constant 2 : i32
      %add3A_226 = arith.addi %add3A_221, %add3A_225 : i32
      %mul3A_227 = arith.constant 128 : i32
      %mul3A_228 = arith.muli %add3A_226, %mul3A_227 : i32
      %add3A_229 = arith.addi %mul3A_4, %mul3A_228 : i32
      %dma_start3A_230 = tpu.memref_slice %arg3[%add3A_229] : memref<327680xi32, #tpu.memory_space<hbm>> -> memref<128xi32, #tpu.memory_space<hbm>>
      %dma_start3A_231 = tpu.memref_slice %arg3[%add3A_229] : memref<327680xi32, #tpu.memory_space<hbm>> -> memref<128xi32, #tpu.memory_space<hbm>>
      tpu.enqueue_dma source(%dma_start3A_231 : memref<128xi32, #tpu.memory_space<hbm>>) target(%arg9 : memref<128xi32, #tpu.memory_space<vmem>>) target_semaphore(%arg21 : memref<!tpu.dma_semaphore, #tpu.memory_space<semaphore_mem>>)
      %dma_start3A_232 = tpu.memref_slice %arg4[%add3A_229] : memref<327680xi32, #tpu.memory_space<hbm>> -> memref<128xi32, #tpu.memory_space<hbm>>
      %dma_start3A_233 = tpu.memref_slice %arg4[%add3A_229] : memref<327680xi32, #tpu.memory_space<hbm>> -> memref<128xi32, #tpu.memory_space<hbm>>
      tpu.enqueue_dma source(%dma_start3A_233 : memref<128xi32, #tpu.memory_space<hbm>>) target(%arg13 : memref<128xi32, #tpu.memory_space<vmem>>) target_semaphore(%arg21 : memref<!tpu.dma_semaphore, #tpu.memory_space<semaphore_mem>>)
      %dma_wait3A_234 = arith.constant 0 : i32
      %dma_wait3A_235 = tpu.memref_slice %arg3[%dma_wait3A_234] : memref<327680xi32, #tpu.memory_space<hbm>> -> memref<128xi32, #tpu.memory_space<hbm>>
      %dma_wait3A_236 = arith.constant 0 : i32
      %dma_wait3A_237 = tpu.memref_slice %arg3[%dma_wait3A_236] : memref<327680xi32, #tpu.memory_space<hbm>> -> memref<128xi32, #tpu.memory_space<hbm>>
      tpu.wait_dma2 semaphore(%arg20 : memref<!tpu.dma_semaphore, #tpu.memory_space<semaphore_mem>>) src(%dma_wait3A_237 : memref<128xi32, #tpu.memory_space<hbm>>) dst(%arg8 : memref<128xi32, #tpu.memory_space<vmem>>)
      %dma_wait3A_238 = arith.constant 0 : i32
      %dma_wait3A_239 = tpu.memref_slice %arg4[%dma_wait3A_238] : memref<327680xi32, #tpu.memory_space<hbm>> -> memref<128xi32, #tpu.memory_space<hbm>>
      %dma_wait3A_240 = arith.constant 0 : i32
      %dma_wait3A_241 = tpu.memref_slice %arg4[%dma_wait3A_240] : memref<327680xi32, #tpu.memory_space<hbm>> -> memref<128xi32, #tpu.memory_space<hbm>>
      tpu.wait_dma2 semaphore(%arg20 : memref<!tpu.dma_semaphore, #tpu.memory_space<semaphore_mem>>) src(%dma_wait3A_241 : memref<128xi32, #tpu.memory_space<hbm>>) dst(%arg12 : memref<128xi32, #tpu.memory_space<vmem>>)
      %dma_start3A_242 = arith.constant 0 : i32
      %dma_start3A_243 = arith.constant 0 : i32
      %dma_start3A_244 = tpu.memref_slice %arg2[%dma_start3A_242, %dma_start3A_243] : memref<10240x128xf32, #tpu.memory_space<hbm>> -> memref<10240x128xf32, #tpu.memory_space<hbm>>
      tpu.enqueue_indirect_dma source(%dma_start3A_244 : memref<10240x128xf32, #tpu.memory_space<hbm>>) target(%arg16 : memref<128x128xf32, #tpu.memory_space<vmem>>) offsets(%arg8 : memref<128xi32, #tpu.memory_space<vmem>>) semaphore(%arg24 : memref<!tpu.dma_semaphore, #tpu.memory_space<semaphore_mem>>)
      %dma_wait3A_245 = arith.constant 0 : i32
      %dma_wait3A_246 = arith.constant 0 : i32
      %dma_wait3A_247 = tpu.memref_slice %arg2[%dma_wait3A_245, %dma_wait3A_246] : memref<10240x128xf32, #tpu.memory_space<hbm>> -> memref<10240x128xf32, #tpu.memory_space<hbm>>
      tpu.wait_indirect_dma semaphore(%arg23 : memref<!tpu.dma_semaphore, #tpu.memory_space<semaphore_mem>>) src(%dma_wait3A_247 : memref<10240x128xf32, #tpu.memory_space<hbm>>) dst(%arg15 : memref<128x128xf32, #tpu.memory_space<vmem>>)
      %dma_start3A_248 = arith.constant 0 : i32
      %dma_start3A_249 = arith.constant 0 : i32
      %dma_start3A_250 = tpu.memref_slice %arg18[%dma_start3A_248, %dma_start3A_249] : memref<10240x128xf32, #tpu.memory_space<vmem_shared>> -> memref<10240x128xf32, #tpu.memory_space<vmem_shared>>
      tpu.enqueue_indirect_dma source(%arg15 : memref<128x128xf32, #tpu.memory_space<vmem>>) target(%dma_start3A_250 : memref<10240x128xf32, #tpu.memory_space<vmem_shared>>) offsets(%arg11 : memref<128xi32, #tpu.memory_space<vmem>>) semaphore(%arg25 : memref<!tpu.dma_semaphore, #tpu.memory_space<semaphore_mem>>) {add = true}
    }
    %scan3A_59 = arith.constant 19 : i32
    %dma_wait3A_60 = arith.constant 0 : i32
    %dma_wait3A_61 = arith.constant 0 : i32
    %dma_wait3A_62 = tpu.memref_slice %arg18[%dma_wait3A_60, %dma_wait3A_61] : memref<10240x128xf32, #tpu.memory_space<vmem_shared>> -> memref<10240x128xf32, #tpu.memory_space<vmem_shared>>
    tpu.wait_indirect_dma semaphore(%arg25 : memref<!tpu.dma_semaphore, #tpu.memory_space<semaphore_mem>>) src(%arg15 : memref<128x128xf32, #tpu.memory_space<vmem>>) dst(%dma_wait3A_62 : memref<10240x128xf32, #tpu.memory_space<vmem_shared>>)
    %add3A_63 = arith.constant 10112 : i32
    %add3A_64 = arith.addi %mul3A_4, %add3A_63 : i32
    %dma_start3A_65 = tpu.memref_slice %arg3[%add3A_64] : memref<327680xi32, #tpu.memory_space<hbm>> -> memref<128xi32, #tpu.memory_space<hbm>>
    %dma_start3A_66 = tpu.memref_slice %arg3[%add3A_64] : memref<327680xi32, #tpu.memory_space<hbm>> -> memref<128xi32, #tpu.memory_space<hbm>>
    tpu.enqueue_dma source(%dma_start3A_66 : memref<128xi32, #tpu.memory_space<hbm>>) target(%arg10 : memref<128xi32, #tpu.memory_space<vmem>>) target_semaphore(%arg22 : memref<!tpu.dma_semaphore, #tpu.memory_space<semaphore_mem>>)
    %dma_start3A_67 = tpu.memref_slice %arg4[%add3A_64] : memref<327680xi32, #tpu.memory_space<hbm>> -> memref<128xi32, #tpu.memory_space<hbm>>
    %dma_start3A_68 = tpu.memref_slice %arg4[%add3A_64] : memref<327680xi32, #tpu.memory_space<hbm>> -> memref<128xi32, #tpu.memory_space<hbm>>
    tpu.enqueue_dma source(%dma_start3A_68 : memref<128xi32, #tpu.memory_space<hbm>>) target(%arg14 : memref<128xi32, #tpu.memory_space<vmem>>) target_semaphore(%arg22 : memref<!tpu.dma_semaphore, #tpu.memory_space<semaphore_mem>>)
    %dma_wait3A_69 = arith.constant 0 : i32
    %dma_wait3A_70 = tpu.memref_slice %arg3[%dma_wait3A_69] : memref<327680xi32, #tpu.memory_space<hbm>> -> memref<128xi32, #tpu.memory_space<hbm>>
    %dma_wait3A_71 = arith.constant 0 : i32
    %dma_wait3A_72 = tpu.memref_slice %arg3[%dma_wait3A_71] : memref<327680xi32, #tpu.memory_space<hbm>> -> memref<128xi32, #tpu.memory_space<hbm>>
    tpu.wait_dma2 semaphore(%arg21 : memref<!tpu.dma_semaphore, #tpu.memory_space<semaphore_mem>>) src(%dma_wait3A_72 : memref<128xi32, #tpu.memory_space<hbm>>) dst(%arg9 : memref<128xi32, #tpu.memory_space<vmem>>)
    %dma_wait3A_73 = arith.constant 0 : i32
    %dma_wait3A_74 = tpu.memref_slice %arg4[%dma_wait3A_73] : memref<327680xi32, #tpu.memory_space<hbm>> -> memref<128xi32, #tpu.memory_space<hbm>>
    %dma_wait3A_75 = arith.constant 0 : i32
    %dma_wait3A_76 = tpu.memref_slice %arg4[%dma_wait3A_75] : memref<327680xi32, #tpu.memory_space<hbm>> -> memref<128xi32, #tpu.memory_space<hbm>>
    tpu.wait_dma2 semaphore(%arg21 : memref<!tpu.dma_semaphore, #tpu.memory_space<semaphore_mem>>) src(%dma_wait3A_76 : memref<128xi32, #tpu.memory_space<hbm>>) dst(%arg13 : memref<128xi32, #tpu.memory_space<vmem>>)
    %dma_start3A_77 = arith.constant 0 : i32
    %dma_start3A_78 = arith.constant 0 : i32
    %dma_start3A_79 = tpu.memref_slice %arg2[%dma_start3A_77, %dma_start3A_78] : memref<10240x128xf32, #tpu.memory_space<hbm>> -> memref<10240x128xf32, #tpu.memory_space<hbm>>
    tpu.enqueue_indirect_dma source(%dma_start3A_79 : memref<10240x128xf32, #tpu.memory_space<hbm>>) target(%arg15 : memref<128x128xf32, #tpu.memory_space<vmem>>) offsets(%arg9 : memref<128xi32, #tpu.memory_space<vmem>>) semaphore(%arg23 : memref<!tpu.dma_semaphore, #tpu.memory_space<semaphore_mem>>)
    %dma_wait3A_80 = arith.constant 0 : i32
    %dma_wait3A_81 = arith.constant 0 : i32
    %dma_wait3A_82 = tpu.memref_slice %arg2[%dma_wait3A_80, %dma_wait3A_81] : memref<10240x128xf32, #tpu.memory_space<hbm>> -> memref<10240x128xf32, #tpu.memory_space<hbm>>
    tpu.wait_indirect_dma semaphore(%arg24 : memref<!tpu.dma_semaphore, #tpu.memory_space<semaphore_mem>>) src(%dma_wait3A_82 : memref<10240x128xf32, #tpu.memory_space<hbm>>) dst(%arg16 : memref<128x128xf32, #tpu.memory_space<vmem>>)
    %dma_start3A_83 = arith.constant 0 : i32
    %dma_start3A_84 = arith.constant 0 : i32
    %dma_start3A_85 = tpu.memref_slice %arg18[%dma_start3A_83, %dma_start3A_84] : memref<10240x128xf32, #tpu.memory_space<vmem_shared>> -> memref<10240x128xf32, #tpu.memory_space<vmem_shared>>
    tpu.enqueue_indirect_dma source(%arg16 : memref<128x128xf32, #tpu.memory_space<vmem>>) target(%dma_start3A_85 : memref<10240x128xf32, #tpu.memory_space<vmem_shared>>) offsets(%arg12 : memref<128xi32, #tpu.memory_space<vmem>>) semaphore(%arg26 : memref<!tpu.dma_semaphore, #tpu.memory_space<semaphore_mem>>) {add = true}
    %dma_wait3A_86 = arith.constant 0 : i32
    %dma_wait3A_87 = arith.constant 0 : i32
    %dma_wait3A_88 = tpu.memref_slice %arg18[%dma_wait3A_86, %dma_wait3A_87] : memref<10240x128xf32, #tpu.memory_space<vmem_shared>> -> memref<10240x128xf32, #tpu.memory_space<vmem_shared>>
    tpu.wait_indirect_dma semaphore(%arg26 : memref<!tpu.dma_semaphore, #tpu.memory_space<semaphore_mem>>) src(%arg16 : memref<128x128xf32, #tpu.memory_space<vmem>>) dst(%dma_wait3A_88 : memref<10240x128xf32, #tpu.memory_space<vmem_shared>>)
    %dma_wait3A_89 = arith.constant 0 : i32
    %dma_wait3A_90 = tpu.memref_slice %arg3[%dma_wait3A_89] : memref<327680xi32, #tpu.memory_space<hbm>> -> memref<128xi32, #tpu.memory_space<hbm>>
    %dma_wait3A_91 = arith.constant 0 : i32
    %dma_wait3A_92 = tpu.memref_slice %arg3[%dma_wait3A_91] : memref<327680xi32, #tpu.memory_space<hbm>> -> memref<128xi32, #tpu.memory_space<hbm>>
    tpu.wait_dma2 semaphore(%arg22 : memref<!tpu.dma_semaphore, #tpu.memory_space<semaphore_mem>>) src(%dma_wait3A_92 : memref<128xi32, #tpu.memory_space<hbm>>) dst(%arg10 : memref<128xi32, #tpu.memory_space<vmem>>)
    %dma_wait3A_93 = arith.constant 0 : i32
    %dma_wait3A_94 = tpu.memref_slice %arg4[%dma_wait3A_93] : memref<327680xi32, #tpu.memory_space<hbm>> -> memref<128xi32, #tpu.memory_space<hbm>>
    %dma_wait3A_95 = arith.constant 0 : i32
    %dma_wait3A_96 = tpu.memref_slice %arg4[%dma_wait3A_95] : memref<327680xi32, #tpu.memory_space<hbm>> -> memref<128xi32, #tpu.memory_space<hbm>>
    tpu.wait_dma2 semaphore(%arg22 : memref<!tpu.dma_semaphore, #tpu.memory_space<semaphore_mem>>) src(%dma_wait3A_96 : memref<128xi32, #tpu.memory_space<hbm>>) dst(%arg14 : memref<128xi32, #tpu.memory_space<vmem>>)
    %dma_start3A_97 = arith.constant 0 : i32
    %dma_start3A_98 = arith.constant 0 : i32
    %dma_start3A_99 = tpu.memref_slice %arg2[%dma_start3A_97, %dma_start3A_98] : memref<10240x128xf32, #tpu.memory_space<hbm>> -> memref<10240x128xf32, #tpu.memory_space<hbm>>
    tpu.enqueue_indirect_dma source(%dma_start3A_99 : memref<10240x128xf32, #tpu.memory_space<hbm>>) target(%arg16 : memref<128x128xf32, #tpu.memory_space<vmem>>) offsets(%arg10 : memref<128xi32, #tpu.memory_space<vmem>>) semaphore(%arg24 : memref<!tpu.dma_semaphore, #tpu.memory_space<semaphore_mem>>)
    %dma_wait3A_100 = arith.constant 0 : i32
    %dma_wait3A_101 = arith.constant 0 : i32
    %dma_wait3A_102 = tpu.memref_slice %arg2[%dma_wait3A_100, %dma_wait3A_101] : memref<10240x128xf32, #tpu.memory_space<hbm>> -> memref<10240x128xf32, #tpu.memory_space<hbm>>
    tpu.wait_indirect_dma semaphore(%arg23 : memref<!tpu.dma_semaphore, #tpu.memory_space<semaphore_mem>>) src(%dma_wait3A_102 : memref<10240x128xf32, #tpu.memory_space<hbm>>) dst(%arg15 : memref<128x128xf32, #tpu.memory_space<vmem>>)
    %dma_start3A_103 = arith.constant 0 : i32
    %dma_start3A_104 = arith.constant 0 : i32
    %dma_start3A_105 = tpu.memref_slice %arg18[%dma_start3A_103, %dma_start3A_104] : memref<10240x128xf32, #tpu.memory_space<vmem_shared>> -> memref<10240x128xf32, #tpu.memory_space<vmem_shared>>
    tpu.enqueue_indirect_dma source(%arg15 : memref<128x128xf32, #tpu.memory_space<vmem>>) target(%dma_start3A_105 : memref<10240x128xf32, #tpu.memory_space<vmem_shared>>) offsets(%arg13 : memref<128xi32, #tpu.memory_space<vmem>>) semaphore(%arg25 : memref<!tpu.dma_semaphore, #tpu.memory_space<semaphore_mem>>) {add = true}
    %dma_wait3A_106 = arith.constant 0 : i32
    %dma_wait3A_107 = arith.constant 0 : i32
    %dma_wait3A_108 = tpu.memref_slice %arg18[%dma_wait3A_106, %dma_wait3A_107] : memref<10240x128xf32, #tpu.memory_space<vmem_shared>> -> memref<10240x128xf32, #tpu.memory_space<vmem_shared>>
    tpu.wait_indirect_dma semaphore(%arg25 : memref<!tpu.dma_semaphore, #tpu.memory_space<semaphore_mem>>) src(%arg15 : memref<128x128xf32, #tpu.memory_space<vmem>>) dst(%dma_wait3A_108 : memref<10240x128xf32, #tpu.memory_space<vmem_shared>>)
    %dma_wait3A_109 = arith.constant 0 : i32
    %dma_wait3A_110 = arith.constant 0 : i32
    %dma_wait3A_111 = tpu.memref_slice %arg2[%dma_wait3A_109, %dma_wait3A_110] : memref<10240x128xf32, #tpu.memory_space<hbm>> -> memref<10240x128xf32, #tpu.memory_space<hbm>>
    tpu.wait_indirect_dma semaphore(%arg24 : memref<!tpu.dma_semaphore, #tpu.memory_space<semaphore_mem>>) src(%dma_wait3A_111 : memref<10240x128xf32, #tpu.memory_space<hbm>>) dst(%arg16 : memref<128x128xf32, #tpu.memory_space<vmem>>)
    %dma_start3A_112 = arith.constant 0 : i32
    %dma_start3A_113 = arith.constant 0 : i32
    %dma_start3A_114 = tpu.memref_slice %arg18[%dma_start3A_112, %dma_start3A_113] : memref<10240x128xf32, #tpu.memory_space<vmem_shared>> -> memref<10240x128xf32, #tpu.memory_space<vmem_shared>>
    tpu.enqueue_indirect_dma source(%arg16 : memref<128x128xf32, #tpu.memory_space<vmem>>) target(%dma_start3A_114 : memref<10240x128xf32, #tpu.memory_space<vmem_shared>>) offsets(%arg14 : memref<128xi32, #tpu.memory_space<vmem>>) semaphore(%arg26 : memref<!tpu.dma_semaphore, #tpu.memory_space<semaphore_mem>>) {add = true}
    %dma_wait3A_115 = arith.constant 0 : i32
    %dma_wait3A_116 = arith.constant 0 : i32
    %dma_wait3A_117 = tpu.memref_slice %arg18[%dma_wait3A_115, %dma_wait3A_116] : memref<10240x128xf32, #tpu.memory_space<vmem_shared>> -> memref<10240x128xf32, #tpu.memory_space<vmem_shared>>
    tpu.wait_indirect_dma semaphore(%arg26 : memref<!tpu.dma_semaphore, #tpu.memory_space<semaphore_mem>>) src(%arg16 : memref<128x128xf32, #tpu.memory_space<vmem>>) dst(%dma_wait3A_117 : memref<10240x128xf32, #tpu.memory_space<vmem_shared>>)
    %barrier3A_118 = arith.constant 0 : index
    tpu.barrier barrier_id(%barrier3A_118)
    %mul3A_119 = arith.constant 10240 : i32
    %mul3A_120 = arith.muli %arg0, %mul3A_119 : i32
    %add3A_121 = arith.addi %mul3A_120, %mul3A_2 : i32
    "tpu.region"() ({
      %run_scoped3A = tpu.sem_alloc : memref<!tpu.dma_semaphore, #tpu.memory_space<semaphore_mem>>
      %dma_start3A_122 = arith.constant 0 : i32
      %dma_start3A_123 = tpu.memref_slice %arg6[%add3A_121, %dma_start3A_122] : memref<20480x128xf32, #tpu.memory_space<hbm>> -> memref<640x128xf32, #tpu.memory_space<hbm>>
      %dma_start3A_124 = arith.constant 0 : i32
      %dma_start3A_125 = tpu.memref_slice %arg18[%mul3A_2, %dma_start3A_124] : memref<10240x128xf32, #tpu.memory_space<vmem_shared>> -> memref<640x128xf32, #tpu.memory_space<vmem_shared>>
      tpu.enqueue_dma source(%dma_start3A_125 : memref<640x128xf32, #tpu.memory_space<vmem_shared>>) target(%dma_start3A_123 : memref<640x128xf32, #tpu.memory_space<hbm>>) target_semaphore(%run_scoped3A : memref<!tpu.dma_semaphore, #tpu.memory_space<semaphore_mem>>)
      %dma_wait3A_126 = arith.constant 0 : i32
      %dma_wait3A_127 = tpu.memref_slice %arg6[%add3A_121, %dma_wait3A_126] : memref<20480x128xf32, #tpu.memory_space<hbm>> -> memref<640x128xf32, #tpu.memory_space<hbm>>
      %dma_wait3A_128 = arith.constant 0 : i32
      %dma_wait3A_129 = tpu.memref_slice %arg18[%mul3A_2, %dma_wait3A_128] : memref<10240x128xf32, #tpu.memory_space<vmem_shared>> -> memref<640x128xf32, #tpu.memory_space<vmem_shared>>
      tpu.wait_dma2 semaphore(%run_scoped3A : memref<!tpu.dma_semaphore, #tpu.memory_space<semaphore_mem>>) src(%dma_wait3A_129 : memref<640x128xf32, #tpu.memory_space<vmem_shared>>) dst(%dma_wait3A_127 : memref<640x128xf32, #tpu.memory_space<hbm>>)
      tpu.yield
    }) : () -> ()
    return
  }
}

module attributes {stable_mosaic.version = 14 : i64} {
  func.func @_mlp_body(%arg0: i32, %arg1: memref<1024x128xf32, #tpu.memory_space<vmem>>, %arg2: memref<2x1024x128xf32, #tpu.memory_space<vmem>>, %arg3: memref<128x128xf32, #tpu.memory_space<vmem>>, %arg4: memref<1x128xf32, #tpu.memory_space<vmem>>, %arg5: memref<128x128xf32, #tpu.memory_space<vmem>>, %arg6: memref<1x128xf32, #tpu.memory_space<vmem>>, %arg7: memref<1x128xf32, #tpu.memory_space<vmem>>, %arg8: memref<1x128xf32, #tpu.memory_space<vmem>>, %arg9: memref<1x128xf32, #tpu.memory_space<vmem>>, %arg10: memref<1024x128xf32, #tpu.memory_space<vmem>>) attributes {dimension_semantics = [#tpu.dimension_semantics<arbitrary>], iteration_bounds = array<i64: 10>, scalar_prefetch = 0 : i64, scratch_operands = 0 : i64, tpu.core_type = #tpu.core_type<tc>, window_params = [{transform_indices = @transform_0, window_bounds = array<i64: 1024, 128>}, {transform_indices = @transform_1, window_bounds = array<i64: 2, 1024, 128>}, {pipeline_mode = #tpu.pipeline_mode<synchronous>, transform_indices = @transform_2, window_bounds = array<i64: 128, 128>}, {pipeline_mode = #tpu.pipeline_mode<synchronous>, transform_indices = @transform_3, window_bounds = array<i64: 1, 128>}, {pipeline_mode = #tpu.pipeline_mode<synchronous>, transform_indices = @transform_4, window_bounds = array<i64: 128, 128>}, {pipeline_mode = #tpu.pipeline_mode<synchronous>, transform_indices = @transform_5, window_bounds = array<i64: 1, 128>}, {pipeline_mode = #tpu.pipeline_mode<synchronous>, transform_indices = @transform_6, window_bounds = array<i64: 1, 128>}, {pipeline_mode = #tpu.pipeline_mode<synchronous>, transform_indices = @transform_7, window_bounds = array<i64: 1, 128>}, {pipeline_mode = #tpu.pipeline_mode<synchronous>, transform_indices = @transform_8, window_bounds = array<i64: 1, 128>}, {transform_indices = @transform_9, window_bounds = array<i64: 1024, 128>}]} {
    %get3A = arith.constant 0 : index
    %get3A_0 = arith.constant 0 : index
    %get3A_1 = vector.load %arg1[%get3A, %get3A_0] : memref<1024x128xf32, #tpu.memory_space<vmem>>, vector<1024x128xf32>
    %get3A_2 = arith.constant 0 : index
    %get3A_3 = arith.constant 0 : index
    %get3A_4 = arith.constant 0 : index
    %get3A_5 = vector.load %arg2[%get3A_2, %get3A_3, %get3A_4] : memref<2x1024x128xf32, #tpu.memory_space<vmem>>, vector<1x1024x128xf32>
    %get3A_6 = vector.shape_cast %get3A_5 : vector<1x1024x128xf32> to vector<1024x128xf32>
    %get3A_7 = arith.constant 1 : index
    %get3A_8 = arith.constant 0 : index
    %get3A_9 = arith.constant 0 : index
    %get3A_10 = vector.load %arg2[%get3A_7, %get3A_8, %get3A_9] : memref<2x1024x128xf32, #tpu.memory_space<vmem>>, vector<1x1024x128xf32>
    %get3A_11 = vector.shape_cast %get3A_10 : vector<1x1024x128xf32> to vector<1024x128xf32>
    %add3A = arith.addf %get3A_6, %get3A_11 : vector<1024x128xf32>
    %add3A_12 = arith.addf %get3A_1, %add3A : vector<1024x128xf32>
    %get3A_13 = arith.constant 0 : index
    %get3A_14 = arith.constant 0 : index
    %get3A_15 = vector.load %arg3[%get3A_13, %get3A_14] : memref<128x128xf32, #tpu.memory_space<vmem>>, vector<128x128xf32>
    %dot_general3A = arith.constant dense<0.000000e+00> : vector<1024x128xf32>
    %dot_general3A_16 = tpu.matmul %add3A_12, %get3A_15, %dot_general3A {dimension_numbers = #tpu.dot_dimension_numbers<[1], [0], [0], [1], [0, 0, 1, 1], [], []>, transpose_lhs_hint = false} : vector<1024x128xf32>, vector<128x128xf32>, vector<1024x128xf32> -> vector<1024x128xf32>
    %get3A_17 = arith.constant 0 : index
    %get3A_18 = arith.constant 0 : index
    %get3A_19 = vector.load %arg4[%get3A_17, %get3A_18] : memref<1x128xf32, #tpu.memory_space<vmem>>, vector<1x128xf32>
    %add3A_20 = vector.broadcast %get3A_19 : vector<1x128xf32> to vector<1024x128xf32>
    %add3A_21 = arith.addf %dot_general3A_16, %add3A_20 : vector<1024x128xf32>
    %max3A = arith.constant 0.000000e+00 : f32
    %max3A_22 = vector.broadcast %max3A : f32 to vector<1024x128xf32>
    %max3A_23 = arith.maximumf %add3A_21, %max3A_22 : vector<1024x128xf32>
    %get3A_24 = arith.constant 0 : index
    %get3A_25 = arith.constant 0 : index
    %get3A_26 = vector.load %arg5[%get3A_24, %get3A_25] : memref<128x128xf32, #tpu.memory_space<vmem>>, vector<128x128xf32>
    %dot_general3A_27 = arith.constant dense<0.000000e+00> : vector<1024x128xf32>
    %dot_general3A_28 = tpu.matmul %max3A_23, %get3A_26, %dot_general3A_27 {dimension_numbers = #tpu.dot_dimension_numbers<[1], [0], [0], [1], [0, 0, 1, 1], [], []>, transpose_lhs_hint = false} : vector<1024x128xf32>, vector<128x128xf32>, vector<1024x128xf32> -> vector<1024x128xf32>
    %get3A_29 = arith.constant 0 : index
    %get3A_30 = arith.constant 0 : index
    %get3A_31 = vector.load %arg6[%get3A_29, %get3A_30] : memref<1x128xf32, #tpu.memory_space<vmem>>, vector<1x128xf32>
    %add3A_32 = vector.broadcast %get3A_31 : vector<1x128xf32> to vector<1024x128xf32>
    %add3A_33 = arith.addf %dot_general3A_28, %add3A_32 : vector<1024x128xf32>
    %max3A_34 = arith.constant 0.000000e+00 : f32
    %max3A_35 = vector.broadcast %max3A_34 : f32 to vector<1024x128xf32>
    %max3A_36 = arith.maximumf %add3A_33, %max3A_35 : vector<1024x128xf32>
    %get3A_37 = arith.constant 0 : index
    %get3A_38 = arith.constant 0 : index
    %get3A_39 = vector.load %arg7[%get3A_37, %get3A_38] : memref<1x128xf32, #tpu.memory_space<vmem>>, vector<1x128xf32>
    %get3A_40 = arith.constant 0 : index
    %get3A_41 = arith.constant 0 : index
    %get3A_42 = vector.load %arg8[%get3A_40, %get3A_41] : memref<1x128xf32, #tpu.memory_space<vmem>>, vector<1x128xf32>
    %div3A = vector.broadcast %get3A_42 : vector<1x128xf32> to vector<1024x128xf32>
    %div3A_43 = arith.divf %max3A_36, %div3A : vector<1024x128xf32>
    %mul3A = vector.broadcast %get3A_39 : vector<1x128xf32> to vector<1024x128xf32>
    %mul3A_44 = arith.mulf %mul3A, %div3A_43 : vector<1024x128xf32>
    %get3A_45 = arith.constant 0 : index
    %get3A_46 = arith.constant 0 : index
    %get3A_47 = vector.load %arg9[%get3A_45, %get3A_46] : memref<1x128xf32, #tpu.memory_space<vmem>>, vector<1x128xf32>
    %add3A_48 = vector.broadcast %get3A_47 : vector<1x128xf32> to vector<1024x128xf32>
    %add3A_49 = arith.addf %mul3A_44, %add3A_48 : vector<1024x128xf32>
    %swap3A = arith.constant 0 : index
    %swap3A_50 = arith.constant 0 : index
    %swap3A_51 = vector.load %arg10[%swap3A, %swap3A_50] : memref<1024x128xf32, #tpu.memory_space<vmem>>, vector<1024x128xf32>
    tpu.vector_store %arg10[%swap3A, %swap3A_50], %add3A_49 {strides = array<i32>} : memref<1024x128xf32, #tpu.memory_space<vmem>>, vector<1024x128xf32>,
    return
  }
  func.func @transform_0(%arg0: i32) -> (i32, i32) {
    %c0_i32 = arith.constant 0 : i32
    %c0_i32_0 = arith.constant 0 : i32
    return %arg0, %c0_i32 : i32, i32
  }
  func.func @transform_1(%arg0: i32) -> (i32, i32, i32) {
    %c0_i32 = arith.constant 0 : i32
    %c0_i32_0 = arith.constant 0 : i32
    %c0_i32_1 = arith.constant 0 : i32
    return %c0_i32, %arg0, %c0_i32_0 : i32, i32, i32
  }
  func.func @transform_2(%arg0: i32) -> (i32, i32) {
    %c0_i32 = arith.constant 0 : i32
    %c0_i32_0 = arith.constant 0 : i32
    %c0_i32_1 = arith.constant 0 : i32
    return %c0_i32, %c0_i32_0 : i32, i32
  }
  func.func @transform_3(%arg0: i32) -> (i32, i32) {
    %c0_i32 = arith.constant 0 : i32
    %c0_i32_0 = arith.constant 0 : i32
    %c0_i32_1 = arith.constant 0 : i32
    return %c0_i32, %c0_i32_0 : i32, i32
  }
  func.func @transform_4(%arg0: i32) -> (i32, i32) {
    %c0_i32 = arith.constant 0 : i32
    %c0_i32_0 = arith.constant 0 : i32
    %c0_i32_1 = arith.constant 0 : i32
    return %c0_i32, %c0_i32_0 : i32, i32
  }
  func.func @transform_5(%arg0: i32) -> (i32, i32) {
    %c0_i32 = arith.constant 0 : i32
    %c0_i32_0 = arith.constant 0 : i32
    %c0_i32_1 = arith.constant 0 : i32
    return %c0_i32, %c0_i32_0 : i32, i32
  }
  func.func @transform_6(%arg0: i32) -> (i32, i32) {
    %c0_i32 = arith.constant 0 : i32
    %c0_i32_0 = arith.constant 0 : i32
    %c0_i32_1 = arith.constant 0 : i32
    return %c0_i32, %c0_i32_0 : i32, i32
  }
  func.func @transform_7(%arg0: i32) -> (i32, i32) {
    %c0_i32 = arith.constant 0 : i32
    %c0_i32_0 = arith.constant 0 : i32
    %c0_i32_1 = arith.constant 0 : i32
    return %c0_i32, %c0_i32_0 : i32, i32
  }
  func.func @transform_8(%arg0: i32) -> (i32, i32) {
    %c0_i32 = arith.constant 0 : i32
    %c0_i32_0 = arith.constant 0 : i32
    %c0_i32_1 = arith.constant 0 : i32
    return %c0_i32, %c0_i32_0 : i32, i32
  }
  func.func @transform_9(%arg0: i32) -> (i32, i32) {
    %c0_i32 = arith.constant 0 : i32
    %c0_i32_0 = arith.constant 0 : i32
    return %arg0, %c0_i32 : i32, i32
  }
}

module attributes {stable_mosaic.version = 14 : i64} {
  func.func @_pool_body(%arg0: i32, %arg1: memref<1024x128xf32, #tpu.memory_space<vmem>>, %arg2: memref<1024x128xf32, #tpu.memory_space<vmem>>, %arg3: memref<1024x128xf32, #tpu.memory_space<vmem>>, %arg4: memref<1x1x1024xi32, #tpu.memory_space<vmem>>, %arg5: memref<384x128xf32, #tpu.memory_space<vmem>>, %arg6: memref<1x128xf32, #tpu.memory_space<vmem>>, %arg7: memref<128x128xf32, #tpu.memory_space<vmem>>, %arg8: memref<1x128xf32, #tpu.memory_space<vmem>>, %arg9: memref<64x128xf32, #tpu.memory_space<vmem>>, %arg10: memref<64x384xf32, #tpu.memory_space<vmem>>, %arg11: memref<64x128xf32, #tpu.memory_space<vmem>>) attributes {dimension_semantics = [#tpu.dimension_semantics<arbitrary>], iteration_bounds = array<i64: 10>, scalar_prefetch = 0 : i64, scratch_operands = 2 : i64, tpu.core_type = #tpu.core_type<tc>, window_params = [{transform_indices = @transform_0, window_bounds = array<i64: 1024, 128>}, {transform_indices = @transform_1, window_bounds = array<i64: 1024, 128>}, {transform_indices = @transform_2, window_bounds = array<i64: 1024, 128>}, {transform_indices = @transform_3, window_bounds = array<i64: 1, 1, 1024>}, {pipeline_mode = #tpu.pipeline_mode<synchronous>, transform_indices = @transform_4, window_bounds = array<i64: 384, 128>}, {pipeline_mode = #tpu.pipeline_mode<synchronous>, transform_indices = @transform_5, window_bounds = array<i64: 1, 128>}, {pipeline_mode = #tpu.pipeline_mode<synchronous>, transform_indices = @transform_6, window_bounds = array<i64: 128, 128>}, {pipeline_mode = #tpu.pipeline_mode<synchronous>, transform_indices = @transform_7, window_bounds = array<i64: 1, 128>}, {pipeline_mode = #tpu.pipeline_mode<synchronous>, transform_indices = @transform_8, window_bounds = array<i64: 64, 128>}]} {
    %eq3A = arith.constant 0 : i32
    %eq3A_0 = arith.cmpi eq, %arg0, %eq3A : i32
    %convert_element_type3A = arith.extui %eq3A_0 : i1 to i32
    %cond3A = arith.constant 0 : i32
    %cond3A_1 = arith.cmpi ne, %convert_element_type3A, %cond3A : i32
    scf.if %cond3A_1 {
      %broadcast_in_dim3A_59 = arith.constant 0.000000e+00 : f32
      %broadcast_in_dim3A_60 = vector.broadcast %broadcast_in_dim3A_59 : f32 to vector<64x384xf32>
      %swap3A_61 = arith.constant 0 : index
      %swap3A_62 = arith.constant 0 : index
      %swap3A_63 = vector.load %arg10[%swap3A_61, %swap3A_62] : memref<64x384xf32, #tpu.memory_space<vmem>>, vector<64x384xf32>
      tpu.vector_store %arg10[%swap3A_61, %swap3A_62], %broadcast_in_dim3A_60 {strides = array<i32>} : memref<64x384xf32, #tpu.memory_space<vmem>>, vector<64x384xf32>,
      %broadcast_in_dim3A_64 = arith.constant 0.000000e+00 : f32
      %broadcast_in_dim3A_65 = vector.broadcast %broadcast_in_dim3A_64 : f32 to vector<64x128xf32>
      %swap3A_66 = arith.constant 0 : index
      %swap3A_67 = arith.constant 0 : index
      %swap3A_68 = vector.load %arg11[%swap3A_66, %swap3A_67] : memref<64x128xf32, #tpu.memory_space<vmem>>, vector<64x128xf32>
      tpu.vector_store %arg11[%swap3A_66, %swap3A_67], %broadcast_in_dim3A_65 {strides = array<i32>} : memref<64x128xf32, #tpu.memory_space<vmem>>, vector<64x128xf32>,
    } else {
    }
    %get3A = arith.constant 0 : index
    %get3A_2 = arith.constant 0 : index
    %get3A_3 = arith.constant 0 : index
    %get3A_4 = vector.load %arg4[%get3A, %get3A_2, %get3A_3] : memref<1x1x1024xi32, #tpu.memory_space<vmem>>, vector<1x1x1024xi32>
    %get3A_5 = vector.shape_cast %get3A_4 : vector<1x1x1024xi32> to vector<1024xi32>
    %iota3A = tpu.iota {dimensions = array<i32: 0>} : vector<64x1024xi32>
    %broadcast_in_dim3A = vector.shape_cast %get3A_5 : vector<1024xi32> to vector<1x1024xi32>
    %eq3A_6 = vector.broadcast %broadcast_in_dim3A : vector<1x1024xi32> to vector<64x1024xi32>
    %eq3A_7 = arith.cmpi eq, %iota3A, %eq3A_6 : vector<64x1024xi32>
    %convert_element_type3A_8 = arith.extui %eq3A_7 : vector<64x1024xi1> to vector<64x1024xi32>
    %convert_element_type3A_9 = arith.sitofp %convert_element_type3A_8 : vector<64x1024xi32> to vector<64x1024xf32>
    %get3A_10 = arith.constant 0 : index
    %get3A_11 = arith.constant 0 : index
    %get3A_12 = vector.load %arg10[%get3A_10, %get3A_11] : memref<64x384xf32, #tpu.memory_space<vmem>>, vector<64x128xf32>
    %get3A_13 = arith.constant 0 : index
    %get3A_14 = arith.constant 0 : index
    %get3A_15 = vector.load %arg1[%get3A_13, %get3A_14] : memref<1024x128xf32, #tpu.memory_space<vmem>>, vector<1024x128xf32>
    %dot_general3A = arith.constant dense<0.000000e+00> : vector<64x128xf32>
    %dot_general3A_16 = tpu.matmul %convert_element_type3A_9, %get3A_15, %dot_general3A {dimension_numbers = #tpu.dot_dimension_numbers<[1], [0], [0], [1], [0, 0, 1, 1], [], []>, transpose_lhs_hint = false} : vector<64x1024xf32>, vector<1024x128xf32>, vector<64x128xf32> -> vector<64x128xf32>
    %add3A = arith.addf %get3A_12, %dot_general3A_16 : vector<64x128xf32>
    %swap3A = arith.constant 0 : index
    %swap3A_17 = arith.constant 0 : index
    %swap3A_18 = vector.load %arg10[%swap3A, %swap3A_17] : memref<64x384xf32, #tpu.memory_space<vmem>>, vector<64x128xf32>
    tpu.vector_store %arg10[%swap3A, %swap3A_17], %add3A {strides = array<i32>} : memref<64x384xf32, #tpu.memory_space<vmem>>, vector<64x128xf32>,
    %get3A_19 = arith.constant 0 : index
    %get3A_20 = arith.constant 128 : index
    %get3A_21 = vector.load %arg10[%get3A_19, %get3A_20] : memref<64x384xf32, #tpu.memory_space<vmem>>, vector<64x128xf32>
    %get3A_22 = arith.constant 0 : index
    %get3A_23 = arith.constant 0 : index
    %get3A_24 = vector.load %arg2[%get3A_22, %get3A_23] : memref<1024x128xf32, #tpu.memory_space<vmem>>, vector<1024x128xf32>
    %dot_general3A_25 = arith.constant dense<0.000000e+00> : vector<64x128xf32>
    %dot_general3A_26 = tpu.matmul %convert_element_type3A_9, %get3A_24, %dot_general3A_25 {dimension_numbers = #tpu.dot_dimension_numbers<[1], [0], [0], [1], [0, 0, 1, 1], [], []>, transpose_lhs_hint = false} : vector<64x1024xf32>, vector<1024x128xf32>, vector<64x128xf32> -> vector<64x128xf32>
    %add3A_27 = arith.addf %get3A_21, %dot_general3A_26 : vector<64x128xf32>
    %swap3A_28 = arith.constant 0 : index
    %swap3A_29 = arith.constant 128 : index
    %swap3A_30 = vector.load %arg10[%swap3A_28, %swap3A_29] : memref<64x384xf32, #tpu.memory_space<vmem>>, vector<64x128xf32>
    tpu.vector_store %arg10[%swap3A_28, %swap3A_29], %add3A_27 {strides = array<i32>} : memref<64x384xf32, #tpu.memory_space<vmem>>, vector<64x128xf32>,
    %get3A_31 = arith.constant 0 : index
    %get3A_32 = arith.constant 256 : index
    %get3A_33 = vector.load %arg10[%get3A_31, %get3A_32] : memref<64x384xf32, #tpu.memory_space<vmem>>, vector<64x128xf32>
    %get3A_34 = arith.constant 0 : index
    %get3A_35 = arith.constant 0 : index
    %get3A_36 = vector.load %arg3[%get3A_34, %get3A_35] : memref<1024x128xf32, #tpu.memory_space<vmem>>, vector<1024x128xf32>
    %dot_general3A_37 = arith.constant dense<0.000000e+00> : vector<64x128xf32>
    %dot_general3A_38 = tpu.matmul %convert_element_type3A_9, %get3A_36, %dot_general3A_37 {dimension_numbers = #tpu.dot_dimension_numbers<[1], [0], [0], [1], [0, 0, 1, 1], [], []>, transpose_lhs_hint = false} : vector<64x1024xf32>, vector<1024x128xf32>, vector<64x128xf32> -> vector<64x128xf32>
    %add3A_39 = arith.addf %get3A_33, %dot_general3A_38 : vector<64x128xf32>
    %swap3A_40 = arith.constant 0 : index
    %swap3A_41 = arith.constant 256 : index
    %swap3A_42 = vector.load %arg10[%swap3A_40, %swap3A_41] : memref<64x384xf32, #tpu.memory_space<vmem>>, vector<64x128xf32>
    tpu.vector_store %arg10[%swap3A_40, %swap3A_41], %add3A_39 {strides = array<i32>} : memref<64x384xf32, #tpu.memory_space<vmem>>, vector<64x128xf32>,
    %get3A_43 = arith.constant 0 : index
    %get3A_44 = arith.constant 0 : index
    %get3A_45 = vector.load %arg11[%get3A_43, %get3A_44] : memref<64x128xf32, #tpu.memory_space<vmem>>, vector<64x128xf32>
    %reduce_sum3A = arith.constant dense<0.000000e+00> : vector<64xf32>
    %reduce_sum3A_46 = vector.multi_reduction <add>, %convert_element_type3A_9, %reduce_sum3A [1] : vector<64x1024xf32> to vector<64xf32>
    %broadcast_in_dim3A_47 = vector.shape_cast %reduce_sum3A_46 : vector<64xf32> to vector<64x1xf32>
    %broadcast_in_dim3A_48 = vector.shape_cast %broadcast_in_dim3A_47 : vector<64x1xf32> to vector<64x1xf32>
    %broadcast_in_dim3A_49 = vector.broadcast %broadcast_in_dim3A_48 : vector<64x1xf32> to vector<64x128xf32>
    %add3A_50 = arith.addf %get3A_45, %broadcast_in_dim3A_49 : vector<64x128xf32>
    %swap3A_51 = arith.constant 0 : index
    %swap3A_52 = arith.constant 0 : index
    %swap3A_53 = vector.load %arg11[%swap3A_51, %swap3A_52] : memref<64x128xf32, #tpu.memory_space<vmem>>, vector<64x128xf32>
    tpu.vector_store %arg11[%swap3A_51, %swap3A_52], %add3A_50 {strides = array<i32>} : memref<64x128xf32, #tpu.memory_space<vmem>>, vector<64x128xf32>,
    %eq3A_54 = arith.constant 9 : i32
    %eq3A_55 = arith.cmpi eq, %arg0, %eq3A_54 : i32
    %convert_element_type3A_56 = arith.extui %eq3A_55 : i1 to i32
    %cond3A_57 = arith.constant 0 : i32
    %cond3A_58 = arith.cmpi ne, %convert_element_type3A_56, %cond3A_57 : i32
    scf.if %cond3A_58 {
      %get3A_59 = arith.constant 0 : index
      %get3A_60 = arith.constant 0 : index
      %get3A_61 = vector.load %arg11[%get3A_59, %get3A_60] : memref<64x128xf32, #tpu.memory_space<vmem>>, vector<64x128xf32>
      %max3A = arith.constant 1.000000e+00 : f32
      %max3A_62 = vector.broadcast %max3A : f32 to vector<64x128xf32>
      %max3A_63 = arith.maximumf %get3A_61, %max3A_62 : vector<64x128xf32>
      %get3A_64 = arith.constant 0 : index
      %get3A_65 = arith.constant 0 : index
      %get3A_66 = vector.load %arg10[%get3A_64, %get3A_65] : memref<64x384xf32, #tpu.memory_space<vmem>>, vector<64x128xf32>
      %div3A = arith.divf %get3A_66, %max3A_63 : vector<64x128xf32>
      %get3A_67 = arith.constant 0 : index
      %get3A_68 = arith.constant 128 : index
      %get3A_69 = vector.load %arg10[%get3A_67, %get3A_68] : memref<64x384xf32, #tpu.memory_space<vmem>>, vector<64x128xf32>
      %div3A_70 = arith.divf %get3A_69, %max3A_63 : vector<64x128xf32>
      %get3A_71 = arith.constant 0 : index
      %get3A_72 = arith.constant 256 : index
      %get3A_73 = vector.load %arg10[%get3A_71, %get3A_72] : memref<64x384xf32, #tpu.memory_space<vmem>>, vector<64x128xf32>
      %div3A_74 = arith.divf %get3A_73, %max3A_63 : vector<64x128xf32>
      %concatenate3A = tpu.concatenate %div3A, %div3A_70, %div3A_74 in 1 : vector<64x128xf32>, vector<64x128xf32>, vector<64x128xf32> -> vector<64x384xf32>
      %get3A_75 = arith.constant 0 : index
      %get3A_76 = arith.constant 0 : index
      %get3A_77 = vector.load %arg5[%get3A_75, %get3A_76] : memref<384x128xf32, #tpu.memory_space<vmem>>, vector<384x128xf32>
      %dot_general3A_78 = arith.constant dense<0.000000e+00> : vector<64x128xf32>
      %dot_general3A_79 = tpu.matmul %concatenate3A, %get3A_77, %dot_general3A_78 {dimension_numbers = #tpu.dot_dimension_numbers<[1], [0], [0], [1], [0, 0, 1, 1], [], []>, transpose_lhs_hint = false} : vector<64x384xf32>, vector<384x128xf32>, vector<64x128xf32> -> vector<64x128xf32>
      %get3A_80 = arith.constant 0 : index
      %get3A_81 = arith.constant 0 : index
      %get3A_82 = vector.load %arg6[%get3A_80, %get3A_81] : memref<1x128xf32, #tpu.memory_space<vmem>>, vector<1x128xf32>
      %add3A_83 = vector.broadcast %get3A_82 : vector<1x128xf32> to vector<64x128xf32>
      %add3A_84 = arith.addf %dot_general3A_79, %add3A_83 : vector<64x128xf32>
      %max3A_85 = arith.constant 0.000000e+00 : f32
      %max3A_86 = vector.broadcast %max3A_85 : f32 to vector<64x128xf32>
      %max3A_87 = arith.maximumf %add3A_84, %max3A_86 : vector<64x128xf32>
      %get3A_88 = arith.constant 0 : index
      %get3A_89 = arith.constant 0 : index
      %get3A_90 = vector.load %arg7[%get3A_88, %get3A_89] : memref<128x128xf32, #tpu.memory_space<vmem>>, vector<128x128xf32>
      %dot_general3A_91 = arith.constant dense<0.000000e+00> : vector<64x128xf32>
      %dot_general3A_92 = tpu.matmul %max3A_87, %get3A_90, %dot_general3A_91 {dimension_numbers = #tpu.dot_dimension_numbers<[1], [0], [0], [1], [0, 0, 1, 1], [], []>, transpose_lhs_hint = false} : vector<64x128xf32>, vector<128x128xf32>, vector<64x128xf32> -> vector<64x128xf32>
      %get3A_93 = arith.constant 0 : index
      %get3A_94 = arith.constant 0 : index
      %get3A_95 = vector.load %arg8[%get3A_93, %get3A_94] : memref<1x128xf32, #tpu.memory_space<vmem>>, vector<1x128xf32>
      %add3A_96 = vector.broadcast %get3A_95 : vector<1x128xf32> to vector<64x128xf32>
      %add3A_97 = arith.addf %dot_general3A_92, %add3A_96 : vector<64x128xf32>
      %swap3A_98 = arith.constant 0 : index
      %swap3A_99 = arith.constant 0 : index
      %swap3A_100 = vector.load %arg9[%swap3A_98, %swap3A_99] : memref<64x128xf32, #tpu.memory_space<vmem>>, vector<64x128xf32>
      tpu.vector_store %arg9[%swap3A_98, %swap3A_99], %add3A_97 {strides = array<i32>} : memref<64x128xf32, #tpu.memory_space<vmem>>, vector<64x128xf32>,
    } else {
    }
    return
  }
  func.func @transform_0(%arg0: i32) -> (i32, i32) {
    %c0_i32 = arith.constant 0 : i32
    %c0_i32_0 = arith.constant 0 : i32
    return %arg0, %c0_i32 : i32, i32
  }
  func.func @transform_1(%arg0: i32) -> (i32, i32) {
    %c0_i32 = arith.constant 0 : i32
    %c0_i32_0 = arith.constant 0 : i32
    return %arg0, %c0_i32 : i32, i32
  }
  func.func @transform_2(%arg0: i32) -> (i32, i32) {
    %c0_i32 = arith.constant 0 : i32
    %c0_i32_0 = arith.constant 0 : i32
    return %arg0, %c0_i32 : i32, i32
  }
  func.func @transform_3(%arg0: i32) -> (i32, i32, i32) {
    %c0_i32 = arith.constant 0 : i32
    %c0_i32_0 = arith.constant 0 : i32
    %c0_i32_1 = arith.constant 0 : i32
    return %arg0, %c0_i32, %c0_i32_0 : i32, i32, i32
  }
  func.func @transform_4(%arg0: i32) -> (i32, i32) {
    %c0_i32 = arith.constant 0 : i32
    %c0_i32_0 = arith.constant 0 : i32
    %c0_i32_1 = arith.constant 0 : i32
    return %c0_i32, %c0_i32_0 : i32, i32
  }
  func.func @transform_5(%arg0: i32) -> (i32, i32) {
    %c0_i32 = arith.constant 0 : i32
    %c0_i32_0 = arith.constant 0 : i32
    %c0_i32_1 = arith.constant 0 : i32
    return %c0_i32, %c0_i32_0 : i32, i32
  }
  func.func @transform_6(%arg0: i32) -> (i32, i32) {
    %c0_i32 = arith.constant 0 : i32
    %c0_i32_0 = arith.constant 0 : i32
    %c0_i32_1 = arith.constant 0 : i32
    return %c0_i32, %c0_i32_0 : i32, i32
  }
  func.func @transform_7(%arg0: i32) -> (i32, i32) {
    %c0_i32 = arith.constant 0 : i32
    %c0_i32_0 = arith.constant 0 : i32
    %c0_i32_1 = arith.constant 0 : i32
    return %c0_i32, %c0_i32_0 : i32, i32
  }
  func.func @transform_8(%arg0: i32) -> (i32, i32) {
    %c0_i32 = arith.constant 0 : i32
    %c0_i32_0 = arith.constant 0 : i32
    %c0_i32_1 = arith.constant 0 : i32
    return %c0_i32, %c0_i32_0 : i32, i32
  }
}

</mosaic_0001>

<sc_bundles>
// kernel: kernel.10.cloned.1.call-start
scs
__scs_entry_jumppad:
0x0: {  	(pc) =	sbr.rel $0x88, $3  }
0x1: {  	(tag) =	ssettag $0x0;
	lr =	simm.s32 $0x1  }
0x2: {  	[smem:$0x3F87] =	sst lr;
	_ =	strace $0xD0000000  }
0x3: {  	_ = 	snop  }
0x4: {  	_ = 	snop  }
0x5: {  	_ = 	snop  }
0x6: {  	_ = 	snop  }
0x7: {  	_ = 	snop  }
__scs_overlays_trampoline_lowered:
0x8: {  	[smem:$0x3F96] =	sst s0  }
0x9: {  	[smem:$0x3F97] =	sst s1  }
0xa: {  	[smem:$0x3F98] =	sst s2  }
0xb: {  	[smem:$0x3F99] =	sst s3  }
0xc: {  	[smem:$0x3F9A] =	sst s4  }
0xd: {  	[smem:$0x3F9B] =	sst s5  }
0xe: {  	[smem:$0x3F9C] =	sst s6  }
0xf: {  	[smem:$0x3F9D] =	sst s7  }
0x10: {  	[smem:$0x3F9E] =	sst s8  }
0x11: {  	[smem:$0x3F9F] =	sst s9;
	s0 =	simm.s32 @!p0 $0x0  }
0x12: {  	s1 =	sld [smem:$0x3F85];
	s0 =	simm.s32 @p0 $0x1  }
0x13: {  	[smem:$0x3FA0] =	sst s0;
	s0 =	simm.s32 @!p1 $0x0  }
0x14: {  	s2 =	sld [smem:$0x3F84];
	s0 =	simm.s32 @p1 $0x1  }
0x15: {  	[smem:$0x3FA1] =	sst s0;
	s0 =	simm.s32 @!p2 $0x0  }
0x16: {  	s3 =	sld [smem:$0x3FDB];
	s0 =	simm.s32 @p2 $0x1  }
0x17: {  	s4 =	simm.s32 $0x1BF5;
	[smem:$0x3FA3] =	sst s0  }
0x18: {  	s0 =	sld [smem:$0x3F86];
	_ =	swait.ge [sflag:s4], $0x0  }
0x19: {  	s7 =	sld [smem:$0x3F87]  }
0x1a: {  	s8 =	sadd.s32 $0xFFFFE003, lr  }
0x1b: {  	s9 =	sadd.s32 $0xFFFFFEF7, lr;
	s5 =	simm.s32 $0xFFFFFFFF;
	p2 =	slt.u32 s8, $0xFFFFF086  }
0x1c: {  	p1 =	slt.u32 s9, $0xF7A;
	s5 =	simm.s32 @!p2 $0x0  }
0x1d: {  	s5 =	simm.s32 @p1 $0x1;
	p0 =	seq.s32 s7, s2  }
0x1e: {  	s7 =	smul.u32 @!p0 $0xF7A, s2;
	p2 =	seq.s32 @!p0 s5, $0x0  }
0x1f: {  	s9 =	smul.u32 $0xF7A, s1;
	s8 =	simm.s32 @!p0 $0x1BF5;
	p2 =	por !p2, p0  }
0x20: {  	[sflag:s8] =	ssyncset.s32 @!p0 $0xFFFFF086;
	s6 =	sadd.s32 @!p0 s3, s7;
	s7 =	simm.s32 @!p0 $0x108  }
0x21: {  	s3 =	sadd.s32 s3, s9;
	s6 =	sadd.s32 @!p0 $0x88, s6;
	s7 =	simm.s32 @p2 $0x1082  }
0x22: {  	[simem:s7], [sflag:s8] =	dma.local @!p0 [hbm:s6], $0xF7A  }
0x23: {  	s9 =	sor.u32 $0xD0000000, s2;
	s6 =	simm.s32 $0x108;
	_ =	swait.ge @!p0 [sflag:s8], $0x0  }
0x24: {  	s3 =	sadd.s32 $0x88, s3;
	s6 =	simm.s32 @!p1 $0x1082;
	[sflag:s4] =	ssyncset.s32 $0xFFFFF086  }
0x25: {  	[simem:s6], [sflag:s4] =	dma.local [hbm:s3], $0xF7A  }
0x26: {  	[smem:$0x3F87] =	sst s1;
	(tag) =	ssettag s2;
	_ =	strace s9  }
0x27: {  	s1 =	sld [smem:$0x3F97]  }
0x28: {  	s2 =	sld [smem:$0x3F98]  }
0x29: {  	s4 =	sld [smem:$0x3F9A]  }
0x2a: {  	p0 =	seq.s32 s5, $0x0;
	s5 =	sld [smem:$0x3F9B]  }
0x2b: {  	s6 =	sld [smem:$0x3F9C]  }
0x2c: {  	s7 =	sld [smem:$0x3F9D]  }
0x2d: {  	s3 =	simm.s32 $0x108;
	s8 =	sld [smem:$0x3F9E]  }
0x2e: {  	s3 =	simm.s32 @!p0 $0x1082;
	s9 =	sld [smem:$0x3F9F]  }
0x2f: {  	lr =	sadd.s32 s0, s3;
	s0 =	sld [smem:$0x3F96]  }
0x30: {  	s3 =	sld [smem:$0x3F99]  }
0x31: {  	[smem:$0x3FA2] =	sst s10  }
0x32: {  	s10 =	sld [smem:$0x3FA0];
	_ =	sdelay $0x3  }
0x33: {  	p0 =	seq.s32 s10, $0x1;
	s10 =	sld [smem:$0x3FA2];
	_ =	sdelay $0x3  }
0x34: {  	[smem:$0x3FA2] =	sst s10  }
0x35: {  	s10 =	sld [smem:$0x3FA1];
	_ =	sdelay $0x3  }
0x36: {  	p1 =	seq.s32 s10, $0x1;
	s10 =	sld [smem:$0x3FA2];
	_ =	sdelay $0x3  }
0x37: {  	[smem:$0x3FA2] =	sst s10  }
0x38: {  	s10 =	sld [smem:$0x3FA3]  }
0x39: {  	_ = 	snop;
	(pc) =	sbr.ind lr, $3  }
0x3a: {  	_ = 	snop  }
0x3b: {  	_ = 	snop  }
0x3c: {  	p2 =	seq.s32 s10, $0x1;
	s10 =	sld [smem:$0x3FA2]  }
0x3d: {  	_ =	shalt  }
0x3e: {  	_ =	shalt  }
0x3f: {  	_ =	shalt  }
0x40: {  	_ =	shalt  }
0x41: {  	_ =	shalt  }
0x42: {  	_ =	shalt  }
0x43: {  	_ =	shalt  }
0x44: {  	_ =	shalt  }
0x45: {  	_ =	shalt  }
0x46: {  	_ =	shalt  }
0x47: {  	_ =	shalt  }
0x48: {  	_ =	shalt  }
0x49: {  	_ =	shalt  }
0x4a: {  	_ =	shalt  }
0x4b: {  	_ =	shalt  }
0x4c: {  	_ =	shalt  }
0x4d: {  	_ =	shalt  }
0x4e: {  	_ =	shalt  }
0x4f: {  	_ =	shalt  }
0x50: {  	_ =	shalt  }
0x51: {  	_ =	shalt  }
0x52: {  	_ =	shalt  }
0x53: {  	_ =	shalt  }
0x54: {  	_ =	shalt  }
0x55: {  	_ =	shalt  }
0x56: {  	_ =	shalt  }
0x57: {  	_ =	shalt  }
0x58: {  	_ =	shalt  }
0x59: {  	_ =	shalt  }
0x5a: {  	_ =	shalt  }
0x5b: {  	_ =	shalt  }
0x5c: {  	_ =	shalt  }
0x5d: {  	_ =	shalt  }
0x5e: {  	_ =	shalt  }
0x5f: {  	_ =	shalt  }
0x60: {  	_ =	shalt  }
0x61: {  	_ =	shalt  }
0x62: {  	_ =	shalt  }
0x63: {  	_ =	shalt  }
0x64: {  	_ =	shalt  }
0x65: {  	_ =	shalt  }
0x66: {  	_ =	shalt  }
0x67: {  	_ =	shalt  }
0x68: {  	_ =	shalt  }
0x69: {  	_ =	shalt  }
0x6a: {  	_ =	shalt  }
0x6b: {  	_ =	shalt  }
0x6c: {  	_ =	shalt  }
0x6d: {  	_ =	shalt  }
0x6e: {  	_ =	shalt  }
0x6f: {  	_ =	shalt  }
0x70: {  	_ =	shalt  }
0x71: {  	_ =	shalt  }
0x72: {  	_ =	shalt  }
0x73: {  	_ =	shalt  }
0x74: {  	_ =	shalt  }
0x75: {  	_ =	shalt  }
0x76: {  	_ =	shalt  }
0x77: {  	_ =	shalt  }
0x78: {  	_ =	shalt  }
0x79: {  	_ =	shalt  }
0x7a: {  	_ =	shalt  }
0x7b: {  	_ =	shalt  }
0x7c: {  	_ =	shalt  }
0x7d: {  	_ =	shalt  }
0x7e: {  	_ =	shalt  }
0x7f: {  	_ =	shalt  }
0x80: {  	_ =	shalt  }
0x81: {  	_ =	shalt  }
0x82: {  	_ =	shalt  }
0x83: {  	_ =	shalt  }
0x84: {  	_ =	shalt  }
0x85: {  	_ =	shalt  }
0x86: {  	_ =	shalt  }
0x87: {  	_ =	shalt  }
.Lfunc_end0:
.L_simem_size_0:
called_computation_lowered:
.L_overlay_start_0:
0x88: {  	s2 =	sld [smem:$0x3FD9]  }
0x89: {  	s3 =	sld [smem:$0x3FFE];
	_ =	sdelay $0x1  }
0x8a: {  	s1 =	srdreg.scid  }
0x8b: {  	s0 =	sand.u32 $0x1, s1  }
0x8c: {  	s17 =	sshll.u32 s0, $0xA;
	s2 =	sadd.s32 s3, s2  }
0x8d: {  	s2 =	sadd.s32 s2, s17  }
0x8e: {  	[smem:$0x3FAE] =	sst s2  }
0x8f: {  	_ = 	snop  }
0x90: {  	s2 =	sld [smem:$0x3FC6];
	(tm) =	ssettm $0x1  }
0x91: {  	s18 =	sld [smem:$0x3FFB];
	_ =	sdelay $0x3  }
0x92: {  	_ =	strace s18  }
0x93: {  	s3 =	sld [smem:$0x3FFC];
	_ =	sdelay $0x3  }
0x94: {  	_ =	strace s3  }
0x95: {  	s3 =	sld [smem:$0x3FFD];
	_ =	sdelay $0x3  }
0x96: {  	_ =	strace s3  }
0x97: {  	_ =	strace $0x8FFFFFFF  }
0x98: {  	s19 =	sld [smem:$0x3FDB];
	_ =	sdelay $0x1  }
0x99: {  	s4 =	simm.s32 $_scs_section_size  }
0x9a: {  	s5 =	simm.s32 $_size__tile_overlayer_lowered;
	s6 =	simm.s32 $_tile_overlayer_lowered  }
0x9b: {  	s22 =	simm.s32 $0x1BFF;
	s21 =	sshll.u32 s6, $0x1;
	s3 =	sadd.s32 s4, s19  }
0x9c: {  	s7 =	simm.s32 $0x0;
	s20 =	sshll.u32 s5, $0x1;
	s5 =	sadd.s32 s21, s3  }
0x9d: {  	[timem:s7], [sflag:s22] =	dma.local [hbm:s5], s20  }
0x9e: {  	_ =	swait.ge [sflag:s22], s20  }
0x9f: {  	s4 =	ssub.s32 $0x0, s20;
	[sflag:s22] =	ssyncset.done $0x0  }
0xa0: {  	[sflag:s22] =	ssyncadd.s32 s4;
	_ =	sdelay $0x1  }
0xa1: {  	s23 =	simm.s32 $0x1B8B  }
0xa2: {  	_ =	swait.ge [sflag:s23], $0x1  }
0xa3: {  	[sflag:s23] =	ssyncset.done $0x0  }
0xa4: {  	s25 =	simm.s32 $0x1B8E;
	s24 =	sld [smem:$0x3FFE];
	[sflag:s23] =	ssyncadd.s32 $0xFFFFFFFF  }
0xa5: {  	s26 =	simm.s32 $execute0_lowered;
	[smem:$0x3FD2] =	sst s25  }
0xa6: {  	s5 =	sshll.u32 s26, $0x1;
	_ =	strace $0x80000046;
	[dreg:$0x1] =	wrdreg $0xFFFFFFFF  }
0xa7: {  	s28 =	simm.s32 $_size_execute0_lowered;
	s3 =	sadd.s32 s3, s5;
	[dreg:$0x0] =	wrdreg $0x0  }
0xa8: {  	s5 =	sshll.u32 s28, $0x1;
	[dreg:$0x2] =	wrdreg s3  }
0xa9: {  	[dreg:$0x3] =	wrdreg s5  }
0xaa: {  	[dreg:$0x4] =	wrdreg $0xC0  }
0xab: {  	_ =	task [dreg:s7], $0x5FFFF  }
0xac: {  	[dreg:$0x1] =	wrdreg $0xFFFFFFFF  }
0xad: {  	[dreg:$0x0] =	wrdreg $0x60  }
0xae: {  	[dreg:$0x2] =	wrdreg s2  }
0xaf: {  	[dreg:$0x3] =	wrdreg s24  }
0xb0: {  	[dreg:$0x4] =	wrdreg $0x9  }
0xb1: {  	_ =	task.clear_ibuf [dreg:s7], $0x5FFFF;
	_ =	strace $0x90000046  }
0xb2: {  	s29 =	simm.s32 $0x9;
	_ =	strace $0x80000048  }
0xb3: {  	_ =	swait.ge [sflag:s29], $0x1  }
0xb4: {  	[sflag:s29] =	ssyncadd.s32 $0xFFFFFFFF  }
0xb5: {  	_ =	strace $0x90000048  }
0xb6: {  	_ =	sfence  }
0xb7: {  	s30 =	sld [smem:$0x0];
	_ =	sdelay $0x2  }
0xb8: {  	s31 =	sshll.u32 s1, $0xD;
	s1 =	sshrl.u32 s1, $0x2  }
0xb9: {  	s3 =	sand.u32 $0x4000, s31;
	s1 =	sadd.s32 s1, s30  }
0xba: {  	s0 =	sor.u32 s3, s0;
	s1 =	sshll.u32 s1, $0x11  }
0xbb: {  	s0 =	sor.u32 s1, s0  }
0xbc: {  	s0 =	sadd.s32 $0x8F2B, s0  }
0xbd: {  	[sflag:s0] =	ssyncadd.remote.s32 $0x1  }
0xbe: {  	_ =	sfence.sel $0xFFFF  }
0xbf: {  	[dreg:$0x0] =	wrdreg $0xFFFFFFFF;
	(pc) =	sbr.abs _section_cstart, $3  }
0xc0: {  	[dreg:$0x1] =	wrdreg $0xFFFFFFFF  }
0xc1: {  	_ =	task.clear_ibuf [dreg:s7], $0x2FFFF;
	_ =	strace $0x9FFFFFFF  }
0xc2: {  	(tm) =	ssettm $0x7FFFFFFF  }
0xc3: {  	_ =	shalt  }
tec
execute0_lowered:
.L_overlay_start_1:
0x0: {  	(tag) =	ssettag $0x1  }
0x1: {  	s1 =	srdreg.scid;
	s0 =	stileid.u32  }
0x2: {  	s20 =	sand.u32 $0x1, s1;
	s26 =	sshll.u32 s0, $0x1  }
0x3: {  	s12 =	sor.u32 s20, s26  }
0x4: {  	s2 =	rddreg [dreg:$0x0];
	s18 =	smul.u32 $0x140, s12  }
0x5: {  	s13 =	rddreg [dreg:$0x1];
	s3 =	simm.s32 $0x0;
	s5 =	simm.s32 $0x5  }
0x6: {  	[smem:$0x7FF] =	sst s3;
	s19 =	sadd.s32 $0x4E00, s13;
	s4 =	sshrl.u32 s18, $0x3  }
0x7: {  	s1 =	rddreg [dreg:$0x2];
	_ =	strace $0x80000047;
	s4 =	sadd.s32 s19, s4  }
0x8: {  	[tilespmem:s3], [sflag:$0x5] =	stream.linear.gather [hbm4b:s4+s3], $0x50, $0x38;
	[tilespmem:$0x5100] =	vst v63  }
0x9: {  	_ =	swait.ge [sflag:s5], $0x50  }
0xa: {  	s6 =	simm.s32 $0x50;
	s14 =	sadd.s32 $0x50, s18;
	[sflag:s5] =	ssyncset.done $0x0  }
0xb: {  	s7 =	simm.s32 $0x100;
	s8 =	sshrl.u32 s14, $0x3;
	[sflag:s5] =	ssyncadd.s32 $0xFFFFFFB0  }
0xc: {  	[tilespmem:s7], [sflag:$0x1] =	stream.indirect.gather [hbm4b:s2+s6], $0x80, s3, s6, $0xb8;
	[tilespmem:$0x5100] =	vst v63  }
0xd: {  	s9 =	simm.s32 $0x80;
	s8 =	sadd.s32 s19, s8  }
0xe: {  	[tilespmem:s9], [sflag:$0x5] =	stream.linear.gather [hbm4b:s8+s3], $0x50, $0x38;
	[tilespmem:$0x5100] =	vst v63  }
0xf: {  	_ =	swait.ge [sflag:s5], $0x50  }
0x10: {  	[sflag:s5] =	ssyncset.done $0x0  }
0x11: {  	s10 =	simm.s32 $0x2900;
	s11 =	simm.s32 $0x1;
	[sflag:s5] =	ssyncadd.s32 $0xFFFFFFB0  }
0x12: {  	[tilespmem:s10], [sflag:$0x2] =	stream.indirect.gather [hbm4b:s2+s6], $0x80, s9, s6, $0xb8;
	[tilespmem:$0x5100] =	vst v63  }
0x13: {  	s12 =	smul.u32 $0x1400, s12;
	_ =	swait.ge [sflag:s11], $0x2800  }
0x14: {  	s21 =	sadd.s32 $0x5400, s13;
	[sflag:s11] =	ssyncset.done $0x0  }
0x15: {  	s13 =	simm.s32 $0x2;
	s12 =	sadd.s32 s21, s12;
	[sflag:s11] =	ssyncadd.s32 $0xFFFFD800  }
0x16: {  	[hbm4b:s12+s3] =	stream.linear.scatter [tilespmem:s7], [sflag:$0x3], $0x2800, $0x38;
	[tilespmem:$0x5100] =	vst v63  }
0x17: {  	_ =	swait.ge [sflag:s13], $0x2800  }
0x18: {  	s14 =	sshll.u32 s14, $0x4;
	[sflag:s13] =	ssyncset.done $0x0  }
0x19: {  	s15 =	simm.s32 $0x3;
	s14 =	sadd.s32 s21, s14;
	[sflag:s13] =	ssyncadd.s32 $0xFFFFD800  }
0x1a: {  	[hbm4b:s14+s3] =	stream.linear.scatter [tilespmem:s10], [sflag:$0x4], $0x2800, $0x38;
	[tilespmem:$0x5100] =	vst v63  }
0x1b: {  	s22 =	sadd.s32 $0xA0, s18;
	_ =	swait.ge [sflag:s15], $0x2800  }
0x1c: {  	s16 =	sshrl.u32 s22, $0x3;
	[sflag:s15] =	ssyncset.done $0x0  }
0x1d: {  	s16 =	sadd.s32 s19, s16;
	[sflag:s15] =	ssyncadd.s32 $0xFFFFD800  }
0x1e: {  	[tilespmem:s3], [sflag:$0x5] =	stream.linear.gather [hbm4b:s16+s3], $0x50, $0x38;
	[tilespmem:$0x5100] =	vst v63  }
0x1f: {  	_ =	swait.ge [sflag:s5], $0x50  }
0x20: {  	[sflag:s5] =	ssyncset.done $0x0  }
0x21: {  	s17 =	simm.s32 $0x4;
	[sflag:s5] =	ssyncadd.s32 $0xFFFFFFB0  }
0x22: {  	[tilespmem:s7], [sflag:$0x1] =	stream.indirect.gather [hbm4b:s2+s6], $0x80, s3, s6, $0xb8;
	[tilespmem:$0x5100] =	vst v63  }
0x23: {  	s23 =	sadd.s32 $0xF0, s18;
	_ =	swait.ge [sflag:s17], $0x2800  }
0x24: {  	s18 =	sshrl.u32 s23, $0x3;
	[sflag:s17] =	ssyncset.done $0x0  }
0x25: {  	s18 =	sadd.s32 s19, s18;
	[sflag:s17] =	ssyncadd.s32 $0xFFFFD800  }
0x26: {  	[tilespmem:s9], [sflag:$0x5] =	stream.linear.gather [hbm4b:s18+s3], $0x50, $0x38;
	[tilespmem:$0x5100] =	vst v63  }
0x27: {  	_ =	swait.ge [sflag:s5], $0x50  }
0x28: {  	[sflag:s5] =	ssyncset.done $0x0  }
0x29: {  	[sflag:s5] =	ssyncadd.s32 $0xFFFFFFB0  }
0x2a: {  	[tilespmem:s10], [sflag:$0x2] =	stream.indirect.gather [hbm4b:s2+s6], $0x80, s9, s6, $0xb8;
	[tilespmem:$0x5100] =	vst v63  }
0x2b: {  	s30 =	ssub.s32 $0x2, s20;
	_ =	swait.ge [sflag:s11], $0x2800  }
0x2c: {  	s31 =	sshrl.u32 s30, $0x1;
	s28 =	sshll.u32 s22, $0x4;
	[sflag:s11] =	ssyncset.done $0x0  }
0x2d: {  	s29 =	sshll.u32 s23, $0x4;
	s19 =	sadd.s32 s21, s28;
	[sflag:s11] =	ssyncadd.s32 $0xFFFFD800  }
0x2e: {  	[hbm4b:s19+s3] =	stream.linear.scatter [tilespmem:s7], [sflag:$0x3], $0x2800, $0x38;
	[tilespmem:$0x5100] =	vst v63  }
0x2f: {  	s20 =	sadd.s32 s21, s29;
	s21 =	ssub.s32 s30, s31;
	_ =	swait.ge [sflag:s13], $0x2800  }
0x30: {  	s21 =	smax.u32 s21, $0x1;
	[sflag:s13] =	ssyncset.done $0x0  }
0x31: {  	p0 =	sne.s32 s21, $0x1;
	[sflag:s13] =	ssyncadd.s32 $0xFFFFD800  }
0x32: {  	[hbm4b:s20+s3] =	stream.linear.scatter [tilespmem:s10], [sflag:$0x4], $0x2800, $0x38;
	[tilespmem:$0x5100] =	vst v63  }
.Ltmp0:
0x33: {  	_ =	swait.ge [sflag:s15], $0x2800;
	(pc) =	sbr.rel @!p0 .LBB2_2-.Ltmp0, $4  }
0x34: {  	[sflag:s15] =	ssyncset.done $0x0  }
0x35: {  	[sflag:s15] =	ssyncadd.s32 $0xFFFFD800  }
0x36: {  	_ =	swait.ge [sflag:s17], $0x2800  }
0x37: {  	s21 =	sadd.s32 $0xFFFFFFFF, s21;
	[sflag:s17] =	ssyncset.done $0x0  }
.LBB2_1:
0x38: {  	p0 =	sne.s32 s21, $0x1;
	s21 =	sadd.s32 $0xFFFFFFFF, s21;
	[sflag:s17] =	ssyncadd.s32 $0xFFFFD800  }
0x39: {  	[tilespmem:s3], [sflag:$0x5] =	stream.linear.gather [hbm4b:s4+s3], $0x50, $0x38;
	[tilespmem:$0x5100] =	vst v63  }
0x3a: {  	_ =	swait.ge [sflag:s5], $0x50  }
0x3b: {  	[sflag:s5] =	ssyncset.done $0x0  }
0x3c: {  	[sflag:s5] =	ssyncadd.s32 $0xFFFFFFB0  }
0x3d: {  	[tilespmem:s7], [sflag:$0x1] =	stream.indirect.gather [hbm4b:s2+s6], $0x80, s3, s6, $0xb8;
	[tilespmem:$0x5100] =	vst v63  }
0x3e: {  	_ = 	snop  }
0x3f: {  	[tilespmem:s9], [sflag:$0x5] =	stream.linear.gather [hbm4b:s8+s3], $0x50, $0x38;
	[tilespmem:$0x5100] =	vst v63  }
0x40: {  	_ =	swait.ge [sflag:s5], $0x50  }
0x41: {  	[sflag:s5] =	ssyncset.done $0x0  }
0x42: {  	[sflag:s5] =	ssyncadd.s32 $0xFFFFFFB0  }
0x43: {  	[tilespmem:s10], [sflag:$0x2] =	stream.indirect.gather [hbm4b:s2+s6], $0x80, s9, s6, $0xb8;
	[tilespmem:$0x5100] =	vst v63  }
0x44: {  	_ =	swait.ge [sflag:s11], $0x2800  }
0x45: {  	[sflag:s11] =	ssyncset.done $0x0  }
0x46: {  	[sflag:s11] =	ssyncadd.s32 $0xFFFFD800  }
0x47: {  	[hbm4b:s12+s3] =	stream.linear.scatter [tilespmem:s7], [sflag:$0x3], $0x2800, $0x38;
	[tilespmem:$0x5100] =	vst v63  }
0x48: {  	_ =	swait.ge [sflag:s13], $0x2800  }
0x49: {  	[sflag:s13] =	ssyncset.done $0x0  }
0x4a: {  	[sflag:s13] =	ssyncadd.s32 $0xFFFFD800  }
0x4b: {  	[hbm4b:s14+s3] =	stream.linear.scatter [tilespmem:s10], [sflag:$0x4], $0x2800, $0x38;
	[tilespmem:$0x5100] =	vst v63  }
0x4c: {  	_ =	swait.ge [sflag:s15], $0x2800  }
0x4d: {  	[sflag:s15] =	ssyncset.done $0x0  }
0x4e: {  	[sflag:s15] =	ssyncadd.s32 $0xFFFFD800  }
0x4f: {  	[tilespmem:s3], [sflag:$0x5] =	stream.linear.gather [hbm4b:s16+s3], $0x50, $0x38;
	[tilespmem:$0x5100] =	vst v63  }
0x50: {  	_ =	swait.ge [sflag:s5], $0x50  }
0x51: {  	[sflag:s5] =	ssyncset.done $0x0  }
0x52: {  	[sflag:s5] =	ssyncadd.s32 $0xFFFFFFB0  }
0x53: {  	[tilespmem:s7], [sflag:$0x1] =	stream.indirect.gather [hbm4b:s2+s6], $0x80, s3, s6, $0xb8;
	[tilespmem:$0x5100] =	vst v63  }
0x54: {  	_ =	swait.ge [sflag:s17], $0x2800  }
0x55: {  	[sflag:s17] =	ssyncset.done $0x0  }
0x56: {  	[sflag:s17] =	ssyncadd.s32 $0xFFFFD800  }
0x57: {  	[tilespmem:s9], [sflag:$0x5] =	stream.linear.gather [hbm4b:s18+s3], $0x50, $0x38;
	[tilespmem:$0x5100] =	vst v63  }
0x58: {  	_ =	swait.ge [sflag:s5], $0x50  }
0x59: {  	[sflag:s5] =	ssyncset.done $0x0  }
0x5a: {  	[sflag:s5] =	ssyncadd.s32 $0xFFFFFFB0  }
0x5b: {  	[tilespmem:s10], [sflag:$0x2] =	stream.indirect.gather [hbm4b:s2+s6], $0x80, s9, s6, $0xb8;
	[tilespmem:$0x5100] =	vst v63  }
0x5c: {  	_ =	swait.ge [sflag:s11], $0x2800  }
0x5d: {  	[sflag:s11] =	ssyncset.done $0x0  }
0x5e: {  	[sflag:s11] =	ssyncadd.s32 $0xFFFFD800  }
0x5f: {  	[hbm4b:s19+s3] =	stream.linear.scatter [tilespmem:s7], [sflag:$0x3], $0x2800, $0x38;
	[tilespmem:$0x5100] =	vst v63  }
0x60: {  	_ =	swait.ge [sflag:s13], $0x2800  }
0x61: {  	[sflag:s13] =	ssyncset.done $0x0  }
0x62: {  	[sflag:s13] =	ssyncadd.s32 $0xFFFFD800  }
0x63: {  	[hbm4b:s20+s3] =	stream.linear.scatter [tilespmem:s10], [sflag:$0x4], $0x2800, $0x38;
	[tilespmem:$0x5100] =	vst v63  }
.Ltmp1:
0x64: {  	_ =	swait.ge [sflag:s15], $0x2800;
	(pc) =	sbr.rel @p0 .LBB2_1-.Ltmp1, $4  }
0x65: {  	[sflag:s15] =	ssyncset.done $0x0  }
0x66: {  	[sflag:s15] =	ssyncadd.s32 $0xFFFFD800  }
0x67: {  	_ =	swait.ge [sflag:s17], $0x2800  }
0x68: {  	[sflag:s17] =	ssyncset.done $0x0  }
.LBB2_2:
0x69: {  	[sflag:s17] =	ssyncadd.s32 $0xFFFFD800  }
0x6a: {  	_ =	sfence.sel $0x180000  }
0x6b: {  	[bflag:$0x0] =	sbarrier.arrive $0xFFFF  }
0x6c: {  	p0 =	sne.s32 s0, $0x0;
	_ =	strace $0x90000047  }
0x6d: {  	s0 =	sadd.s32 @!p0 $0x100000, s1;
	[bflag:$0x2] =	sbarrier.arrive $0xFFFF  }
0x6e: {  	[sflag:s0] =	ssyncadd.tile.s32 @!p0 $0x1;
	_ =	shalt  }
.Lfunc_end2:
_tile_overlayer_lowered:
.L_overlay_start_2:
0x6f: {  	(tag) =	ssettag $0x2  }
0x70: {  	s0 =	rddreg [dreg:$0x0];
	s2 =	stileid.u32  }
0x71: {  	s1 =	rddreg [dreg:$0x1];
	p0 =	sne.s32 s2, $0x0  }
0x72: {  	s3 =	rddreg [dreg:$0x2];
	[bflag:$0x3] =	sbarrier.arrive $0xFFFF;
	s2 =	simm.s32 @!p0 $0x1C05  }
0x73: {  	[timem:s3], [sflag:s2] =	dma.local @!p0 [hbm:s0], s1  }
0x74: {  	s0 =	simm.s32 @!p0 $0x5  }
0x75: {  	_ =	swait.ge @!p0 [sflag:s0], s1  }
0x76: {  	s1 =	ssub.s32 @!p0 $0x0, s1;
	[sflag:s0] =	ssyncset.done @!p0 $0x0  }
0x77: {  	[sflag:s0] =	ssyncadd.s32 @!p0 s1  }
0x78: {  	[bflag:$0x3] =	sbarrier.arrive $0xFFFF  }
0x79: {  	_ =	shalt  }

// kernel: kernel.13.cloned.1.call-start
scs
__scs_entry_jumppad:
0x0: {  	(pc) =	sbr.rel $0x88, $3  }
0x1: {  	(tag) =	ssettag $0x0;
	lr =	simm.s32 $0x1  }
0x2: {  	[smem:$0x3F87] =	sst lr;
	_ =	strace $0xD0000000  }
0x3: {  	_ = 	snop  }
0x4: {  	_ = 	snop  }
0x5: {  	_ = 	snop  }
0x6: {  	_ = 	snop  }
0x7: {  	_ = 	snop  }
__scs_overlays_trampoline_lowered:
0x8: {  	[smem:$0x3F96] =	sst s0  }
0x9: {  	[smem:$0x3F97] =	sst s1  }
0xa: {  	[smem:$0x3F98] =	sst s2  }
0xb: {  	[smem:$0x3F99] =	sst s3  }
0xc: {  	[smem:$0x3F9A] =	sst s4  }
0xd: {  	[smem:$0x3F9B] =	sst s5  }
0xe: {  	[smem:$0x3F9C] =	sst s6  }
0xf: {  	[smem:$0x3F9D] =	sst s7  }
0x10: {  	[smem:$0x3F9E] =	sst s8  }
0x11: {  	[smem:$0x3F9F] =	sst s9;
	s0 =	simm.s32 @!p0 $0x0  }
0x12: {  	s1 =	sld [smem:$0x3F85];
	s0 =	simm.s32 @p0 $0x1  }
0x13: {  	[smem:$0x3FA0] =	sst s0;
	s0 =	simm.s32 @!p1 $0x0  }
0x14: {  	s2 =	sld [smem:$0x3F84];
	s0 =	simm.s32 @p1 $0x1  }
0x15: {  	[smem:$0x3FA1] =	sst s0;
	s0 =	simm.s32 @!p2 $0x0  }
0x16: {  	s3 =	sld [smem:$0x3FDB];
	s0 =	simm.s32 @p2 $0x1  }
0x17: {  	s4 =	simm.s32 $0x1BF5;
	[smem:$0x3FA3] =	sst s0  }
0x18: {  	s0 =	sld [smem:$0x3F86];
	_ =	swait.ge [sflag:s4], $0x0  }
0x19: {  	s7 =	sld [smem:$0x3F87]  }
0x1a: {  	s8 =	sadd.s32 $0xFFFFE003, lr  }
0x1b: {  	s9 =	sadd.s32 $0xFFFFFEF7, lr;
	s5 =	simm.s32 $0xFFFFFFFF;
	p2 =	slt.u32 s8, $0xFFFFF086  }
0x1c: {  	p1 =	slt.u32 s9, $0xF7A;
	s5 =	simm.s32 @!p2 $0x0  }
0x1d: {  	s5 =	simm.s32 @p1 $0x1;
	p0 =	seq.s32 s7, s2  }
0x1e: {  	s7 =	smul.u32 @!p0 $0xF7A, s2;
	p2 =	seq.s32 @!p0 s5, $0x0  }
0x1f: {  	s9 =	smul.u32 $0xF7A, s1;
	s8 =	simm.s32 @!p0 $0x1BF5;
	p2 =	por !p2, p0  }
0x20: {  	[sflag:s8] =	ssyncset.s32 @!p0 $0xFFFFF086;
	s6 =	sadd.s32 @!p0 s3, s7;
	s7 =	simm.s32 @!p0 $0x108  }
0x21: {  	s3 =	sadd.s32 s3, s9;
	s6 =	sadd.s32 @!p0 $0x88, s6;
	s7 =	simm.s32 @p2 $0x1082  }
0x22: {  	[simem:s7], [sflag:s8] =	dma.local @!p0 [hbm:s6], $0xF7A  }
0x23: {  	s9 =	sor.u32 $0xD0000000, s2;
	s6 =	simm.s32 $0x108;
	_ =	swait.ge @!p0 [sflag:s8], $0x0  }
0x24: {  	s3 =	sadd.s32 $0x88, s3;
	s6 =	simm.s32 @!p1 $0x1082;
	[sflag:s4] =	ssyncset.s32 $0xFFFFF086  }
0x25: {  	[simem:s6], [sflag:s4] =	dma.local [hbm:s3], $0xF7A  }
0x26: {  	[smem:$0x3F87] =	sst s1;
	(tag) =	ssettag s2;
	_ =	strace s9  }
0x27: {  	s1 =	sld [smem:$0x3F97]  }
0x28: {  	s2 =	sld [smem:$0x3F98]  }
0x29: {  	s4 =	sld [smem:$0x3F9A]  }
0x2a: {  	p0 =	seq.s32 s5, $0x0;
	s5 =	sld [smem:$0x3F9B]  }
0x2b: {  	s6 =	sld [smem:$0x3F9C]  }
0x2c: {  	s7 =	sld [smem:$0x3F9D]  }
0x2d: {  	s3 =	simm.s32 $0x108;
	s8 =	sld [smem:$0x3F9E]  }
0x2e: {  	s3 =	simm.s32 @!p0 $0x1082;
	s9 =	sld [smem:$0x3F9F]  }
0x2f: {  	lr =	sadd.s32 s0, s3;
	s0 =	sld [smem:$0x3F96]  }
0x30: {  	s3 =	sld [smem:$0x3F99]  }
0x31: {  	[smem:$0x3FA2] =	sst s10  }
0x32: {  	s10 =	sld [smem:$0x3FA0];
	_ =	sdelay $0x3  }
0x33: {  	p0 =	seq.s32 s10, $0x1;
	s10 =	sld [smem:$0x3FA2];
	_ =	sdelay $0x3  }
0x34: {  	[smem:$0x3FA2] =	sst s10  }
0x35: {  	s10 =	sld [smem:$0x3FA1];
	_ =	sdelay $0x3  }
0x36: {  	p1 =	seq.s32 s10, $0x1;
	s10 =	sld [smem:$0x3FA2];
	_ =	sdelay $0x3  }
0x37: {  	[smem:$0x3FA2] =	sst s10  }
0x38: {  	s10 =	sld [smem:$0x3FA3]  }
0x39: {  	_ = 	snop;
	(pc) =	sbr.ind lr, $3  }
0x3a: {  	_ = 	snop  }
0x3b: {  	_ = 	snop  }
0x3c: {  	p2 =	seq.s32 s10, $0x1;
	s10 =	sld [smem:$0x3FA2]  }
0x3d: {  	_ =	shalt  }
0x3e: {  	_ =	shalt  }
0x3f: {  	_ =	shalt  }
0x40: {  	_ =	shalt  }
0x41: {  	_ =	shalt  }
0x42: {  	_ =	shalt  }
0x43: {  	_ =	shalt  }
0x44: {  	_ =	shalt  }
0x45: {  	_ =	shalt  }
0x46: {  	_ =	shalt  }
0x47: {  	_ =	shalt  }
0x48: {  	_ =	shalt  }
0x49: {  	_ =	shalt  }
0x4a: {  	_ =	shalt  }
0x4b: {  	_ =	shalt  }
0x4c: {  	_ =	shalt  }
0x4d: {  	_ =	shalt  }
0x4e: {  	_ =	shalt  }
0x4f: {  	_ =	shalt  }
0x50: {  	_ =	shalt  }
0x51: {  	_ =	shalt  }
0x52: {  	_ =	shalt  }
0x53: {  	_ =	shalt  }
0x54: {  	_ =	shalt  }
0x55: {  	_ =	shalt  }
0x56: {  	_ =	shalt  }
0x57: {  	_ =	shalt  }
0x58: {  	_ =	shalt  }
0x59: {  	_ =	shalt  }
0x5a: {  	_ =	shalt  }
0x5b: {  	_ =	shalt  }
0x5c: {  	_ =	shalt  }
0x5d: {  	_ =	shalt  }
0x5e: {  	_ =	shalt  }
0x5f: {  	_ =	shalt  }
0x60: {  	_ =	shalt  }
0x61: {  	_ =	shalt  }
0x62: {  	_ =	shalt  }
0x63: {  	_ =	shalt  }
0x64: {  	_ =	shalt  }
0x65: {  	_ =	shalt  }
0x66: {  	_ =	shalt  }
0x67: {  	_ =	shalt  }
0x68: {  	_ =	shalt  }
0x69: {  	_ =	shalt  }
0x6a: {  	_ =	shalt  }
0x6b: {  	_ =	shalt  }
0x6c: {  	_ =	shalt  }
0x6d: {  	_ =	shalt  }
0x6e: {  	_ =	shalt  }
0x6f: {  	_ =	shalt  }
0x70: {  	_ =	shalt  }
0x71: {  	_ =	shalt  }
0x72: {  	_ =	shalt  }
0x73: {  	_ =	shalt  }
0x74: {  	_ =	shalt  }
0x75: {  	_ =	shalt  }
0x76: {  	_ =	shalt  }
0x77: {  	_ =	shalt  }
0x78: {  	_ =	shalt  }
0x79: {  	_ =	shalt  }
0x7a: {  	_ =	shalt  }
0x7b: {  	_ =	shalt  }
0x7c: {  	_ =	shalt  }
0x7d: {  	_ =	shalt  }
0x7e: {  	_ =	shalt  }
0x7f: {  	_ =	shalt  }
0x80: {  	_ =	shalt  }
0x81: {  	_ =	shalt  }
0x82: {  	_ =	shalt  }
0x83: {  	_ =	shalt  }
0x84: {  	_ =	shalt  }
0x85: {  	_ =	shalt  }
0x86: {  	_ =	shalt  }
0x87: {  	_ =	shalt  }
.Lfunc_end0:
.L_simem_size_0:
called_computation.1_lowered:
.L_overlay_start_0:
0x88: {  	s2 =	sld [smem:$0x3FD9]  }
0x89: {  	s3 =	sld [smem:$0x3FFE];
	_ =	sdelay $0x1  }
0x8a: {  	s1 =	srdreg.scid  }
0x8b: {  	s0 =	sand.u32 $0x1, s1  }
0x8c: {  	s16 =	sshll.u32 s0, $0xA;
	s2 =	sadd.s32 s3, s2  }
0x8d: {  	s2 =	sadd.s32 s2, s16  }
0x8e: {  	[smem:$0x3FAE] =	sst s2  }
0x8f: {  	_ = 	snop  }
0x90: {  	(tm) =	ssettm $0x1  }
0x91: {  	s17 =	sld [smem:$0x3FFB];
	_ =	sdelay $0x3  }
0x92: {  	_ =	strace s17  }
0x93: {  	s2 =	sld [smem:$0x3FFC];
	_ =	sdelay $0x3  }
0x94: {  	_ =	strace s2  }
0x95: {  	s2 =	sld [smem:$0x3FFD];
	_ =	sdelay $0x3  }
0x96: {  	_ =	strace s2  }
0x97: {  	_ =	strace $0x8FFFFFFF  }
0x98: {  	s18 =	sld [smem:$0x3FDB];
	_ =	sdelay $0x1  }
0x99: {  	s19 =	simm.s32 $_scs_section_size  }
0x9a: {  	s4 =	simm.s32 $_size__tile_overlayer_lowered;
	s5 =	simm.s32 $_tile_overlayer_lowered  }
0x9b: {  	s22 =	simm.s32 $0x1BFF;
	s21 =	sshll.u32 s5, $0x1;
	s2 =	sadd.s32 s19, s18  }
0x9c: {  	s6 =	simm.s32 $0x0;
	s20 =	sshll.u32 s4, $0x1;
	s4 =	sadd.s32 s21, s2  }
0x9d: {  	[timem:s6], [sflag:s22] =	dma.local [hbm:s4], s20  }
0x9e: {  	_ =	swait.ge [sflag:s22], s20  }
0x9f: {  	s3 =	ssub.s32 $0x0, s20;
	[sflag:s22] =	ssyncset.done $0x0  }
0xa0: {  	[sflag:s22] =	ssyncadd.s32 s3;
	_ =	sdelay $0x1  }
0xa1: {  	s23 =	simm.s32 $0x1B8B  }
0xa2: {  	_ =	swait.ge [sflag:s23], $0x1  }
0xa3: {  	[sflag:s23] =	ssyncset.done $0x0  }
0xa4: {  	s25 =	simm.s32 $0x1B8E;
	s24 =	sld [smem:$0x3FFE];
	[sflag:s23] =	ssyncadd.s32 $0xFFFFFFFF  }
0xa5: {  	s26 =	simm.s32 $execute0_lowered;
	[smem:$0x3FD2] =	sst s25  }
0xa6: {  	s4 =	sshll.u32 s26, $0x1;
	_ =	strace $0x80000049;
	[dreg:$0x1] =	wrdreg $0xFFFFFFFF  }
0xa7: {  	s28 =	simm.s32 $_size_execute0_lowered;
	s2 =	sadd.s32 s2, s4;
	[dreg:$0x0] =	wrdreg $0x0  }
0xa8: {  	s4 =	sshll.u32 s28, $0x1;
	[dreg:$0x2] =	wrdreg s2  }
0xa9: {  	[dreg:$0x3] =	wrdreg s4  }
0xaa: {  	[dreg:$0x4] =	wrdreg $0xC0  }
0xab: {  	_ =	task [dreg:s6], $0x5FFFF  }
0xac: {  	[dreg:$0x1] =	wrdreg $0xFFFFFFFF  }
0xad: {  	[dreg:$0x0] =	wrdreg $0x60  }
0xae: {  	[dreg:$0x2] =	wrdreg s24  }
0xaf: {  	[dreg:$0x3] =	wrdreg $0xA4000  }
0xb0: {  	[dreg:$0x4] =	wrdreg $0x9  }
0xb1: {  	_ =	task.clear_ibuf [dreg:s6], $0x5FFFF;
	_ =	strace $0x90000049  }
0xb2: {  	s29 =	simm.s32 $0x9;
	_ =	strace $0x8000004B  }
0xb3: {  	_ =	swait.ge [sflag:s29], $0x1  }
0xb4: {  	[sflag:s29] =	ssyncadd.s32 $0xFFFFFFFF  }
0xb5: {  	_ =	strace $0x9000004B  }
0xb6: {  	_ =	sfence  }
0xb7: {  	s30 =	sld [smem:$0x0];
	_ =	sdelay $0x2  }
0xb8: {  	s31 =	sshll.u32 s1, $0xD;
	s1 =	sshrl.u32 s1, $0x2  }
0xb9: {  	s3 =	sand.u32 $0x4000, s31;
	s1 =	sadd.s32 s1, s30  }
0xba: {  	s0 =	sor.u32 s3, s0;
	s1 =	sshll.u32 s1, $0x11  }
0xbb: {  	s0 =	sor.u32 s1, s0  }
0xbc: {  	s0 =	sadd.s32 $0x8F2B, s0  }
0xbd: {  	[sflag:s0] =	ssyncadd.remote.s32 $0x1  }
0xbe: {  	_ =	sfence.sel $0xFFFF  }
0xbf: {  	[dreg:$0x0] =	wrdreg $0xFFFFFFFF;
	(pc) =	sbr.abs _section_cstart, $3  }
0xc0: {  	[dreg:$0x1] =	wrdreg $0xFFFFFFFF  }
0xc1: {  	_ =	task.clear_ibuf [dreg:s6], $0x2FFFF;
	_ =	strace $0x9FFFFFFF  }
0xc2: {  	(tm) =	ssettm $0x7FFFFFFF  }
0xc3: {  	_ =	shalt  }
tec
execute0_lowered:
.L_overlay_start_1:
0x0: {  	(tag) =	ssettag $0x1  }
0x1: {  	s0 =	rddreg [dreg:$0x0]  }
0x2: {  	s1 =	rddreg [dreg:$0x1];
	s3 =	simm.s32 $0x0;
	s2 =	srdreg.scid  }
0x3: {  	s12 =	stileid.u32;
	s29 =	simm.s32 $0x8400;
	s30 =	simm.s32 $0x200  }
0x4: {  	s31 =	simm.s32 $0x80;
	[smem:$0x7FF] =	sst s3;
	s2 =	sand.u32 $0x1, s2  }
0x5: {  	s5 =	smul.u32 $0x2800, s12;
	s4 =	sshll.u32 s12, $0x1;
	s8 =	sadd.s32 $0x2D400, s0  }
0x6: {  	s9 =	sadd.s32 $0x37400, s0;
	s10 =	sadd.s32 $0x4E00, s0;
	s19 =	smul.u32 $0x50000, s12  }
0x7: {  	_ =	strace $0x8000004A;
	s6 =	smul.u32 $0x28000, s2;
	s7 =	sor.u32 s2, s4  }
0x8: {  	s4 =	sadd.s32 $0x5400, s0;
	s13 =	ssub.s32 $0x2, s2;
	s2 =	smul.u32 $0x2800, s2  }
0x9: {  	[dreg:$0x9] =	wrdreg s10;
	s7 =	smul.u32 $0x2800, s7;
	s14 =	sshrl.u32 s13, $0x1  }
0xa: {  	s23 =	sshrl.u32 s19, $0x2;
	s5 =	sadd.s32 s5, s6;
	s15 =	ssub.s32 s13, s14  }
0xb: {  	s7 =	sshrl.u32 s7, $0x3;
	s0 =	sadd.s32 s5, s0;
	s5 =	smax.u32 s15, $0x1  }
0xc: {  	s13 =	smul.u32 $0x5000, s12;
	s16 =	sadd.s32 s8, s7;
	[dreg:$0x13] =	wrdreg s5  }
0xd: {  	s12 =	sadd.s32 s23, s1;
	s17 =	sadd.s32 s9, s7;
	[dreg:$0xa] =	wrdreg s16  }
0xe: {  	s18 =	sor.u32 $0x10, s7;
	s0 =	sadd.s32 $0x41400, s0;
	[dreg:$0xb] =	wrdreg s17  }
0xf: {  	s28 =	sadd.s32 $0x12000, s12;
	s11 =	sadd.s32 s8, s18;
	[dreg:$0x12] =	wrdreg s0  }
0x10: {  	s20 =	sor.u32 $0x20, s7;
	s6 =	sadd.s32 s9, s18;
	[dreg:$0xc] =	wrdreg s11  }
0x11: {  	s7 =	sadd.s32 $0x4F0, s7;
	s21 =	sadd.s32 s8, s20;
	[dreg:$0xd] =	wrdreg s6  }
0x12: {  	s2 =	sadd.s32 s2, s13;
	s22 =	sadd.s32 s9, s20;
	[dreg:$0xe] =	wrdreg s21  }
0x13: {  	s5 =	simm.s32 $0x400;
	s24 =	sadd.s32 s8, s7;
	[dreg:$0xf] =	wrdreg s22  }
0x14: {  	s25 =	sadd.s32 s9, s7;
	s26 =	sor.u32 $0x300, s2;
	[dreg:$0x10] =	wrdreg s24  }
0x15: {  	s7 =	sadd.s32 $0x4000, s12;
	s15 =	sor.u32 $0x200, s2;
	[dreg:$0x11] =	wrdreg s25  }
0x16: {  	s18 =	sadd.s32 $0x6000, s12;
	s20 =	sadd.s32 $0x8000, s12;
	[dreg:$0x15] =	wrdreg s7  }
0x17: {  	s6 =	sadd.s32 $0x2000, s12;
	s0 =	sshrl.u32 s26, $0x3;
	[dreg:$0x16] =	wrdreg s18  }
0x18: {  	s11 =	sor.u32 $0x280, s2;
	s17 =	sshrl.u32 s15, $0x3;
	[dreg:$0x17] =	wrdreg s20  }
0x19: {  	s21 =	sor.u32 $0x180, s2;
	s22 =	sadd.s32 $0xA000, s12;
	s24 =	sadd.s32 $0xC000, s12  }
0x1a: {  	s25 =	sadd.s32 $0xE000, s12;
	s26 =	sadd.s32 $0x10000, s12;
	[dreg:$0x14] =	wrdreg s6  }
0x1b: {  	s2 =	simm.s32 $0x1;
	s7 =	simm.s32 $0x300;
	[dreg:$0x18] =	wrdreg s22  }
0x1c: {  	s15 =	simm.s32 $0x380;
	s18 =	simm.s32 $0x8;
	[dreg:$0x19] =	wrdreg s24  }
0x1d: {  	s20 =	simm.s32 $0x0;
	s10 =	sadd.s32 s0, s9;
	[dreg:$0x1a] =	wrdreg s25  }
0x1e: {  	s0 =	sadd.s32 s0, s8;
	s13 =	sshrl.u32 s11, $0x3;
	[dreg:$0x1b] =	wrdreg s26  }
0x1f: {  	s19 =	sadd.s32 s17, s9;
	s23 =	sadd.s32 s17, s8;
	[dreg:$0x3] =	wrdreg s10  }
0x20: {  	s6 =	simm.s32 $0x100;
	s11 =	simm.s32 $0x9;
	[dreg:$0x4] =	wrdreg s0  }
0x21: {  	s17 =	simm.s32 $0x6;
	s14 =	sadd.s32 s13, s9;
	[dreg:$0x7] =	wrdreg s19  }
0x22: {  	s16 =	sadd.s32 s13, s8;
	s0 =	sshrl.u32 s21, $0x3;
	[dreg:$0x8] =	wrdreg s23  }
0x23: {  	s10 =	simm.s32 $0x7;
	s13 =	simm.s32 $0x5;
	[dreg:$0x5] =	wrdreg s14  }
0x24: {  	s19 =	simm.s32 $0x4;
	[dreg:$0x6] =	wrdreg s16;
	s23 =	sadd.s32 s0, s9  }
0x25: {  	s24 =	sadd.s32 s0, s8;
	s0 =	simm.s32 $0x280;
	s8 =	simm.s32 $0x2  }
0x26: {  	s9 =	simm.s32 $0x4400;
	s14 =	simm.s32 $0x180;
	s16 =	simm.s32 $0x3  }
.LBB2_1:
0x27: {  	s21 =	rddreg [dreg:$0x9]  }
0x28: {  	[tilespmem:s29], [sflag:$0x7] =	stream.linear.gather [hbm4b:s21+s3], $0x2000, $0x38;
	[tilespmem:$0x1E400] =	vst v63  }
0x29: {  	s22 =	rddreg [dreg:$0xa]  }
0x2a: {  	[tilespmem:s3], [sflag:$0x1] =	stream.linear.gather [hbm4b:s22+s3], $0x80, $0x38;
	[tilespmem:$0x1E400] =	vst v63  }
0x2b: {  	s25 =	rddreg [dreg:$0xb]  }
0x2c: {  	[tilespmem:s30], [sflag:$0x1] =	stream.linear.gather [hbm4b:s25+s3], $0x80, $0x38;
	[tilespmem:$0x1E400] =	vst v63  }
0x2d: {  	s26 =	rddreg [dreg:$0xc]  }
0x2e: {  	[tilespmem:s31], [sflag:$0x2] =	stream.linear.gather [hbm4b:s26+s3], $0x80, $0x38;
	[tilespmem:$0x1E400] =	vst v63  }
0x2f: {  	s22 =	rddreg [dreg:$0xd]  }
0x30: {  	[tilespmem:s0], [sflag:$0x2] =	stream.linear.gather [hbm4b:s22+s3], $0x80, $0x38;
	[tilespmem:$0x1E400] =	vst v63  }
0x31: {  	_ =	swait.ge [sflag:s2], $0x80  }
0x32: {  	[sflag:s2] =	ssyncset.done $0x0  }
0x33: {  	[sflag:s2] =	ssyncadd.s32 $0xFFFFFF80  }
0x34: {  	_ =	swait.ge [sflag:s2], $0x80  }
0x35: {  	[sflag:s2] =	ssyncset.done $0x0  }
0x36: {  	[sflag:s2] =	ssyncadd.s32 $0xFFFFFF80  }
0x37: {  	[tilespmem:s5], [sflag:$0x5] =	stream.indirect.gather [hbm4b:s4+s31], $0x80, s3, s31, $0xb8;
	[tilespmem:$0x1E400] =	vst v63  }
0x38: {  	s25 =	rddreg [dreg:$0xe]  }
0x39: {  	[tilespmem:s6], [sflag:$0x3] =	stream.linear.gather [hbm4b:s25+s3], $0x80, $0x38;
	[tilespmem:$0x1E400] =	vst v63  }
0x3a: {  	s26 =	rddreg [dreg:$0xf]  }
0x3b: {  	[tilespmem:s7], [sflag:$0x3] =	stream.linear.gather [hbm4b:s26+s3], $0x80, $0x38;
	[tilespmem:$0x1E400] =	vst v63  }
0x3c: {  	_ =	swait.ge [sflag:s8], $0x80  }
0x3d: {  	[sflag:s8] =	ssyncset.done $0x0  }
0x3e: {  	[sflag:s8] =	ssyncadd.s32 $0xFFFFFF80  }
0x3f: {  	_ =	swait.ge [sflag:s8], $0x80  }
0x40: {  	[sflag:s8] =	ssyncset.done $0x0  }
0x41: {  	[sflag:s8] =	ssyncadd.s32 $0xFFFFFF80  }
0x42: {  	[tilespmem:s9], [sflag:$0x6] =	stream.indirect.gather [hbm4b:s4+s31], $0x80, s31, s31, $0xb8;
	[tilespmem:$0x1E400] =	vst v63  }
0x43: {  	_ =	swait.ge [sflag:s10], $0x2000  }
0x44: {  	[sflag:s10] =	ssyncset.done $0x0  }
0x45: {  	[sflag:s10] =	ssyncadd.s32 $0xFFFFE000  }
0x46: {  	[spmem:s12] =	stream.linear.scatter [tilespmem:s29], [sflag:$0x9], $0x2000, $0x38;
	[tilespmem:$0x1E400] =	vst v63  }
0x47: {  	_ =	swait.ge [sflag:s11], $0x2000  }
0x48: {  	[sflag:s11] =	ssyncset.done $0x0  }
0x49: {  	s22 =	rddreg [dreg:$0x14];
	[sflag:s11] =	ssyncadd.s32 $0xFFFFE000  }
0x4a: {  	[spmem:s22] =	stream.linear.scatter [tilespmem:s29], [sflag:$0x9], $0x2000, $0x38;
	[tilespmem:$0x1E400] =	vst v63  }
0x4b: {  	_ =	swait.ge [sflag:s11], $0x2000  }
0x4c: {  	[sflag:s11] =	ssyncset.done $0x0  }
0x4d: {  	s25 =	rddreg [dreg:$0x15];
	[sflag:s11] =	ssyncadd.s32 $0xFFFFE000  }
0x4e: {  	[spmem:s25] =	stream.linear.scatter [tilespmem:s29], [sflag:$0x9], $0x2000, $0x38;
	[tilespmem:$0x1E400] =	vst v63  }
0x4f: {  	_ =	swait.ge [sflag:s11], $0x2000  }
0x50: {  	[sflag:s11] =	ssyncset.done $0x0  }
0x51: {  	s26 =	rddreg [dreg:$0x16];
	[sflag:s11] =	ssyncadd.s32 $0xFFFFE000  }
0x52: {  	[spmem:s26] =	stream.linear.scatter [tilespmem:s29], [sflag:$0x9], $0x2000, $0x38;
	[tilespmem:$0x1E400] =	vst v63  }
0x53: {  	_ =	swait.ge [sflag:s11], $0x2000  }
0x54: {  	[sflag:s11] =	ssyncset.done $0x0  }
0x55: {  	s22 =	rddreg [dreg:$0x17];
	[sflag:s11] =	ssyncadd.s32 $0xFFFFE000  }
0x56: {  	[spmem:s22] =	stream.linear.scatter [tilespmem:s29], [sflag:$0x9], $0x2000, $0x38;
	[tilespmem:$0x1E400] =	vst v63  }
0x57: {  	_ =	swait.ge [sflag:s11], $0x2000  }
0x58: {  	[sflag:s11] =	ssyncset.done $0x0  }
0x59: {  	s25 =	rddreg [dreg:$0x18];
	[sflag:s11] =	ssyncadd.s32 $0xFFFFE000  }
0x5a: {  	[spmem:s25] =	stream.linear.scatter [tilespmem:s29], [sflag:$0x9], $0x2000, $0x38;
	[tilespmem:$0x1E400] =	vst v63  }
0x5b: {  	_ =	swait.ge [sflag:s11], $0x2000  }
0x5c: {  	[sflag:s11] =	ssyncset.done $0x0  }
0x5d: {  	s26 =	rddreg [dreg:$0x19];
	[sflag:s11] =	ssyncadd.s32 $0xFFFFE000  }
0x5e: {  	[spmem:s26] =	stream.linear.scatter [tilespmem:s29], [sflag:$0x9], $0x2000, $0x38;
	[tilespmem:$0x1E400] =	vst v63  }
0x5f: {  	_ =	swait.ge [sflag:s11], $0x2000  }
0x60: {  	[sflag:s11] =	ssyncset.done $0x0  }
0x61: {  	s22 =	rddreg [dreg:$0x1a];
	[sflag:s11] =	ssyncadd.s32 $0xFFFFE000  }
0x62: {  	[spmem:s22] =	stream.linear.scatter [tilespmem:s29], [sflag:$0x9], $0x2000, $0x38;
	[tilespmem:$0x1E400] =	vst v63  }
0x63: {  	_ =	swait.ge [sflag:s11], $0x2000  }
0x64: {  	[sflag:s11] =	ssyncset.done $0x0  }
0x65: {  	s25 =	rddreg [dreg:$0x1b];
	[sflag:s11] =	ssyncadd.s32 $0xFFFFE000  }
0x66: {  	[spmem:s25] =	stream.linear.scatter [tilespmem:s29], [sflag:$0x9], $0x2000, $0x38;
	[tilespmem:$0x1E400] =	vst v63  }
0x67: {  	_ =	swait.ge [sflag:s11], $0x2000  }
0x68: {  	[sflag:s11] =	ssyncset.done $0x0  }
0x69: {  	[sflag:s11] =	ssyncadd.s32 $0xFFFFE000  }
0x6a: {  	[spmem:s28] =	stream.linear.scatter [tilespmem:s29], [sflag:$0x9], $0x2000, $0x38;
	[tilespmem:$0x1E400] =	vst v63  }
0x6b: {  	_ =	swait.ge [sflag:s11], $0x2000  }
0x6c: {  	[sflag:s11] =	ssyncset.done $0x0  }
0x6d: {  	[sflag:s11] =	ssyncadd.s32 $0xFFFFE000  }
0x6e: {  	[bflag:$0x0] =	sbarrier.arrive $0xFFFF  }
0x6f: {  	_ =	swait.ge [sflag:s13], $0x4000  }
0x70: {  	[sflag:s13] =	ssyncset.done $0x0  }
0x71: {  	[sflag:s13] =	ssyncadd.s32 $0xFFFFC000  }
0x72: {  	[spmem:s1] =	stream.indirect.scatter.add.f32 [tilespmem:s5], [sflag:$0x7], $0x80, s30, s31, $0xb8;
	[tilespmem:$0x1E400] =	vst v63  }
0x73: {  	_ =	swait.ge [sflag:s10], $0x4000  }
0x74: {  	[sflag:s10] =	ssyncset.done $0x0  }
0x75: {  	s26 =	sadd.s32 $0x0, s24;
	[sflag:s10] =	ssyncadd.s32 $0xFFFFC000  }
0x76: {  	[tilespmem:s14], [sflag:$0x4] =	stream.linear.gather [hbm4b:s26+s3], $0x80, $0x38;
	[tilespmem:$0x1E400] =	vst v63  }
0x77: {  	s22 =	sadd.s32 $0x0, s23  }
0x78: {  	[tilespmem:s15], [sflag:$0x4] =	stream.linear.gather [hbm4b:s22+s3], $0x80, $0x38;
	[tilespmem:$0x1E400] =	vst v63  }
0x79: {  	_ =	swait.ge [sflag:s16], $0x80  }
0x7a: {  	[sflag:s16] =	ssyncset.done $0x0  }
0x7b: {  	[sflag:s16] =	ssyncadd.s32 $0xFFFFFF80  }
0x7c: {  	_ =	swait.ge [sflag:s16], $0x80  }
0x7d: {  	[sflag:s16] =	ssyncset.done $0x0  }
0x7e: {  	[sflag:s16] =	ssyncadd.s32 $0xFFFFFF80  }
0x7f: {  	[tilespmem:s5], [sflag:$0x5] =	stream.indirect.gather [hbm4b:s4+s31], $0x80, s6, s31, $0xb8;
	[tilespmem:$0x1E400] =	vst v63  }
0x80: {  	_ =	swait.ge [sflag:s17], $0x4000  }
0x81: {  	[sflag:s17] =	ssyncset.done $0x0  }
0x82: {  	[sflag:s17] =	ssyncadd.s32 $0xFFFFC000  }
0x83: {  	[spmem:s1] =	stream.indirect.scatter.add.f32 [tilespmem:s9], [sflag:$0x8], $0x80, s0, s31, $0xb8;
	[tilespmem:$0x1E400] =	vst v63  }
0x84: {  	_ =	swait.ge [sflag:s18], $0x4000  }
0x85: {  	s25 =	rddreg [dreg:$0x8];
	[sflag:s18] =	ssyncset.done $0x0  }
0x86: {  	s22 =	rddreg [dreg:$0x7];
	[sflag:s18] =	ssyncadd.s32 $0xFFFFC000;
	s21 =	sadd.s32 $0x0, s25  }
0x87: {  	[tilespmem:s3], [sflag:$0x1] =	stream.linear.gather [hbm4b:s21+s3], $0x80, $0x38;
	[tilespmem:$0x1E400] =	vst v63  }
0x88: {  	s26 =	sadd.s32 $0x0, s22  }
0x89: {  	[tilespmem:s30], [sflag:$0x1] =	stream.linear.gather [hbm4b:s26+s3], $0x80, $0x38;
	[tilespmem:$0x1E400] =	vst v63  }
0x8a: {  	_ =	swait.ge [sflag:s19], $0x80  }
0x8b: {  	[sflag:s19] =	ssyncset.done $0x0  }
0x8c: {  	[sflag:s19] =	ssyncadd.s32 $0xFFFFFF80  }
0x8d: {  	_ =	swait.ge [sflag:s19], $0x80  }
0x8e: {  	[sflag:s19] =	ssyncset.done $0x0  }
0x8f: {  	[sflag:s19] =	ssyncadd.s32 $0xFFFFFF80  }
0x90: {  	[tilespmem:s9], [sflag:$0x6] =	stream.indirect.gather [hbm4b:s4+s31], $0x80, s14, s31, $0xb8;
	[tilespmem:$0x1E400] =	vst v63  }
0x91: {  	_ =	swait.ge [sflag:s13], $0x4000  }
0x92: {  	[sflag:s13] =	ssyncset.done $0x0  }
0x93: {  	[sflag:s13] =	ssyncadd.s32 $0xFFFFC000  }
0x94: {  	[spmem:s1] =	stream.indirect.scatter.add.f32 [tilespmem:s5], [sflag:$0x7], $0x80, s7, s31, $0xb8;
	[tilespmem:$0x1E400] =	vst v63  }
0x95: {  	_ =	swait.ge [sflag:s10], $0x4000  }
0x96: {  	s22 =	rddreg [dreg:$0x6];
	[sflag:s10] =	ssyncset.done $0x0  }
0x97: {  	s25 =	rddreg [dreg:$0x5];
	[sflag:s10] =	ssyncadd.s32 $0xFFFFC000;
	s21 =	sadd.s32 $0x0, s22  }
0x98: {  	[tilespmem:s31], [sflag:$0x2] =	stream.linear.gather [hbm4b:s21+s3], $0x80, $0x38;
	[tilespmem:$0x1E400] =	vst v63  }
0x99: {  	s26 =	sadd.s32 $0x0, s25  }
0x9a: {  	[tilespmem:s0], [sflag:$0x2] =	stream.linear.gather [hbm4b:s26+s3], $0x80, $0x38;
	[tilespmem:$0x1E400] =	vst v63  }
0x9b: {  	_ =	swait.ge [sflag:s2], $0x80  }
0x9c: {  	[sflag:s2] =	ssyncset.done $0x0  }
0x9d: {  	[sflag:s2] =	ssyncadd.s32 $0xFFFFFF80  }
0x9e: {  	_ =	swait.ge [sflag:s2], $0x80  }
0x9f: {  	[sflag:s2] =	ssyncset.done $0x0  }
0xa0: {  	[sflag:s2] =	ssyncadd.s32 $0xFFFFFF80  }
0xa1: {  	[tilespmem:s5], [sflag:$0x5] =	stream.indirect.gather [hbm4b:s4+s31], $0x80, s3, s31, $0xb8;
	[tilespmem:$0x1E400] =	vst v63  }
0xa2: {  	_ =	swait.ge [sflag:s17], $0x4000  }
0xa3: {  	[sflag:s17] =	ssyncset.done $0x0  }
0xa4: {  	[sflag:s17] =	ssyncadd.s32 $0xFFFFC000  }
0xa5: {  	[spmem:s1] =	stream.indirect.scatter.add.f32 [tilespmem:s9], [sflag:$0x8], $0x80, s15, s31, $0xb8;
	[tilespmem:$0x1E400] =	vst v63  }
0xa6: {  	_ =	swait.ge [sflag:s18], $0x4000  }
0xa7: {  	s22 =	rddreg [dreg:$0x4];
	[sflag:s18] =	ssyncset.done $0x0  }
0xa8: {  	s25 =	rddreg [dreg:$0x3];
	[sflag:s18] =	ssyncadd.s32 $0xFFFFC000;
	s21 =	sadd.s32 $0x0, s22  }
0xa9: {  	[tilespmem:s6], [sflag:$0x3] =	stream.linear.gather [hbm4b:s21+s3], $0x80, $0x38;
	[tilespmem:$0x1E400] =	vst v63  }
0xaa: {  	s26 =	sadd.s32 $0x0, s25  }
0xab: {  	[tilespmem:s7], [sflag:$0x3] =	stream.linear.gather [hbm4b:s26+s3], $0x80, $0x38;
	[tilespmem:$0x1E400] =	vst v63  }
0xac: {  	_ =	swait.ge [sflag:s8], $0x80  }
0xad: {  	[sflag:s8] =	ssyncset.done $0x0  }
0xae: {  	[sflag:s8] =	ssyncadd.s32 $0xFFFFFF80  }
0xaf: {  	_ =	swait.ge [sflag:s8], $0x80  }
0xb0: {  	[sflag:s8] =	ssyncset.done $0x0  }
0xb1: {  	[sflag:s8] =	ssyncadd.s32 $0xFFFFFF80  }
0xb2: {  	[tilespmem:s9], [sflag:$0x6] =	stream.indirect.gather [hbm4b:s4+s31], $0x80, s31, s31, $0xb8;
	[tilespmem:$0x1E400] =	vst v63  }
0xb3: {  	_ =	swait.ge [sflag:s13], $0x4000  }
0xb4: {  	[sflag:s13] =	ssyncset.done $0x0  }
0xb5: {  	s21 =	simm.s32 $0x40;
	[sflag:s13] =	ssyncadd.s32 $0xFFFFC000  }
.LBB2_2:
0xb6: {  	[spmem:s1] =	stream.indirect.scatter.add.f32 [tilespmem:s5], [sflag:$0x7], $0x80, s30, s31, $0xb8;
	[tilespmem:$0x1E400] =	vst v63  }
0xb7: {  	_ =	swait.ge [sflag:s10], $0x4000  }
0xb8: {  	s22 =	smov.u32 s21;
	[sflag:s10] =	ssyncset.done $0x0  }
0xb9: {  	s25 =	sadd.s32 s22, s24;
	[sflag:s10] =	ssyncadd.s32 $0xFFFFC000  }
0xba: {  	[tilespmem:s14], [sflag:$0x4] =	stream.linear.gather [hbm4b:s25+s3], $0x80, $0x38;
	[tilespmem:$0x1E400] =	vst v63  }
0xbb: {  	s26 =	sadd.s32 s22, s23  }
0xbc: {  	[tilespmem:s15], [sflag:$0x4] =	stream.linear.gather [hbm4b:s26+s3], $0x80, $0x38;
	[tilespmem:$0x1E400] =	vst v63  }
0xbd: {  	_ =	swait.ge [sflag:s16], $0x80  }
0xbe: {  	[sflag:s16] =	ssyncset.done $0x0  }
0xbf: {  	[sflag:s16] =	ssyncadd.s32 $0xFFFFFF80  }
0xc0: {  	_ =	swait.ge [sflag:s16], $0x80  }
0xc1: {  	[sflag:s16] =	ssyncset.done $0x0  }
0xc2: {  	[sflag:s16] =	ssyncadd.s32 $0xFFFFFF80  }
0xc3: {  	[tilespmem:s5], [sflag:$0x5] =	stream.indirect.gather [hbm4b:s4+s31], $0x80, s6, s31, $0xb8;
	[tilespmem:$0x1E400] =	vst v63  }
0xc4: {  	_ =	swait.ge [sflag:s17], $0x4000  }
0xc5: {  	[sflag:s17] =	ssyncset.done $0x0  }
0xc6: {  	[sflag:s17] =	ssyncadd.s32 $0xFFFFC000  }
0xc7: {  	[spmem:s1] =	stream.indirect.scatter.add.f32 [tilespmem:s9], [sflag:$0x8], $0x80, s0, s31, $0xb8;
	[tilespmem:$0x1E400] =	vst v63  }
0xc8: {  	_ =	swait.ge [sflag:s18], $0x4000  }
0xc9: {  	s25 =	rddreg [dreg:$0x8];
	[sflag:s18] =	ssyncset.done $0x0  }
0xca: {  	s26 =	rddreg [dreg:$0x7];
	[sflag:s18] =	ssyncadd.s32 $0xFFFFC000;
	s25 =	sadd.s32 s22, s25  }
0xcb: {  	[tilespmem:s3], [sflag:$0x1] =	stream.linear.gather [hbm4b:s25+s3], $0x80, $0x38;
	[tilespmem:$0x1E400] =	vst v63  }
0xcc: {  	s26 =	sadd.s32 s22, s26  }
0xcd: {  	[tilespmem:s30], [sflag:$0x1] =	stream.linear.gather [hbm4b:s26+s3], $0x80, $0x38;
	[tilespmem:$0x1E400] =	vst v63  }
0xce: {  	_ =	swait.ge [sflag:s19], $0x80  }
0xcf: {  	[sflag:s19] =	ssyncset.done $0x0  }
0xd0: {  	[sflag:s19] =	ssyncadd.s32 $0xFFFFFF80  }
0xd1: {  	_ =	swait.ge [sflag:s19], $0x80  }
0xd2: {  	[sflag:s19] =	ssyncset.done $0x0  }
0xd3: {  	[sflag:s19] =	ssyncadd.s32 $0xFFFFFF80  }
0xd4: {  	[tilespmem:s9], [sflag:$0x6] =	stream.indirect.gather [hbm4b:s4+s31], $0x80, s14, s31, $0xb8;
	[tilespmem:$0x1E400] =	vst v63  }
0xd5: {  	_ =	swait.ge [sflag:s13], $0x4000  }
0xd6: {  	[sflag:s13] =	ssyncset.done $0x0  }
0xd7: {  	[sflag:s13] =	ssyncadd.s32 $0xFFFFC000  }
0xd8: {  	[spmem:s1] =	stream.indirect.scatter.add.f32 [tilespmem:s5], [sflag:$0x7], $0x80, s7, s31, $0xb8;
	[tilespmem:$0x1E400] =	vst v63  }
0xd9: {  	_ =	swait.ge [sflag:s10], $0x4000  }
0xda: {  	s25 =	rddreg [dreg:$0x6];
	[sflag:s10] =	ssyncset.done $0x0  }
0xdb: {  	s26 =	rddreg [dreg:$0x5];
	[sflag:s10] =	ssyncadd.s32 $0xFFFFC000;
	s25 =	sadd.s32 s22, s25  }
0xdc: {  	[tilespmem:s31], [sflag:$0x2] =	stream.linear.gather [hbm4b:s25+s3], $0x80, $0x38;
	[tilespmem:$0x1E400] =	vst v63  }
0xdd: {  	s26 =	sadd.s32 s22, s26  }
0xde: {  	[tilespmem:s0], [sflag:$0x2] =	stream.linear.gather [hbm4b:s26+s3], $0x80, $0x38;
	[tilespmem:$0x1E400] =	vst v63  }
0xdf: {  	_ =	swait.ge [sflag:s2], $0x80  }
0xe0: {  	[sflag:s2] =	ssyncset.done $0x0  }
0xe1: {  	[sflag:s2] =	ssyncadd.s32 $0xFFFFFF80  }
0xe2: {  	_ =	swait.ge [sflag:s2], $0x80  }
0xe3: {  	[sflag:s2] =	ssyncset.done $0x0  }
0xe4: {  	[sflag:s2] =	ssyncadd.s32 $0xFFFFFF80  }
0xe5: {  	[tilespmem:s5], [sflag:$0x5] =	stream.indirect.gather [hbm4b:s4+s31], $0x80, s3, s31, $0xb8;
	[tilespmem:$0x1E400] =	vst v63  }
0xe6: {  	_ =	swait.ge [sflag:s17], $0x4000  }
0xe7: {  	[sflag:s17] =	ssyncset.done $0x0  }
0xe8: {  	[sflag:s17] =	ssyncadd.s32 $0xFFFFC000  }
0xe9: {  	[spmem:s1] =	stream.indirect.scatter.add.f32 [tilespmem:s9], [sflag:$0x8], $0x80, s15, s31, $0xb8;
	[tilespmem:$0x1E400] =	vst v63  }
0xea: {  	_ =	swait.ge [sflag:s18], $0x4000  }
0xeb: {  	s25 =	rddreg [dreg:$0x4];
	[sflag:s18] =	ssyncset.done $0x0  }
0xec: {  	s26 =	rddreg [dreg:$0x3];
	[sflag:s18] =	ssyncadd.s32 $0xFFFFC000;
	s25 =	sadd.s32 s22, s25  }
0xed: {  	[tilespmem:s6], [sflag:$0x3] =	stream.linear.gather [hbm4b:s25+s3], $0x80, $0x38;
	[tilespmem:$0x1E400] =	vst v63  }
0xee: {  	s22 =	sadd.s32 s22, s26  }
0xef: {  	[tilespmem:s7], [sflag:$0x3] =	stream.linear.gather [hbm4b:s22+s3], $0x80, $0x38;
	[tilespmem:$0x1E400] =	vst v63  }
0xf0: {  	_ =	swait.ge [sflag:s8], $0x80  }
0xf1: {  	[sflag:s8] =	ssyncset.done $0x0  }
0xf2: {  	[sflag:s8] =	ssyncadd.s32 $0xFFFFFF80  }
0xf3: {  	_ =	swait.ge [sflag:s8], $0x80  }
0xf4: {  	p0 =	sne.s32 s21, $0x480;
	[sflag:s8] =	ssyncset.done $0x0  }
.Ltmp0:
0xf5: {  	[sflag:s8] =	ssyncadd.s32 $0xFFFFFF80;
	(pc) =	sbr.rel @p0 .LBB2_2-.Ltmp0, $4  }
0xf6: {  	[tilespmem:s9], [sflag:$0x6] =	stream.indirect.gather [hbm4b:s4+s31], $0x80, s31, s31, $0xb8;
	[tilespmem:$0x1E400] =	vst v63  }
0xf7: {  	_ =	swait.ge [sflag:s13], $0x4000  }
0xf8: {  	[sflag:s13] =	ssyncset.done $0x0  }
0xf9: {  	s21 =	sadd.s32 $0x40, s21;
	[sflag:s13] =	ssyncadd.s32 $0xFFFFC000  }
0xfa: {  	[spmem:s1] =	stream.indirect.scatter.add.f32 [tilespmem:s5], [sflag:$0x7], $0x80, s30, s31, $0xb8;
	[tilespmem:$0x1E400] =	vst v63  }
0xfb: {  	_ =	swait.ge [sflag:s10], $0x4000  }
0xfc: {  	[sflag:s10] =	ssyncset.done $0x0  }
0xfd: {  	s21 =	rddreg [dreg:$0x10];
	[sflag:s10] =	ssyncadd.s32 $0xFFFFC000  }
0xfe: {  	[tilespmem:s14], [sflag:$0x4] =	stream.linear.gather [hbm4b:s21+s3], $0x80, $0x38;
	[tilespmem:$0x1E400] =	vst v63  }
0xff: {  	s22 =	rddreg [dreg:$0x11]  }
0x100: {  	[tilespmem:s15], [sflag:$0x4] =	stream.linear.gather [hbm4b:s22+s3], $0x80, $0x38;
	[tilespmem:$0x1E400] =	vst v63  }
0x101: {  	_ =	swait.ge [sflag:s16], $0x80  }
0x102: {  	[sflag:s16] =	ssyncset.done $0x0  }
0x103: {  	[sflag:s16] =	ssyncadd.s32 $0xFFFFFF80  }
0x104: {  	_ =	swait.ge [sflag:s16], $0x80  }
0x105: {  	[sflag:s16] =	ssyncset.done $0x0  }
0x106: {  	[sflag:s16] =	ssyncadd.s32 $0xFFFFFF80  }
0x107: {  	[tilespmem:s5], [sflag:$0x5] =	stream.indirect.gather [hbm4b:s4+s31], $0x80, s6, s31, $0xb8;
	[tilespmem:$0x1E400] =	vst v63  }
0x108: {  	_ =	swait.ge [sflag:s17], $0x4000  }
0x109: {  	[sflag:s17] =	ssyncset.done $0x0  }
0x10a: {  	[sflag:s17] =	ssyncadd.s32 $0xFFFFC000  }
0x10b: {  	[spmem:s1] =	stream.indirect.scatter.add.f32 [tilespmem:s9], [sflag:$0x8], $0x80, s0, s31, $0xb8;
	[tilespmem:$0x1E400] =	vst v63  }
0x10c: {  	_ =	swait.ge [sflag:s18], $0x4000  }
0x10d: {  	[sflag:s18] =	ssyncset.done $0x0  }
0x10e: {  	[sflag:s18] =	ssyncadd.s32 $0xFFFFC000  }
0x10f: {  	_ =	swait.ge [sflag:s19], $0x80  }
0x110: {  	[sflag:s19] =	ssyncset.done $0x0  }
0x111: {  	[sflag:s19] =	ssyncadd.s32 $0xFFFFFF80  }
0x112: {  	_ =	swait.ge [sflag:s19], $0x80  }
0x113: {  	[sflag:s19] =	ssyncset.done $0x0  }
0x114: {  	[sflag:s19] =	ssyncadd.s32 $0xFFFFFF80  }
0x115: {  	[tilespmem:s9], [sflag:$0x6] =	stream.indirect.gather [hbm4b:s4+s31], $0x80, s14, s31, $0xb8;
	[tilespmem:$0x1E400] =	vst v63  }
0x116: {  	_ =	swait.ge [sflag:s13], $0x4000  }
0x117: {  	[sflag:s13] =	ssyncset.done $0x0  }
0x118: {  	[sflag:s13] =	ssyncadd.s32 $0xFFFFC000  }
0x119: {  	[spmem:s1] =	stream.indirect.scatter.add.f32 [tilespmem:s5], [sflag:$0x7], $0x80, s7, s31, $0xb8;
	[tilespmem:$0x1E400] =	vst v63  }
0x11a: {  	_ =	swait.ge [sflag:s10], $0x4000  }
0x11b: {  	[sflag:s10] =	ssyncset.done $0x0  }
0x11c: {  	[sflag:s10] =	ssyncadd.s32 $0xFFFFC000  }
0x11d: {  	_ =	swait.ge [sflag:s17], $0x4000  }
0x11e: {  	[sflag:s17] =	ssyncset.done $0x0  }
0x11f: {  	[sflag:s17] =	ssyncadd.s32 $0xFFFFC000  }
0x120: {  	[spmem:s1] =	stream.indirect.scatter.add.f32 [tilespmem:s9], [sflag:$0x8], $0x80, s15, s31, $0xb8;
	[tilespmem:$0x1E400] =	vst v63  }
0x121: {  	_ =	swait.ge [sflag:s18], $0x4000  }
0x122: {  	[sflag:s18] =	ssyncset.done $0x0  }
0x123: {  	s25 =	stileid.u32;
	[sflag:s18] =	ssyncadd.s32 $0xFFFFC000  }
0x124: {  	s21 =	sshll.u32 s25, $0x6;
	[bflag:$0x0] =	sbarrier.arrive $0xFFFF  }
0x125: {  	s21 =	sor.u32 $0x1C09, s21;
	s22 =	sshrl.u32 s12, $0x3;
	s25 =	rddreg [dreg:$0x12]  }
0x126: {  	[hbm:s25], [sflag:s21] =	dma.local [spmem:s22], $0x2800  }
0x127: {  	_ =	swait.ge [sflag:s11], $0x2800  }
0x128: {  	s20 =	sadd.s32 $0x1, s20;
	s26 =	rddreg [dreg:$0x13]  }
0x129: {  	p0 =	sne.s32 s20, s26  }
.Ltmp1:
0x12a: {  	_ = 	snop;
	(pc) =	sbr.rel @p0 .LBB2_1-.Ltmp1, $3  }
0x12b: {  	_ =	sdelay $0x1  }
0x12c: {  	[sflag:s11] =	ssyncset.done $0x0  }
0x12d: {  	[sflag:s11] =	ssyncadd.s32 $0xFFFFD800  }
0x12e: {  	_ =	sfence.sel $0x180000  }
0x12f: {  	[bflag:$0x0] =	sbarrier.arrive $0xFFFF  }
0x130: {  	_ =	strace $0x9000004A  }
0x131: {  	s0 =	stileid.u32;
	[bflag:$0x2] =	sbarrier.arrive $0xFFFF  }
0x132: {  	p0 =	sne.s32 s0, $0x0;
	s0 =	rddreg [dreg:$0x2]  }
0x133: {  	s0 =	sadd.s32 @!p0 $0x100000, s0  }
0x134: {  	[sflag:s0] =	ssyncadd.tile.s32 @!p0 $0x1;
	_ =	shalt  }
.Lfunc_end2:
_tile_overlayer_lowered:
.L_overlay_start_2:
0x135: {  	(tag) =	ssettag $0x2  }
0x136: {  	s0 =	rddreg [dreg:$0x0];
	s2 =	stileid.u32  }
0x137: {  	s1 =	rddreg [dreg:$0x1];
	p0 =	sne.s32 s2, $0x0  }
0x138: {  	s3 =	rddreg [dreg:$0x2];
	[bflag:$0x3] =	sbarrier.arrive $0xFFFF;
	s2 =	simm.s32 @!p0 $0x1C09  }
0x139: {  	[timem:s3], [sflag:s2] =	dma.local @!p0 [hbm:s0], s1  }
0x13a: {  	s0 =	simm.s32 @!p0 $0x9  }
0x13b: {  	_ =	swait.ge @!p0 [sflag:s0], s1  }
0x13c: {  	s1 =	ssub.s32 @!p0 $0x0, s1;
	[sflag:s0] =	ssyncset.done @!p0 $0x0  }
0x13d: {  	[sflag:s0] =	ssyncadd.s32 @!p0 s1  }
0x13e: {  	[bflag:$0x3] =	sbarrier.arrive $0xFFFF  }
0x13f: {  	_ =	shalt  }

// kernel: kernel.16.cloned.1.call-start
scs
__scs_entry_jumppad:
0x0: {  	(pc) =	sbr.rel $0x88, $3  }
0x1: {  	(tag) =	ssettag $0x0;
	lr =	simm.s32 $0x1  }
0x2: {  	[smem:$0x3F87] =	sst lr;
	_ =	strace $0xD0000000  }
0x3: {  	_ = 	snop  }
0x4: {  	_ = 	snop  }
0x5: {  	_ = 	snop  }
0x6: {  	_ = 	snop  }
0x7: {  	_ = 	snop  }
__scs_overlays_trampoline_lowered:
0x8: {  	[smem:$0x3F96] =	sst s0  }
0x9: {  	[smem:$0x3F97] =	sst s1  }
0xa: {  	[smem:$0x3F98] =	sst s2  }
0xb: {  	[smem:$0x3F99] =	sst s3  }
0xc: {  	[smem:$0x3F9A] =	sst s4  }
0xd: {  	[smem:$0x3F9B] =	sst s5  }
0xe: {  	[smem:$0x3F9C] =	sst s6  }
0xf: {  	[smem:$0x3F9D] =	sst s7  }
0x10: {  	[smem:$0x3F9E] =	sst s8  }
0x11: {  	[smem:$0x3F9F] =	sst s9;
	s0 =	simm.s32 @!p0 $0x0  }
0x12: {  	s1 =	sld [smem:$0x3F85];
	s0 =	simm.s32 @p0 $0x1  }
0x13: {  	[smem:$0x3FA0] =	sst s0;
	s0 =	simm.s32 @!p1 $0x0  }
0x14: {  	s2 =	sld [smem:$0x3F84];
	s0 =	simm.s32 @p1 $0x1  }
0x15: {  	[smem:$0x3FA1] =	sst s0;
	s0 =	simm.s32 @!p2 $0x0  }
0x16: {  	s3 =	sld [smem:$0x3FDB];
	s0 =	simm.s32 @p2 $0x1  }
0x17: {  	s4 =	simm.s32 $0x1BF5;
	[smem:$0x3FA3] =	sst s0  }
0x18: {  	s0 =	sld [smem:$0x3F86];
	_ =	swait.ge [sflag:s4], $0x0  }
0x19: {  	s7 =	sld [smem:$0x3F87]  }
0x1a: {  	s8 =	sadd.s32 $0xFFFFE003, lr  }
0x1b: {  	s9 =	sadd.s32 $0xFFFFFEF7, lr;
	s5 =	simm.s32 $0xFFFFFFFF;
	p2 =	slt.u32 s8, $0xFFFFF086  }
0x1c: {  	p1 =	slt.u32 s9, $0xF7A;
	s5 =	simm.s32 @!p2 $0x0  }
0x1d: {  	s5 =	simm.s32 @p1 $0x1;
	p0 =	seq.s32 s7, s2  }
0x1e: {  	s7 =	smul.u32 @!p0 $0xF7A, s2;
	p2 =	seq.s32 @!p0 s5, $0x0  }
0x1f: {  	s9 =	smul.u32 $0xF7A, s1;
	s8 =	simm.s32 @!p0 $0x1BF5;
	p2 =	por !p2, p0  }
0x20: {  	[sflag:s8] =	ssyncset.s32 @!p0 $0xFFFFF086;
	s6 =	sadd.s32 @!p0 s3, s7;
	s7 =	simm.s32 @!p0 $0x108  }
0x21: {  	s3 =	sadd.s32 s3, s9;
	s6 =	sadd.s32 @!p0 $0x88, s6;
	s7 =	simm.s32 @p2 $0x1082  }
0x22: {  	[simem:s7], [sflag:s8] =	dma.local @!p0 [hbm:s6], $0xF7A  }
0x23: {  	s9 =	sor.u32 $0xD0000000, s2;
	s6 =	simm.s32 $0x108;
	_ =	swait.ge @!p0 [sflag:s8], $0x0  }
0x24: {  	s3 =	sadd.s32 $0x88, s3;
	s6 =	simm.s32 @!p1 $0x1082;
	[sflag:s4] =	ssyncset.s32 $0xFFFFF086  }
0x25: {  	[simem:s6], [sflag:s4] =	dma.local [hbm:s3], $0xF7A  }
0x26: {  	[smem:$0x3F87] =	sst s1;
	(tag) =	ssettag s2;
	_ =	strace s9  }
0x27: {  	s1 =	sld [smem:$0x3F97]  }
0x28: {  	s2 =	sld [smem:$0x3F98]  }
0x29: {  	s4 =	sld [smem:$0x3F9A]  }
0x2a: {  	p0 =	seq.s32 s5, $0x0;
	s5 =	sld [smem:$0x3F9B]  }
0x2b: {  	s6 =	sld [smem:$0x3F9C]  }
0x2c: {  	s7 =	sld [smem:$0x3F9D]  }
0x2d: {  	s3 =	simm.s32 $0x108;
	s8 =	sld [smem:$0x3F9E]  }
0x2e: {  	s3 =	simm.s32 @!p0 $0x1082;
	s9 =	sld [smem:$0x3F9F]  }
0x2f: {  	lr =	sadd.s32 s0, s3;
	s0 =	sld [smem:$0x3F96]  }
0x30: {  	s3 =	sld [smem:$0x3F99]  }
0x31: {  	[smem:$0x3FA2] =	sst s10  }
0x32: {  	s10 =	sld [smem:$0x3FA0];
	_ =	sdelay $0x3  }
0x33: {  	p0 =	seq.s32 s10, $0x1;
	s10 =	sld [smem:$0x3FA2];
	_ =	sdelay $0x3  }
0x34: {  	[smem:$0x3FA2] =	sst s10  }
0x35: {  	s10 =	sld [smem:$0x3FA1];
	_ =	sdelay $0x3  }
0x36: {  	p1 =	seq.s32 s10, $0x1;
	s10 =	sld [smem:$0x3FA2];
	_ =	sdelay $0x3  }
0x37: {  	[smem:$0x3FA2] =	sst s10  }
0x38: {  	s10 =	sld [smem:$0x3FA3]  }
0x39: {  	_ = 	snop;
	(pc) =	sbr.ind lr, $3  }
0x3a: {  	_ = 	snop  }
0x3b: {  	_ = 	snop  }
0x3c: {  	p2 =	seq.s32 s10, $0x1;
	s10 =	sld [smem:$0x3FA2]  }
0x3d: {  	_ =	shalt  }
0x3e: {  	_ =	shalt  }
0x3f: {  	_ =	shalt  }
0x40: {  	_ =	shalt  }
0x41: {  	_ =	shalt  }
0x42: {  	_ =	shalt  }
0x43: {  	_ =	shalt  }
0x44: {  	_ =	shalt  }
0x45: {  	_ =	shalt  }
0x46: {  	_ =	shalt  }
0x47: {  	_ =	shalt  }
0x48: {  	_ =	shalt  }
0x49: {  	_ =	shalt  }
0x4a: {  	_ =	shalt  }
0x4b: {  	_ =	shalt  }
0x4c: {  	_ =	shalt  }
0x4d: {  	_ =	shalt  }
0x4e: {  	_ =	shalt  }
0x4f: {  	_ =	shalt  }
0x50: {  	_ =	shalt  }
0x51: {  	_ =	shalt  }
0x52: {  	_ =	shalt  }
0x53: {  	_ =	shalt  }
0x54: {  	_ =	shalt  }
0x55: {  	_ =	shalt  }
0x56: {  	_ =	shalt  }
0x57: {  	_ =	shalt  }
0x58: {  	_ =	shalt  }
0x59: {  	_ =	shalt  }
0x5a: {  	_ =	shalt  }
0x5b: {  	_ =	shalt  }
0x5c: {  	_ =	shalt  }
0x5d: {  	_ =	shalt  }
0x5e: {  	_ =	shalt  }
0x5f: {  	_ =	shalt  }
0x60: {  	_ =	shalt  }
0x61: {  	_ =	shalt  }
0x62: {  	_ =	shalt  }
0x63: {  	_ =	shalt  }
0x64: {  	_ =	shalt  }
0x65: {  	_ =	shalt  }
0x66: {  	_ =	shalt  }
0x67: {  	_ =	shalt  }
0x68: {  	_ =	shalt  }
0x69: {  	_ =	shalt  }
0x6a: {  	_ =	shalt  }
0x6b: {  	_ =	shalt  }
0x6c: {  	_ =	shalt  }
0x6d: {  	_ =	shalt  }
0x6e: {  	_ =	shalt  }
0x6f: {  	_ =	shalt  }
0x70: {  	_ =	shalt  }
0x71: {  	_ =	shalt  }
0x72: {  	_ =	shalt  }
0x73: {  	_ =	shalt  }
0x74: {  	_ =	shalt  }
0x75: {  	_ =	shalt  }
0x76: {  	_ =	shalt  }
0x77: {  	_ =	shalt  }
0x78: {  	_ =	shalt  }
0x79: {  	_ =	shalt  }
0x7a: {  	_ =	shalt  }
0x7b: {  	_ =	shalt  }
0x7c: {  	_ =	shalt  }
0x7d: {  	_ =	shalt  }
0x7e: {  	_ =	shalt  }
0x7f: {  	_ =	shalt  }
0x80: {  	_ =	shalt  }
0x81: {  	_ =	shalt  }
0x82: {  	_ =	shalt  }
0x83: {  	_ =	shalt  }
0x84: {  	_ =	shalt  }
0x85: {  	_ =	shalt  }
0x86: {  	_ =	shalt  }
0x87: {  	_ =	shalt  }
.Lfunc_end0:
.L_simem_size_0:
called_computation.2_lowered:
.L_overlay_start_0:
0x88: {  	s2 =	sld [smem:$0x3FD9]  }
0x89: {  	s3 =	sld [smem:$0x3FFE];
	_ =	sdelay $0x1  }
0x8a: {  	s1 =	srdreg.scid  }
0x8b: {  	s0 =	sand.u32 $0x1, s1  }
0x8c: {  	s16 =	sshll.u32 s0, $0xA;
	s2 =	sadd.s32 s3, s2  }
0x8d: {  	s2 =	sadd.s32 s2, s16  }
0x8e: {  	[smem:$0x3FAE] =	sst s2  }
0x8f: {  	_ = 	snop  }
0x90: {  	(tm) =	ssettm $0x1  }
0x91: {  	s17 =	sld [smem:$0x3FFB];
	_ =	sdelay $0x3  }
0x92: {  	_ =	strace s17  }
0x93: {  	s2 =	sld [smem:$0x3FFC];
	_ =	sdelay $0x3  }
0x94: {  	_ =	strace s2  }
0x95: {  	s2 =	sld [smem:$0x3FFD];
	_ =	sdelay $0x3  }
0x96: {  	_ =	strace s2  }
0x97: {  	_ =	strace $0x8FFFFFFF  }
0x98: {  	s18 =	sld [smem:$0x3FDB];
	_ =	sdelay $0x1  }
0x99: {  	s19 =	simm.s32 $_scs_section_size  }
0x9a: {  	s4 =	simm.s32 $_size__tile_overlayer_lowered;
	s5 =	simm.s32 $_tile_overlayer_lowered  }
0x9b: {  	s22 =	simm.s32 $0x1BFF;
	s21 =	sshll.u32 s5, $0x1;
	s2 =	sadd.s32 s19, s18  }
0x9c: {  	s6 =	simm.s32 $0x0;
	s20 =	sshll.u32 s4, $0x1;
	s4 =	sadd.s32 s21, s2  }
0x9d: {  	[timem:s6], [sflag:s22] =	dma.local [hbm:s4], s20  }
0x9e: {  	_ =	swait.ge [sflag:s22], s20  }
0x9f: {  	s3 =	ssub.s32 $0x0, s20;
	[sflag:s22] =	ssyncset.done $0x0  }
0xa0: {  	[sflag:s22] =	ssyncadd.s32 s3;
	_ =	sdelay $0x1  }
0xa1: {  	s23 =	simm.s32 $0x1B8B  }
0xa2: {  	_ =	swait.ge [sflag:s23], $0x1  }
0xa3: {  	[sflag:s23] =	ssyncset.done $0x0  }
0xa4: {  	s25 =	simm.s32 $0x1B8E;
	s24 =	sld [smem:$0x3FFE];
	[sflag:s23] =	ssyncadd.s32 $0xFFFFFFFF  }
0xa5: {  	s26 =	simm.s32 $execute0_lowered;
	[smem:$0x3FD2] =	sst s25  }
0xa6: {  	s4 =	sshll.u32 s26, $0x1;
	_ =	strace $0x8000004C;
	[dreg:$0x1] =	wrdreg $0xFFFFFFFF  }
0xa7: {  	s28 =	simm.s32 $_size_execute0_lowered;
	s2 =	sadd.s32 s2, s4;
	[dreg:$0x0] =	wrdreg $0x0  }
0xa8: {  	s4 =	sshll.u32 s28, $0x1;
	[dreg:$0x2] =	wrdreg s2  }
0xa9: {  	[dreg:$0x3] =	wrdreg s4  }
0xaa: {  	[dreg:$0x4] =	wrdreg $0xC0  }
0xab: {  	_ =	task [dreg:s6], $0x5FFFF  }
0xac: {  	[dreg:$0x1] =	wrdreg $0xFFFFFFFF  }
0xad: {  	[dreg:$0x0] =	wrdreg $0x60  }
0xae: {  	[dreg:$0x2] =	wrdreg s24  }
0xaf: {  	[dreg:$0x3] =	wrdreg $0xA4000  }
0xb0: {  	[dreg:$0x4] =	wrdreg $0x9  }
0xb1: {  	_ =	task.clear_ibuf [dreg:s6], $0x5FFFF;
	_ =	strace $0x9000004C  }
0xb2: {  	s29 =	simm.s32 $0x9;
	_ =	strace $0x8000004E  }
0xb3: {  	_ =	swait.ge [sflag:s29], $0x1  }
0xb4: {  	[sflag:s29] =	ssyncadd.s32 $0xFFFFFFFF  }
0xb5: {  	_ =	strace $0x9000004E  }
0xb6: {  	_ =	sfence  }
0xb7: {  	s30 =	sld [smem:$0x0];
	_ =	sdelay $0x2  }
0xb8: {  	s31 =	sshll.u32 s1, $0xD;
	s1 =	sshrl.u32 s1, $0x2  }
0xb9: {  	s3 =	sand.u32 $0x4000, s31;
	s1 =	sadd.s32 s1, s30  }
0xba: {  	s0 =	sor.u32 s3, s0;
	s1 =	sshll.u32 s1, $0x11  }
0xbb: {  	s0 =	sor.u32 s1, s0  }
0xbc: {  	s0 =	sadd.s32 $0x8F2B, s0  }
0xbd: {  	[sflag:s0] =	ssyncadd.remote.s32 $0x1  }
0xbe: {  	_ =	sfence.sel $0xFFFF  }
0xbf: {  	[dreg:$0x0] =	wrdreg $0xFFFFFFFF;
	(pc) =	sbr.abs _section_cstart, $3  }
0xc0: {  	[dreg:$0x1] =	wrdreg $0xFFFFFFFF  }
0xc1: {  	_ =	task.clear_ibuf [dreg:s6], $0x2FFFF;
	_ =	strace $0x9FFFFFFF  }
0xc2: {  	(tm) =	ssettm $0x7FFFFFFF  }
0xc3: {  	_ =	shalt  }
tec
execute0_lowered:
.L_overlay_start_1:
0x0: {  	(tag) =	ssettag $0x1  }
0x1: {  	s0 =	rddreg [dreg:$0x0]  }
0x2: {  	s1 =	rddreg [dreg:$0x1];
	s3 =	simm.s32 $0x0;
	s2 =	srdreg.scid  }
0x3: {  	s12 =	stileid.u32;
	s29 =	simm.s32 $0x8400;
	s30 =	simm.s32 $0x200  }
0x4: {  	s31 =	simm.s32 $0x80;
	[smem:$0x7FF] =	sst s3;
	s2 =	sand.u32 $0x1, s2  }
0x5: {  	s5 =	smul.u32 $0x2800, s12;
	s4 =	sshll.u32 s12, $0x1;
	s8 =	sadd.s32 $0x2D400, s0  }
0x6: {  	s9 =	sadd.s32 $0x37400, s0;
	s10 =	sadd.s32 $0x4E00, s0;
	s19 =	smul.u32 $0x50000, s12  }
0x7: {  	_ =	strace $0x8000004D;
	s6 =	smul.u32 $0x28000, s2;
	s7 =	sor.u32 s2, s4  }
0x8: {  	s4 =	sadd.s32 $0x5200, s0;
	s13 =	ssub.s32 $0x2, s2;
	s2 =	smul.u32 $0x2800, s2  }
0x9: {  	[dreg:$0x9] =	wrdreg s10;
	s7 =	smul.u32 $0x2800, s7;
	s14 =	sshrl.u32 s13, $0x1  }
0xa: {  	s23 =	sshrl.u32 s19, $0x2;
	s5 =	sadd.s32 s5, s6;
	s15 =	ssub.s32 s13, s14  }
0xb: {  	s7 =	sshrl.u32 s7, $0x3;
	s0 =	sadd.s32 s5, s0;
	s5 =	smax.u32 s15, $0x1  }
0xc: {  	s13 =	smul.u32 $0x5000, s12;
	s16 =	sadd.s32 s8, s7;
	[dreg:$0x13] =	wrdreg s5  }
0xd: {  	s12 =	sadd.s32 s23, s1;
	s17 =	sadd.s32 s9, s7;
	[dreg:$0xa] =	wrdreg s16  }
0xe: {  	s18 =	sor.u32 $0x10, s7;
	s0 =	sadd.s32 $0x41400, s0;
	[dreg:$0xb] =	wrdreg s17  }
0xf: {  	s28 =	sadd.s32 $0x12000, s12;
	s11 =	sadd.s32 s8, s18;
	[dreg:$0x12] =	wrdreg s0  }
0x10: {  	s20 =	sor.u32 $0x20, s7;
	s6 =	sadd.s32 s9, s18;
	[dreg:$0xc] =	wrdreg s11  }
0x11: {  	s7 =	sadd.s32 $0x4F0, s7;
	s21 =	sadd.s32 s8, s20;
	[dreg:$0xd] =	wrdreg s6  }
0x12: {  	s2 =	sadd.s32 s2, s13;
	s22 =	sadd.s32 s9, s20;
	[dreg:$0xe] =	wrdreg s21  }
0x13: {  	s5 =	simm.s32 $0x400;
	s24 =	sadd.s32 s8, s7;
	[dreg:$0xf] =	wrdreg s22  }
0x14: {  	s25 =	sadd.s32 s9, s7;
	s26 =	sor.u32 $0x300, s2;
	[dreg:$0x10] =	wrdreg s24  }
0x15: {  	s7 =	sadd.s32 $0x4000, s12;
	s15 =	sor.u32 $0x200, s2;
	[dreg:$0x11] =	wrdreg s25  }
0x16: {  	s18 =	sadd.s32 $0x6000, s12;
	s20 =	sadd.s32 $0x8000, s12;
	[dreg:$0x15] =	wrdreg s7  }
0x17: {  	s6 =	sadd.s32 $0x2000, s12;
	s0 =	sshrl.u32 s26, $0x3;
	[dreg:$0x16] =	wrdreg s18  }
0x18: {  	s11 =	sor.u32 $0x280, s2;
	s17 =	sshrl.u32 s15, $0x3;
	[dreg:$0x17] =	wrdreg s20  }
0x19: {  	s21 =	sor.u32 $0x180, s2;
	s22 =	sadd.s32 $0xA000, s12;
	s24 =	sadd.s32 $0xC000, s12  }
0x1a: {  	s25 =	sadd.s32 $0xE000, s12;
	s26 =	sadd.s32 $0x10000, s12;
	[dreg:$0x14] =	wrdreg s6  }
0x1b: {  	s2 =	simm.s32 $0x1;
	s7 =	simm.s32 $0x300;
	[dreg:$0x18] =	wrdreg s22  }
0x1c: {  	s15 =	simm.s32 $0x380;
	s18 =	simm.s32 $0x8;
	[dreg:$0x19] =	wrdreg s24  }
0x1d: {  	s20 =	simm.s32 $0x0;
	s10 =	sadd.s32 s0, s9;
	[dreg:$0x1a] =	wrdreg s25  }
0x1e: {  	s0 =	sadd.s32 s0, s8;
	s13 =	sshrl.u32 s11, $0x3;
	[dreg:$0x1b] =	wrdreg s26  }
0x1f: {  	s19 =	sadd.s32 s17, s9;
	s23 =	sadd.s32 s17, s8;
	[dreg:$0x3] =	wrdreg s10  }
0x20: {  	s6 =	simm.s32 $0x100;
	s11 =	simm.s32 $0x9;
	[dreg:$0x4] =	wrdreg s0  }
0x21: {  	s17 =	simm.s32 $0x6;
	s14 =	sadd.s32 s13, s9;
	[dreg:$0x7] =	wrdreg s19  }
0x22: {  	s16 =	sadd.s32 s13, s8;
	s0 =	sshrl.u32 s21, $0x3;
	[dreg:$0x8] =	wrdreg s23  }
0x23: {  	s10 =	simm.s32 $0x7;
	s13 =	simm.s32 $0x5;
	[dreg:$0x5] =	wrdreg s14  }
0x24: {  	s19 =	simm.s32 $0x4;
	[dreg:$0x6] =	wrdreg s16;
	s23 =	sadd.s32 s0, s9  }
0x25: {  	s24 =	sadd.s32 s0, s8;
	s0 =	simm.s32 $0x280;
	s8 =	simm.s32 $0x2  }
0x26: {  	s9 =	simm.s32 $0x4400;
	s14 =	simm.s32 $0x180;
	s16 =	simm.s32 $0x3  }
.LBB2_1:
0x27: {  	s21 =	rddreg [dreg:$0x9]  }
0x28: {  	[tilespmem:s29], [sflag:$0x7] =	stream.linear.gather [hbm4b:s21+s3], $0x2000, $0x38;
	[tilespmem:$0x1E400] =	vst v63  }
0x29: {  	s22 =	rddreg [dreg:$0xa]  }
0x2a: {  	[tilespmem:s3], [sflag:$0x1] =	stream.linear.gather [hbm4b:s22+s3], $0x80, $0x38;
	[tilespmem:$0x1E400] =	vst v63  }
0x2b: {  	s25 =	rddreg [dreg:$0xb]  }
0x2c: {  	[tilespmem:s30], [sflag:$0x1] =	stream.linear.gather [hbm4b:s25+s3], $0x80, $0x38;
	[tilespmem:$0x1E400] =	vst v63  }
0x2d: {  	s26 =	rddreg [dreg:$0xc]  }
0x2e: {  	[tilespmem:s31], [sflag:$0x2] =	stream.linear.gather [hbm4b:s26+s3], $0x80, $0x38;
	[tilespmem:$0x1E400] =	vst v63  }
0x2f: {  	s22 =	rddreg [dreg:$0xd]  }
0x30: {  	[tilespmem:s0], [sflag:$0x2] =	stream.linear.gather [hbm4b:s22+s3], $0x80, $0x38;
	[tilespmem:$0x1E400] =	vst v63  }
0x31: {  	_ =	swait.ge [sflag:s2], $0x80  }
0x32: {  	[sflag:s2] =	ssyncset.done $0x0  }
0x33: {  	[sflag:s2] =	ssyncadd.s32 $0xFFFFFF80  }
0x34: {  	_ =	swait.ge [sflag:s2], $0x80  }
0x35: {  	[sflag:s2] =	ssyncset.done $0x0  }
0x36: {  	[sflag:s2] =	ssyncadd.s32 $0xFFFFFF80  }
0x37: {  	[tilespmem:s5], [sflag:$0x5] =	stream.indirect.gather [hbm4b:s4+s31], $0x80, s3, s31, $0xb8;
	[tilespmem:$0x1E400] =	vst v63  }
0x38: {  	s25 =	rddreg [dreg:$0xe]  }
0x39: {  	[tilespmem:s6], [sflag:$0x3] =	stream.linear.gather [hbm4b:s25+s3], $0x80, $0x38;
	[tilespmem:$0x1E400] =	vst v63  }
0x3a: {  	s26 =	rddreg [dreg:$0xf]  }
0x3b: {  	[tilespmem:s7], [sflag:$0x3] =	stream.linear.gather [hbm4b:s26+s3], $0x80, $0x38;
	[tilespmem:$0x1E400] =	vst v63  }
0x3c: {  	_ =	swait.ge [sflag:s8], $0x80  }
0x3d: {  	[sflag:s8] =	ssyncset.done $0x0  }
0x3e: {  	[sflag:s8] =	ssyncadd.s32 $0xFFFFFF80  }
0x3f: {  	_ =	swait.ge [sflag:s8], $0x80  }
0x40: {  	[sflag:s8] =	ssyncset.done $0x0  }
0x41: {  	[sflag:s8] =	ssyncadd.s32 $0xFFFFFF80  }
0x42: {  	[tilespmem:s9], [sflag:$0x6] =	stream.indirect.gather [hbm4b:s4+s31], $0x80, s31, s31, $0xb8;
	[tilespmem:$0x1E400] =	vst v63  }
0x43: {  	_ =	swait.ge [sflag:s10], $0x2000  }
0x44: {  	[sflag:s10] =	ssyncset.done $0x0  }
0x45: {  	[sflag:s10] =	ssyncadd.s32 $0xFFFFE000  }
0x46: {  	[spmem:s12] =	stream.linear.scatter [tilespmem:s29], [sflag:$0x9], $0x2000, $0x38;
	[tilespmem:$0x1E400] =	vst v63  }
0x47: {  	_ =	swait.ge [sflag:s11], $0x2000  }
0x48: {  	[sflag:s11] =	ssyncset.done $0x0  }
0x49: {  	s22 =	rddreg [dreg:$0x14];
	[sflag:s11] =	ssyncadd.s32 $0xFFFFE000  }
0x4a: {  	[spmem:s22] =	stream.linear.scatter [tilespmem:s29], [sflag:$0x9], $0x2000, $0x38;
	[tilespmem:$0x1E400] =	vst v63  }
0x4b: {  	_ =	swait.ge [sflag:s11], $0x2000  }
0x4c: {  	[sflag:s11] =	ssyncset.done $0x0  }
0x4d: {  	s25 =	rddreg [dreg:$0x15];
	[sflag:s11] =	ssyncadd.s32 $0xFFFFE000  }
0x4e: {  	[spmem:s25] =	stream.linear.scatter [tilespmem:s29], [sflag:$0x9], $0x2000, $0x38;
	[tilespmem:$0x1E400] =	vst v63  }
0x4f: {  	_ =	swait.ge [sflag:s11], $0x2000  }
0x50: {  	[sflag:s11] =	ssyncset.done $0x0  }
0x51: {  	s26 =	rddreg [dreg:$0x16];
	[sflag:s11] =	ssyncadd.s32 $0xFFFFE000  }
0x52: {  	[spmem:s26] =	stream.linear.scatter [tilespmem:s29], [sflag:$0x9], $0x2000, $0x38;
	[tilespmem:$0x1E400] =	vst v63  }
0x53: {  	_ =	swait.ge [sflag:s11], $0x2000  }
0x54: {  	[sflag:s11] =	ssyncset.done $0x0  }
0x55: {  	s22 =	rddreg [dreg:$0x17];
	[sflag:s11] =	ssyncadd.s32 $0xFFFFE000  }
0x56: {  	[spmem:s22] =	stream.linear.scatter [tilespmem:s29], [sflag:$0x9], $0x2000, $0x38;
	[tilespmem:$0x1E400] =	vst v63  }
0x57: {  	_ =	swait.ge [sflag:s11], $0x2000  }
0x58: {  	[sflag:s11] =	ssyncset.done $0x0  }
0x59: {  	s25 =	rddreg [dreg:$0x18];
	[sflag:s11] =	ssyncadd.s32 $0xFFFFE000  }
0x5a: {  	[spmem:s25] =	stream.linear.scatter [tilespmem:s29], [sflag:$0x9], $0x2000, $0x38;
	[tilespmem:$0x1E400] =	vst v63  }
0x5b: {  	_ =	swait.ge [sflag:s11], $0x2000  }
0x5c: {  	[sflag:s11] =	ssyncset.done $0x0  }
0x5d: {  	s26 =	rddreg [dreg:$0x19];
	[sflag:s11] =	ssyncadd.s32 $0xFFFFE000  }
0x5e: {  	[spmem:s26] =	stream.linear.scatter [tilespmem:s29], [sflag:$0x9], $0x2000, $0x38;
	[tilespmem:$0x1E400] =	vst v63  }
0x5f: {  	_ =	swait.ge [sflag:s11], $0x2000  }
0x60: {  	[sflag:s11] =	ssyncset.done $0x0  }
0x61: {  	s22 =	rddreg [dreg:$0x1a];
	[sflag:s11] =	ssyncadd.s32 $0xFFFFE000  }
0x62: {  	[spmem:s22] =	stream.linear.scatter [tilespmem:s29], [sflag:$0x9], $0x2000, $0x38;
	[tilespmem:$0x1E400] =	vst v63  }
0x63: {  	_ =	swait.ge [sflag:s11], $0x2000  }
0x64: {  	[sflag:s11] =	ssyncset.done $0x0  }
0x65: {  	s25 =	rddreg [dreg:$0x1b];
	[sflag:s11] =	ssyncadd.s32 $0xFFFFE000  }
0x66: {  	[spmem:s25] =	stream.linear.scatter [tilespmem:s29], [sflag:$0x9], $0x2000, $0x38;
	[tilespmem:$0x1E400] =	vst v63  }
0x67: {  	_ =	swait.ge [sflag:s11], $0x2000  }
0x68: {  	[sflag:s11] =	ssyncset.done $0x0  }
0x69: {  	[sflag:s11] =	ssyncadd.s32 $0xFFFFE000  }
0x6a: {  	[spmem:s28] =	stream.linear.scatter [tilespmem:s29], [sflag:$0x9], $0x2000, $0x38;
	[tilespmem:$0x1E400] =	vst v63  }
0x6b: {  	_ =	swait.ge [sflag:s11], $0x2000  }
0x6c: {  	[sflag:s11] =	ssyncset.done $0x0  }
0x6d: {  	[sflag:s11] =	ssyncadd.s32 $0xFFFFE000  }
0x6e: {  	[bflag:$0x0] =	sbarrier.arrive $0xFFFF  }
0x6f: {  	_ =	swait.ge [sflag:s13], $0x4000  }
0x70: {  	[sflag:s13] =	ssyncset.done $0x0  }
0x71: {  	[sflag:s13] =	ssyncadd.s32 $0xFFFFC000  }
0x72: {  	[spmem:s1] =	stream.indirect.scatter.add.f32 [tilespmem:s5], [sflag:$0x7], $0x80, s30, s31, $0xb8;
	[tilespmem:$0x1E400] =	vst v63  }
0x73: {  	_ =	swait.ge [sflag:s10], $0x4000  }
0x74: {  	[sflag:s10] =	ssyncset.done $0x0  }
0x75: {  	s26 =	sadd.s32 $0x0, s24;
	[sflag:s10] =	ssyncadd.s32 $0xFFFFC000  }
0x76: {  	[tilespmem:s14], [sflag:$0x4] =	stream.linear.gather [hbm4b:s26+s3], $0x80, $0x38;
	[tilespmem:$0x1E400] =	vst v63  }
0x77: {  	s22 =	sadd.s32 $0x0, s23  }
0x78: {  	[tilespmem:s15], [sflag:$0x4] =	stream.linear.gather [hbm4b:s22+s3], $0x80, $0x38;
	[tilespmem:$0x1E400] =	vst v63  }
0x79: {  	_ =	swait.ge [sflag:s16], $0x80  }
0x7a: {  	[sflag:s16] =	ssyncset.done $0x0  }
0x7b: {  	[sflag:s16] =	ssyncadd.s32 $0xFFFFFF80  }
0x7c: {  	_ =	swait.ge [sflag:s16], $0x80  }
0x7d: {  	[sflag:s16] =	ssyncset.done $0x0  }
0x7e: {  	[sflag:s16] =	ssyncadd.s32 $0xFFFFFF80  }
0x7f: {  	[tilespmem:s5], [sflag:$0x5] =	stream.indirect.gather [hbm4b:s4+s31], $0x80, s6, s31, $0xb8;
	[tilespmem:$0x1E400] =	vst v63  }
0x80: {  	_ =	swait.ge [sflag:s17], $0x4000  }
0x81: {  	[sflag:s17] =	ssyncset.done $0x0  }
0x82: {  	[sflag:s17] =	ssyncadd.s32 $0xFFFFC000  }
0x83: {  	[spmem:s1] =	stream.indirect.scatter.add.f32 [tilespmem:s9], [sflag:$0x8], $0x80, s0, s31, $0xb8;
	[tilespmem:$0x1E400] =	vst v63  }
0x84: {  	_ =	swait.ge [sflag:s18], $0x4000  }
0x85: {  	s25 =	rddreg [dreg:$0x8];
	[sflag:s18] =	ssyncset.done $0x0  }
0x86: {  	s22 =	rddreg [dreg:$0x7];
	[sflag:s18] =	ssyncadd.s32 $0xFFFFC000;
	s21 =	sadd.s32 $0x0, s25  }
0x87: {  	[tilespmem:s3], [sflag:$0x1] =	stream.linear.gather [hbm4b:s21+s3], $0x80, $0x38;
	[tilespmem:$0x1E400] =	vst v63  }
0x88: {  	s26 =	sadd.s32 $0x0, s22  }
0x89: {  	[tilespmem:s30], [sflag:$0x1] =	stream.linear.gather [hbm4b:s26+s3], $0x80, $0x38;
	[tilespmem:$0x1E400] =	vst v63  }
0x8a: {  	_ =	swait.ge [sflag:s19], $0x80  }
0x8b: {  	[sflag:s19] =	ssyncset.done $0x0  }
0x8c: {  	[sflag:s19] =	ssyncadd.s32 $0xFFFFFF80  }
0x8d: {  	_ =	swait.ge [sflag:s19], $0x80  }
0x8e: {  	[sflag:s19] =	ssyncset.done $0x0  }
0x8f: {  	[sflag:s19] =	ssyncadd.s32 $0xFFFFFF80  }
0x90: {  	[tilespmem:s9], [sflag:$0x6] =	stream.indirect.gather [hbm4b:s4+s31], $0x80, s14, s31, $0xb8;
	[tilespmem:$0x1E400] =	vst v63  }
0x91: {  	_ =	swait.ge [sflag:s13], $0x4000  }
0x92: {  	[sflag:s13] =	ssyncset.done $0x0  }
0x93: {  	[sflag:s13] =	ssyncadd.s32 $0xFFFFC000  }
0x94: {  	[spmem:s1] =	stream.indirect.scatter.add.f32 [tilespmem:s5], [sflag:$0x7], $0x80, s7, s31, $0xb8;
	[tilespmem:$0x1E400] =	vst v63  }
0x95: {  	_ =	swait.ge [sflag:s10], $0x4000  }
0x96: {  	s22 =	rddreg [dreg:$0x6];
	[sflag:s10] =	ssyncset.done $0x0  }
0x97: {  	s25 =	rddreg [dreg:$0x5];
	[sflag:s10] =	ssyncadd.s32 $0xFFFFC000;
	s21 =	sadd.s32 $0x0, s22  }
0x98: {  	[tilespmem:s31], [sflag:$0x2] =	stream.linear.gather [hbm4b:s21+s3], $0x80, $0x38;
	[tilespmem:$0x1E400] =	vst v63  }
0x99: {  	s26 =	sadd.s32 $0x0, s25  }
0x9a: {  	[tilespmem:s0], [sflag:$0x2] =	stream.linear.gather [hbm4b:s26+s3], $0x80, $0x38;
	[tilespmem:$0x1E400] =	vst v63  }
0x9b: {  	_ =	swait.ge [sflag:s2], $0x80  }
0x9c: {  	[sflag:s2] =	ssyncset.done $0x0  }
0x9d: {  	[sflag:s2] =	ssyncadd.s32 $0xFFFFFF80  }
0x9e: {  	_ =	swait.ge [sflag:s2], $0x80  }
0x9f: {  	[sflag:s2] =	ssyncset.done $0x0  }
0xa0: {  	[sflag:s2] =	ssyncadd.s32 $0xFFFFFF80  }
0xa1: {  	[tilespmem:s5], [sflag:$0x5] =	stream.indirect.gather [hbm4b:s4+s31], $0x80, s3, s31, $0xb8;
	[tilespmem:$0x1E400] =	vst v63  }
0xa2: {  	_ =	swait.ge [sflag:s17], $0x4000  }
0xa3: {  	[sflag:s17] =	ssyncset.done $0x0  }
0xa4: {  	[sflag:s17] =	ssyncadd.s32 $0xFFFFC000  }
0xa5: {  	[spmem:s1] =	stream.indirect.scatter.add.f32 [tilespmem:s9], [sflag:$0x8], $0x80, s15, s31, $0xb8;
	[tilespmem:$0x1E400] =	vst v63  }
0xa6: {  	_ =	swait.ge [sflag:s18], $0x4000  }
0xa7: {  	s22 =	rddreg [dreg:$0x4];
	[sflag:s18] =	ssyncset.done $0x0  }
0xa8: {  	s25 =	rddreg [dreg:$0x3];
	[sflag:s18] =	ssyncadd.s32 $0xFFFFC000;
	s21 =	sadd.s32 $0x0, s22  }
0xa9: {  	[tilespmem:s6], [sflag:$0x3] =	stream.linear.gather [hbm4b:s21+s3], $0x80, $0x38;
	[tilespmem:$0x1E400] =	vst v63  }
0xaa: {  	s26 =	sadd.s32 $0x0, s25  }
0xab: {  	[tilespmem:s7], [sflag:$0x3] =	stream.linear.gather [hbm4b:s26+s3], $0x80, $0x38;
	[tilespmem:$0x1E400] =	vst v63  }
0xac: {  	_ =	swait.ge [sflag:s8], $0x80  }
0xad: {  	[sflag:s8] =	ssyncset.done $0x0  }
0xae: {  	[sflag:s8] =	ssyncadd.s32 $0xFFFFFF80  }
0xaf: {  	_ =	swait.ge [sflag:s8], $0x80  }
0xb0: {  	[sflag:s8] =	ssyncset.done $0x0  }
0xb1: {  	[sflag:s8] =	ssyncadd.s32 $0xFFFFFF80  }
0xb2: {  	[tilespmem:s9], [sflag:$0x6] =	stream.indirect.gather [hbm4b:s4+s31], $0x80, s31, s31, $0xb8;
	[tilespmem:$0x1E400] =	vst v63  }
0xb3: {  	_ =	swait.ge [sflag:s13], $0x4000  }
0xb4: {  	[sflag:s13] =	ssyncset.done $0x0  }
0xb5: {  	s21 =	simm.s32 $0x40;
	[sflag:s13] =	ssyncadd.s32 $0xFFFFC000  }
.LBB2_2:
0xb6: {  	[spmem:s1] =	stream.indirect.scatter.add.f32 [tilespmem:s5], [sflag:$0x7], $0x80, s30, s31, $0xb8;
	[tilespmem:$0x1E400] =	vst v63  }
0xb7: {  	_ =	swait.ge [sflag:s10], $0x4000  }
0xb8: {  	s22 =	smov.u32 s21;
	[sflag:s10] =	ssyncset.done $0x0  }
0xb9: {  	s25 =	sadd.s32 s22, s24;
	[sflag:s10] =	ssyncadd.s32 $0xFFFFC000  }
0xba: {  	[tilespmem:s14], [sflag:$0x4] =	stream.linear.gather [hbm4b:s25+s3], $0x80, $0x38;
	[tilespmem:$0x1E400] =	vst v63  }
0xbb: {  	s26 =	sadd.s32 s22, s23  }
0xbc: {  	[tilespmem:s15], [sflag:$0x4] =	stream.linear.gather [hbm4b:s26+s3], $0x80, $0x38;
	[tilespmem:$0x1E400] =	vst v63  }
0xbd: {  	_ =	swait.ge [sflag:s16], $0x80  }
0xbe: {  	[sflag:s16] =	ssyncset.done $0x0  }
0xbf: {  	[sflag:s16] =	ssyncadd.s32 $0xFFFFFF80  }
0xc0: {  	_ =	swait.ge [sflag:s16], $0x80  }
0xc1: {  	[sflag:s16] =	ssyncset.done $0x0  }
0xc2: {  	[sflag:s16] =	ssyncadd.s32 $0xFFFFFF80  }
0xc3: {  	[tilespmem:s5], [sflag:$0x5] =	stream.indirect.gather [hbm4b:s4+s31], $0x80, s6, s31, $0xb8;
	[tilespmem:$0x1E400] =	vst v63  }
0xc4: {  	_ =	swait.ge [sflag:s17], $0x4000  }
0xc5: {  	[sflag:s17] =	ssyncset.done $0x0  }
0xc6: {  	[sflag:s17] =	ssyncadd.s32 $0xFFFFC000  }
0xc7: {  	[spmem:s1] =	stream.indirect.scatter.add.f32 [tilespmem:s9], [sflag:$0x8], $0x80, s0, s31, $0xb8;
	[tilespmem:$0x1E400] =	vst v63  }
0xc8: {  	_ =	swait.ge [sflag:s18], $0x4000  }
0xc9: {  	s25 =	rddreg [dreg:$0x8];
	[sflag:s18] =	ssyncset.done $0x0  }
0xca: {  	s26 =	rddreg [dreg:$0x7];
	[sflag:s18] =	ssyncadd.s32 $0xFFFFC000;
	s25 =	sadd.s32 s22, s25  }
0xcb: {  	[tilespmem:s3], [sflag:$0x1] =	stream.linear.gather [hbm4b:s25+s3], $0x80, $0x38;
	[tilespmem:$0x1E400] =	vst v63  }
0xcc: {  	s26 =	sadd.s32 s22, s26  }
0xcd: {  	[tilespmem:s30], [sflag:$0x1] =	stream.linear.gather [hbm4b:s26+s3], $0x80, $0x38;
	[tilespmem:$0x1E400] =	vst v63  }
0xce: {  	_ =	swait.ge [sflag:s19], $0x80  }
0xcf: {  	[sflag:s19] =	ssyncset.done $0x0  }
0xd0: {  	[sflag:s19] =	ssyncadd.s32 $0xFFFFFF80  }
0xd1: {  	_ =	swait.ge [sflag:s19], $0x80  }
0xd2: {  	[sflag:s19] =	ssyncset.done $0x0  }
0xd3: {  	[sflag:s19] =	ssyncadd.s32 $0xFFFFFF80  }
0xd4: {  	[tilespmem:s9], [sflag:$0x6] =	stream.indirect.gather [hbm4b:s4+s31], $0x80, s14, s31, $0xb8;
	[tilespmem:$0x1E400] =	vst v63  }
0xd5: {  	_ =	swait.ge [sflag:s13], $0x4000  }
0xd6: {  	[sflag:s13] =	ssyncset.done $0x0  }
0xd7: {  	[sflag:s13] =	ssyncadd.s32 $0xFFFFC000  }
0xd8: {  	[spmem:s1] =	stream.indirect.scatter.add.f32 [tilespmem:s5], [sflag:$0x7], $0x80, s7, s31, $0xb8;
	[tilespmem:$0x1E400] =	vst v63  }
0xd9: {  	_ =	swait.ge [sflag:s10], $0x4000  }
0xda: {  	s25 =	rddreg [dreg:$0x6];
	[sflag:s10] =	ssyncset.done $0x0  }
0xdb: {  	s26 =	rddreg [dreg:$0x5];
	[sflag:s10] =	ssyncadd.s32 $0xFFFFC000;
	s25 =	sadd.s32 s22, s25  }
0xdc: {  	[tilespmem:s31], [sflag:$0x2] =	stream.linear.gather [hbm4b:s25+s3], $0x80, $0x38;
	[tilespmem:$0x1E400] =	vst v63  }
0xdd: {  	s26 =	sadd.s32 s22, s26  }
0xde: {  	[tilespmem:s0], [sflag:$0x2] =	stream.linear.gather [hbm4b:s26+s3], $0x80, $0x38;
	[tilespmem:$0x1E400] =	vst v63  }
0xdf: {  	_ =	swait.ge [sflag:s2], $0x80  }
0xe0: {  	[sflag:s2] =	ssyncset.done $0x0  }
0xe1: {  	[sflag:s2] =	ssyncadd.s32 $0xFFFFFF80  }
0xe2: {  	_ =	swait.ge [sflag:s2], $0x80  }
0xe3: {  	[sflag:s2] =	ssyncset.done $0x0  }
0xe4: {  	[sflag:s2] =	ssyncadd.s32 $0xFFFFFF80  }
0xe5: {  	[tilespmem:s5], [sflag:$0x5] =	stream.indirect.gather [hbm4b:s4+s31], $0x80, s3, s31, $0xb8;
	[tilespmem:$0x1E400] =	vst v63  }
0xe6: {  	_ =	swait.ge [sflag:s17], $0x4000  }
0xe7: {  	[sflag:s17] =	ssyncset.done $0x0  }
0xe8: {  	[sflag:s17] =	ssyncadd.s32 $0xFFFFC000  }
0xe9: {  	[spmem:s1] =	stream.indirect.scatter.add.f32 [tilespmem:s9], [sflag:$0x8], $0x80, s15, s31, $0xb8;
	[tilespmem:$0x1E400] =	vst v63  }
0xea: {  	_ =	swait.ge [sflag:s18], $0x4000  }
0xeb: {  	s25 =	rddreg [dreg:$0x4];
	[sflag:s18] =	ssyncset.done $0x0  }
0xec: {  	s26 =	rddreg [dreg:$0x3];
	[sflag:s18] =	ssyncadd.s32 $0xFFFFC000;
	s25 =	sadd.s32 s22, s25  }
0xed: {  	[tilespmem:s6], [sflag:$0x3] =	stream.linear.gather [hbm4b:s25+s3], $0x80, $0x38;
	[tilespmem:$0x1E400] =	vst v63  }
0xee: {  	s22 =	sadd.s32 s22, s26  }
0xef: {  	[tilespmem:s7], [sflag:$0x3] =	stream.linear.gather [hbm4b:s22+s3], $0x80, $0x38;
	[tilespmem:$0x1E400] =	vst v63  }
0xf0: {  	_ =	swait.ge [sflag:s8], $0x80  }
0xf1: {  	[sflag:s8] =	ssyncset.done $0x0  }
0xf2: {  	[sflag:s8] =	ssyncadd.s32 $0xFFFFFF80  }
0xf3: {  	_ =	swait.ge [sflag:s8], $0x80  }
0xf4: {  	p0 =	sne.s32 s21, $0x480;
	[sflag:s8] =	ssyncset.done $0x0  }
.Ltmp0:
0xf5: {  	[sflag:s8] =	ssyncadd.s32 $0xFFFFFF80;
	(pc) =	sbr.rel @p0 .LBB2_2-.Ltmp0, $4  }
0xf6: {  	[tilespmem:s9], [sflag:$0x6] =	stream.indirect.gather [hbm4b:s4+s31], $0x80, s31, s31, $0xb8;
	[tilespmem:$0x1E400] =	vst v63  }
0xf7: {  	_ =	swait.ge [sflag:s13], $0x4000  }
0xf8: {  	[sflag:s13] =	ssyncset.done $0x0  }
0xf9: {  	s21 =	sadd.s32 $0x40, s21;
	[sflag:s13] =	ssyncadd.s32 $0xFFFFC000  }
0xfa: {  	[spmem:s1] =	stream.indirect.scatter.add.f32 [tilespmem:s5], [sflag:$0x7], $0x80, s30, s31, $0xb8;
	[tilespmem:$0x1E400] =	vst v63  }
0xfb: {  	_ =	swait.ge [sflag:s10], $0x4000  }
0xfc: {  	[sflag:s10] =	ssyncset.done $0x0  }
0xfd: {  	s21 =	rddreg [dreg:$0x10];
	[sflag:s10] =	ssyncadd.s32 $0xFFFFC000  }
0xfe: {  	[tilespmem:s14], [sflag:$0x4] =	stream.linear.gather [hbm4b:s21+s3], $0x80, $0x38;
	[tilespmem:$0x1E400] =	vst v63  }
0xff: {  	s22 =	rddreg [dreg:$0x11]  }
0x100: {  	[tilespmem:s15], [sflag:$0x4] =	stream.linear.gather [hbm4b:s22+s3], $0x80, $0x38;
	[tilespmem:$0x1E400] =	vst v63  }
0x101: {  	_ =	swait.ge [sflag:s16], $0x80  }
0x102: {  	[sflag:s16] =	ssyncset.done $0x0  }
0x103: {  	[sflag:s16] =	ssyncadd.s32 $0xFFFFFF80  }
0x104: {  	_ =	swait.ge [sflag:s16], $0x80  }
0x105: {  	[sflag:s16] =	ssyncset.done $0x0  }
0x106: {  	[sflag:s16] =	ssyncadd.s32 $0xFFFFFF80  }
0x107: {  	[tilespmem:s5], [sflag:$0x5] =	stream.indirect.gather [hbm4b:s4+s31], $0x80, s6, s31, $0xb8;
	[tilespmem:$0x1E400] =	vst v63  }
0x108: {  	_ =	swait.ge [sflag:s17], $0x4000  }
0x109: {  	[sflag:s17] =	ssyncset.done $0x0  }
0x10a: {  	[sflag:s17] =	ssyncadd.s32 $0xFFFFC000  }
0x10b: {  	[spmem:s1] =	stream.indirect.scatter.add.f32 [tilespmem:s9], [sflag:$0x8], $0x80, s0, s31, $0xb8;
	[tilespmem:$0x1E400] =	vst v63  }
0x10c: {  	_ =	swait.ge [sflag:s18], $0x4000  }
0x10d: {  	[sflag:s18] =	ssyncset.done $0x0  }
0x10e: {  	[sflag:s18] =	ssyncadd.s32 $0xFFFFC000  }
0x10f: {  	_ =	swait.ge [sflag:s19], $0x80  }
0x110: {  	[sflag:s19] =	ssyncset.done $0x0  }
0x111: {  	[sflag:s19] =	ssyncadd.s32 $0xFFFFFF80  }
0x112: {  	_ =	swait.ge [sflag:s19], $0x80  }
0x113: {  	[sflag:s19] =	ssyncset.done $0x0  }
0x114: {  	[sflag:s19] =	ssyncadd.s32 $0xFFFFFF80  }
0x115: {  	[tilespmem:s9], [sflag:$0x6] =	stream.indirect.gather [hbm4b:s4+s31], $0x80, s14, s31, $0xb8;
	[tilespmem:$0x1E400] =	vst v63  }
0x116: {  	_ =	swait.ge [sflag:s13], $0x4000  }
0x117: {  	[sflag:s13] =	ssyncset.done $0x0  }
0x118: {  	[sflag:s13] =	ssyncadd.s32 $0xFFFFC000  }
0x119: {  	[spmem:s1] =	stream.indirect.scatter.add.f32 [tilespmem:s5], [sflag:$0x7], $0x80, s7, s31, $0xb8;
	[tilespmem:$0x1E400] =	vst v63  }
0x11a: {  	_ =	swait.ge [sflag:s10], $0x4000  }
0x11b: {  	[sflag:s10] =	ssyncset.done $0x0  }
0x11c: {  	[sflag:s10] =	ssyncadd.s32 $0xFFFFC000  }
0x11d: {  	_ =	swait.ge [sflag:s17], $0x4000  }
0x11e: {  	[sflag:s17] =	ssyncset.done $0x0  }
0x11f: {  	[sflag:s17] =	ssyncadd.s32 $0xFFFFC000  }
0x120: {  	[spmem:s1] =	stream.indirect.scatter.add.f32 [tilespmem:s9], [sflag:$0x8], $0x80, s15, s31, $0xb8;
	[tilespmem:$0x1E400] =	vst v63  }
0x121: {  	_ =	swait.ge [sflag:s18], $0x4000  }
0x122: {  	[sflag:s18] =	ssyncset.done $0x0  }
0x123: {  	s25 =	stileid.u32;
	[sflag:s18] =	ssyncadd.s32 $0xFFFFC000  }
0x124: {  	s21 =	sshll.u32 s25, $0x6;
	[bflag:$0x0] =	sbarrier.arrive $0xFFFF  }
0x125: {  	s21 =	sor.u32 $0x1C09, s21;
	s22 =	sshrl.u32 s12, $0x3;
	s25 =	rddreg [dreg:$0x12]  }
0x126: {  	[hbm:s25], [sflag:s21] =	dma.local [spmem:s22], $0x2800  }
0x127: {  	_ =	swait.ge [sflag:s11], $0x2800  }
0x128: {  	s20 =	sadd.s32 $0x1, s20;
	s26 =	rddreg [dreg:$0x13]  }
0x129: {  	p0 =	sne.s32 s20, s26  }
.Ltmp1:
0x12a: {  	_ = 	snop;
	(pc) =	sbr.rel @p0 .LBB2_1-.Ltmp1, $3  }
0x12b: {  	_ =	sdelay $0x1  }
0x12c: {  	[sflag:s11] =	ssyncset.done $0x0  }
0x12d: {  	[sflag:s11] =	ssyncadd.s32 $0xFFFFD800  }
0x12e: {  	_ =	sfence.sel $0x180000  }
0x12f: {  	[bflag:$0x0] =	sbarrier.arrive $0xFFFF  }
0x130: {  	_ =	strace $0x9000004D  }
0x131: {  	s0 =	stileid.u32;
	[bflag:$0x2] =	sbarrier.arrive $0xFFFF  }
0x132: {  	p0 =	sne.s32 s0, $0x0;
	s0 =	rddreg [dreg:$0x2]  }
0x133: {  	s0 =	sadd.s32 @!p0 $0x100000, s0  }
0x134: {  	[sflag:s0] =	ssyncadd.tile.s32 @!p0 $0x1;
	_ =	shalt  }
.Lfunc_end2:
_tile_overlayer_lowered:
.L_overlay_start_2:
0x135: {  	(tag) =	ssettag $0x2  }
0x136: {  	s0 =	rddreg [dreg:$0x0];
	s2 =	stileid.u32  }
0x137: {  	s1 =	rddreg [dreg:$0x1];
	p0 =	sne.s32 s2, $0x0  }
0x138: {  	s3 =	rddreg [dreg:$0x2];
	[bflag:$0x3] =	sbarrier.arrive $0xFFFF;
	s2 =	simm.s32 @!p0 $0x1C09  }
0x139: {  	[timem:s3], [sflag:s2] =	dma.local @!p0 [hbm:s0], s1  }
0x13a: {  	s0 =	simm.s32 @!p0 $0x9  }
0x13b: {  	_ =	swait.ge @!p0 [sflag:s0], s1  }
0x13c: {  	s1 =	ssub.s32 @!p0 $0x0, s1;
	[sflag:s0] =	ssyncset.done @!p0 $0x0  }
0x13d: {  	[sflag:s0] =	ssyncadd.s32 @!p0 s1  }
0x13e: {  	[bflag:$0x3] =	sbarrier.arrive $0xFFFF  }
0x13f: {  	_ =	shalt  }

// kernel: kernel.19.cloned.1.call-start
scs
__scs_entry_jumppad:
0x0: {  	(pc) =	sbr.rel $0x88, $3  }
0x1: {  	(tag) =	ssettag $0x0;
	lr =	simm.s32 $0x1  }
0x2: {  	[smem:$0x3F87] =	sst lr;
	_ =	strace $0xD0000000  }
0x3: {  	_ = 	snop  }
0x4: {  	_ = 	snop  }
0x5: {  	_ = 	snop  }
0x6: {  	_ = 	snop  }
0x7: {  	_ = 	snop  }
__scs_overlays_trampoline_lowered:
0x8: {  	[smem:$0x3F96] =	sst s0  }
0x9: {  	[smem:$0x3F97] =	sst s1  }
0xa: {  	[smem:$0x3F98] =	sst s2  }
0xb: {  	[smem:$0x3F99] =	sst s3  }
0xc: {  	[smem:$0x3F9A] =	sst s4  }
0xd: {  	[smem:$0x3F9B] =	sst s5  }
0xe: {  	[smem:$0x3F9C] =	sst s6  }
0xf: {  	[smem:$0x3F9D] =	sst s7  }
0x10: {  	[smem:$0x3F9E] =	sst s8  }
0x11: {  	[smem:$0x3F9F] =	sst s9;
	s0 =	simm.s32 @!p0 $0x0  }
0x12: {  	s1 =	sld [smem:$0x3F85];
	s0 =	simm.s32 @p0 $0x1  }
0x13: {  	[smem:$0x3FA0] =	sst s0;
	s0 =	simm.s32 @!p1 $0x0  }
0x14: {  	s2 =	sld [smem:$0x3F84];
	s0 =	simm.s32 @p1 $0x1  }
0x15: {  	[smem:$0x3FA1] =	sst s0;
	s0 =	simm.s32 @!p2 $0x0  }
0x16: {  	s3 =	sld [smem:$0x3FDB];
	s0 =	simm.s32 @p2 $0x1  }
0x17: {  	s4 =	simm.s32 $0x1BF5;
	[smem:$0x3FA3] =	sst s0  }
0x18: {  	s0 =	sld [smem:$0x3F86];
	_ =	swait.ge [sflag:s4], $0x0  }
0x19: {  	s7 =	sld [smem:$0x3F87]  }
0x1a: {  	s8 =	sadd.s32 $0xFFFFE003, lr  }
0x1b: {  	s9 =	sadd.s32 $0xFFFFFEF7, lr;
	s5 =	simm.s32 $0xFFFFFFFF;
	p2 =	slt.u32 s8, $0xFFFFF086  }
0x1c: {  	p1 =	slt.u32 s9, $0xF7A;
	s5 =	simm.s32 @!p2 $0x0  }
0x1d: {  	s5 =	simm.s32 @p1 $0x1;
	p0 =	seq.s32 s7, s2  }
0x1e: {  	s7 =	smul.u32 @!p0 $0xF7A, s2;
	p2 =	seq.s32 @!p0 s5, $0x0  }
0x1f: {  	s9 =	smul.u32 $0xF7A, s1;
	s8 =	simm.s32 @!p0 $0x1BF5;
	p2 =	por !p2, p0  }
0x20: {  	[sflag:s8] =	ssyncset.s32 @!p0 $0xFFFFF086;
	s6 =	sadd.s32 @!p0 s3, s7;
	s7 =	simm.s32 @!p0 $0x108  }
0x21: {  	s3 =	sadd.s32 s3, s9;
	s6 =	sadd.s32 @!p0 $0x88, s6;
	s7 =	simm.s32 @p2 $0x1082  }
0x22: {  	[simem:s7], [sflag:s8] =	dma.local @!p0 [hbm:s6], $0xF7A  }
0x23: {  	s9 =	sor.u32 $0xD0000000, s2;
	s6 =	simm.s32 $0x108;
	_ =	swait.ge @!p0 [sflag:s8], $0x0  }
0x24: {  	s3 =	sadd.s32 $0x88, s3;
	s6 =	simm.s32 @!p1 $0x1082;
	[sflag:s4] =	ssyncset.s32 $0xFFFFF086  }
0x25: {  	[simem:s6], [sflag:s4] =	dma.local [hbm:s3], $0xF7A  }
0x26: {  	[smem:$0x3F87] =	sst s1;
	(tag) =	ssettag s2;
	_ =	strace s9  }
0x27: {  	s1 =	sld [smem:$0x3F97]  }
0x28: {  	s2 =	sld [smem:$0x3F98]  }
0x29: {  	s4 =	sld [smem:$0x3F9A]  }
0x2a: {  	p0 =	seq.s32 s5, $0x0;
	s5 =	sld [smem:$0x3F9B]  }
0x2b: {  	s6 =	sld [smem:$0x3F9C]  }
0x2c: {  	s7 =	sld [smem:$0x3F9D]  }
0x2d: {  	s3 =	simm.s32 $0x108;
	s8 =	sld [smem:$0x3F9E]  }
0x2e: {  	s3 =	simm.s32 @!p0 $0x1082;
	s9 =	sld [smem:$0x3F9F]  }
0x2f: {  	lr =	sadd.s32 s0, s3;
	s0 =	sld [smem:$0x3F96]  }
0x30: {  	s3 =	sld [smem:$0x3F99]  }
0x31: {  	[smem:$0x3FA2] =	sst s10  }
0x32: {  	s10 =	sld [smem:$0x3FA0];
	_ =	sdelay $0x3  }
0x33: {  	p0 =	seq.s32 s10, $0x1;
	s10 =	sld [smem:$0x3FA2];
	_ =	sdelay $0x3  }
0x34: {  	[smem:$0x3FA2] =	sst s10  }
0x35: {  	s10 =	sld [smem:$0x3FA1];
	_ =	sdelay $0x3  }
0x36: {  	p1 =	seq.s32 s10, $0x1;
	s10 =	sld [smem:$0x3FA2];
	_ =	sdelay $0x3  }
0x37: {  	[smem:$0x3FA2] =	sst s10  }
0x38: {  	s10 =	sld [smem:$0x3FA3]  }
0x39: {  	_ = 	snop;
	(pc) =	sbr.ind lr, $3  }
0x3a: {  	_ = 	snop  }
0x3b: {  	_ = 	snop  }
0x3c: {  	p2 =	seq.s32 s10, $0x1;
	s10 =	sld [smem:$0x3FA2]  }
0x3d: {  	_ =	shalt  }
0x3e: {  	_ =	shalt  }
0x3f: {  	_ =	shalt  }
0x40: {  	_ =	shalt  }
0x41: {  	_ =	shalt  }
0x42: {  	_ =	shalt  }
0x43: {  	_ =	shalt  }
0x44: {  	_ =	shalt  }
0x45: {  	_ =	shalt  }
0x46: {  	_ =	shalt  }
0x47: {  	_ =	shalt  }
0x48: {  	_ =	shalt  }
0x49: {  	_ =	shalt  }
0x4a: {  	_ =	shalt  }
0x4b: {  	_ =	shalt  }
0x4c: {  	_ =	shalt  }
0x4d: {  	_ =	shalt  }
0x4e: {  	_ =	shalt  }
0x4f: {  	_ =	shalt  }
0x50: {  	_ =	shalt  }
0x51: {  	_ =	shalt  }
0x52: {  	_ =	shalt  }
0x53: {  	_ =	shalt  }
0x54: {  	_ =	shalt  }
0x55: {  	_ =	shalt  }
0x56: {  	_ =	shalt  }
0x57: {  	_ =	shalt  }
0x58: {  	_ =	shalt  }
0x59: {  	_ =	shalt  }
0x5a: {  	_ =	shalt  }
0x5b: {  	_ =	shalt  }
0x5c: {  	_ =	shalt  }
0x5d: {  	_ =	shalt  }
0x5e: {  	_ =	shalt  }
0x5f: {  	_ =	shalt  }
0x60: {  	_ =	shalt  }
0x61: {  	_ =	shalt  }
0x62: {  	_ =	shalt  }
0x63: {  	_ =	shalt  }
0x64: {  	_ =	shalt  }
0x65: {  	_ =	shalt  }
0x66: {  	_ =	shalt  }
0x67: {  	_ =	shalt  }
0x68: {  	_ =	shalt  }
0x69: {  	_ =	shalt  }
0x6a: {  	_ =	shalt  }
0x6b: {  	_ =	shalt  }
0x6c: {  	_ =	shalt  }
0x6d: {  	_ =	shalt  }
0x6e: {  	_ =	shalt  }
0x6f: {  	_ =	shalt  }
0x70: {  	_ =	shalt  }
0x71: {  	_ =	shalt  }
0x72: {  	_ =	shalt  }
0x73: {  	_ =	shalt  }
0x74: {  	_ =	shalt  }
0x75: {  	_ =	shalt  }
0x76: {  	_ =	shalt  }
0x77: {  	_ =	shalt  }
0x78: {  	_ =	shalt  }
0x79: {  	_ =	shalt  }
0x7a: {  	_ =	shalt  }
0x7b: {  	_ =	shalt  }
0x7c: {  	_ =	shalt  }
0x7d: {  	_ =	shalt  }
0x7e: {  	_ =	shalt  }
0x7f: {  	_ =	shalt  }
0x80: {  	_ =	shalt  }
0x81: {  	_ =	shalt  }
0x82: {  	_ =	shalt  }
0x83: {  	_ =	shalt  }
0x84: {  	_ =	shalt  }
0x85: {  	_ =	shalt  }
0x86: {  	_ =	shalt  }
0x87: {  	_ =	shalt  }
.Lfunc_end0:
.L_simem_size_0:
called_computation.3_lowered:
.L_overlay_start_0:
0x88: {  	s2 =	sld [smem:$0x3FD9]  }
0x89: {  	s3 =	sld [smem:$0x3FFE];
	_ =	sdelay $0x1  }
0x8a: {  	s1 =	srdreg.scid  }
0x8b: {  	s0 =	sand.u32 $0x1, s1  }
0x8c: {  	s16 =	sshll.u32 s0, $0xA;
	s2 =	sadd.s32 s3, s2  }
0x8d: {  	s2 =	sadd.s32 s2, s16  }
0x8e: {  	[smem:$0x3FAE] =	sst s2  }
0x8f: {  	_ = 	snop  }
0x90: {  	(tm) =	ssettm $0x1  }
0x91: {  	s17 =	sld [smem:$0x3FFB];
	_ =	sdelay $0x3  }
0x92: {  	_ =	strace s17  }
0x93: {  	s2 =	sld [smem:$0x3FFC];
	_ =	sdelay $0x3  }
0x94: {  	_ =	strace s2  }
0x95: {  	s2 =	sld [smem:$0x3FFD];
	_ =	sdelay $0x3  }
0x96: {  	_ =	strace s2  }
0x97: {  	_ =	strace $0x8FFFFFFF  }
0x98: {  	s18 =	sld [smem:$0x3FDB];
	_ =	sdelay $0x1  }
0x99: {  	s19 =	simm.s32 $_scs_section_size  }
0x9a: {  	s4 =	simm.s32 $_size__tile_overlayer_lowered;
	s5 =	simm.s32 $_tile_overlayer_lowered  }
0x9b: {  	s22 =	simm.s32 $0x1BFF;
	s21 =	sshll.u32 s5, $0x1;
	s2 =	sadd.s32 s19, s18  }
0x9c: {  	s6 =	simm.s32 $0x0;
	s20 =	sshll.u32 s4, $0x1;
	s4 =	sadd.s32 s21, s2  }
0x9d: {  	[timem:s6], [sflag:s22] =	dma.local [hbm:s4], s20  }
0x9e: {  	_ =	swait.ge [sflag:s22], s20  }
0x9f: {  	s3 =	ssub.s32 $0x0, s20;
	[sflag:s22] =	ssyncset.done $0x0  }
0xa0: {  	[sflag:s22] =	ssyncadd.s32 s3;
	_ =	sdelay $0x1  }
0xa1: {  	s23 =	simm.s32 $0x1B8B  }
0xa2: {  	_ =	swait.ge [sflag:s23], $0x1  }
0xa3: {  	[sflag:s23] =	ssyncset.done $0x0  }
0xa4: {  	s25 =	simm.s32 $0x1B8E;
	s24 =	sld [smem:$0x3FFE];
	[sflag:s23] =	ssyncadd.s32 $0xFFFFFFFF  }
0xa5: {  	s26 =	simm.s32 $execute0_lowered;
	[smem:$0x3FD2] =	sst s25  }
0xa6: {  	s4 =	sshll.u32 s26, $0x1;
	_ =	strace $0x8000004F;
	[dreg:$0x1] =	wrdreg $0xFFFFFFFF  }
0xa7: {  	s28 =	simm.s32 $_size_execute0_lowered;
	s2 =	sadd.s32 s2, s4;
	[dreg:$0x0] =	wrdreg $0x0  }
0xa8: {  	s4 =	sshll.u32 s28, $0x1;
	[dreg:$0x2] =	wrdreg s2  }
0xa9: {  	[dreg:$0x3] =	wrdreg s4  }
0xaa: {  	[dreg:$0x4] =	wrdreg $0xC0  }
0xab: {  	_ =	task [dreg:s6], $0x5FFFF  }
0xac: {  	[dreg:$0x1] =	wrdreg $0xFFFFFFFF  }
0xad: {  	[dreg:$0x0] =	wrdreg $0x60  }
0xae: {  	[dreg:$0x2] =	wrdreg s24  }
0xaf: {  	[dreg:$0x3] =	wrdreg $0xA4000  }
0xb0: {  	[dreg:$0x4] =	wrdreg $0x9  }
0xb1: {  	_ =	task.clear_ibuf [dreg:s6], $0x5FFFF;
	_ =	strace $0x9000004F  }
0xb2: {  	s29 =	simm.s32 $0x9;
	_ =	strace $0x80000051  }
0xb3: {  	_ =	swait.ge [sflag:s29], $0x1  }
0xb4: {  	[sflag:s29] =	ssyncadd.s32 $0xFFFFFFFF  }
0xb5: {  	_ =	strace $0x90000051  }
0xb6: {  	_ =	sfence  }
0xb7: {  	s30 =	sld [smem:$0x0];
	_ =	sdelay $0x2  }
0xb8: {  	s31 =	sshll.u32 s1, $0xD;
	s1 =	sshrl.u32 s1, $0x2  }
0xb9: {  	s3 =	sand.u32 $0x4000, s31;
	s1 =	sadd.s32 s1, s30  }
0xba: {  	s0 =	sor.u32 s3, s0;
	s1 =	sshll.u32 s1, $0x11  }
0xbb: {  	s0 =	sor.u32 s1, s0  }
0xbc: {  	s0 =	sadd.s32 $0x8F2B, s0  }
0xbd: {  	[sflag:s0] =	ssyncadd.remote.s32 $0x1  }
0xbe: {  	_ =	sfence.sel $0xFFFF  }
0xbf: {  	[dreg:$0x0] =	wrdreg $0xFFFFFFFF;
	(pc) =	sbr.abs _section_cstart, $3  }
0xc0: {  	[dreg:$0x1] =	wrdreg $0xFFFFFFFF  }
0xc1: {  	_ =	task.clear_ibuf [dreg:s6], $0x2FFFF;
	_ =	strace $0x9FFFFFFF  }
0xc2: {  	(tm) =	ssettm $0x7FFFFFFF  }
0xc3: {  	_ =	shalt  }
tec
execute0_lowered:
.L_overlay_start_1:
0x0: {  	(tag) =	ssettag $0x1  }
0x1: {  	s0 =	rddreg [dreg:$0x0]  }
0x2: {  	s1 =	rddreg [dreg:$0x1];
	s3 =	simm.s32 $0x0;
	s2 =	srdreg.scid  }
0x3: {  	s12 =	stileid.u32;
	s29 =	simm.s32 $0x8400;
	s30 =	simm.s32 $0x200  }
0x4: {  	s31 =	simm.s32 $0x80;
	[smem:$0x7FF] =	sst s3;
	s2 =	sand.u32 $0x1, s2  }
0x5: {  	s5 =	smul.u32 $0x2800, s12;
	s4 =	sshll.u32 s12, $0x1;
	s8 =	sadd.s32 $0x2D400, s0  }
0x6: {  	s9 =	sadd.s32 $0x37400, s0;
	s10 =	sadd.s32 $0x4E00, s0;
	s19 =	smul.u32 $0x50000, s12  }
0x7: {  	_ =	strace $0x80000050;
	s6 =	smul.u32 $0x28000, s2;
	s7 =	sor.u32 s2, s4  }
0x8: {  	s4 =	sadd.s32 $0x5200, s0;
	s13 =	ssub.s32 $0x2, s2;
	s2 =	smul.u32 $0x2800, s2  }
0x9: {  	[dreg:$0x9] =	wrdreg s10;
	s7 =	smul.u32 $0x2800, s7;
	s14 =	sshrl.u32 s13, $0x1  }
0xa: {  	s23 =	sshrl.u32 s19, $0x2;
	s5 =	sadd.s32 s5, s6;
	s15 =	ssub.s32 s13, s14  }
0xb: {  	s7 =	sshrl.u32 s7, $0x3;
	s0 =	sadd.s32 s5, s0;
	s5 =	smax.u32 s15, $0x1  }
0xc: {  	s13 =	smul.u32 $0x5000, s12;
	s16 =	sadd.s32 s8, s7;
	[dreg:$0x13] =	wrdreg s5  }
0xd: {  	s12 =	sadd.s32 s23, s1;
	s17 =	sadd.s32 s9, s7;
	[dreg:$0xa] =	wrdreg s16  }
0xe: {  	s18 =	sor.u32 $0x10, s7;
	s0 =	sadd.s32 $0x41400, s0;
	[dreg:$0xb] =	wrdreg s17  }
0xf: {  	s28 =	sadd.s32 $0x12000, s12;
	s11 =	sadd.s32 s8, s18;
	[dreg:$0x12] =	wrdreg s0  }
0x10: {  	s20 =	sor.u32 $0x20, s7;
	s6 =	sadd.s32 s9, s18;
	[dreg:$0xc] =	wrdreg s11  }
0x11: {  	s7 =	sadd.s32 $0x4F0, s7;
	s21 =	sadd.s32 s8, s20;
	[dreg:$0xd] =	wrdreg s6  }
0x12: {  	s2 =	sadd.s32 s2, s13;
	s22 =	sadd.s32 s9, s20;
	[dreg:$0xe] =	wrdreg s21  }
0x13: {  	s5 =	simm.s32 $0x400;
	s24 =	sadd.s32 s8, s7;
	[dreg:$0xf] =	wrdreg s22  }
0x14: {  	s25 =	sadd.s32 s9, s7;
	s26 =	sor.u32 $0x300, s2;
	[dreg:$0x10] =	wrdreg s24  }
0x15: {  	s7 =	sadd.s32 $0x4000, s12;
	s15 =	sor.u32 $0x200, s2;
	[dreg:$0x11] =	wrdreg s25  }
0x16: {  	s18 =	sadd.s32 $0x6000, s12;
	s20 =	sadd.s32 $0x8000, s12;
	[dreg:$0x15] =	wrdreg s7  }
0x17: {  	s6 =	sadd.s32 $0x2000, s12;
	s0 =	sshrl.u32 s26, $0x3;
	[dreg:$0x16] =	wrdreg s18  }
0x18: {  	s11 =	sor.u32 $0x280, s2;
	s17 =	sshrl.u32 s15, $0x3;
	[dreg:$0x17] =	wrdreg s20  }
0x19: {  	s21 =	sor.u32 $0x180, s2;
	s22 =	sadd.s32 $0xA000, s12;
	s24 =	sadd.s32 $0xC000, s12  }
0x1a: {  	s25 =	sadd.s32 $0xE000, s12;
	s26 =	sadd.s32 $0x10000, s12;
	[dreg:$0x14] =	wrdreg s6  }
0x1b: {  	s2 =	simm.s32 $0x1;
	s7 =	simm.s32 $0x300;
	[dreg:$0x18] =	wrdreg s22  }
0x1c: {  	s15 =	simm.s32 $0x380;
	s18 =	simm.s32 $0x8;
	[dreg:$0x19] =	wrdreg s24  }
0x1d: {  	s20 =	simm.s32 $0x0;
	s10 =	sadd.s32 s0, s9;
	[dreg:$0x1a] =	wrdreg s25  }
0x1e: {  	s0 =	sadd.s32 s0, s8;
	s13 =	sshrl.u32 s11, $0x3;
	[dreg:$0x1b] =	wrdreg s26  }
0x1f: {  	s19 =	sadd.s32 s17, s9;
	s23 =	sadd.s32 s17, s8;
	[dreg:$0x3] =	wrdreg s10  }
0x20: {  	s6 =	simm.s32 $0x100;
	s11 =	simm.s32 $0x9;
	[dreg:$0x4] =	wrdreg s0  }
0x21: {  	s17 =	simm.s32 $0x6;
	s14 =	sadd.s32 s13, s9;
	[dreg:$0x7] =	wrdreg s19  }
0x22: {  	s16 =	sadd.s32 s13, s8;
	s0 =	sshrl.u32 s21, $0x3;
	[dreg:$0x8] =	wrdreg s23  }
0x23: {  	s10 =	simm.s32 $0x7;
	s13 =	simm.s32 $0x5;
	[dreg:$0x5] =	wrdreg s14  }
0x24: {  	s19 =	simm.s32 $0x4;
	[dreg:$0x6] =	wrdreg s16;
	s23 =	sadd.s32 s0, s9  }
0x25: {  	s24 =	sadd.s32 s0, s8;
	s0 =	simm.s32 $0x280;
	s8 =	simm.s32 $0x2  }
0x26: {  	s9 =	simm.s32 $0x4400;
	s14 =	simm.s32 $0x180;
	s16 =	simm.s32 $0x3  }
.LBB2_1:
0x27: {  	s21 =	rddreg [dreg:$0x9]  }
0x28: {  	[tilespmem:s29], [sflag:$0x7] =	stream.linear.gather [hbm4b:s21+s3], $0x2000, $0x38;
	[tilespmem:$0x1E400] =	vst v63  }
0x29: {  	s22 =	rddreg [dreg:$0xa]  }
0x2a: {  	[tilespmem:s3], [sflag:$0x1] =	stream.linear.gather [hbm4b:s22+s3], $0x80, $0x38;
	[tilespmem:$0x1E400] =	vst v63  }
0x2b: {  	s25 =	rddreg [dreg:$0xb]  }
0x2c: {  	[tilespmem:s30], [sflag:$0x1] =	stream.linear.gather [hbm4b:s25+s3], $0x80, $0x38;
	[tilespmem:$0x1E400] =	vst v63  }
0x2d: {  	s26 =	rddreg [dreg:$0xc]  }
0x2e: {  	[tilespmem:s31], [sflag:$0x2] =	stream.linear.gather [hbm4b:s26+s3], $0x80, $0x38;
	[tilespmem:$0x1E400] =	vst v63  }
0x2f: {  	s22 =	rddreg [dreg:$0xd]  }
0x30: {  	[tilespmem:s0], [sflag:$0x2] =	stream.linear.gather [hbm4b:s22+s3], $0x80, $0x38;
	[tilespmem:$0x1E400] =	vst v63  }
0x31: {  	_ =	swait.ge [sflag:s2], $0x80  }
0x32: {  	[sflag:s2] =	ssyncset.done $0x0  }
0x33: {  	[sflag:s2] =	ssyncadd.s32 $0xFFFFFF80  }
0x34: {  	_ =	swait.ge [sflag:s2], $0x80  }
0x35: {  	[sflag:s2] =	ssyncset.done $0x0  }
0x36: {  	[sflag:s2] =	ssyncadd.s32 $0xFFFFFF80  }
0x37: {  	[tilespmem:s5], [sflag:$0x5] =	stream.indirect.gather [hbm4b:s4+s31], $0x80, s3, s31, $0xb8;
	[tilespmem:$0x1E400] =	vst v63  }
0x38: {  	s25 =	rddreg [dreg:$0xe]  }
0x39: {  	[tilespmem:s6], [sflag:$0x3] =	stream.linear.gather [hbm4b:s25+s3], $0x80, $0x38;
	[tilespmem:$0x1E400] =	vst v63  }
0x3a: {  	s26 =	rddreg [dreg:$0xf]  }
0x3b: {  	[tilespmem:s7], [sflag:$0x3] =	stream.linear.gather [hbm4b:s26+s3], $0x80, $0x38;
	[tilespmem:$0x1E400] =	vst v63  }
0x3c: {  	_ =	swait.ge [sflag:s8], $0x80  }
0x3d: {  	[sflag:s8] =	ssyncset.done $0x0  }
0x3e: {  	[sflag:s8] =	ssyncadd.s32 $0xFFFFFF80  }
0x3f: {  	_ =	swait.ge [sflag:s8], $0x80  }
0x40: {  	[sflag:s8] =	ssyncset.done $0x0  }
0x41: {  	[sflag:s8] =	ssyncadd.s32 $0xFFFFFF80  }
0x42: {  	[tilespmem:s9], [sflag:$0x6] =	stream.indirect.gather [hbm4b:s4+s31], $0x80, s31, s31, $0xb8;
	[tilespmem:$0x1E400] =	vst v63  }
0x43: {  	_ =	swait.ge [sflag:s10], $0x2000  }
0x44: {  	[sflag:s10] =	ssyncset.done $0x0  }
0x45: {  	[sflag:s10] =	ssyncadd.s32 $0xFFFFE000  }
0x46: {  	[spmem:s12] =	stream.linear.scatter [tilespmem:s29], [sflag:$0x9], $0x2000, $0x38;
	[tilespmem:$0x1E400] =	vst v63  }
0x47: {  	_ =	swait.ge [sflag:s11], $0x2000  }
0x48: {  	[sflag:s11] =	ssyncset.done $0x0  }
0x49: {  	s22 =	rddreg [dreg:$0x14];
	[sflag:s11] =	ssyncadd.s32 $0xFFFFE000  }
0x4a: {  	[spmem:s22] =	stream.linear.scatter [tilespmem:s29], [sflag:$0x9], $0x2000, $0x38;
	[tilespmem:$0x1E400] =	vst v63  }
0x4b: {  	_ =	swait.ge [sflag:s11], $0x2000  }
0x4c: {  	[sflag:s11] =	ssyncset.done $0x0  }
0x4d: {  	s25 =	rddreg [dreg:$0x15];
	[sflag:s11] =	ssyncadd.s32 $0xFFFFE000  }
0x4e: {  	[spmem:s25] =	stream.linear.scatter [tilespmem:s29], [sflag:$0x9], $0x2000, $0x38;
	[tilespmem:$0x1E400] =	vst v63  }
0x4f: {  	_ =	swait.ge [sflag:s11], $0x2000  }
0x50: {  	[sflag:s11] =	ssyncset.done $0x0  }
0x51: {  	s26 =	rddreg [dreg:$0x16];
	[sflag:s11] =	ssyncadd.s32 $0xFFFFE000  }
0x52: {  	[spmem:s26] =	stream.linear.scatter [tilespmem:s29], [sflag:$0x9], $0x2000, $0x38;
	[tilespmem:$0x1E400] =	vst v63  }
0x53: {  	_ =	swait.ge [sflag:s11], $0x2000  }
0x54: {  	[sflag:s11] =	ssyncset.done $0x0  }
0x55: {  	s22 =	rddreg [dreg:$0x17];
	[sflag:s11] =	ssyncadd.s32 $0xFFFFE000  }
0x56: {  	[spmem:s22] =	stream.linear.scatter [tilespmem:s29], [sflag:$0x9], $0x2000, $0x38;
	[tilespmem:$0x1E400] =	vst v63  }
0x57: {  	_ =	swait.ge [sflag:s11], $0x2000  }
0x58: {  	[sflag:s11] =	ssyncset.done $0x0  }
0x59: {  	s25 =	rddreg [dreg:$0x18];
	[sflag:s11] =	ssyncadd.s32 $0xFFFFE000  }
0x5a: {  	[spmem:s25] =	stream.linear.scatter [tilespmem:s29], [sflag:$0x9], $0x2000, $0x38;
	[tilespmem:$0x1E400] =	vst v63  }
0x5b: {  	_ =	swait.ge [sflag:s11], $0x2000  }
0x5c: {  	[sflag:s11] =	ssyncset.done $0x0  }
0x5d: {  	s26 =	rddreg [dreg:$0x19];
	[sflag:s11] =	ssyncadd.s32 $0xFFFFE000  }
0x5e: {  	[spmem:s26] =	stream.linear.scatter [tilespmem:s29], [sflag:$0x9], $0x2000, $0x38;
	[tilespmem:$0x1E400] =	vst v63  }
0x5f: {  	_ =	swait.ge [sflag:s11], $0x2000  }
0x60: {  	[sflag:s11] =	ssyncset.done $0x0  }
0x61: {  	s22 =	rddreg [dreg:$0x1a];
	[sflag:s11] =	ssyncadd.s32 $0xFFFFE000  }
0x62: {  	[spmem:s22] =	stream.linear.scatter [tilespmem:s29], [sflag:$0x9], $0x2000, $0x38;
	[tilespmem:$0x1E400] =	vst v63  }
0x63: {  	_ =	swait.ge [sflag:s11], $0x2000  }
0x64: {  	[sflag:s11] =	ssyncset.done $0x0  }
0x65: {  	s25 =	rddreg [dreg:$0x1b];
	[sflag:s11] =	ssyncadd.s32 $0xFFFFE000  }
0x66: {  	[spmem:s25] =	stream.linear.scatter [tilespmem:s29], [sflag:$0x9], $0x2000, $0x38;
	[tilespmem:$0x1E400] =	vst v63  }
0x67: {  	_ =	swait.ge [sflag:s11], $0x2000  }
0x68: {  	[sflag:s11] =	ssyncset.done $0x0  }
0x69: {  	[sflag:s11] =	ssyncadd.s32 $0xFFFFE000  }
0x6a: {  	[spmem:s28] =	stream.linear.scatter [tilespmem:s29], [sflag:$0x9], $0x2000, $0x38;
	[tilespmem:$0x1E400] =	vst v63  }
0x6b: {  	_ =	swait.ge [sflag:s11], $0x2000  }
0x6c: {  	[sflag:s11] =	ssyncset.done $0x0  }
0x6d: {  	[sflag:s11] =	ssyncadd.s32 $0xFFFFE000  }
0x6e: {  	[bflag:$0x0] =	sbarrier.arrive $0xFFFF  }
0x6f: {  	_ =	swait.ge [sflag:s13], $0x4000  }
0x70: {  	[sflag:s13] =	ssyncset.done $0x0  }
0x71: {  	[sflag:s13] =	ssyncadd.s32 $0xFFFFC000  }
0x72: {  	[spmem:s1] =	stream.indirect.scatter.add.f32 [tilespmem:s5], [sflag:$0x7], $0x80, s30, s31, $0xb8;
	[tilespmem:$0x1E400] =	vst v63  }
0x73: {  	_ =	swait.ge [sflag:s10], $0x4000  }
0x74: {  	[sflag:s10] =	ssyncset.done $0x0  }
0x75: {  	s26 =	sadd.s32 $0x0, s24;
	[sflag:s10] =	ssyncadd.s32 $0xFFFFC000  }
0x76: {  	[tilespmem:s14], [sflag:$0x4] =	stream.linear.gather [hbm4b:s26+s3], $0x80, $0x38;
	[tilespmem:$0x1E400] =	vst v63  }
0x77: {  	s22 =	sadd.s32 $0x0, s23  }
0x78: {  	[tilespmem:s15], [sflag:$0x4] =	stream.linear.gather [hbm4b:s22+s3], $0x80, $0x38;
	[tilespmem:$0x1E400] =	vst v63  }
0x79: {  	_ =	swait.ge [sflag:s16], $0x80  }
0x7a: {  	[sflag:s16] =	ssyncset.done $0x0  }
0x7b: {  	[sflag:s16] =	ssyncadd.s32 $0xFFFFFF80  }
0x7c: {  	_ =	swait.ge [sflag:s16], $0x80  }
0x7d: {  	[sflag:s16] =	ssyncset.done $0x0  }
0x7e: {  	[sflag:s16] =	ssyncadd.s32 $0xFFFFFF80  }
0x7f: {  	[tilespmem:s5], [sflag:$0x5] =	stream.indirect.gather [hbm4b:s4+s31], $0x80, s6, s31, $0xb8;
	[tilespmem:$0x1E400] =	vst v63  }
0x80: {  	_ =	swait.ge [sflag:s17], $0x4000  }
0x81: {  	[sflag:s17] =	ssyncset.done $0x0  }
0x82: {  	[sflag:s17] =	ssyncadd.s32 $0xFFFFC000  }
0x83: {  	[spmem:s1] =	stream.indirect.scatter.add.f32 [tilespmem:s9], [sflag:$0x8], $0x80, s0, s31, $0xb8;
	[tilespmem:$0x1E400] =	vst v63  }
0x84: {  	_ =	swait.ge [sflag:s18], $0x4000  }
0x85: {  	s25 =	rddreg [dreg:$0x8];
	[sflag:s18] =	ssyncset.done $0x0  }
0x86: {  	s22 =	rddreg [dreg:$0x7];
	[sflag:s18] =	ssyncadd.s32 $0xFFFFC000;
	s21 =	sadd.s32 $0x0, s25  }
0x87: {  	[tilespmem:s3], [sflag:$0x1] =	stream.linear.gather [hbm4b:s21+s3], $0x80, $0x38;
	[tilespmem:$0x1E400] =	vst v63  }
0x88: {  	s26 =	sadd.s32 $0x0, s22  }
0x89: {  	[tilespmem:s30], [sflag:$0x1] =	stream.linear.gather [hbm4b:s26+s3], $0x80, $0x38;
	[tilespmem:$0x1E400] =	vst v63  }
0x8a: {  	_ =	swait.ge [sflag:s19], $0x80  }
0x8b: {  	[sflag:s19] =	ssyncset.done $0x0  }
0x8c: {  	[sflag:s19] =	ssyncadd.s32 $0xFFFFFF80  }
0x8d: {  	_ =	swait.ge [sflag:s19], $0x80  }
0x8e: {  	[sflag:s19] =	ssyncset.done $0x0  }
0x8f: {  	[sflag:s19] =	ssyncadd.s32 $0xFFFFFF80  }
0x90: {  	[tilespmem:s9], [sflag:$0x6] =	stream.indirect.gather [hbm4b:s4+s31], $0x80, s14, s31, $0xb8;
	[tilespmem:$0x1E400] =	vst v63  }
0x91: {  	_ =	swait.ge [sflag:s13], $0x4000  }
0x92: {  	[sflag:s13] =	ssyncset.done $0x0  }
0x93: {  	[sflag:s13] =	ssyncadd.s32 $0xFFFFC000  }
0x94: {  	[spmem:s1] =	stream.indirect.scatter.add.f32 [tilespmem:s5], [sflag:$0x7], $0x80, s7, s31, $0xb8;
	[tilespmem:$0x1E400] =	vst v63  }
0x95: {  	_ =	swait.ge [sflag:s10], $0x4000  }
0x96: {  	s22 =	rddreg [dreg:$0x6];
	[sflag:s10] =	ssyncset.done $0x0  }
0x97: {  	s25 =	rddreg [dreg:$0x5];
	[sflag:s10] =	ssyncadd.s32 $0xFFFFC000;
	s21 =	sadd.s32 $0x0, s22  }
0x98: {  	[tilespmem:s31], [sflag:$0x2] =	stream.linear.gather [hbm4b:s21+s3], $0x80, $0x38;
	[tilespmem:$0x1E400] =	vst v63  }
0x99: {  	s26 =	sadd.s32 $0x0, s25  }
0x9a: {  	[tilespmem:s0], [sflag:$0x2] =	stream.linear.gather [hbm4b:s26+s3], $0x80, $0x38;
	[tilespmem:$0x1E400] =	vst v63  }
0x9b: {  	_ =	swait.ge [sflag:s2], $0x80  }
0x9c: {  	[sflag:s2] =	ssyncset.done $0x0  }
0x9d: {  	[sflag:s2] =	ssyncadd.s32 $0xFFFFFF80  }
0x9e: {  	_ =	swait.ge [sflag:s2], $0x80  }
0x9f: {  	[sflag:s2] =	ssyncset.done $0x0  }
0xa0: {  	[sflag:s2] =	ssyncadd.s32 $0xFFFFFF80  }
0xa1: {  	[tilespmem:s5], [sflag:$0x5] =	stream.indirect.gather [hbm4b:s4+s31], $0x80, s3, s31, $0xb8;
	[tilespmem:$0x1E400] =	vst v63  }
0xa2: {  	_ =	swait.ge [sflag:s17], $0x4000  }
0xa3: {  	[sflag:s17] =	ssyncset.done $0x0  }
0xa4: {  	[sflag:s17] =	ssyncadd.s32 $0xFFFFC000  }
0xa5: {  	[spmem:s1] =	stream.indirect.scatter.add.f32 [tilespmem:s9], [sflag:$0x8], $0x80, s15, s31, $0xb8;
	[tilespmem:$0x1E400] =	vst v63  }
0xa6: {  	_ =	swait.ge [sflag:s18], $0x4000  }
0xa7: {  	s22 =	rddreg [dreg:$0x4];
	[sflag:s18] =	ssyncset.done $0x0  }
0xa8: {  	s25 =	rddreg [dreg:$0x3];
	[sflag:s18] =	ssyncadd.s32 $0xFFFFC000;
	s21 =	sadd.s32 $0x0, s22  }
0xa9: {  	[tilespmem:s6], [sflag:$0x3] =	stream.linear.gather [hbm4b:s21+s3], $0x80, $0x38;
	[tilespmem:$0x1E400] =	vst v63  }
0xaa: {  	s26 =	sadd.s32 $0x0, s25  }
0xab: {  	[tilespmem:s7], [sflag:$0x3] =	stream.linear.gather [hbm4b:s26+s3], $0x80, $0x38;
	[tilespmem:$0x1E400] =	vst v63  }
0xac: {  	_ =	swait.ge [sflag:s8], $0x80  }
0xad: {  	[sflag:s8] =	ssyncset.done $0x0  }
0xae: {  	[sflag:s8] =	ssyncadd.s32 $0xFFFFFF80  }
0xaf: {  	_ =	swait.ge [sflag:s8], $0x80  }
0xb0: {  	[sflag:s8] =	ssyncset.done $0x0  }
0xb1: {  	[sflag:s8] =	ssyncadd.s32 $0xFFFFFF80  }
0xb2: {  	[tilespmem:s9], [sflag:$0x6] =	stream.indirect.gather [hbm4b:s4+s31], $0x80, s31, s31, $0xb8;
	[tilespmem:$0x1E400] =	vst v63  }
0xb3: {  	_ =	swait.ge [sflag:s13], $0x4000  }
0xb4: {  	[sflag:s13] =	ssyncset.done $0x0  }
0xb5: {  	s21 =	simm.s32 $0x40;
	[sflag:s13] =	ssyncadd.s32 $0xFFFFC000  }
.LBB2_2:
0xb6: {  	[spmem:s1] =	stream.indirect.scatter.add.f32 [tilespmem:s5], [sflag:$0x7], $0x80, s30, s31, $0xb8;
	[tilespmem:$0x1E400] =	vst v63  }
0xb7: {  	_ =	swait.ge [sflag:s10], $0x4000  }
0xb8: {  	s22 =	smov.u32 s21;
	[sflag:s10] =	ssyncset.done $0x0  }
0xb9: {  	s25 =	sadd.s32 s22, s24;
	[sflag:s10] =	ssyncadd.s32 $0xFFFFC000  }
0xba: {  	[tilespmem:s14], [sflag:$0x4] =	stream.linear.gather [hbm4b:s25+s3], $0x80, $0x38;
	[tilespmem:$0x1E400] =	vst v63  }
0xbb: {  	s26 =	sadd.s32 s22, s23  }
0xbc: {  	[tilespmem:s15], [sflag:$0x4] =	stream.linear.gather [hbm4b:s26+s3], $0x80, $0x38;
	[tilespmem:$0x1E400] =	vst v63  }
0xbd: {  	_ =	swait.ge [sflag:s16], $0x80  }
0xbe: {  	[sflag:s16] =	ssyncset.done $0x0  }
0xbf: {  	[sflag:s16] =	ssyncadd.s32 $0xFFFFFF80  }
0xc0: {  	_ =	swait.ge [sflag:s16], $0x80  }
0xc1: {  	[sflag:s16] =	ssyncset.done $0x0  }
0xc2: {  	[sflag:s16] =	ssyncadd.s32 $0xFFFFFF80  }
0xc3: {  	[tilespmem:s5], [sflag:$0x5] =	stream.indirect.gather [hbm4b:s4+s31], $0x80, s6, s31, $0xb8;
	[tilespmem:$0x1E400] =	vst v63  }
0xc4: {  	_ =	swait.ge [sflag:s17], $0x4000  }
0xc5: {  	[sflag:s17] =	ssyncset.done $0x0  }
0xc6: {  	[sflag:s17] =	ssyncadd.s32 $0xFFFFC000  }
0xc7: {  	[spmem:s1] =	stream.indirect.scatter.add.f32 [tilespmem:s9], [sflag:$0x8], $0x80, s0, s31, $0xb8;
	[tilespmem:$0x1E400] =	vst v63  }
0xc8: {  	_ =	swait.ge [sflag:s18], $0x4000  }
0xc9: {  	s25 =	rddreg [dreg:$0x8];
	[sflag:s18] =	ssyncset.done $0x0  }
0xca: {  	s26 =	rddreg [dreg:$0x7];
	[sflag:s18] =	ssyncadd.s32 $0xFFFFC000;
	s25 =	sadd.s32 s22, s25  }
0xcb: {  	[tilespmem:s3], [sflag:$0x1] =	stream.linear.gather [hbm4b:s25+s3], $0x80, $0x38;
	[tilespmem:$0x1E400] =	vst v63  }
0xcc: {  	s26 =	sadd.s32 s22, s26  }
0xcd: {  	[tilespmem:s30], [sflag:$0x1] =	stream.linear.gather [hbm4b:s26+s3], $0x80, $0x38;
	[tilespmem:$0x1E400] =	vst v63  }
0xce: {  	_ =	swait.ge [sflag:s19], $0x80  }
0xcf: {  	[sflag:s19] =	ssyncset.done $0x0  }
0xd0: {  	[sflag:s19] =	ssyncadd.s32 $0xFFFFFF80  }
0xd1: {  	_ =	swait.ge [sflag:s19], $0x80  }
0xd2: {  	[sflag:s19] =	ssyncset.done $0x0  }
0xd3: {  	[sflag:s19] =	ssyncadd.s32 $0xFFFFFF80  }
0xd4: {  	[tilespmem:s9], [sflag:$0x6] =	stream.indirect.gather [hbm4b:s4+s31], $0x80, s14, s31, $0xb8;
	[tilespmem:$0x1E400] =	vst v63  }
0xd5: {  	_ =	swait.ge [sflag:s13], $0x4000  }
0xd6: {  	[sflag:s13] =	ssyncset.done $0x0  }
0xd7: {  	[sflag:s13] =	ssyncadd.s32 $0xFFFFC000  }
0xd8: {  	[spmem:s1] =	stream.indirect.scatter.add.f32 [tilespmem:s5], [sflag:$0x7], $0x80, s7, s31, $0xb8;
	[tilespmem:$0x1E400] =	vst v63  }
0xd9: {  	_ =	swait.ge [sflag:s10], $0x4000  }
0xda: {  	s25 =	rddreg [dreg:$0x6];
	[sflag:s10] =	ssyncset.done $0x0  }
0xdb: {  	s26 =	rddreg [dreg:$0x5];
	[sflag:s10] =	ssyncadd.s32 $0xFFFFC000;
	s25 =	sadd.s32 s22, s25  }
0xdc: {  	[tilespmem:s31], [sflag:$0x2] =	stream.linear.gather [hbm4b:s25+s3], $0x80, $0x38;
	[tilespmem:$0x1E400] =	vst v63  }
0xdd: {  	s26 =	sadd.s32 s22, s26  }
0xde: {  	[tilespmem:s0], [sflag:$0x2] =	stream.linear.gather [hbm4b:s26+s3], $0x80, $0x38;
	[tilespmem:$0x1E400] =	vst v63  }
0xdf: {  	_ =	swait.ge [sflag:s2], $0x80  }
0xe0: {  	[sflag:s2] =	ssyncset.done $0x0  }
0xe1: {  	[sflag:s2] =	ssyncadd.s32 $0xFFFFFF80  }
0xe2: {  	_ =	swait.ge [sflag:s2], $0x80  }
0xe3: {  	[sflag:s2] =	ssyncset.done $0x0  }
0xe4: {  	[sflag:s2] =	ssyncadd.s32 $0xFFFFFF80  }
0xe5: {  	[tilespmem:s5], [sflag:$0x5] =	stream.indirect.gather [hbm4b:s4+s31], $0x80, s3, s31, $0xb8;
	[tilespmem:$0x1E400] =	vst v63  }
0xe6: {  	_ =	swait.ge [sflag:s17], $0x4000  }
0xe7: {  	[sflag:s17] =	ssyncset.done $0x0  }
0xe8: {  	[sflag:s17] =	ssyncadd.s32 $0xFFFFC000  }
0xe9: {  	[spmem:s1] =	stream.indirect.scatter.add.f32 [tilespmem:s9], [sflag:$0x8], $0x80, s15, s31, $0xb8;
	[tilespmem:$0x1E400] =	vst v63  }
0xea: {  	_ =	swait.ge [sflag:s18], $0x4000  }
0xeb: {  	s25 =	rddreg [dreg:$0x4];
	[sflag:s18] =	ssyncset.done $0x0  }
0xec: {  	s26 =	rddreg [dreg:$0x3];
	[sflag:s18] =	ssyncadd.s32 $0xFFFFC000;
	s25 =	sadd.s32 s22, s25  }
0xed: {  	[tilespmem:s6], [sflag:$0x3] =	stream.linear.gather [hbm4b:s25+s3], $0x80, $0x38;
	[tilespmem:$0x1E400] =	vst v63  }
0xee: {  	s22 =	sadd.s32 s22, s26  }
0xef: {  	[tilespmem:s7], [sflag:$0x3] =	stream.linear.gather [hbm4b:s22+s3], $0x80, $0x38;
	[tilespmem:$0x1E400] =	vst v63  }
0xf0: {  	_ =	swait.ge [sflag:s8], $0x80  }
0xf1: {  	[sflag:s8] =	ssyncset.done $0x0  }
0xf2: {  	[sflag:s8] =	ssyncadd.s32 $0xFFFFFF80  }
0xf3: {  	_ =	swait.ge [sflag:s8], $0x80  }
0xf4: {  	p0 =	sne.s32 s21, $0x480;
	[sflag:s8] =	ssyncset.done $0x0  }
.Ltmp0:
0xf5: {  	[sflag:s8] =	ssyncadd.s32 $0xFFFFFF80;
	(pc) =	sbr.rel @p0 .LBB2_2-.Ltmp0, $4  }
0xf6: {  	[tilespmem:s9], [sflag:$0x6] =	stream.indirect.gather [hbm4b:s4+s31], $0x80, s31, s31, $0xb8;
	[tilespmem:$0x1E400] =	vst v63  }
0xf7: {  	_ =	swait.ge [sflag:s13], $0x4000  }
0xf8: {  	[sflag:s13] =	ssyncset.done $0x0  }
0xf9: {  	s21 =	sadd.s32 $0x40, s21;
	[sflag:s13] =	ssyncadd.s32 $0xFFFFC000  }
0xfa: {  	[spmem:s1] =	stream.indirect.scatter.add.f32 [tilespmem:s5], [sflag:$0x7], $0x80, s30, s31, $0xb8;
	[tilespmem:$0x1E400] =	vst v63  }
0xfb: {  	_ =	swait.ge [sflag:s10], $0x4000  }
0xfc: {  	[sflag:s10] =	ssyncset.done $0x0  }
0xfd: {  	s21 =	rddreg [dreg:$0x10];
	[sflag:s10] =	ssyncadd.s32 $0xFFFFC000  }
0xfe: {  	[tilespmem:s14], [sflag:$0x4] =	stream.linear.gather [hbm4b:s21+s3], $0x80, $0x38;
	[tilespmem:$0x1E400] =	vst v63  }
0xff: {  	s22 =	rddreg [dreg:$0x11]  }
0x100: {  	[tilespmem:s15], [sflag:$0x4] =	stream.linear.gather [hbm4b:s22+s3], $0x80, $0x38;
	[tilespmem:$0x1E400] =	vst v63  }
0x101: {  	_ =	swait.ge [sflag:s16], $0x80  }
0x102: {  	[sflag:s16] =	ssyncset.done $0x0  }
0x103: {  	[sflag:s16] =	ssyncadd.s32 $0xFFFFFF80  }
0x104: {  	_ =	swait.ge [sflag:s16], $0x80  }
0x105: {  	[sflag:s16] =	ssyncset.done $0x0  }
0x106: {  	[sflag:s16] =	ssyncadd.s32 $0xFFFFFF80  }
0x107: {  	[tilespmem:s5], [sflag:$0x5] =	stream.indirect.gather [hbm4b:s4+s31], $0x80, s6, s31, $0xb8;
	[tilespmem:$0x1E400] =	vst v63  }
0x108: {  	_ =	swait.ge [sflag:s17], $0x4000  }
0x109: {  	[sflag:s17] =	ssyncset.done $0x0  }
0x10a: {  	[sflag:s17] =	ssyncadd.s32 $0xFFFFC000  }
0x10b: {  	[spmem:s1] =	stream.indirect.scatter.add.f32 [tilespmem:s9], [sflag:$0x8], $0x80, s0, s31, $0xb8;
	[tilespmem:$0x1E400] =	vst v63  }
0x10c: {  	_ =	swait.ge [sflag:s18], $0x4000  }
0x10d: {  	[sflag:s18] =	ssyncset.done $0x0  }
0x10e: {  	[sflag:s18] =	ssyncadd.s32 $0xFFFFC000  }
0x10f: {  	_ =	swait.ge [sflag:s19], $0x80  }
0x110: {  	[sflag:s19] =	ssyncset.done $0x0  }
0x111: {  	[sflag:s19] =	ssyncadd.s32 $0xFFFFFF80  }
0x112: {  	_ =	swait.ge [sflag:s19], $0x80  }
0x113: {  	[sflag:s19] =	ssyncset.done $0x0  }
0x114: {  	[sflag:s19] =	ssyncadd.s32 $0xFFFFFF80  }
0x115: {  	[tilespmem:s9], [sflag:$0x6] =	stream.indirect.gather [hbm4b:s4+s31], $0x80, s14, s31, $0xb8;
	[tilespmem:$0x1E400] =	vst v63  }
0x116: {  	_ =	swait.ge [sflag:s13], $0x4000  }
0x117: {  	[sflag:s13] =	ssyncset.done $0x0  }
0x118: {  	[sflag:s13] =	ssyncadd.s32 $0xFFFFC000  }
0x119: {  	[spmem:s1] =	stream.indirect.scatter.add.f32 [tilespmem:s5], [sflag:$0x7], $0x80, s7, s31, $0xb8;
	[tilespmem:$0x1E400] =	vst v63  }
0x11a: {  	_ =	swait.ge [sflag:s10], $0x4000  }
0x11b: {  	[sflag:s10] =	ssyncset.done $0x0  }
0x11c: {  	[sflag:s10] =	ssyncadd.s32 $0xFFFFC000  }
0x11d: {  	_ =	swait.ge [sflag:s17], $0x4000  }
0x11e: {  	[sflag:s17] =	ssyncset.done $0x0  }
0x11f: {  	[sflag:s17] =	ssyncadd.s32 $0xFFFFC000  }
0x120: {  	[spmem:s1] =	stream.indirect.scatter.add.f32 [tilespmem:s9], [sflag:$0x8], $0x80, s15, s31, $0xb8;
	[tilespmem:$0x1E400] =	vst v63  }
0x121: {  	_ =	swait.ge [sflag:s18], $0x4000  }
0x122: {  	[sflag:s18] =	ssyncset.done $0x0  }
0x123: {  	s25 =	stileid.u32;
	[sflag:s18] =	ssyncadd.s32 $0xFFFFC000  }
0x124: {  	s21 =	sshll.u32 s25, $0x6;
	[bflag:$0x0] =	sbarrier.arrive $0xFFFF  }
0x125: {  	s21 =	sor.u32 $0x1C09, s21;
	s22 =	sshrl.u32 s12, $0x3;
	s25 =	rddreg [dreg:$0x12]  }
0x126: {  	[hbm:s25], [sflag:s21] =	dma.local [spmem:s22], $0x2800  }
0x127: {  	_ =	swait.ge [sflag:s11], $0x2800  }
0x128: {  	s20 =	sadd.s32 $0x1, s20;
	s26 =	rddreg [dreg:$0x13]  }
0x129: {  	p0 =	sne.s32 s20, s26  }
.Ltmp1:
0x12a: {  	_ = 	snop;
	(pc) =	sbr.rel @p0 .LBB2_1-.Ltmp1, $3  }
0x12b: {  	_ =	sdelay $0x1  }
0x12c: {  	[sflag:s11] =	ssyncset.done $0x0  }
0x12d: {  	[sflag:s11] =	ssyncadd.s32 $0xFFFFD800  }
0x12e: {  	_ =	sfence.sel $0x180000  }
0x12f: {  	[bflag:$0x0] =	sbarrier.arrive $0xFFFF  }
0x130: {  	_ =	strace $0x90000050  }
0x131: {  	s0 =	stileid.u32;
	[bflag:$0x2] =	sbarrier.arrive $0xFFFF  }
0x132: {  	p0 =	sne.s32 s0, $0x0;
	s0 =	rddreg [dreg:$0x2]  }
0x133: {  	s0 =	sadd.s32 @!p0 $0x100000, s0  }
0x134: {  	[sflag:s0] =	ssyncadd.tile.s32 @!p0 $0x1;
	_ =	shalt  }
.Lfunc_end2:
_tile_overlayer_lowered:
.L_overlay_start_2:
0x135: {  	(tag) =	ssettag $0x2  }
0x136: {  	s0 =	rddreg [dreg:$0x0];
	s2 =	stileid.u32  }
0x137: {  	s1 =	rddreg [dreg:$0x1];
	p0 =	sne.s32 s2, $0x0  }
0x138: {  	s3 =	rddreg [dreg:$0x2];
	[bflag:$0x3] =	sbarrier.arrive $0xFFFF;
	s2 =	simm.s32 @!p0 $0x1C09  }
0x139: {  	[timem:s3], [sflag:s2] =	dma.local @!p0 [hbm:s0], s1  }
0x13a: {  	s0 =	simm.s32 @!p0 $0x9  }
0x13b: {  	_ =	swait.ge @!p0 [sflag:s0], s1  }
0x13c: {  	s1 =	ssub.s32 @!p0 $0x0, s1;
	[sflag:s0] =	ssyncset.done @!p0 $0x0  }
0x13d: {  	[sflag:s0] =	ssyncadd.s32 @!p0 s1  }
0x13e: {  	[bflag:$0x3] =	sbarrier.arrive $0xFFFF  }
0x13f: {  	_ =	shalt  }

</sc_bundles>
